<compile_context>
chip_gen: v7x
topology: tpu7x:2x2x1
jax: 0.10.2.dev20260603
libtpu: 0.0.44.dev20260713+nightly
codegen_flags: <defaults>
</compile_context>

<pallas_src>
import functools

import jax
import jax.numpy as jnp
from jax import lax
from jax.experimental import pallas as pl
from jax.experimental.pallas import tpu as pltpu
from jax.experimental.pallas import tpu_sc as plsc

N = 10000
E = 320000
H = 128
DIN = 128
DE = 16
NG = 64
NSYS = 10
NUM_LAYERS = 3

NC = 2
NS = 16
NW = NC * NS
CH = 128
NCHUNK = E // CH
RSUB = 624


_HI = jax.lax.Precision.HIGHEST
_DN0 = (((0,), (0,)), ((), ()))


def _colsum(z):
    n = z.shape[0]
    ones = jnp.ones((n, 1), jnp.float32)
    return lax.dot_general(ones, z, _DN0, preferred_element_type=jnp.float32,
                           precision=_HI)


def _rowsum(z):
    ones = jnp.ones((z.shape[1], 1), jnp.float32)
    return jnp.dot(z, ones, preferred_element_type=jnp.float32, precision=_HI)


def _bn_rows(z, g, b):
    m = jnp.mean(z, axis=0, keepdims=True)
    d = z - m
    v = jnp.mean(d * d, axis=0, keepdims=True)
    return d / jnp.sqrt(v + 1e-5) * g + b


def _prep_body(x_ref, w_ref, b_ref, g_ref, bb_ref, out_ref):
    z = jnp.dot(x_ref[...], w_ref[...], preferred_element_type=jnp.float32)
    z = z + b_ref[...]
    out_ref[...] = jnp.maximum(_bn_rows(z, g_ref[...], bb_ref[...]), 0.0)


def _tc_prep(x, in_w, in_b, bn_g, bn_b):
    return pl.pallas_call(
        _prep_body,
        out_shape=jax.ShapeDtypeStruct((N, H), jnp.float32),
    )(x, in_w, in_b.reshape(1, H), bn_g.reshape(1, H), bn_b.reshape(1, H))


EB = 3200


def _edge_body(ea_ref, ew_ref, eb_ref, w0_ref, b0_ref, w1_ref, b1_ref,
               w2_ref, b2_ref, o0_ref, o1_ref, o2_ref):
    ea = jnp.dot(ea_ref[...], ew_ref[...], preferred_element_type=jnp.float32)
    ea = jnp.maximum(ea + eb_ref[...], 0.0)
    o0_ref[...] = jnp.dot(ea, w0_ref[...], preferred_element_type=jnp.float32) + b0_ref[...]
    o1_ref[...] = jnp.dot(ea, w1_ref[...], preferred_element_type=jnp.float32) + b1_ref[...]
    o2_ref[...] = jnp.dot(ea, w2_ref[...], preferred_element_type=jnp.float32) + b2_ref[...]


def _tc_edge(edge_attr, e_w, e_b, elins):
    full = lambda shape: pl.BlockSpec(shape, lambda i: (0, 0))
    return pl.pallas_call(
        _edge_body,
        grid=(E // EB,),
        in_specs=[
            pl.BlockSpec((EB, DE), lambda i: (i, 0)),
            full((DE, H)), full((1, H)),
            full((H, H)), full((1, H)),
            full((H, H)), full((1, H)),
            full((H, H)), full((1, H)),
        ],
        out_specs=[pl.BlockSpec((EB, H), lambda i: (i, 0))] * 3,
        out_shape=[jax.ShapeDtypeStruct((E, H), jnp.float32)] * 3,
    )(edge_attr, e_w, e_b.reshape(1, H),
      elins[0][0], elins[0][1].reshape(1, H),
      elins[1][0], elins[1][1].reshape(1, H),
      elins[2][0], elins[2][1].reshape(1, H))


def _sc_body(h_hbm, eal_hbm, src_hbm, dst_hbm, out_hbm,
             sidx, didx, ea_buf, g_buf, zbuf, aggr, sem_e, sem_g):
    c = lax.axis_index("c")
    s = lax.axis_index("s")
    w = s * NC + c

    zv = jnp.zeros((16,), jnp.float32)

    def zrow(i, carry):
        for j in range(8):
            zbuf[i, pl.ds(j * 16, 16)] = zv
        return carry

    lax.fori_loop(0, CH, zrow, 0)

    for off, ln in ((0, 128), (128, 128), (256, 128), (384, 128), (512, 112)):
        pltpu.sync_copy(zbuf.at[pl.ds(0, ln), :],
                        aggr.at[pl.ds(s * RSUB + off, ln), :])

    @pl.when(s == NS - 1)
    def _zero_tail():
        pltpu.sync_copy(zbuf.at[pl.ds(0, 16), :], aggr.at[pl.ds(NS * RSUB, 16), :])

    plsc.subcore_barrier()

    nchunks_w = (NCHUNK - w + NW - 1) // NW

    def chunk(t, carry):
        base = (w + t * NW) * CH
        pltpu.sync_copy(src_hbm.at[pl.ds(base, CH)], sidx)
        pltpu.sync_copy(dst_hbm.at[pl.ds(base, CH)], didx)
        cp_e = pltpu.async_copy(eal_hbm.at[pl.ds(base, CH), :], ea_buf, sem_e)
        cp_g = pltpu.async_copy(h_hbm.at[sidx], g_buf, sem_g)
        cp_e.wait()
        cp_g.wait()

        def row(i, rc):
            for j in range(8):
                sl = pl.ds(j * 16, 16)
                g_buf[i, sl] = jnp.maximum(g_buf[i, sl] + ea_buf[i, sl], 0.0)
            return rc

        lax.fori_loop(0, CH, row, 0)
        pltpu.sync_copy(g_buf, aggr.at[didx], add=True)
        return carry

    lax.fori_loop(0, nchunks_w, chunk, 0)
    plsc.subcore_barrier()
    pltpu.sync_copy(aggr.at[pl.ds(s * RSUB, RSUB), :],
                    out_hbm.at[c, pl.ds(s * RSUB, RSUB), :])

    @pl.when(s == NS - 1)
    def _out_tail():
        pltpu.sync_copy(aggr.at[pl.ds(NS * RSUB, 16), :],
                        out_hbm.at[c, pl.ds(NS * RSUB, 16), :])


def _sc_aggregate(h, eal, src, dst):
    mesh = plsc.VectorSubcoreMesh(core_axis_name="c", subcore_axis_name="s")
    f = pl.kernel(
        _sc_body,
        out_type=jax.ShapeDtypeStruct((NC, N, H), jnp.float32),
        mesh=mesh,
        scratch_types=[
            pltpu.VMEM((CH,), jnp.int32),
            pltpu.VMEM((CH,), jnp.int32),
            pltpu.VMEM((CH, H), jnp.float32),
            pltpu.VMEM((CH, H), jnp.float32),
            pltpu.VMEM((CH, H), jnp.float32),
            pltpu.VMEM_SHARED((N, H), jnp.float32),
            pltpu.SemaphoreType.DMA,
            pltpu.SemaphoreType.DMA,
        ],
    )
    return f(h, eal, src, dst)


def _block_body(h_ref, p_ref, eps_ref, w1_ref, b1_ref, g_ref, b_ref,
                w2_ref, b2_ref, lg_ref, lb_ref, out_ref):
    h = h_ref[...]
    aggr = p_ref[0] + p_ref[1]
    z = (1.0 + eps_ref[0, 0]) * h + aggr
    z = jnp.dot(z, w1_ref[...], preferred_element_type=jnp.float32) + b1_ref[...]
    z = jnp.maximum(_bn_rows(z, g_ref[...], b_ref[...]), 0.0)
    z = jnp.dot(z, w2_ref[...], preferred_element_type=jnp.float32) + b2_ref[...]
    m = jnp.mean(z, axis=-1, keepdims=True)
    zd = z - m
    v = jnp.mean(zd * zd, axis=-1, keepdims=True)
    z = zd / jnp.sqrt(v + 1e-5) * lg_ref[...] + lb_ref[...]
    out_ref[...] = jnp.maximum(z + h, 0.0)


def _tc_block(h, parts, bp):
    return pl.pallas_call(
        _block_body,
        out_shape=jax.ShapeDtypeStruct((N, H), jnp.float32),
    )(h, parts, bp['eps'].reshape(1, 1),
      bp['w1'], bp['b1'].reshape(1, H), bp['bn_g'].reshape(1, H), bp['bn_b'].reshape(1, H),
      bp['w2'], bp['b2'].reshape(1, H), bp['ln_g'].reshape(1, H), bp['ln_b'].reshape(1, H))


NB = 2000


def _jk_body(h1_ref, h2_ref, h3_ref,
             jw1_ref, jb1_ref, jw2_ref, jb2_ref, xf_ref):
    hs = (h1_ref[...], h2_ref[...], h3_ref[...])
    a = []
    for hl in hs:
        t = jnp.dot(hl, jw1_ref[...], preferred_element_type=jnp.float32) + jb1_ref[...]
        t = jnp.maximum(t, 0.0)
        a.append(jnp.dot(t, jw2_ref[...], preferred_element_type=jnp.float32) + jb2_ref[...])
    amax = jnp.maximum(jnp.maximum(a[0], a[1]), a[2])
    e = [jnp.exp(ai - amax) for ai in a]
    den = e[0] + e[1] + e[2]
    xf_ref[...] = (e[0] * hs[0] + e[1] * hs[1] + e[2] * hs[2]) / den


def _tc_jk(h1, h2, h3, params):
    nblk = pl.BlockSpec((NB, H), lambda i: (i, 0))
    full = lambda shape: pl.BlockSpec(shape, lambda i: (0, 0))
    return pl.pallas_call(
        _jk_body,
        grid=(N // NB,),
        in_specs=[nblk, nblk, nblk,
                  full((H, H // 2)), full((1, H // 2)),
                  full((H // 2, 1)), full((1, 1))],
        out_specs=nblk,
        out_shape=jax.ShapeDtypeStruct((N, H), jnp.float32),
    )(h1, h2, h3,
      params['jk_w1'], params['jk_b1'].reshape(1, H // 2),
      params['jk_w2'], params['jk_b2'].reshape(1, 1))


def _pool_body(xf_ref, batch_ref, ssum_ref, cnt_ref):
    xf = xf_ref[...]
    bt = batch_ref[...]
    gid = lax.broadcasted_iota(jnp.int32, (N, NG), 1)
    onehot = (bt == gid).astype(jnp.float32)
    ssum_ref[...] = lax.dot_general(onehot, xf, _DN0,
                                    preferred_element_type=jnp.float32, precision=_HI)
    cnt_ref[...] = lax.dot_general(onehot, jnp.ones((N, 1), jnp.float32), _DN0,
                                   preferred_element_type=jnp.float32, precision=_HI)


def _tc_pool(xf, batch):
    return pl.pallas_call(
        _pool_body,
        out_shape=[jax.ShapeDtypeStruct((NG, H), jnp.float32),
                   jax.ShapeDtypeStruct((NG, 1), jnp.float32)],
    )(xf, batch.reshape(N, 1))


GB = 8


def _segmax_body(xf_ref, batch_ref, out_ref):
    gbase = pl.program_id(0) * GB
    xf = xf_ref[...]
    bt = batch_ref[...]
    for k in range(GB):
        sel = jnp.where(bt == gbase + k, xf, jnp.float32(-jnp.inf))
        out_ref[k:k + 1, :] = jnp.max(sel, axis=0, keepdims=True)


def _tc_segmax(xf, batch):
    return pl.pallas_call(
        _segmax_body,
        grid=(NG // GB,),
        in_specs=[pl.BlockSpec((N, H), lambda g: (0, 0)),
                  pl.BlockSpec((N, 1), lambda g: (0, 0))],
        out_specs=pl.BlockSpec((GB, H), lambda g: (g, 0)),
        out_shape=jax.ShapeDtypeStruct((NG, H), jnp.float32),
    )(xf, batch.reshape(N, 1))


def _cls_body(ssum_ref, cnt_ref, mx_ref, gfeat_ref,
              gw_ref, gb_ref,
              wma_ref, wmx_ref, wms_ref, wgf_ref, cb1_ref,
              cg_ref, cbb_ref, w2_ref, b2_ref, out_ref):
    ssum = ssum_ref[...]
    cnt = cnt_ref[...]
    mean = ssum / jnp.maximum(cnt, 1.0)
    mx = jnp.where(cnt > 0.0, mx_ref[...], 0.0)
    gf = jnp.dot(gfeat_ref[...], gw_ref[...], preferred_element_type=jnp.float32) + gb_ref[...]
    z = (jnp.dot(mean, wma_ref[...], preferred_element_type=jnp.float32)
         + jnp.dot(mx, wmx_ref[...], preferred_element_type=jnp.float32)
         + jnp.dot(ssum, wms_ref[...], preferred_element_type=jnp.float32)
         + jnp.dot(gf, wgf_ref[...], preferred_element_type=jnp.float32)
         + cb1_ref[...])
    z = jnp.maximum(_bn_rows(z, cg_ref[...], cbb_ref[...]), 0.0)
    out_ref[...] = jnp.dot(z, w2_ref[...], preferred_element_type=jnp.float32) + b2_ref[...]


def _tc_final(h1, h2, h3, batch, graph_features, params):
    xf = _tc_jk(h1, h2, h3, params)
    ssum, cnt = _tc_pool(xf, batch)
    mx = _tc_segmax(xf, batch)
    w1 = params['cls_w1']
    out = pl.pallas_call(
        _cls_body,
        out_shape=jax.ShapeDtypeStruct((NG, 1), jnp.float32),
    )(ssum, cnt, mx, graph_features,
      params['gf_w'], params['gf_b'].reshape(1, H // 4),
      w1[0:H], w1[H:2 * H], w1[2 * H:3 * H], w1[3 * H:],
      params['cls_b1'].reshape(1, H),
      params['cls_bn_g'].reshape(1, H), params['cls_bn_b'].reshape(1, H),
      params['cls_w2'], params['cls_b2'].reshape(1, 1))
    return out.reshape(NG)


def kernel(x, edge_index, edge_attr, batch, graph_features, params):
    src = edge_index[0]
    dst = edge_index[1]
    h = _tc_prep(x, params['in_w'], params['in_b'], params['in_bn_g'], params['in_bn_b'])
    eals = _tc_edge(edge_attr, params['e_w'], params['e_b'],
                    [(bp['elin_w'], bp['elin_b']) for bp in params['blocks']])
    outs = []
    for l in range(NUM_LAYERS):
        parts = _sc_aggregate(h, eals[l], src, dst)
        h = _tc_block(h, parts, params['blocks'][l])
        outs.append(h)
    return _tc_final(outs[0], outs[1], outs[2], batch, graph_features, params)

# --- scband reference (transcript-rebuilt; emitter-appended) ---
"""Pipeline reference for scband-provenance-gnnv4-28879360098528 (READ-ONLY COPY).

The authoritative reference and input builder live on the scoring server;
editing this copy changes nothing except your own understanding.
"""

import jax, jax.numpy as jnp
import numpy as np

H = 128
DIN = 128
DE = 16
NG = 64
NSYS = 10
NUM_LAYERS = 3


def _bn(h, g, b):
    m = h.mean(axis=0)
    v = h.var(axis=0)
    return (h - m) / jnp.sqrt(v + 1e-5) * g + b


def _ln(h, g, b):
    m = h.mean(axis=-1, keepdims=True)
    v = h.var(axis=-1, keepdims=True)
    return (h - m) / jnp.sqrt(v + 1e-5) * g + b


def _make_params(key):
    ks = iter(jax.random.split(key, 64))
    def mk(shape):
        return jax.random.normal(next(ks), shape, dtype=jnp.float32) * 0.05
    p = {
        'in_w': mk((DIN, H)), 'in_b': mk((H,)),
        'in_bn_g': jnp.ones((H,), jnp.float32), 'in_bn_b': jnp.zeros((H,), jnp.float32),
        'e_w': mk((DE, H)), 'e_b': mk((H,)),
        'jk_w1': mk((H, H // 2)), 'jk_b1': mk((H // 2,)),
        'jk_w2': mk((H // 2, 1)), 'jk_b2': mk((1,)),
        'gf_w': mk((NSYS, H // 4)), 'gf_b': mk((H // 4,)),
        'cls_w1': mk((H * 3 + H // 4, H)), 'cls_b1': mk((H,)),
        'cls_bn_g': jnp.ones((H,), jnp.float32), 'cls_bn_b': jnp.zeros((H,), jnp.float32),
        'cls_w2': mk((H, 1)), 'cls_b2': mk((1,)),
        'blocks': [],
    }
    for _ in range(NUM_LAYERS):
        p['blocks'].append({
            'elin_w': mk((H, H)), 'elin_b': mk((H,)), 'eps': jnp.zeros((), jnp.float32),
            'w1': mk((H, H)), 'b1': mk((H,)),
            'bn_g': jnp.ones((H,), jnp.float32), 'bn_b': jnp.zeros((H,), jnp.float32),
            'w2': mk((H, H)), 'b2': mk((H,)),
            'ln_g': jnp.ones((H,), jnp.float32), 'ln_b': jnp.zeros((H,), jnp.float32),
        })
    return p


def setup_inputs(seed: int = 0):
    key = jax.random.key(seed)
    k = jax.random.split(key, 8)
    N, E = 10000, 320000
    x = jax.random.normal(k[0], (N, DIN), dtype=jnp.float32)
    edge_index = jax.random.randint(k[1], (2, E), 0, N, dtype=jnp.int32)
    edge_attr = jax.random.normal(k[2], (E, DE), dtype=jnp.float32)
    batch = jnp.sort(jax.random.randint(k[3], (N,), 0, NG, dtype=jnp.int32))
    graph_features = jax.random.normal(k[4], (NG, NSYS), dtype=jnp.float32)
    params = _make_params(k[5])
    return {'x': x, 'edge_index': edge_index, 'edge_attr': edge_attr,
            'batch': batch, 'graph_features': graph_features, 'params': params}


def _forward(x, edge_attr, graph_features, params, edge_index, batch):
    src, dst = edge_index[0], edge_index[1]
    # input_proj (dropout = identity in eval)
    h = jax.nn.relu(_bn(x @ params['in_w'] + params['in_b'], params['in_bn_g'], params['in_bn_b']))
    # edge_proj
    ea = jax.nn.relu(edge_attr @ params['e_w'] + params['e_b'])
    outs = []
    for bp in params['blocks']:
        # GINEConv message: ReLU(x_j + lin(edge_attr)), scatter-add to dst
        m = jax.nn.relu(h[src] + ea @ bp['elin_w'] + bp['elin_b'])
        aggr = jnp.zeros_like(h).at[dst].add(m)
        z = (1.0 + bp['eps']) * h + aggr
        # conv mlp: Linear -> BN -> ReLU -> (Dropout) -> Linear
        z = z @ bp['w1'] + bp['b1']
        z = jax.nn.relu(_bn(z, bp['bn_g'], bp['bn_b']))
        z = z @ bp['w2'] + bp['b2']
        z = _ln(z, bp['ln_g'], bp['ln_b'])
        h = jax.nn.relu(z + h)  # residual is Identity (in==out)
        outs.append(h)
    stack = jnp.stack(outs, axis=1)  # [N, L, H]
    a = jax.nn.relu(stack @ params['jk_w1'] + params['jk_b1']) @ params['jk_w2'] + params['jk_b2']
    a = jax.nn.softmax(a, axis=1)
    xf = (stack * a).sum(axis=1)
    ones = jnp.ones((xf.shape[0],), dtype=xf.dtype)
    cnt = jax.ops.segment_sum(ones, batch, num_segments=NG)
    s = jax.ops.segment_sum(xf, batch, num_segments=NG)
    mean = s / jnp.maximum(cnt, 1.0)[:, None]
    mx = jax.ops.segment_max(xf, batch, num_segments=NG)
    mx = jnp.where(jnp.isfinite(mx), mx, 0.0)
    ge = jnp.concatenate([mean, mx, s], axis=-1)
    gf = graph_features @ params['gf_w'] + params['gf_b']
    ge = jnp.concatenate([ge, gf], axis=-1)
    out = ge @ params['cls_w1'] + params['cls_b1']
    out = jax.nn.relu(_bn(out, params['cls_bn_g'], params['cls_bn_b']))
    out = out @ params['cls_w2'] + params['cls_b2']
    return out.squeeze(-1)


def reference(x, edge_index, edge_attr, batch, graph_features, params):
    return _forward(x, edge_attr, graph_features, params, edge_index, batch)

if __name__ == "__main__":
    import jax
    _d = setup_inputs()
    print(jax.jit(kernel)(*tuple(_d.values())))

</pallas_src>

<mosaic_0001>
#map = affine_map<(d0, d1) -> (0, 0)>
#map1 = affine_map<(d0, d1) -> (0)>
#map2 = affine_map<(d0, d1) -> (0, 0, 0)>
module attributes {stable_mosaic.version = 14 : i64} {
  func.func @_sc_body(%arg0: i32, %arg1: i32, %arg2: memref<10000x128xf32, #tpu.memory_space<hbm>>, %arg3: memref<320000x128xf32, #tpu.memory_space<hbm>>, %arg4: memref<320000xi32, #tpu.memory_space<hbm>>, %arg5: memref<320000xi32, #tpu.memory_space<hbm>>, %arg6: memref<2x10000x128xf32, #tpu.memory_space<hbm>>, %arg7: memref<128xi32, #tpu.memory_space<vmem>>, %arg8: memref<128xi32, #tpu.memory_space<vmem>>, %arg9: memref<128x128xf32, #tpu.memory_space<vmem>>, %arg10: memref<128x128xf32, #tpu.memory_space<vmem>>, %arg11: memref<128x128xf32, #tpu.memory_space<vmem>>, %arg12: memref<10000x128xf32, #tpu.memory_space<vmem_shared>>, %arg13: memref<!tpu.dma_semaphore, #tpu.memory_space<semaphore_mem>>, %arg14: memref<!tpu.dma_semaphore, #tpu.memory_space<semaphore_mem>>) attributes {dimension_semantics = [#tpu.dimension_semantics<core_parallel>, #tpu.dimension_semantics<subcore_parallel>], iteration_bounds = array<i64: 2, 16>, scalar_prefetch = 0 : i64, scratch_operands = 8 : i64, tpu.core_type = #tpu.core_type<sc_vector_subcore>, window_params = [{transform_indices = #map}, {transform_indices = #map}, {transform_indices = #map1}, {transform_indices = #map1}, {transform_indices = #map2}]} {
    %mul3A = arith.constant 2 : i32
    %mul3A_0 = arith.muli %arg1, %mul3A : i32
    %add3A = arith.addi %mul3A_0, %arg0 : i32
    %broadcast_in_dim3A = arith.constant 0.000000e+00 : f32
    %broadcast_in_dim3A_1 = vector.broadcast %broadcast_in_dim3A : f32 to vector<16xf32>
    %scan3A = arith.constant 0 : i32
    %scan3A_2 = arith.constant 0 : i32
    %scan3A_3 = arith.constant 128 : i32
    %scan3A_4 = arith.addi %scan3A_2, %scan3A_3 : i32
    %scan3A_5 = arith.constant 1 : i32
    scf.for %scan3A_70 = %scan3A_2 to %scan3A_4 step %scan3A_5  : i32 {
      %swap3A = arith.index_cast %scan3A_70 : i32 to index
      %swap3A_71 = arith.constant 0 : index
      %swap3A_72 = tpu.vector_load %arg11[%swap3A, %swap3A_71] {strides = array<i32>} : memref<128x128xf32, #tpu.memory_space<vmem>>, vector<1x16xf32>,
      %swap3A_73 = vector.shape_cast %swap3A_72 : vector<1x16xf32> to vector<16xf32>
      %swap3A_74 = vector.shape_cast %broadcast_in_dim3A_1 : vector<16xf32> to vector<1x16xf32>
      tpu.vector_store %arg11[%swap3A, %swap3A_71], %swap3A_74 {strides = array<i32>} : memref<128x128xf32, #tpu.memory_space<vmem>>, vector<1x16xf32>,
      %swap3A_75 = arith.index_cast %scan3A_70 : i32 to index
      %swap3A_76 = arith.constant 16 : index
      %swap3A_77 = tpu.vector_load %arg11[%swap3A_75, %swap3A_76] {strides = array<i32>} : memref<128x128xf32, #tpu.memory_space<vmem>>, vector<1x16xf32>,
      %swap3A_78 = vector.shape_cast %swap3A_77 : vector<1x16xf32> to vector<16xf32>
      %swap3A_79 = vector.shape_cast %broadcast_in_dim3A_1 : vector<16xf32> to vector<1x16xf32>
      tpu.vector_store %arg11[%swap3A_75, %swap3A_76], %swap3A_79 {strides = array<i32>} : memref<128x128xf32, #tpu.memory_space<vmem>>, vector<1x16xf32>,
      %swap3A_80 = arith.index_cast %scan3A_70 : i32 to index
      %swap3A_81 = arith.constant 32 : index
      %swap3A_82 = tpu.vector_load %arg11[%swap3A_80, %swap3A_81] {strides = array<i32>} : memref<128x128xf32, #tpu.memory_space<vmem>>, vector<1x16xf32>,
      %swap3A_83 = vector.shape_cast %swap3A_82 : vector<1x16xf32> to vector<16xf32>
      %swap3A_84 = vector.shape_cast %broadcast_in_dim3A_1 : vector<16xf32> to vector<1x16xf32>
      tpu.vector_store %arg11[%swap3A_80, %swap3A_81], %swap3A_84 {strides = array<i32>} : memref<128x128xf32, #tpu.memory_space<vmem>>, vector<1x16xf32>,
      %swap3A_85 = arith.index_cast %scan3A_70 : i32 to index
      %swap3A_86 = arith.constant 48 : index
      %swap3A_87 = tpu.vector_load %arg11[%swap3A_85, %swap3A_86] {strides = array<i32>} : memref<128x128xf32, #tpu.memory_space<vmem>>, vector<1x16xf32>,
      %swap3A_88 = vector.shape_cast %swap3A_87 : vector<1x16xf32> to vector<16xf32>
      %swap3A_89 = vector.shape_cast %broadcast_in_dim3A_1 : vector<16xf32> to vector<1x16xf32>
      tpu.vector_store %arg11[%swap3A_85, %swap3A_86], %swap3A_89 {strides = array<i32>} : memref<128x128xf32, #tpu.memory_space<vmem>>, vector<1x16xf32>,
      %swap3A_90 = arith.index_cast %scan3A_70 : i32 to index
      %swap3A_91 = arith.constant 64 : index
      %swap3A_92 = tpu.vector_load %arg11[%swap3A_90, %swap3A_91] {strides = array<i32>} : memref<128x128xf32, #tpu.memory_space<vmem>>, vector<1x16xf32>,
      %swap3A_93 = vector.shape_cast %swap3A_92 : vector<1x16xf32> to vector<16xf32>
      %swap3A_94 = vector.shape_cast %broadcast_in_dim3A_1 : vector<16xf32> to vector<1x16xf32>
      tpu.vector_store %arg11[%swap3A_90, %swap3A_91], %swap3A_94 {strides = array<i32>} : memref<128x128xf32, #tpu.memory_space<vmem>>, vector<1x16xf32>,
      %swap3A_95 = arith.index_cast %scan3A_70 : i32 to index
      %swap3A_96 = arith.constant 80 : index
      %swap3A_97 = tpu.vector_load %arg11[%swap3A_95, %swap3A_96] {strides = array<i32>} : memref<128x128xf32, #tpu.memory_space<vmem>>, vector<1x16xf32>,
      %swap3A_98 = vector.shape_cast %swap3A_97 : vector<1x16xf32> to vector<16xf32>
      %swap3A_99 = vector.shape_cast %broadcast_in_dim3A_1 : vector<16xf32> to vector<1x16xf32>
      tpu.vector_store %arg11[%swap3A_95, %swap3A_96], %swap3A_99 {strides = array<i32>} : memref<128x128xf32, #tpu.memory_space<vmem>>, vector<1x16xf32>,
      %swap3A_100 = arith.index_cast %scan3A_70 : i32 to index
      %swap3A_101 = arith.constant 96 : index
      %swap3A_102 = tpu.vector_load %arg11[%swap3A_100, %swap3A_101] {strides = array<i32>} : memref<128x128xf32, #tpu.memory_space<vmem>>, vector<1x16xf32>,
      %swap3A_103 = vector.shape_cast %swap3A_102 : vector<1x16xf32> to vector<16xf32>
      %swap3A_104 = vector.shape_cast %broadcast_in_dim3A_1 : vector<16xf32> to vector<1x16xf32>
      tpu.vector_store %arg11[%swap3A_100, %swap3A_101], %swap3A_104 {strides = array<i32>} : memref<128x128xf32, #tpu.memory_space<vmem>>, vector<1x16xf32>,
      %swap3A_105 = arith.index_cast %scan3A_70 : i32 to index
      %swap3A_106 = arith.constant 112 : index
      %swap3A_107 = tpu.vector_load %arg11[%swap3A_105, %swap3A_106] {strides = array<i32>} : memref<128x128xf32, #tpu.memory_space<vmem>>, vector<1x16xf32>,
      %swap3A_108 = vector.shape_cast %swap3A_107 : vector<1x16xf32> to vector<16xf32>
      %swap3A_109 = vector.shape_cast %broadcast_in_dim3A_1 : vector<16xf32> to vector<1x16xf32>
      tpu.vector_store %arg11[%swap3A_105, %swap3A_106], %swap3A_109 {strides = array<i32>} : memref<128x128xf32, #tpu.memory_space<vmem>>, vector<1x16xf32>,
    }
    %scan3A_6 = arith.constant 128 : i32
    %mul3A_7 = arith.constant 624 : i32
    %mul3A_8 = arith.muli %arg1, %mul3A_7 : i32
    %add3A_9 = arith.constant 0 : i32
    %add3A_10 = arith.addi %mul3A_8, %add3A_9 : i32
    "tpu.region"() ({
      %run_scoped3A = tpu.sem_alloc : memref<!tpu.dma_semaphore, #tpu.memory_space<semaphore_mem>>
      %dma_start3A = arith.constant 0 : i32
      %dma_start3A_70 = arith.constant 0 : i32
      %dma_start3A_71 = tpu.memref_slice %arg11[%dma_start3A, %dma_start3A_70] : memref<128x128xf32, #tpu.memory_space<vmem>> -> memref<128x128xf32, #tpu.memory_space<vmem>>
      %dma_start3A_72 = arith.constant 0 : i32
      %dma_start3A_73 = tpu.memref_slice %arg12[%add3A_10, %dma_start3A_72] : memref<10000x128xf32, #tpu.memory_space<vmem_shared>> -> memref<128x128xf32, #tpu.memory_space<vmem_shared>>
      %dma_start3A_74 = arith.constant 0 : i32
      %dma_start3A_75 = tpu.memref_slice %arg12[%add3A_10, %dma_start3A_74] : memref<10000x128xf32, #tpu.memory_space<vmem_shared>> -> memref<128x128xf32, #tpu.memory_space<vmem_shared>>
      %dma_start3A_76 = arith.constant 0 : i32
      %dma_start3A_77 = arith.constant 0 : i32
      %dma_start3A_78 = tpu.memref_slice %arg11[%dma_start3A_76, %dma_start3A_77] : memref<128x128xf32, #tpu.memory_space<vmem>> -> memref<128x128xf32, #tpu.memory_space<vmem>>
      tpu.enqueue_dma source(%dma_start3A_78 : memref<128x128xf32, #tpu.memory_space<vmem>>) target(%dma_start3A_75 : memref<128x128xf32, #tpu.memory_space<vmem_shared>>) target_semaphore(%run_scoped3A : memref<!tpu.dma_semaphore, #tpu.memory_space<semaphore_mem>>)
      %dma_wait3A = arith.constant 0 : i32
      %dma_wait3A_79 = arith.constant 0 : i32
      %dma_wait3A_80 = tpu.memref_slice %arg11[%dma_wait3A, %dma_wait3A_79] : memref<128x128xf32, #tpu.memory_space<vmem>> -> memref<128x128xf32, #tpu.memory_space<vmem>>
      %dma_wait3A_81 = arith.constant 0 : i32
      %dma_wait3A_82 = tpu.memref_slice %arg12[%add3A_10, %dma_wait3A_81] : memref<10000x128xf32, #tpu.memory_space<vmem_shared>> -> memref<128x128xf32, #tpu.memory_space<vmem_shared>>
      %dma_wait3A_83 = arith.constant 0 : i32
      %dma_wait3A_84 = tpu.memref_slice %arg12[%add3A_10, %dma_wait3A_83] : memref<10000x128xf32, #tpu.memory_space<vmem_shared>> -> memref<128x128xf32, #tpu.memory_space<vmem_shared>>
      %dma_wait3A_85 = arith.constant 0 : i32
      %dma_wait3A_86 = arith.constant 0 : i32
      %dma_wait3A_87 = tpu.memref_slice %arg11[%dma_wait3A_85, %dma_wait3A_86] : memref<128x128xf32, #tpu.memory_space<vmem>> -> memref<128x128xf32, #tpu.memory_space<vmem>>
      tpu.wait_dma2 semaphore(%run_scoped3A : memref<!tpu.dma_semaphore, #tpu.memory_space<semaphore_mem>>) src(%dma_wait3A_87 : memref<128x128xf32, #tpu.memory_space<vmem>>) dst(%dma_wait3A_84 : memref<128x128xf32, #tpu.memory_space<vmem_shared>>)
      tpu.yield
    }) : () -> ()
    %mul3A_11 = arith.constant 624 : i32
    %mul3A_12 = arith.muli %arg1, %mul3A_11 : i32
    %add3A_13 = arith.constant 128 : i32
    %add3A_14 = arith.addi %mul3A_12, %add3A_13 : i32
    "tpu.region"() ({
      %run_scoped3A = tpu.sem_alloc : memref<!tpu.dma_semaphore, #tpu.memory_space<semaphore_mem>>
      %dma_start3A = arith.constant 0 : i32
      %dma_start3A_70 = arith.constant 0 : i32
      %dma_start3A_71 = tpu.memref_slice %arg11[%dma_start3A, %dma_start3A_70] : memref<128x128xf32, #tpu.memory_space<vmem>> -> memref<128x128xf32, #tpu.memory_space<vmem>>
      %dma_start3A_72 = arith.constant 0 : i32
      %dma_start3A_73 = tpu.memref_slice %arg12[%add3A_14, %dma_start3A_72] : memref<10000x128xf32, #tpu.memory_space<vmem_shared>> -> memref<128x128xf32, #tpu.memory_space<vmem_shared>>
      %dma_start3A_74 = arith.constant 0 : i32
      %dma_start3A_75 = tpu.memref_slice %arg12[%add3A_14, %dma_start3A_74] : memref<10000x128xf32, #tpu.memory_space<vmem_shared>> -> memref<128x128xf32, #tpu.memory_space<vmem_shared>>
      %dma_start3A_76 = arith.constant 0 : i32
      %dma_start3A_77 = arith.constant 0 : i32
      %dma_start3A_78 = tpu.memref_slice %arg11[%dma_start3A_76, %dma_start3A_77] : memref<128x128xf32, #tpu.memory_space<vmem>> -> memref<128x128xf32, #tpu.memory_space<vmem>>
      tpu.enqueue_dma source(%dma_start3A_78 : memref<128x128xf32, #tpu.memory_space<vmem>>) target(%dma_start3A_75 : memref<128x128xf32, #tpu.memory_space<vmem_shared>>) target_semaphore(%run_scoped3A : memref<!tpu.dma_semaphore, #tpu.memory_space<semaphore_mem>>)
      %dma_wait3A = arith.constant 0 : i32
      %dma_wait3A_79 = arith.constant 0 : i32
      %dma_wait3A_80 = tpu.memref_slice %arg11[%dma_wait3A, %dma_wait3A_79] : memref<128x128xf32, #tpu.memory_space<vmem>> -> memref<128x128xf32, #tpu.memory_space<vmem>>
      %dma_wait3A_81 = arith.constant 0 : i32
      %dma_wait3A_82 = tpu.memref_slice %arg12[%add3A_14, %dma_wait3A_81] : memref<10000x128xf32, #tpu.memory_space<vmem_shared>> -> memref<128x128xf32, #tpu.memory_space<vmem_shared>>
      %dma_wait3A_83 = arith.constant 0 : i32
      %dma_wait3A_84 = tpu.memref_slice %arg12[%add3A_14, %dma_wait3A_83] : memref<10000x128xf32, #tpu.memory_space<vmem_shared>> -> memref<128x128xf32, #tpu.memory_space<vmem_shared>>
      %dma_wait3A_85 = arith.constant 0 : i32
      %dma_wait3A_86 = arith.constant 0 : i32
      %dma_wait3A_87 = tpu.memref_slice %arg11[%dma_wait3A_85, %dma_wait3A_86] : memref<128x128xf32, #tpu.memory_space<vmem>> -> memref<128x128xf32, #tpu.memory_space<vmem>>
      tpu.wait_dma2 semaphore(%run_scoped3A : memref<!tpu.dma_semaphore, #tpu.memory_space<semaphore_mem>>) src(%dma_wait3A_87 : memref<128x128xf32, #tpu.memory_space<vmem>>) dst(%dma_wait3A_84 : memref<128x128xf32, #tpu.memory_space<vmem_shared>>)
      tpu.yield
    }) : () -> ()
    %mul3A_15 = arith.constant 624 : i32
    %mul3A_16 = arith.muli %arg1, %mul3A_15 : i32
    %add3A_17 = arith.constant 256 : i32
    %add3A_18 = arith.addi %mul3A_16, %add3A_17 : i32
    "tpu.region"() ({
      %run_scoped3A = tpu.sem_alloc : memref<!tpu.dma_semaphore, #tpu.memory_space<semaphore_mem>>
      %dma_start3A = arith.constant 0 : i32
      %dma_start3A_70 = arith.constant 0 : i32
      %dma_start3A_71 = tpu.memref_slice %arg11[%dma_start3A, %dma_start3A_70] : memref<128x128xf32, #tpu.memory_space<vmem>> -> memref<128x128xf32, #tpu.memory_space<vmem>>
      %dma_start3A_72 = arith.constant 0 : i32
      %dma_start3A_73 = tpu.memref_slice %arg12[%add3A_18, %dma_start3A_72] : memref<10000x128xf32, #tpu.memory_space<vmem_shared>> -> memref<128x128xf32, #tpu.memory_space<vmem_shared>>
      %dma_start3A_74 = arith.constant 0 : i32
      %dma_start3A_75 = tpu.memref_slice %arg12[%add3A_18, %dma_start3A_74] : memref<10000x128xf32, #tpu.memory_space<vmem_shared>> -> memref<128x128xf32, #tpu.memory_space<vmem_shared>>
      %dma_start3A_76 = arith.constant 0 : i32
      %dma_start3A_77 = arith.constant 0 : i32
      %dma_start3A_78 = tpu.memref_slice %arg11[%dma_start3A_76, %dma_start3A_77] : memref<128x128xf32, #tpu.memory_space<vmem>> -> memref<128x128xf32, #tpu.memory_space<vmem>>
      tpu.enqueue_dma source(%dma_start3A_78 : memref<128x128xf32, #tpu.memory_space<vmem>>) target(%dma_start3A_75 : memref<128x128xf32, #tpu.memory_space<vmem_shared>>) target_semaphore(%run_scoped3A : memref<!tpu.dma_semaphore, #tpu.memory_space<semaphore_mem>>)
      %dma_wait3A = arith.constant 0 : i32
      %dma_wait3A_79 = arith.constant 0 : i32
      %dma_wait3A_80 = tpu.memref_slice %arg11[%dma_wait3A, %dma_wait3A_79] : memref<128x128xf32, #tpu.memory_space<vmem>> -> memref<128x128xf32, #tpu.memory_space<vmem>>
      %dma_wait3A_81 = arith.constant 0 : i32
      %dma_wait3A_82 = tpu.memref_slice %arg12[%add3A_18, %dma_wait3A_81] : memref<10000x128xf32, #tpu.memory_space<vmem_shared>> -> memref<128x128xf32, #tpu.memory_space<vmem_shared>>
      %dma_wait3A_83 = arith.constant 0 : i32
      %dma_wait3A_84 = tpu.memref_slice %arg12[%add3A_18, %dma_wait3A_83] : memref<10000x128xf32, #tpu.memory_space<vmem_shared>> -> memref<128x128xf32, #tpu.memory_space<vmem_shared>>
      %dma_wait3A_85 = arith.constant 0 : i32
      %dma_wait3A_86 = arith.constant 0 : i32
      %dma_wait3A_87 = tpu.memref_slice %arg11[%dma_wait3A_85, %dma_wait3A_86] : memref<128x128xf32, #tpu.memory_space<vmem>> -> memref<128x128xf32, #tpu.memory_space<vmem>>
      tpu.wait_dma2 semaphore(%run_scoped3A : memref<!tpu.dma_semaphore, #tpu.memory_space<semaphore_mem>>) src(%dma_wait3A_87 : memref<128x128xf32, #tpu.memory_space<vmem>>) dst(%dma_wait3A_84 : memref<128x128xf32, #tpu.memory_space<vmem_shared>>)
      tpu.yield
    }) : () -> ()
    %mul3A_19 = arith.constant 624 : i32
    %mul3A_20 = arith.muli %arg1, %mul3A_19 : i32
    %add3A_21 = arith.constant 384 : i32
    %add3A_22 = arith.addi %mul3A_20, %add3A_21 : i32
    "tpu.region"() ({
      %run_scoped3A = tpu.sem_alloc : memref<!tpu.dma_semaphore, #tpu.memory_space<semaphore_mem>>
      %dma_start3A = arith.constant 0 : i32
      %dma_start3A_70 = arith.constant 0 : i32
      %dma_start3A_71 = tpu.memref_slice %arg11[%dma_start3A, %dma_start3A_70] : memref<128x128xf32, #tpu.memory_space<vmem>> -> memref<128x128xf32, #tpu.memory_space<vmem>>
      %dma_start3A_72 = arith.constant 0 : i32
      %dma_start3A_73 = tpu.memref_slice %arg12[%add3A_22, %dma_start3A_72] : memref<10000x128xf32, #tpu.memory_space<vmem_shared>> -> memref<128x128xf32, #tpu.memory_space<vmem_shared>>
      %dma_start3A_74 = arith.constant 0 : i32
      %dma_start3A_75 = tpu.memref_slice %arg12[%add3A_22, %dma_start3A_74] : memref<10000x128xf32, #tpu.memory_space<vmem_shared>> -> memref<128x128xf32, #tpu.memory_space<vmem_shared>>
      %dma_start3A_76 = arith.constant 0 : i32
      %dma_start3A_77 = arith.constant 0 : i32
      %dma_start3A_78 = tpu.memref_slice %arg11[%dma_start3A_76, %dma_start3A_77] : memref<128x128xf32, #tpu.memory_space<vmem>> -> memref<128x128xf32, #tpu.memory_space<vmem>>
      tpu.enqueue_dma source(%dma_start3A_78 : memref<128x128xf32, #tpu.memory_space<vmem>>) target(%dma_start3A_75 : memref<128x128xf32, #tpu.memory_space<vmem_shared>>) target_semaphore(%run_scoped3A : memref<!tpu.dma_semaphore, #tpu.memory_space<semaphore_mem>>)
      %dma_wait3A = arith.constant 0 : i32
      %dma_wait3A_79 = arith.constant 0 : i32
      %dma_wait3A_80 = tpu.memref_slice %arg11[%dma_wait3A, %dma_wait3A_79] : memref<128x128xf32, #tpu.memory_space<vmem>> -> memref<128x128xf32, #tpu.memory_space<vmem>>
      %dma_wait3A_81 = arith.constant 0 : i32
      %dma_wait3A_82 = tpu.memref_slice %arg12[%add3A_22, %dma_wait3A_81] : memref<10000x128xf32, #tpu.memory_space<vmem_shared>> -> memref<128x128xf32, #tpu.memory_space<vmem_shared>>
      %dma_wait3A_83 = arith.constant 0 : i32
      %dma_wait3A_84 = tpu.memref_slice %arg12[%add3A_22, %dma_wait3A_83] : memref<10000x128xf32, #tpu.memory_space<vmem_shared>> -> memref<128x128xf32, #tpu.memory_space<vmem_shared>>
      %dma_wait3A_85 = arith.constant 0 : i32
      %dma_wait3A_86 = arith.constant 0 : i32
      %dma_wait3A_87 = tpu.memref_slice %arg11[%dma_wait3A_85, %dma_wait3A_86] : memref<128x128xf32, #tpu.memory_space<vmem>> -> memref<128x128xf32, #tpu.memory_space<vmem>>
      tpu.wait_dma2 semaphore(%run_scoped3A : memref<!tpu.dma_semaphore, #tpu.memory_space<semaphore_mem>>) src(%dma_wait3A_87 : memref<128x128xf32, #tpu.memory_space<vmem>>) dst(%dma_wait3A_84 : memref<128x128xf32, #tpu.memory_space<vmem_shared>>)
      tpu.yield
    }) : () -> ()
    %mul3A_23 = arith.constant 624 : i32
    %mul3A_24 = arith.muli %arg1, %mul3A_23 : i32
    %add3A_25 = arith.constant 512 : i32
    %add3A_26 = arith.addi %mul3A_24, %add3A_25 : i32
    "tpu.region"() ({
      %run_scoped3A = tpu.sem_alloc : memref<!tpu.dma_semaphore, #tpu.memory_space<semaphore_mem>>
      %dma_start3A = arith.constant 0 : i32
      %dma_start3A_70 = arith.constant 0 : i32
      %dma_start3A_71 = tpu.memref_slice %arg11[%dma_start3A, %dma_start3A_70] : memref<128x128xf32, #tpu.memory_space<vmem>> -> memref<112x128xf32, #tpu.memory_space<vmem>>
      %dma_start3A_72 = arith.constant 0 : i32
      %dma_start3A_73 = tpu.memref_slice %arg12[%add3A_26, %dma_start3A_72] : memref<10000x128xf32, #tpu.memory_space<vmem_shared>> -> memref<112x128xf32, #tpu.memory_space<vmem_shared>>
      %dma_start3A_74 = arith.constant 0 : i32
      %dma_start3A_75 = tpu.memref_slice %arg12[%add3A_26, %dma_start3A_74] : memref<10000x128xf32, #tpu.memory_space<vmem_shared>> -> memref<112x128xf32, #tpu.memory_space<vmem_shared>>
      %dma_start3A_76 = arith.constant 0 : i32
      %dma_start3A_77 = arith.constant 0 : i32
      %dma_start3A_78 = tpu.memref_slice %arg11[%dma_start3A_76, %dma_start3A_77] : memref<128x128xf32, #tpu.memory_space<vmem>> -> memref<112x128xf32, #tpu.memory_space<vmem>>
      tpu.enqueue_dma source(%dma_start3A_78 : memref<112x128xf32, #tpu.memory_space<vmem>>) target(%dma_start3A_75 : memref<112x128xf32, #tpu.memory_space<vmem_shared>>) target_semaphore(%run_scoped3A : memref<!tpu.dma_semaphore, #tpu.memory_space<semaphore_mem>>)
      %dma_wait3A = arith.constant 0 : i32
      %dma_wait3A_79 = arith.constant 0 : i32
      %dma_wait3A_80 = tpu.memref_slice %arg11[%dma_wait3A, %dma_wait3A_79] : memref<128x128xf32, #tpu.memory_space<vmem>> -> memref<112x128xf32, #tpu.memory_space<vmem>>
      %dma_wait3A_81 = arith.constant 0 : i32
      %dma_wait3A_82 = tpu.memref_slice %arg12[%add3A_26, %dma_wait3A_81] : memref<10000x128xf32, #tpu.memory_space<vmem_shared>> -> memref<112x128xf32, #tpu.memory_space<vmem_shared>>
      %dma_wait3A_83 = arith.constant 0 : i32
      %dma_wait3A_84 = tpu.memref_slice %arg12[%add3A_26, %dma_wait3A_83] : memref<10000x128xf32, #tpu.memory_space<vmem_shared>> -> memref<112x128xf32, #tpu.memory_space<vmem_shared>>
      %dma_wait3A_85 = arith.constant 0 : i32
      %dma_wait3A_86 = arith.constant 0 : i32
      %dma_wait3A_87 = tpu.memref_slice %arg11[%dma_wait3A_85, %dma_wait3A_86] : memref<128x128xf32, #tpu.memory_space<vmem>> -> memref<112x128xf32, #tpu.memory_space<vmem>>
      tpu.wait_dma2 semaphore(%run_scoped3A : memref<!tpu.dma_semaphore, #tpu.memory_space<semaphore_mem>>) src(%dma_wait3A_87 : memref<112x128xf32, #tpu.memory_space<vmem>>) dst(%dma_wait3A_84 : memref<112x128xf32, #tpu.memory_space<vmem_shared>>)
      tpu.yield
    }) : () -> ()
    %eq3A = arith.constant 15 : i32
    %eq3A_27 = arith.cmpi eq, %arg1, %eq3A : i32
    %convert_element_type3A = arith.extui %eq3A_27 : i1 to i32
    %cond3A = arith.constant 0 : i32
    %cond3A_28 = arith.cmpi ne, %convert_element_type3A, %cond3A : i32
    scf.if %cond3A_28 {
      "tpu.region"() ({
        %run_scoped3A = tpu.sem_alloc : memref<!tpu.dma_semaphore, #tpu.memory_space<semaphore_mem>>
        %dma_start3A = arith.constant 0 : i32
        %dma_start3A_70 = arith.constant 0 : i32
        %dma_start3A_71 = tpu.memref_slice %arg11[%dma_start3A, %dma_start3A_70] : memref<128x128xf32, #tpu.memory_space<vmem>> -> memref<16x128xf32, #tpu.memory_space<vmem>>
        %dma_start3A_72 = arith.constant 9984 : i32
        %dma_start3A_73 = arith.constant 0 : i32
        %dma_start3A_74 = tpu.memref_slice %arg12[%dma_start3A_72, %dma_start3A_73] : memref<10000x128xf32, #tpu.memory_space<vmem_shared>> -> memref<16x128xf32, #tpu.memory_space<vmem_shared>>
        %dma_start3A_75 = arith.constant 9984 : i32
        %dma_start3A_76 = arith.constant 0 : i32
        %dma_start3A_77 = tpu.memref_slice %arg12[%dma_start3A_75, %dma_start3A_76] : memref<10000x128xf32, #tpu.memory_space<vmem_shared>> -> memref<16x128xf32, #tpu.memory_space<vmem_shared>>
        %dma_start3A_78 = arith.constant 0 : i32
        %dma_start3A_79 = arith.constant 0 : i32
        %dma_start3A_80 = tpu.memref_slice %arg11[%dma_start3A_78, %dma_start3A_79] : memref<128x128xf32, #tpu.memory_space<vmem>> -> memref<16x128xf32, #tpu.memory_space<vmem>>
        tpu.enqueue_dma source(%dma_start3A_80 : memref<16x128xf32, #tpu.memory_space<vmem>>) target(%dma_start3A_77 : memref<16x128xf32, #tpu.memory_space<vmem_shared>>) target_semaphore(%run_scoped3A : memref<!tpu.dma_semaphore, #tpu.memory_space<semaphore_mem>>)
        %dma_wait3A = arith.constant 0 : i32
        %dma_wait3A_81 = arith.constant 0 : i32
        %dma_wait3A_82 = tpu.memref_slice %arg11[%dma_wait3A, %dma_wait3A_81] : memref<128x128xf32, #tpu.memory_space<vmem>> -> memref<16x128xf32, #tpu.memory_space<vmem>>
        %dma_wait3A_83 = arith.constant 9984 : i32
        %dma_wait3A_84 = arith.constant 0 : i32
        %dma_wait3A_85 = tpu.memref_slice %arg12[%dma_wait3A_83, %dma_wait3A_84] : memref<10000x128xf32, #tpu.memory_space<vmem_shared>> -> memref<16x128xf32, #tpu.memory_space<vmem_shared>>
        %dma_wait3A_86 = arith.constant 9984 : i32
        %dma_wait3A_87 = arith.constant 0 : i32
        %dma_wait3A_88 = tpu.memref_slice %arg12[%dma_wait3A_86, %dma_wait3A_87] : memref<10000x128xf32, #tpu.memory_space<vmem_shared>> -> memref<16x128xf32, #tpu.memory_space<vmem_shared>>
        %dma_wait3A_89 = arith.constant 0 : i32
        %dma_wait3A_90 = arith.constant 0 : i32
        %dma_wait3A_91 = tpu.memref_slice %arg11[%dma_wait3A_89, %dma_wait3A_90] : memref<128x128xf32, #tpu.memory_space<vmem>> -> memref<16x128xf32, #tpu.memory_space<vmem>>
        tpu.wait_dma2 semaphore(%run_scoped3A : memref<!tpu.dma_semaphore, #tpu.memory_space<semaphore_mem>>) src(%dma_wait3A_91 : memref<16x128xf32, #tpu.memory_space<vmem>>) dst(%dma_wait3A_88 : memref<16x128xf32, #tpu.memory_space<vmem_shared>>)
        tpu.yield
      }) : () -> ()
    } else {
    }
    %barrier3A = arith.constant 0 : index
    tpu.barrier barrier_id(%barrier3A)
    %sub3A = arith.constant 2500 : i32
    %sub3A_29 = arith.subi %sub3A, %add3A : i32
    %add3A_30 = arith.constant 32 : i32
    %add3A_31 = arith.addi %sub3A_29, %add3A_30 : i32
    %sub3A_32 = arith.constant 1 : i32
    %sub3A_33 = arith.subi %add3A_31, %sub3A_32 : i32
    %jit3A = arith.constant 32 : i32
    %div3A = arith.divsi %sub3A_33, %jit3A : i32
    %sign3A = arith.constant 0 : i32
    %sign3A_34 = arith.cmpi sgt, %sub3A_33, %sign3A : i32
    %sign3A_35 = arith.extui %sign3A_34 : i1 to i32
    %sign3A_36 = arith.constant 0 : i32
    %sign3A_37 = arith.cmpi slt, %sub3A_33, %sign3A_36 : i32
    %sign3A_38 = arith.extui %sign3A_37 : i1 to i32
    %sign3A_39 = arith.subi %sign3A_35, %sign3A_38 : i32
    %sign3A_40 = arith.constant 0 : i32
    %sign3A_41 = arith.cmpi sgt, %jit3A, %sign3A_40 : i32
    %sign3A_42 = arith.extui %sign3A_41 : i1 to i32
    %sign3A_43 = arith.constant 0 : i32
    %sign3A_44 = arith.cmpi slt, %jit3A, %sign3A_43 : i32
    %sign3A_45 = arith.extui %sign3A_44 : i1 to i32
    %sign3A_46 = arith.subi %sign3A_42, %sign3A_45 : i32
    %ne3A = arith.cmpi ne, %sign3A_39, %sign3A_46 : i32
    %rem3A = arith.remsi %sub3A_33, %jit3A : i32
    %ne3A_47 = arith.constant 0 : i32
    %ne3A_48 = arith.cmpi ne, %rem3A, %ne3A_47 : i32
    %and3A = arith.andi %ne3A, %ne3A_48 : i1
    %sub3A_49 = arith.constant 1 : i32
    %sub3A_50 = arith.subi %div3A, %sub3A_49 : i32
    %select_n3A = arith.select %and3A, %sub3A_50, %div3A : i32
    %while3A = arith.constant 0 : i32
    %while3A_51 = arith.constant 0 : i32
    %while3A_52 = arith.subi %select_n3A, %while3A_51 : i32
    %while3A_53 = arith.addi %while3A_51, %while3A_52 : i32
    %while3A_54 = arith.constant 1 : i32
    %while3A_55 = arith.divsi %while3A_52, %while3A_54 : i32
    %while3A_56 = arith.muli %while3A_55, %while3A_54 : i32
    %while3A_57 = arith.addi %while3A_51, %while3A_56 : i32
    %while3A_58 = arith.constant 1 : i32
    scf.for %while3A_70 = %while3A_51 to %while3A_57 step %while3A_58  : i32 {
      %mul3A_71 = arith.constant 32 : i32
      %mul3A_72 = arith.muli %while3A_70, %mul3A_71 : i32
      %add3A_73 = arith.addi %add3A, %mul3A_72 : i32
      %mul3A_74 = arith.constant 128 : i32
      %mul3A_75 = arith.muli %add3A_73, %mul3A_74 : i32
      "tpu.region"() ({
        %run_scoped3A = tpu.sem_alloc : memref<!tpu.dma_semaphore, #tpu.memory_space<semaphore_mem>>
        %dma_start3A_94 = tpu.memref_slice %arg4[%mul3A_75] : memref<320000xi32, #tpu.memory_space<hbm>> -> memref<128xi32, #tpu.memory_space<hbm>>
        %dma_start3A_95 = tpu.memref_slice %arg4[%mul3A_75] : memref<320000xi32, #tpu.memory_space<hbm>> -> memref<128xi32, #tpu.memory_space<hbm>>
        tpu.enqueue_dma source(%dma_start3A_95 : memref<128xi32, #tpu.memory_space<hbm>>) target(%arg7 : memref<128xi32, #tpu.memory_space<vmem>>) target_semaphore(%run_scoped3A : memref<!tpu.dma_semaphore, #tpu.memory_space<semaphore_mem>>)
        %dma_wait3A_96 = tpu.memref_slice %arg4[%mul3A_75] : memref<320000xi32, #tpu.memory_space<hbm>> -> memref<128xi32, #tpu.memory_space<hbm>>
        %dma_wait3A_97 = tpu.memref_slice %arg4[%mul3A_75] : memref<320000xi32, #tpu.memory_space<hbm>> -> memref<128xi32, #tpu.memory_space<hbm>>
        tpu.wait_dma2 semaphore(%run_scoped3A : memref<!tpu.dma_semaphore, #tpu.memory_space<semaphore_mem>>) src(%dma_wait3A_97 : memref<128xi32, #tpu.memory_space<hbm>>) dst(%arg7 : memref<128xi32, #tpu.memory_space<vmem>>)
        tpu.yield
      }) : () -> ()
      "tpu.region"() ({
        %run_scoped3A = tpu.sem_alloc : memref<!tpu.dma_semaphore, #tpu.memory_space<semaphore_mem>>
        %dma_start3A_94 = tpu.memref_slice %arg5[%mul3A_75] : memref<320000xi32, #tpu.memory_space<hbm>> -> memref<128xi32, #tpu.memory_space<hbm>>
        %dma_start3A_95 = tpu.memref_slice %arg5[%mul3A_75] : memref<320000xi32, #tpu.memory_space<hbm>> -> memref<128xi32, #tpu.memory_space<hbm>>
        tpu.enqueue_dma source(%dma_start3A_95 : memref<128xi32, #tpu.memory_space<hbm>>) target(%arg8 : memref<128xi32, #tpu.memory_space<vmem>>) target_semaphore(%run_scoped3A : memref<!tpu.dma_semaphore, #tpu.memory_space<semaphore_mem>>)
        %dma_wait3A_96 = tpu.memref_slice %arg5[%mul3A_75] : memref<320000xi32, #tpu.memory_space<hbm>> -> memref<128xi32, #tpu.memory_space<hbm>>
        %dma_wait3A_97 = tpu.memref_slice %arg5[%mul3A_75] : memref<320000xi32, #tpu.memory_space<hbm>> -> memref<128xi32, #tpu.memory_space<hbm>>
        tpu.wait_dma2 semaphore(%run_scoped3A : memref<!tpu.dma_semaphore, #tpu.memory_space<semaphore_mem>>) src(%dma_wait3A_97 : memref<128xi32, #tpu.memory_space<hbm>>) dst(%arg8 : memref<128xi32, #tpu.memory_space<vmem>>)
        tpu.yield
      }) : () -> ()
      %dma_start3A = arith.constant 0 : i32
      %dma_start3A_76 = tpu.memref_slice %arg3[%mul3A_75, %dma_start3A] : memref<320000x128xf32, #tpu.memory_space<hbm>> -> memref<128x128xf32, #tpu.memory_space<hbm>>
      %dma_start3A_77 = arith.constant 0 : i32
      %dma_start3A_78 = tpu.memref_slice %arg3[%mul3A_75, %dma_start3A_77] : memref<320000x128xf32, #tpu.memory_space<hbm>> -> memref<128x128xf32, #tpu.memory_space<hbm>>
      tpu.enqueue_dma source(%dma_start3A_78 : memref<128x128xf32, #tpu.memory_space<hbm>>) target(%arg9 : memref<128x128xf32, #tpu.memory_space<vmem>>) target_semaphore(%arg13 : memref<!tpu.dma_semaphore, #tpu.memory_space<semaphore_mem>>)
      %dma_start3A_79 = arith.constant 0 : i32
      %dma_start3A_80 = arith.constant 0 : i32
      %dma_start3A_81 = tpu.memref_slice %arg2[%dma_start3A_79, %dma_start3A_80] : memref<10000x128xf32, #tpu.memory_space<hbm>> -> memref<10000x128xf32, #tpu.memory_space<hbm>>
      tpu.enqueue_indirect_dma source(%dma_start3A_81 : memref<10000x128xf32, #tpu.memory_space<hbm>>) target(%arg10 : memref<128x128xf32, #tpu.memory_space<vmem>>) offsets(%arg7 : memref<128xi32, #tpu.memory_space<vmem>>) semaphore(%arg14 : memref<!tpu.dma_semaphore, #tpu.memory_space<semaphore_mem>>)
      %dma_wait3A = arith.constant 0 : i32
      %dma_wait3A_82 = tpu.memref_slice %arg3[%mul3A_75, %dma_wait3A] : memref<320000x128xf32, #tpu.memory_space<hbm>> -> memref<128x128xf32, #tpu.memory_space<hbm>>
      %dma_wait3A_83 = arith.constant 0 : i32
      %dma_wait3A_84 = tpu.memref_slice %arg3[%mul3A_75, %dma_wait3A_83] : memref<320000x128xf32, #tpu.memory_space<hbm>> -> memref<128x128xf32, #tpu.memory_space<hbm>>
      tpu.wait_dma2 semaphore(%arg13 : memref<!tpu.dma_semaphore, #tpu.memory_space<semaphore_mem>>) src(%dma_wait3A_84 : memref<128x128xf32, #tpu.memory_space<hbm>>) dst(%arg9 : memref<128x128xf32, #tpu.memory_space<vmem>>)
      %dma_wait3A_85 = arith.constant 0 : i32
      %dma_wait3A_86 = arith.constant 0 : i32
      %dma_wait3A_87 = tpu.memref_slice %arg2[%dma_wait3A_85, %dma_wait3A_86] : memref<10000x128xf32, #tpu.memory_space<hbm>> -> memref<10000x128xf32, #tpu.memory_space<hbm>>
      tpu.wait_indirect_dma semaphore(%arg14 : memref<!tpu.dma_semaphore, #tpu.memory_space<semaphore_mem>>) src(%dma_wait3A_87 : memref<10000x128xf32, #tpu.memory_space<hbm>>) dst(%arg10 : memref<128x128xf32, #tpu.memory_space<vmem>>)
      %scan3A_88 = arith.constant 0 : i32
      %scan3A_89 = arith.constant 0 : i32
      %scan3A_90 = arith.constant 128 : i32
      %scan3A_91 = arith.addi %scan3A_89, %scan3A_90 : i32
      %scan3A_92 = arith.constant 1 : i32
      scf.for %scan3A_94 = %scan3A_89 to %scan3A_91 step %scan3A_92  : i32 {
        %get3A = arith.index_cast %scan3A_94 : i32 to index
        %get3A_95 = arith.constant 0 : index
        %get3A_96 = tpu.vector_load %arg10[%get3A, %get3A_95] {strides = array<i32>} : memref<128x128xf32, #tpu.memory_space<vmem>>, vector<1x16xf32>,
        %get3A_97 = vector.shape_cast %get3A_96 : vector<1x16xf32> to vector<16xf32>
        %get3A_98 = arith.index_cast %scan3A_94 : i32 to index
        %get3A_99 = arith.constant 0 : index
        %get3A_100 = tpu.vector_load %arg9[%get3A_98, %get3A_99] {strides = array<i32>} : memref<128x128xf32, #tpu.memory_space<vmem>>, vector<1x16xf32>,
        %get3A_101 = vector.shape_cast %get3A_100 : vector<1x16xf32> to vector<16xf32>
        %add3A_102 = arith.addf %get3A_97, %get3A_101 : vector<16xf32>
        %max3A = arith.constant 0.000000e+00 : f32
        %max3A_103 = vector.broadcast %max3A : f32 to vector<16xf32>
        %max3A_104 = arith.maximumf %add3A_102, %max3A_103 : vector<16xf32>
        %swap3A = arith.index_cast %scan3A_94 : i32 to index
        %swap3A_105 = arith.constant 0 : index
        %swap3A_106 = tpu.vector_load %arg10[%swap3A, %swap3A_105] {strides = array<i32>} : memref<128x128xf32, #tpu.memory_space<vmem>>, vector<1x16xf32>,
        %swap3A_107 = vector.shape_cast %swap3A_106 : vector<1x16xf32> to vector<16xf32>
        %swap3A_108 = vector.shape_cast %max3A_104 : vector<16xf32> to vector<1x16xf32>
        tpu.vector_store %arg10[%swap3A, %swap3A_105], %swap3A_108 {strides = array<i32>} : memref<128x128xf32, #tpu.memory_space<vmem>>, vector<1x16xf32>,
        %get3A_109 = arith.index_cast %scan3A_94 : i32 to index
        %get3A_110 = arith.constant 16 : index
        %get3A_111 = tpu.vector_load %arg10[%get3A_109, %get3A_110] {strides = array<i32>} : memref<128x128xf32, #tpu.memory_space<vmem>>, vector<1x16xf32>,
        %get3A_112 = vector.shape_cast %get3A_111 : vector<1x16xf32> to vector<16xf32>
        %get3A_113 = arith.index_cast %scan3A_94 : i32 to index
        %get3A_114 = arith.constant 16 : index
        %get3A_115 = tpu.vector_load %arg9[%get3A_113, %get3A_114] {strides = array<i32>} : memref<128x128xf32, #tpu.memory_space<vmem>>, vector<1x16xf32>,
        %get3A_116 = vector.shape_cast %get3A_115 : vector<1x16xf32> to vector<16xf32>
        %add3A_117 = arith.addf %get3A_112, %get3A_116 : vector<16xf32>
        %max3A_118 = arith.constant 0.000000e+00 : f32
        %max3A_119 = vector.broadcast %max3A_118 : f32 to vector<16xf32>
        %max3A_120 = arith.maximumf %add3A_117, %max3A_119 : vector<16xf32>
        %swap3A_121 = arith.index_cast %scan3A_94 : i32 to index
        %swap3A_122 = arith.constant 16 : index
        %swap3A_123 = tpu.vector_load %arg10[%swap3A_121, %swap3A_122] {strides = array<i32>} : memref<128x128xf32, #tpu.memory_space<vmem>>, vector<1x16xf32>,
        %swap3A_124 = vector.shape_cast %swap3A_123 : vector<1x16xf32> to vector<16xf32>
        %swap3A_125 = vector.shape_cast %max3A_120 : vector<16xf32> to vector<1x16xf32>
        tpu.vector_store %arg10[%swap3A_121, %swap3A_122], %swap3A_125 {strides = array<i32>} : memref<128x128xf32, #tpu.memory_space<vmem>>, vector<1x16xf32>,
        %get3A_126 = arith.index_cast %scan3A_94 : i32 to index
        %get3A_127 = arith.constant 32 : index
        %get3A_128 = tpu.vector_load %arg10[%get3A_126, %get3A_127] {strides = array<i32>} : memref<128x128xf32, #tpu.memory_space<vmem>>, vector<1x16xf32>,
        %get3A_129 = vector.shape_cast %get3A_128 : vector<1x16xf32> to vector<16xf32>
        %get3A_130 = arith.index_cast %scan3A_94 : i32 to index
        %get3A_131 = arith.constant 32 : index
        %get3A_132 = tpu.vector_load %arg9[%get3A_130, %get3A_131] {strides = array<i32>} : memref<128x128xf32, #tpu.memory_space<vmem>>, vector<1x16xf32>,
        %get3A_133 = vector.shape_cast %get3A_132 : vector<1x16xf32> to vector<16xf32>
        %add3A_134 = arith.addf %get3A_129, %get3A_133 : vector<16xf32>
        %max3A_135 = arith.constant 0.000000e+00 : f32
        %max3A_136 = vector.broadcast %max3A_135 : f32 to vector<16xf32>
        %max3A_137 = arith.maximumf %add3A_134, %max3A_136 : vector<16xf32>
        %swap3A_138 = arith.index_cast %scan3A_94 : i32 to index
        %swap3A_139 = arith.constant 32 : index
        %swap3A_140 = tpu.vector_load %arg10[%swap3A_138, %swap3A_139] {strides = array<i32>} : memref<128x128xf32, #tpu.memory_space<vmem>>, vector<1x16xf32>,
        %swap3A_141 = vector.shape_cast %swap3A_140 : vector<1x16xf32> to vector<16xf32>
        %swap3A_142 = vector.shape_cast %max3A_137 : vector<16xf32> to vector<1x16xf32>
        tpu.vector_store %arg10[%swap3A_138, %swap3A_139], %swap3A_142 {strides = array<i32>} : memref<128x128xf32, #tpu.memory_space<vmem>>, vector<1x16xf32>,
        %get3A_143 = arith.index_cast %scan3A_94 : i32 to index
        %get3A_144 = arith.constant 48 : index
        %get3A_145 = tpu.vector_load %arg10[%get3A_143, %get3A_144] {strides = array<i32>} : memref<128x128xf32, #tpu.memory_space<vmem>>, vector<1x16xf32>,
        %get3A_146 = vector.shape_cast %get3A_145 : vector<1x16xf32> to vector<16xf32>
        %get3A_147 = arith.index_cast %scan3A_94 : i32 to index
        %get3A_148 = arith.constant 48 : index
        %get3A_149 = tpu.vector_load %arg9[%get3A_147, %get3A_148] {strides = array<i32>} : memref<128x128xf32, #tpu.memory_space<vmem>>, vector<1x16xf32>,
        %get3A_150 = vector.shape_cast %get3A_149 : vector<1x16xf32> to vector<16xf32>
        %add3A_151 = arith.addf %get3A_146, %get3A_150 : vector<16xf32>
        %max3A_152 = arith.constant 0.000000e+00 : f32
        %max3A_153 = vector.broadcast %max3A_152 : f32 to vector<16xf32>
        %max3A_154 = arith.maximumf %add3A_151, %max3A_153 : vector<16xf32>
        %swap3A_155 = arith.index_cast %scan3A_94 : i32 to index
        %swap3A_156 = arith.constant 48 : index
        %swap3A_157 = tpu.vector_load %arg10[%swap3A_155, %swap3A_156] {strides = array<i32>} : memref<128x128xf32, #tpu.memory_space<vmem>>, vector<1x16xf32>,
        %swap3A_158 = vector.shape_cast %swap3A_157 : vector<1x16xf32> to vector<16xf32>
        %swap3A_159 = vector.shape_cast %max3A_154 : vector<16xf32> to vector<1x16xf32>
        tpu.vector_store %arg10[%swap3A_155, %swap3A_156], %swap3A_159 {strides = array<i32>} : memref<128x128xf32, #tpu.memory_space<vmem>>, vector<1x16xf32>,
        %get3A_160 = arith.index_cast %scan3A_94 : i32 to index
        %get3A_161 = arith.constant 64 : index
        %get3A_162 = tpu.vector_load %arg10[%get3A_160, %get3A_161] {strides = array<i32>} : memref<128x128xf32, #tpu.memory_space<vmem>>, vector<1x16xf32>,
        %get3A_163 = vector.shape_cast %get3A_162 : vector<1x16xf32> to vector<16xf32>
        %get3A_164 = arith.index_cast %scan3A_94 : i32 to index
        %get3A_165 = arith.constant 64 : index
        %get3A_166 = tpu.vector_load %arg9[%get3A_164, %get3A_165] {strides = array<i32>} : memref<128x128xf32, #tpu.memory_space<vmem>>, vector<1x16xf32>,
        %get3A_167 = vector.shape_cast %get3A_166 : vector<1x16xf32> to vector<16xf32>
        %add3A_168 = arith.addf %get3A_163, %get3A_167 : vector<16xf32>
        %max3A_169 = arith.constant 0.000000e+00 : f32
        %max3A_170 = vector.broadcast %max3A_169 : f32 to vector<16xf32>
        %max3A_171 = arith.maximumf %add3A_168, %max3A_170 : vector<16xf32>
        %swap3A_172 = arith.index_cast %scan3A_94 : i32 to index
        %swap3A_173 = arith.constant 64 : index
        %swap3A_174 = tpu.vector_load %arg10[%swap3A_172, %swap3A_173] {strides = array<i32>} : memref<128x128xf32, #tpu.memory_space<vmem>>, vector<1x16xf32>,
        %swap3A_175 = vector.shape_cast %swap3A_174 : vector<1x16xf32> to vector<16xf32>
        %swap3A_176 = vector.shape_cast %max3A_171 : vector<16xf32> to vector<1x16xf32>
        tpu.vector_store %arg10[%swap3A_172, %swap3A_173], %swap3A_176 {strides = array<i32>} : memref<128x128xf32, #tpu.memory_space<vmem>>, vector<1x16xf32>,
        %get3A_177 = arith.index_cast %scan3A_94 : i32 to index
        %get3A_178 = arith.constant 80 : index
        %get3A_179 = tpu.vector_load %arg10[%get3A_177, %get3A_178] {strides = array<i32>} : memref<128x128xf32, #tpu.memory_space<vmem>>, vector<1x16xf32>,
        %get3A_180 = vector.shape_cast %get3A_179 : vector<1x16xf32> to vector<16xf32>
        %get3A_181 = arith.index_cast %scan3A_94 : i32 to index
        %get3A_182 = arith.constant 80 : index
        %get3A_183 = tpu.vector_load %arg9[%get3A_181, %get3A_182] {strides = array<i32>} : memref<128x128xf32, #tpu.memory_space<vmem>>, vector<1x16xf32>,
        %get3A_184 = vector.shape_cast %get3A_183 : vector<1x16xf32> to vector<16xf32>
        %add3A_185 = arith.addf %get3A_180, %get3A_184 : vector<16xf32>
        %max3A_186 = arith.constant 0.000000e+00 : f32
        %max3A_187 = vector.broadcast %max3A_186 : f32 to vector<16xf32>
        %max3A_188 = arith.maximumf %add3A_185, %max3A_187 : vector<16xf32>
        %swap3A_189 = arith.index_cast %scan3A_94 : i32 to index
        %swap3A_190 = arith.constant 80 : index
        %swap3A_191 = tpu.vector_load %arg10[%swap3A_189, %swap3A_190] {strides = array<i32>} : memref<128x128xf32, #tpu.memory_space<vmem>>, vector<1x16xf32>,
        %swap3A_192 = vector.shape_cast %swap3A_191 : vector<1x16xf32> to vector<16xf32>
        %swap3A_193 = vector.shape_cast %max3A_188 : vector<16xf32> to vector<1x16xf32>
        tpu.vector_store %arg10[%swap3A_189, %swap3A_190], %swap3A_193 {strides = array<i32>} : memref<128x128xf32, #tpu.memory_space<vmem>>, vector<1x16xf32>,
        %get3A_194 = arith.index_cast %scan3A_94 : i32 to index
        %get3A_195 = arith.constant 96 : index
        %get3A_196 = tpu.vector_load %arg10[%get3A_194, %get3A_195] {strides = array<i32>} : memref<128x128xf32, #tpu.memory_space<vmem>>, vector<1x16xf32>,
        %get3A_197 = vector.shape_cast %get3A_196 : vector<1x16xf32> to vector<16xf32>
        %get3A_198 = arith.index_cast %scan3A_94 : i32 to index
        %get3A_199 = arith.constant 96 : index
        %get3A_200 = tpu.vector_load %arg9[%get3A_198, %get3A_199] {strides = array<i32>} : memref<128x128xf32, #tpu.memory_space<vmem>>, vector<1x16xf32>,
        %get3A_201 = vector.shape_cast %get3A_200 : vector<1x16xf32> to vector<16xf32>
        %add3A_202 = arith.addf %get3A_197, %get3A_201 : vector<16xf32>
        %max3A_203 = arith.constant 0.000000e+00 : f32
        %max3A_204 = vector.broadcast %max3A_203 : f32 to vector<16xf32>
        %max3A_205 = arith.maximumf %add3A_202, %max3A_204 : vector<16xf32>
        %swap3A_206 = arith.index_cast %scan3A_94 : i32 to index
        %swap3A_207 = arith.constant 96 : index
        %swap3A_208 = tpu.vector_load %arg10[%swap3A_206, %swap3A_207] {strides = array<i32>} : memref<128x128xf32, #tpu.memory_space<vmem>>, vector<1x16xf32>,
        %swap3A_209 = vector.shape_cast %swap3A_208 : vector<1x16xf32> to vector<16xf32>
        %swap3A_210 = vector.shape_cast %max3A_205 : vector<16xf32> to vector<1x16xf32>
        tpu.vector_store %arg10[%swap3A_206, %swap3A_207], %swap3A_210 {strides = array<i32>} : memref<128x128xf32, #tpu.memory_space<vmem>>, vector<1x16xf32>,
        %get3A_211 = arith.index_cast %scan3A_94 : i32 to index
        %get3A_212 = arith.constant 112 : index
        %get3A_213 = tpu.vector_load %arg10[%get3A_211, %get3A_212] {strides = array<i32>} : memref<128x128xf32, #tpu.memory_space<vmem>>, vector<1x16xf32>,
        %get3A_214 = vector.shape_cast %get3A_213 : vector<1x16xf32> to vector<16xf32>
        %get3A_215 = arith.index_cast %scan3A_94 : i32 to index
        %get3A_216 = arith.constant 112 : index
        %get3A_217 = tpu.vector_load %arg9[%get3A_215, %get3A_216] {strides = array<i32>} : memref<128x128xf32, #tpu.memory_space<vmem>>, vector<1x16xf32>,
        %get3A_218 = vector.shape_cast %get3A_217 : vector<1x16xf32> to vector<16xf32>
        %add3A_219 = arith.addf %get3A_214, %get3A_218 : vector<16xf32>
        %max3A_220 = arith.constant 0.000000e+00 : f32
        %max3A_221 = vector.broadcast %max3A_220 : f32 to vector<16xf32>
        %max3A_222 = arith.maximumf %add3A_219, %max3A_221 : vector<16xf32>
        %swap3A_223 = arith.index_cast %scan3A_94 : i32 to index
        %swap3A_224 = arith.constant 112 : index
        %swap3A_225 = tpu.vector_load %arg10[%swap3A_223, %swap3A_224] {strides = array<i32>} : memref<128x128xf32, #tpu.memory_space<vmem>>, vector<1x16xf32>,
        %swap3A_226 = vector.shape_cast %swap3A_225 : vector<1x16xf32> to vector<16xf32>
        %swap3A_227 = vector.shape_cast %max3A_222 : vector<16xf32> to vector<1x16xf32>
        tpu.vector_store %arg10[%swap3A_223, %swap3A_224], %swap3A_227 {strides = array<i32>} : memref<128x128xf32, #tpu.memory_space<vmem>>, vector<1x16xf32>,
      }
      %scan3A_93 = arith.constant 128 : i32
      "tpu.region"() ({
        %run_scoped3A = tpu.sem_alloc : memref<!tpu.dma_semaphore, #tpu.memory_space<semaphore_mem>>
        %dma_start3A_94 = arith.constant 0 : i32
        %dma_start3A_95 = arith.constant 0 : i32
        %dma_start3A_96 = tpu.memref_slice %arg12[%dma_start3A_94, %dma_start3A_95] : memref<10000x128xf32, #tpu.memory_space<vmem_shared>> -> memref<10000x128xf32, #tpu.memory_space<vmem_shared>>
        tpu.enqueue_indirect_dma source(%arg10 : memref<128x128xf32, #tpu.memory_space<vmem>>) target(%dma_start3A_96 : memref<10000x128xf32, #tpu.memory_space<vmem_shared>>) offsets(%arg8 : memref<128xi32, #tpu.memory_space<vmem>>) semaphore(%run_scoped3A : memref<!tpu.dma_semaphore, #tpu.memory_space<semaphore_mem>>) {add = true}
        %dma_wait3A_97 = arith.constant 0 : i32
        %dma_wait3A_98 = arith.constant 0 : i32
        %dma_wait3A_99 = tpu.memref_slice %arg12[%dma_wait3A_97, %dma_wait3A_98] : memref<10000x128xf32, #tpu.memory_space<vmem_shared>> -> memref<10000x128xf32, #tpu.memory_space<vmem_shared>>
        tpu.wait_indirect_dma semaphore(%run_scoped3A : memref<!tpu.dma_semaphore, #tpu.memory_space<semaphore_mem>>) src(%arg10 : memref<128x128xf32, #tpu.memory_space<vmem>>) dst(%dma_wait3A_99 : memref<10000x128xf32, #tpu.memory_space<vmem_shared>>)
        tpu.yield
      }) : () -> ()
    }
    %while3A_59 = arith.constant 1 : i32
    scf.for %while3A_70 = %while3A_57 to %while3A_53 step %while3A_59  : i32 {
      %mul3A_71 = arith.constant 32 : i32
      %mul3A_72 = arith.muli %while3A_70, %mul3A_71 : i32
      %add3A_73 = arith.addi %add3A, %mul3A_72 : i32
      %mul3A_74 = arith.constant 128 : i32
      %mul3A_75 = arith.muli %add3A_73, %mul3A_74 : i32
      "tpu.region"() ({
        %run_scoped3A = tpu.sem_alloc : memref<!tpu.dma_semaphore, #tpu.memory_space<semaphore_mem>>
        %dma_start3A_94 = tpu.memref_slice %arg4[%mul3A_75] : memref<320000xi32, #tpu.memory_space<hbm>> -> memref<128xi32, #tpu.memory_space<hbm>>
        %dma_start3A_95 = tpu.memref_slice %arg4[%mul3A_75] : memref<320000xi32, #tpu.memory_space<hbm>> -> memref<128xi32, #tpu.memory_space<hbm>>
        tpu.enqueue_dma source(%dma_start3A_95 : memref<128xi32, #tpu.memory_space<hbm>>) target(%arg7 : memref<128xi32, #tpu.memory_space<vmem>>) target_semaphore(%run_scoped3A : memref<!tpu.dma_semaphore, #tpu.memory_space<semaphore_mem>>)
        %dma_wait3A_96 = tpu.memref_slice %arg4[%mul3A_75] : memref<320000xi32, #tpu.memory_space<hbm>> -> memref<128xi32, #tpu.memory_space<hbm>>
        %dma_wait3A_97 = tpu.memref_slice %arg4[%mul3A_75] : memref<320000xi32, #tpu.memory_space<hbm>> -> memref<128xi32, #tpu.memory_space<hbm>>
        tpu.wait_dma2 semaphore(%run_scoped3A : memref<!tpu.dma_semaphore, #tpu.memory_space<semaphore_mem>>) src(%dma_wait3A_97 : memref<128xi32, #tpu.memory_space<hbm>>) dst(%arg7 : memref<128xi32, #tpu.memory_space<vmem>>)
        tpu.yield
      }) : () -> ()
      "tpu.region"() ({
        %run_scoped3A = tpu.sem_alloc : memref<!tpu.dma_semaphore, #tpu.memory_space<semaphore_mem>>
        %dma_start3A_94 = tpu.memref_slice %arg5[%mul3A_75] : memref<320000xi32, #tpu.memory_space<hbm>> -> memref<128xi32, #tpu.memory_space<hbm>>
        %dma_start3A_95 = tpu.memref_slice %arg5[%mul3A_75] : memref<320000xi32, #tpu.memory_space<hbm>> -> memref<128xi32, #tpu.memory_space<hbm>>
        tpu.enqueue_dma source(%dma_start3A_95 : memref<128xi32, #tpu.memory_space<hbm>>) target(%arg8 : memref<128xi32, #tpu.memory_space<vmem>>) target_semaphore(%run_scoped3A : memref<!tpu.dma_semaphore, #tpu.memory_space<semaphore_mem>>)
        %dma_wait3A_96 = tpu.memref_slice %arg5[%mul3A_75] : memref<320000xi32, #tpu.memory_space<hbm>> -> memref<128xi32, #tpu.memory_space<hbm>>
        %dma_wait3A_97 = tpu.memref_slice %arg5[%mul3A_75] : memref<320000xi32, #tpu.memory_space<hbm>> -> memref<128xi32, #tpu.memory_space<hbm>>
        tpu.wait_dma2 semaphore(%run_scoped3A : memref<!tpu.dma_semaphore, #tpu.memory_space<semaphore_mem>>) src(%dma_wait3A_97 : memref<128xi32, #tpu.memory_space<hbm>>) dst(%arg8 : memref<128xi32, #tpu.memory_space<vmem>>)
        tpu.yield
      }) : () -> ()
      %dma_start3A = arith.constant 0 : i32
      %dma_start3A_76 = tpu.memref_slice %arg3[%mul3A_75, %dma_start3A] : memref<320000x128xf32, #tpu.memory_space<hbm>> -> memref<128x128xf32, #tpu.memory_space<hbm>>
      %dma_start3A_77 = arith.constant 0 : i32
      %dma_start3A_78 = tpu.memref_slice %arg3[%mul3A_75, %dma_start3A_77] : memref<320000x128xf32, #tpu.memory_space<hbm>> -> memref<128x128xf32, #tpu.memory_space<hbm>>
      tpu.enqueue_dma source(%dma_start3A_78 : memref<128x128xf32, #tpu.memory_space<hbm>>) target(%arg9 : memref<128x128xf32, #tpu.memory_space<vmem>>) target_semaphore(%arg13 : memref<!tpu.dma_semaphore, #tpu.memory_space<semaphore_mem>>)
      %dma_start3A_79 = arith.constant 0 : i32
      %dma_start3A_80 = arith.constant 0 : i32
      %dma_start3A_81 = tpu.memref_slice %arg2[%dma_start3A_79, %dma_start3A_80] : memref<10000x128xf32, #tpu.memory_space<hbm>> -> memref<10000x128xf32, #tpu.memory_space<hbm>>
      tpu.enqueue_indirect_dma source(%dma_start3A_81 : memref<10000x128xf32, #tpu.memory_space<hbm>>) target(%arg10 : memref<128x128xf32, #tpu.memory_space<vmem>>) offsets(%arg7 : memref<128xi32, #tpu.memory_space<vmem>>) semaphore(%arg14 : memref<!tpu.dma_semaphore, #tpu.memory_space<semaphore_mem>>)
      %dma_wait3A = arith.constant 0 : i32
      %dma_wait3A_82 = tpu.memref_slice %arg3[%mul3A_75, %dma_wait3A] : memref<320000x128xf32, #tpu.memory_space<hbm>> -> memref<128x128xf32, #tpu.memory_space<hbm>>
      %dma_wait3A_83 = arith.constant 0 : i32
      %dma_wait3A_84 = tpu.memref_slice %arg3[%mul3A_75, %dma_wait3A_83] : memref<320000x128xf32, #tpu.memory_space<hbm>> -> memref<128x128xf32, #tpu.memory_space<hbm>>
      tpu.wait_dma2 semaphore(%arg13 : memref<!tpu.dma_semaphore, #tpu.memory_space<semaphore_mem>>) src(%dma_wait3A_84 : memref<128x128xf32, #tpu.memory_space<hbm>>) dst(%arg9 : memref<128x128xf32, #tpu.memory_space<vmem>>)
      %dma_wait3A_85 = arith.constant 0 : i32
      %dma_wait3A_86 = arith.constant 0 : i32
      %dma_wait3A_87 = tpu.memref_slice %arg2[%dma_wait3A_85, %dma_wait3A_86] : memref<10000x128xf32, #tpu.memory_space<hbm>> -> memref<10000x128xf32, #tpu.memory_space<hbm>>
      tpu.wait_indirect_dma semaphore(%arg14 : memref<!tpu.dma_semaphore, #tpu.memory_space<semaphore_mem>>) src(%dma_wait3A_87 : memref<10000x128xf32, #tpu.memory_space<hbm>>) dst(%arg10 : memref<128x128xf32, #tpu.memory_space<vmem>>)
      %scan3A_88 = arith.constant 0 : i32
      %scan3A_89 = arith.constant 0 : i32
      %scan3A_90 = arith.constant 128 : i32
      %scan3A_91 = arith.addi %scan3A_89, %scan3A_90 : i32
      %scan3A_92 = arith.constant 1 : i32
      scf.for %scan3A_94 = %scan3A_89 to %scan3A_91 step %scan3A_92  : i32 {
        %get3A = arith.index_cast %scan3A_94 : i32 to index
        %get3A_95 = arith.constant 0 : index
        %get3A_96 = tpu.vector_load %arg10[%get3A, %get3A_95] {strides = array<i32>} : memref<128x128xf32, #tpu.memory_space<vmem>>, vector<1x16xf32>,
        %get3A_97 = vector.shape_cast %get3A_96 : vector<1x16xf32> to vector<16xf32>
        %get3A_98 = arith.index_cast %scan3A_94 : i32 to index
        %get3A_99 = arith.constant 0 : index
        %get3A_100 = tpu.vector_load %arg9[%get3A_98, %get3A_99] {strides = array<i32>} : memref<128x128xf32, #tpu.memory_space<vmem>>, vector<1x16xf32>,
        %get3A_101 = vector.shape_cast %get3A_100 : vector<1x16xf32> to vector<16xf32>
        %add3A_102 = arith.addf %get3A_97, %get3A_101 : vector<16xf32>
        %max3A = arith.constant 0.000000e+00 : f32
        %max3A_103 = vector.broadcast %max3A : f32 to vector<16xf32>
        %max3A_104 = arith.maximumf %add3A_102, %max3A_103 : vector<16xf32>
        %swap3A = arith.index_cast %scan3A_94 : i32 to index
        %swap3A_105 = arith.constant 0 : index
        %swap3A_106 = tpu.vector_load %arg10[%swap3A, %swap3A_105] {strides = array<i32>} : memref<128x128xf32, #tpu.memory_space<vmem>>, vector<1x16xf32>,
        %swap3A_107 = vector.shape_cast %swap3A_106 : vector<1x16xf32> to vector<16xf32>
        %swap3A_108 = vector.shape_cast %max3A_104 : vector<16xf32> to vector<1x16xf32>
        tpu.vector_store %arg10[%swap3A, %swap3A_105], %swap3A_108 {strides = array<i32>} : memref<128x128xf32, #tpu.memory_space<vmem>>, vector<1x16xf32>,
        %get3A_109 = arith.index_cast %scan3A_94 : i32 to index
        %get3A_110 = arith.constant 16 : index
        %get3A_111 = tpu.vector_load %arg10[%get3A_109, %get3A_110] {strides = array<i32>} : memref<128x128xf32, #tpu.memory_space<vmem>>, vector<1x16xf32>,
        %get3A_112 = vector.shape_cast %get3A_111 : vector<1x16xf32> to vector<16xf32>
        %get3A_113 = arith.index_cast %scan3A_94 : i32 to index
        %get3A_114 = arith.constant 16 : index
        %get3A_115 = tpu.vector_load %arg9[%get3A_113, %get3A_114] {strides = array<i32>} : memref<128x128xf32, #tpu.memory_space<vmem>>, vector<1x16xf32>,
        %get3A_116 = vector.shape_cast %get3A_115 : vector<1x16xf32> to vector<16xf32>
        %add3A_117 = arith.addf %get3A_112, %get3A_116 : vector<16xf32>
        %max3A_118 = arith.constant 0.000000e+00 : f32
        %max3A_119 = vector.broadcast %max3A_118 : f32 to vector<16xf32>
        %max3A_120 = arith.maximumf %add3A_117, %max3A_119 : vector<16xf32>
        %swap3A_121 = arith.index_cast %scan3A_94 : i32 to index
        %swap3A_122 = arith.constant 16 : index
        %swap3A_123 = tpu.vector_load %arg10[%swap3A_121, %swap3A_122] {strides = array<i32>} : memref<128x128xf32, #tpu.memory_space<vmem>>, vector<1x16xf32>,
        %swap3A_124 = vector.shape_cast %swap3A_123 : vector<1x16xf32> to vector<16xf32>
        %swap3A_125 = vector.shape_cast %max3A_120 : vector<16xf32> to vector<1x16xf32>
        tpu.vector_store %arg10[%swap3A_121, %swap3A_122], %swap3A_125 {strides = array<i32>} : memref<128x128xf32, #tpu.memory_space<vmem>>, vector<1x16xf32>,
        %get3A_126 = arith.index_cast %scan3A_94 : i32 to index
        %get3A_127 = arith.constant 32 : index
        %get3A_128 = tpu.vector_load %arg10[%get3A_126, %get3A_127] {strides = array<i32>} : memref<128x128xf32, #tpu.memory_space<vmem>>, vector<1x16xf32>,
        %get3A_129 = vector.shape_cast %get3A_128 : vector<1x16xf32> to vector<16xf32>
        %get3A_130 = arith.index_cast %scan3A_94 : i32 to index
        %get3A_131 = arith.constant 32 : index
        %get3A_132 = tpu.vector_load %arg9[%get3A_130, %get3A_131] {strides = array<i32>} : memref<128x128xf32, #tpu.memory_space<vmem>>, vector<1x16xf32>,
        %get3A_133 = vector.shape_cast %get3A_132 : vector<1x16xf32> to vector<16xf32>
        %add3A_134 = arith.addf %get3A_129, %get3A_133 : vector<16xf32>
        %max3A_135 = arith.constant 0.000000e+00 : f32
        %max3A_136 = vector.broadcast %max3A_135 : f32 to vector<16xf32>
        %max3A_137 = arith.maximumf %add3A_134, %max3A_136 : vector<16xf32>
        %swap3A_138 = arith.index_cast %scan3A_94 : i32 to index
        %swap3A_139 = arith.constant 32 : index
        %swap3A_140 = tpu.vector_load %arg10[%swap3A_138, %swap3A_139] {strides = array<i32>} : memref<128x128xf32, #tpu.memory_space<vmem>>, vector<1x16xf32>,
        %swap3A_141 = vector.shape_cast %swap3A_140 : vector<1x16xf32> to vector<16xf32>
        %swap3A_142 = vector.shape_cast %max3A_137 : vector<16xf32> to vector<1x16xf32>
        tpu.vector_store %arg10[%swap3A_138, %swap3A_139], %swap3A_142 {strides = array<i32>} : memref<128x128xf32, #tpu.memory_space<vmem>>, vector<1x16xf32>,
        %get3A_143 = arith.index_cast %scan3A_94 : i32 to index
        %get3A_144 = arith.constant 48 : index
        %get3A_145 = tpu.vector_load %arg10[%get3A_143, %get3A_144] {strides = array<i32>} : memref<128x128xf32, #tpu.memory_space<vmem>>, vector<1x16xf32>,
        %get3A_146 = vector.shape_cast %get3A_145 : vector<1x16xf32> to vector<16xf32>
        %get3A_147 = arith.index_cast %scan3A_94 : i32 to index
        %get3A_148 = arith.constant 48 : index
        %get3A_149 = tpu.vector_load %arg9[%get3A_147, %get3A_148] {strides = array<i32>} : memref<128x128xf32, #tpu.memory_space<vmem>>, vector<1x16xf32>,
        %get3A_150 = vector.shape_cast %get3A_149 : vector<1x16xf32> to vector<16xf32>
        %add3A_151 = arith.addf %get3A_146, %get3A_150 : vector<16xf32>
        %max3A_152 = arith.constant 0.000000e+00 : f32
        %max3A_153 = vector.broadcast %max3A_152 : f32 to vector<16xf32>
        %max3A_154 = arith.maximumf %add3A_151, %max3A_153 : vector<16xf32>
        %swap3A_155 = arith.index_cast %scan3A_94 : i32 to index
        %swap3A_156 = arith.constant 48 : index
        %swap3A_157 = tpu.vector_load %arg10[%swap3A_155, %swap3A_156] {strides = array<i32>} : memref<128x128xf32, #tpu.memory_space<vmem>>, vector<1x16xf32>,
        %swap3A_158 = vector.shape_cast %swap3A_157 : vector<1x16xf32> to vector<16xf32>
        %swap3A_159 = vector.shape_cast %max3A_154 : vector<16xf32> to vector<1x16xf32>
        tpu.vector_store %arg10[%swap3A_155, %swap3A_156], %swap3A_159 {strides = array<i32>} : memref<128x128xf32, #tpu.memory_space<vmem>>, vector<1x16xf32>,
        %get3A_160 = arith.index_cast %scan3A_94 : i32 to index
        %get3A_161 = arith.constant 64 : index
        %get3A_162 = tpu.vector_load %arg10[%get3A_160, %get3A_161] {strides = array<i32>} : memref<128x128xf32, #tpu.memory_space<vmem>>, vector<1x16xf32>,
        %get3A_163 = vector.shape_cast %get3A_162 : vector<1x16xf32> to vector<16xf32>
        %get3A_164 = arith.index_cast %scan3A_94 : i32 to index
        %get3A_165 = arith.constant 64 : index
        %get3A_166 = tpu.vector_load %arg9[%get3A_164, %get3A_165] {strides = array<i32>} : memref<128x128xf32, #tpu.memory_space<vmem>>, vector<1x16xf32>,
        %get3A_167 = vector.shape_cast %get3A_166 : vector<1x16xf32> to vector<16xf32>
        %add3A_168 = arith.addf %get3A_163, %get3A_167 : vector<16xf32>
        %max3A_169 = arith.constant 0.000000e+00 : f32
        %max3A_170 = vector.broadcast %max3A_169 : f32 to vector<16xf32>
        %max3A_171 = arith.maximumf %add3A_168, %max3A_170 : vector<16xf32>
        %swap3A_172 = arith.index_cast %scan3A_94 : i32 to index
        %swap3A_173 = arith.constant 64 : index
        %swap3A_174 = tpu.vector_load %arg10[%swap3A_172, %swap3A_173] {strides = array<i32>} : memref<128x128xf32, #tpu.memory_space<vmem>>, vector<1x16xf32>,
        %swap3A_175 = vector.shape_cast %swap3A_174 : vector<1x16xf32> to vector<16xf32>
        %swap3A_176 = vector.shape_cast %max3A_171 : vector<16xf32> to vector<1x16xf32>
        tpu.vector_store %arg10[%swap3A_172, %swap3A_173], %swap3A_176 {strides = array<i32>} : memref<128x128xf32, #tpu.memory_space<vmem>>, vector<1x16xf32>,
        %get3A_177 = arith.index_cast %scan3A_94 : i32 to index
        %get3A_178 = arith.constant 80 : index
        %get3A_179 = tpu.vector_load %arg10[%get3A_177, %get3A_178] {strides = array<i32>} : memref<128x128xf32, #tpu.memory_space<vmem>>, vector<1x16xf32>,
        %get3A_180 = vector.shape_cast %get3A_179 : vector<1x16xf32> to vector<16xf32>
        %get3A_181 = arith.index_cast %scan3A_94 : i32 to index
        %get3A_182 = arith.constant 80 : index
        %get3A_183 = tpu.vector_load %arg9[%get3A_181, %get3A_182] {strides = array<i32>} : memref<128x128xf32, #tpu.memory_space<vmem>>, vector<1x16xf32>,
        %get3A_184 = vector.shape_cast %get3A_183 : vector<1x16xf32> to vector<16xf32>
        %add3A_185 = arith.addf %get3A_180, %get3A_184 : vector<16xf32>
        %max3A_186 = arith.constant 0.000000e+00 : f32
        %max3A_187 = vector.broadcast %max3A_186 : f32 to vector<16xf32>
        %max3A_188 = arith.maximumf %add3A_185, %max3A_187 : vector<16xf32>
        %swap3A_189 = arith.index_cast %scan3A_94 : i32 to index
        %swap3A_190 = arith.constant 80 : index
        %swap3A_191 = tpu.vector_load %arg10[%swap3A_189, %swap3A_190] {strides = array<i32>} : memref<128x128xf32, #tpu.memory_space<vmem>>, vector<1x16xf32>,
        %swap3A_192 = vector.shape_cast %swap3A_191 : vector<1x16xf32> to vector<16xf32>
        %swap3A_193 = vector.shape_cast %max3A_188 : vector<16xf32> to vector<1x16xf32>
        tpu.vector_store %arg10[%swap3A_189, %swap3A_190], %swap3A_193 {strides = array<i32>} : memref<128x128xf32, #tpu.memory_space<vmem>>, vector<1x16xf32>,
        %get3A_194 = arith.index_cast %scan3A_94 : i32 to index
        %get3A_195 = arith.constant 96 : index
        %get3A_196 = tpu.vector_load %arg10[%get3A_194, %get3A_195] {strides = array<i32>} : memref<128x128xf32, #tpu.memory_space<vmem>>, vector<1x16xf32>,
        %get3A_197 = vector.shape_cast %get3A_196 : vector<1x16xf32> to vector<16xf32>
        %get3A_198 = arith.index_cast %scan3A_94 : i32 to index
        %get3A_199 = arith.constant 96 : index
        %get3A_200 = tpu.vector_load %arg9[%get3A_198, %get3A_199] {strides = array<i32>} : memref<128x128xf32, #tpu.memory_space<vmem>>, vector<1x16xf32>,
        %get3A_201 = vector.shape_cast %get3A_200 : vector<1x16xf32> to vector<16xf32>
        %add3A_202 = arith.addf %get3A_197, %get3A_201 : vector<16xf32>
        %max3A_203 = arith.constant 0.000000e+00 : f32
        %max3A_204 = vector.broadcast %max3A_203 : f32 to vector<16xf32>
        %max3A_205 = arith.maximumf %add3A_202, %max3A_204 : vector<16xf32>
        %swap3A_206 = arith.index_cast %scan3A_94 : i32 to index
        %swap3A_207 = arith.constant 96 : index
        %swap3A_208 = tpu.vector_load %arg10[%swap3A_206, %swap3A_207] {strides = array<i32>} : memref<128x128xf32, #tpu.memory_space<vmem>>, vector<1x16xf32>,
        %swap3A_209 = vector.shape_cast %swap3A_208 : vector<1x16xf32> to vector<16xf32>
        %swap3A_210 = vector.shape_cast %max3A_205 : vector<16xf32> to vector<1x16xf32>
        tpu.vector_store %arg10[%swap3A_206, %swap3A_207], %swap3A_210 {strides = array<i32>} : memref<128x128xf32, #tpu.memory_space<vmem>>, vector<1x16xf32>,
        %get3A_211 = arith.index_cast %scan3A_94 : i32 to index
        %get3A_212 = arith.constant 112 : index
        %get3A_213 = tpu.vector_load %arg10[%get3A_211, %get3A_212] {strides = array<i32>} : memref<128x128xf32, #tpu.memory_space<vmem>>, vector<1x16xf32>,
        %get3A_214 = vector.shape_cast %get3A_213 : vector<1x16xf32> to vector<16xf32>
        %get3A_215 = arith.index_cast %scan3A_94 : i32 to index
        %get3A_216 = arith.constant 112 : index
        %get3A_217 = tpu.vector_load %arg9[%get3A_215, %get3A_216] {strides = array<i32>} : memref<128x128xf32, #tpu.memory_space<vmem>>, vector<1x16xf32>,
        %get3A_218 = vector.shape_cast %get3A_217 : vector<1x16xf32> to vector<16xf32>
        %add3A_219 = arith.addf %get3A_214, %get3A_218 : vector<16xf32>
        %max3A_220 = arith.constant 0.000000e+00 : f32
        %max3A_221 = vector.broadcast %max3A_220 : f32 to vector<16xf32>
        %max3A_222 = arith.maximumf %add3A_219, %max3A_221 : vector<16xf32>
        %swap3A_223 = arith.index_cast %scan3A_94 : i32 to index
        %swap3A_224 = arith.constant 112 : index
        %swap3A_225 = tpu.vector_load %arg10[%swap3A_223, %swap3A_224] {strides = array<i32>} : memref<128x128xf32, #tpu.memory_space<vmem>>, vector<1x16xf32>,
        %swap3A_226 = vector.shape_cast %swap3A_225 : vector<1x16xf32> to vector<16xf32>
        %swap3A_227 = vector.shape_cast %max3A_222 : vector<16xf32> to vector<1x16xf32>
        tpu.vector_store %arg10[%swap3A_223, %swap3A_224], %swap3A_227 {strides = array<i32>} : memref<128x128xf32, #tpu.memory_space<vmem>>, vector<1x16xf32>,
      }
      %scan3A_93 = arith.constant 128 : i32
      "tpu.region"() ({
        %run_scoped3A = tpu.sem_alloc : memref<!tpu.dma_semaphore, #tpu.memory_space<semaphore_mem>>
        %dma_start3A_94 = arith.constant 0 : i32
        %dma_start3A_95 = arith.constant 0 : i32
        %dma_start3A_96 = tpu.memref_slice %arg12[%dma_start3A_94, %dma_start3A_95] : memref<10000x128xf32, #tpu.memory_space<vmem_shared>> -> memref<10000x128xf32, #tpu.memory_space<vmem_shared>>
        tpu.enqueue_indirect_dma source(%arg10 : memref<128x128xf32, #tpu.memory_space<vmem>>) target(%dma_start3A_96 : memref<10000x128xf32, #tpu.memory_space<vmem_shared>>) offsets(%arg8 : memref<128xi32, #tpu.memory_space<vmem>>) semaphore(%run_scoped3A : memref<!tpu.dma_semaphore, #tpu.memory_space<semaphore_mem>>) {add = true}
        %dma_wait3A_97 = arith.constant 0 : i32
        %dma_wait3A_98 = arith.constant 0 : i32
        %dma_wait3A_99 = tpu.memref_slice %arg12[%dma_wait3A_97, %dma_wait3A_98] : memref<10000x128xf32, #tpu.memory_space<vmem_shared>> -> memref<10000x128xf32, #tpu.memory_space<vmem_shared>>
        tpu.wait_indirect_dma semaphore(%run_scoped3A : memref<!tpu.dma_semaphore, #tpu.memory_space<semaphore_mem>>) src(%arg10 : memref<128x128xf32, #tpu.memory_space<vmem>>) dst(%dma_wait3A_99 : memref<10000x128xf32, #tpu.memory_space<vmem_shared>>)
        tpu.yield
      }) : () -> ()
    }
    %barrier3A_60 = arith.constant 0 : index
    tpu.barrier barrier_id(%barrier3A_60)
    %mul3A_61 = arith.constant 624 : i32
    %mul3A_62 = arith.muli %arg1, %mul3A_61 : i32
    %mul3A_63 = arith.constant 624 : i32
    %mul3A_64 = arith.muli %arg1, %mul3A_63 : i32
    "tpu.region"() ({
      %run_scoped3A = tpu.sem_alloc : memref<!tpu.dma_semaphore, #tpu.memory_space<semaphore_mem>>
      %dma_start3A = arith.constant 0 : i32
      %dma_start3A_70 = tpu.memref_slice %arg6[%arg0, %mul3A_64, %dma_start3A] : memref<2x10000x128xf32, #tpu.memory_space<hbm>> -> memref<1x624x128xf32, #tpu.memory_space<hbm>>
      %dma_start3A_71 = tpu.memref_squeeze %dma_start3A_70 : memref<1x624x128xf32, #tpu.memory_space<hbm>> -> memref<624x128xf32, #tpu.memory_space<hbm>>
      %dma_start3A_72 = arith.constant 0 : i32
      %dma_start3A_73 = tpu.memref_slice %arg12[%mul3A_62, %dma_start3A_72] : memref<10000x128xf32, #tpu.memory_space<vmem_shared>> -> memref<624x128xf32, #tpu.memory_space<vmem_shared>>
      tpu.enqueue_dma source(%dma_start3A_73 : memref<624x128xf32, #tpu.memory_space<vmem_shared>>) target(%dma_start3A_71 : memref<624x128xf32, #tpu.memory_space<hbm>>) target_semaphore(%run_scoped3A : memref<!tpu.dma_semaphore, #tpu.memory_space<semaphore_mem>>)
      %dma_wait3A = arith.constant 0 : i32
      %dma_wait3A_74 = tpu.memref_slice %arg6[%arg0, %mul3A_64, %dma_wait3A] : memref<2x10000x128xf32, #tpu.memory_space<hbm>> -> memref<1x624x128xf32, #tpu.memory_space<hbm>>
      %dma_wait3A_75 = tpu.memref_squeeze %dma_wait3A_74 : memref<1x624x128xf32, #tpu.memory_space<hbm>> -> memref<624x128xf32, #tpu.memory_space<hbm>>
      %dma_wait3A_76 = arith.constant 0 : i32
      %dma_wait3A_77 = tpu.memref_slice %arg12[%mul3A_62, %dma_wait3A_76] : memref<10000x128xf32, #tpu.memory_space<vmem_shared>> -> memref<624x128xf32, #tpu.memory_space<vmem_shared>>
      tpu.wait_dma2 semaphore(%run_scoped3A : memref<!tpu.dma_semaphore, #tpu.memory_space<semaphore_mem>>) src(%dma_wait3A_77 : memref<624x128xf32, #tpu.memory_space<vmem_shared>>) dst(%dma_wait3A_75 : memref<624x128xf32, #tpu.memory_space<hbm>>)
      tpu.yield
    }) : () -> ()
    %eq3A_65 = arith.constant 15 : i32
    %eq3A_66 = arith.cmpi eq, %arg1, %eq3A_65 : i32
    %convert_element_type3A_67 = arith.extui %eq3A_66 : i1 to i32
    %cond3A_68 = arith.constant 0 : i32
    %cond3A_69 = arith.cmpi ne, %convert_element_type3A_67, %cond3A_68 : i32
    scf.if %cond3A_69 {
      "tpu.region"() ({
        %run_scoped3A = tpu.sem_alloc : memref<!tpu.dma_semaphore, #tpu.memory_space<semaphore_mem>>
        %dma_start3A = arith.constant 9984 : i32
        %dma_start3A_70 = arith.constant 0 : i32
        %dma_start3A_71 = tpu.memref_slice %arg6[%arg0, %dma_start3A, %dma_start3A_70] : memref<2x10000x128xf32, #tpu.memory_space<hbm>> -> memref<1x16x128xf32, #tpu.memory_space<hbm>>
        %dma_start3A_72 = tpu.memref_squeeze %dma_start3A_71 : memref<1x16x128xf32, #tpu.memory_space<hbm>> -> memref<16x128xf32, #tpu.memory_space<hbm>>
        %dma_start3A_73 = arith.constant 9984 : i32
        %dma_start3A_74 = arith.constant 0 : i32
        %dma_start3A_75 = tpu.memref_slice %arg12[%dma_start3A_73, %dma_start3A_74] : memref<10000x128xf32, #tpu.memory_space<vmem_shared>> -> memref<16x128xf32, #tpu.memory_space<vmem_shared>>
        tpu.enqueue_dma source(%dma_start3A_75 : memref<16x128xf32, #tpu.memory_space<vmem_shared>>) target(%dma_start3A_72 : memref<16x128xf32, #tpu.memory_space<hbm>>) target_semaphore(%run_scoped3A : memref<!tpu.dma_semaphore, #tpu.memory_space<semaphore_mem>>)
        %dma_wait3A = arith.constant 9984 : i32
        %dma_wait3A_76 = arith.constant 0 : i32
        %dma_wait3A_77 = tpu.memref_slice %arg6[%arg0, %dma_wait3A, %dma_wait3A_76] : memref<2x10000x128xf32, #tpu.memory_space<hbm>> -> memref<1x16x128xf32, #tpu.memory_space<hbm>>
        %dma_wait3A_78 = tpu.memref_squeeze %dma_wait3A_77 : memref<1x16x128xf32, #tpu.memory_space<hbm>> -> memref<16x128xf32, #tpu.memory_space<hbm>>
        %dma_wait3A_79 = arith.constant 9984 : i32
        %dma_wait3A_80 = arith.constant 0 : i32
        %dma_wait3A_81 = tpu.memref_slice %arg12[%dma_wait3A_79, %dma_wait3A_80] : memref<10000x128xf32, #tpu.memory_space<vmem_shared>> -> memref<16x128xf32, #tpu.memory_space<vmem_shared>>
        tpu.wait_dma2 semaphore(%run_scoped3A : memref<!tpu.dma_semaphore, #tpu.memory_space<semaphore_mem>>) src(%dma_wait3A_81 : memref<16x128xf32, #tpu.memory_space<vmem_shared>>) dst(%dma_wait3A_78 : memref<16x128xf32, #tpu.memory_space<hbm>>)
        tpu.yield
      }) : () -> ()
    } else {
    }
    return
  }
}

#map = affine_map<(d0, d1) -> (0, 0)>
#map1 = affine_map<(d0, d1) -> (0)>
#map2 = affine_map<(d0, d1) -> (0, 0, 0)>
module attributes {stable_mosaic.version = 14 : i64} {
  func.func @_sc_body(%arg0: i32, %arg1: i32, %arg2: memref<10000x128xf32, #tpu.memory_space<hbm>>, %arg3: memref<320000x128xf32, #tpu.memory_space<hbm>>, %arg4: memref<320000xi32, #tpu.memory_space<hbm>>, %arg5: memref<320000xi32, #tpu.memory_space<hbm>>, %arg6: memref<2x10000x128xf32, #tpu.memory_space<hbm>>, %arg7: memref<128xi32, #tpu.memory_space<vmem>>, %arg8: memref<128xi32, #tpu.memory_space<vmem>>, %arg9: memref<128x128xf32, #tpu.memory_space<vmem>>, %arg10: memref<128x128xf32, #tpu.memory_space<vmem>>, %arg11: memref<128x128xf32, #tpu.memory_space<vmem>>, %arg12: memref<10000x128xf32, #tpu.memory_space<vmem_shared>>, %arg13: memref<!tpu.dma_semaphore, #tpu.memory_space<semaphore_mem>>, %arg14: memref<!tpu.dma_semaphore, #tpu.memory_space<semaphore_mem>>) attributes {dimension_semantics = [#tpu.dimension_semantics<core_parallel>, #tpu.dimension_semantics<subcore_parallel>], iteration_bounds = array<i64: 2, 16>, scalar_prefetch = 0 : i64, scratch_operands = 8 : i64, tpu.core_type = #tpu.core_type<sc_vector_subcore>, window_params = [{transform_indices = #map}, {transform_indices = #map}, {transform_indices = #map1}, {transform_indices = #map1}, {transform_indices = #map2}]} {
    %mul3A = arith.constant 2 : i32
    %mul3A_0 = arith.muli %arg1, %mul3A : i32
    %add3A = arith.addi %mul3A_0, %arg0 : i32
    %broadcast_in_dim3A = arith.constant 0.000000e+00 : f32
    %broadcast_in_dim3A_1 = vector.broadcast %broadcast_in_dim3A : f32 to vector<16xf32>
    %scan3A = arith.constant 0 : i32
    %scan3A_2 = arith.constant 0 : i32
    %scan3A_3 = arith.constant 128 : i32
    %scan3A_4 = arith.addi %scan3A_2, %scan3A_3 : i32
    %scan3A_5 = arith.constant 1 : i32
    scf.for %scan3A_70 = %scan3A_2 to %scan3A_4 step %scan3A_5  : i32 {
      %swap3A = arith.index_cast %scan3A_70 : i32 to index
      %swap3A_71 = arith.constant 0 : index
      %swap3A_72 = tpu.vector_load %arg11[%swap3A, %swap3A_71] {strides = array<i32>} : memref<128x128xf32, #tpu.memory_space<vmem>>, vector<1x16xf32>,
      %swap3A_73 = vector.shape_cast %swap3A_72 : vector<1x16xf32> to vector<16xf32>
      %swap3A_74 = vector.shape_cast %broadcast_in_dim3A_1 : vector<16xf32> to vector<1x16xf32>
      tpu.vector_store %arg11[%swap3A, %swap3A_71], %swap3A_74 {strides = array<i32>} : memref<128x128xf32, #tpu.memory_space<vmem>>, vector<1x16xf32>,
      %swap3A_75 = arith.index_cast %scan3A_70 : i32 to index
      %swap3A_76 = arith.constant 16 : index
      %swap3A_77 = tpu.vector_load %arg11[%swap3A_75, %swap3A_76] {strides = array<i32>} : memref<128x128xf32, #tpu.memory_space<vmem>>, vector<1x16xf32>,
      %swap3A_78 = vector.shape_cast %swap3A_77 : vector<1x16xf32> to vector<16xf32>
      %swap3A_79 = vector.shape_cast %broadcast_in_dim3A_1 : vector<16xf32> to vector<1x16xf32>
      tpu.vector_store %arg11[%swap3A_75, %swap3A_76], %swap3A_79 {strides = array<i32>} : memref<128x128xf32, #tpu.memory_space<vmem>>, vector<1x16xf32>,
      %swap3A_80 = arith.index_cast %scan3A_70 : i32 to index
      %swap3A_81 = arith.constant 32 : index
      %swap3A_82 = tpu.vector_load %arg11[%swap3A_80, %swap3A_81] {strides = array<i32>} : memref<128x128xf32, #tpu.memory_space<vmem>>, vector<1x16xf32>,
      %swap3A_83 = vector.shape_cast %swap3A_82 : vector<1x16xf32> to vector<16xf32>
      %swap3A_84 = vector.shape_cast %broadcast_in_dim3A_1 : vector<16xf32> to vector<1x16xf32>
      tpu.vector_store %arg11[%swap3A_80, %swap3A_81], %swap3A_84 {strides = array<i32>} : memref<128x128xf32, #tpu.memory_space<vmem>>, vector<1x16xf32>,
      %swap3A_85 = arith.index_cast %scan3A_70 : i32 to index
      %swap3A_86 = arith.constant 48 : index
      %swap3A_87 = tpu.vector_load %arg11[%swap3A_85, %swap3A_86] {strides = array<i32>} : memref<128x128xf32, #tpu.memory_space<vmem>>, vector<1x16xf32>,
      %swap3A_88 = vector.shape_cast %swap3A_87 : vector<1x16xf32> to vector<16xf32>
      %swap3A_89 = vector.shape_cast %broadcast_in_dim3A_1 : vector<16xf32> to vector<1x16xf32>
      tpu.vector_store %arg11[%swap3A_85, %swap3A_86], %swap3A_89 {strides = array<i32>} : memref<128x128xf32, #tpu.memory_space<vmem>>, vector<1x16xf32>,
      %swap3A_90 = arith.index_cast %scan3A_70 : i32 to index
      %swap3A_91 = arith.constant 64 : index
      %swap3A_92 = tpu.vector_load %arg11[%swap3A_90, %swap3A_91] {strides = array<i32>} : memref<128x128xf32, #tpu.memory_space<vmem>>, vector<1x16xf32>,
      %swap3A_93 = vector.shape_cast %swap3A_92 : vector<1x16xf32> to vector<16xf32>
      %swap3A_94 = vector.shape_cast %broadcast_in_dim3A_1 : vector<16xf32> to vector<1x16xf32>
      tpu.vector_store %arg11[%swap3A_90, %swap3A_91], %swap3A_94 {strides = array<i32>} : memref<128x128xf32, #tpu.memory_space<vmem>>, vector<1x16xf32>,
      %swap3A_95 = arith.index_cast %scan3A_70 : i32 to index
      %swap3A_96 = arith.constant 80 : index
      %swap3A_97 = tpu.vector_load %arg11[%swap3A_95, %swap3A_96] {strides = array<i32>} : memref<128x128xf32, #tpu.memory_space<vmem>>, vector<1x16xf32>,
      %swap3A_98 = vector.shape_cast %swap3A_97 : vector<1x16xf32> to vector<16xf32>
      %swap3A_99 = vector.shape_cast %broadcast_in_dim3A_1 : vector<16xf32> to vector<1x16xf32>
      tpu.vector_store %arg11[%swap3A_95, %swap3A_96], %swap3A_99 {strides = array<i32>} : memref<128x128xf32, #tpu.memory_space<vmem>>, vector<1x16xf32>,
      %swap3A_100 = arith.index_cast %scan3A_70 : i32 to index
      %swap3A_101 = arith.constant 96 : index
      %swap3A_102 = tpu.vector_load %arg11[%swap3A_100, %swap3A_101] {strides = array<i32>} : memref<128x128xf32, #tpu.memory_space<vmem>>, vector<1x16xf32>,
      %swap3A_103 = vector.shape_cast %swap3A_102 : vector<1x16xf32> to vector<16xf32>
      %swap3A_104 = vector.shape_cast %broadcast_in_dim3A_1 : vector<16xf32> to vector<1x16xf32>
      tpu.vector_store %arg11[%swap3A_100, %swap3A_101], %swap3A_104 {strides = array<i32>} : memref<128x128xf32, #tpu.memory_space<vmem>>, vector<1x16xf32>,
      %swap3A_105 = arith.index_cast %scan3A_70 : i32 to index
      %swap3A_106 = arith.constant 112 : index
      %swap3A_107 = tpu.vector_load %arg11[%swap3A_105, %swap3A_106] {strides = array<i32>} : memref<128x128xf32, #tpu.memory_space<vmem>>, vector<1x16xf32>,
      %swap3A_108 = vector.shape_cast %swap3A_107 : vector<1x16xf32> to vector<16xf32>
      %swap3A_109 = vector.shape_cast %broadcast_in_dim3A_1 : vector<16xf32> to vector<1x16xf32>
      tpu.vector_store %arg11[%swap3A_105, %swap3A_106], %swap3A_109 {strides = array<i32>} : memref<128x128xf32, #tpu.memory_space<vmem>>, vector<1x16xf32>,
    }
    %scan3A_6 = arith.constant 128 : i32
    %mul3A_7 = arith.constant 624 : i32
    %mul3A_8 = arith.muli %arg1, %mul3A_7 : i32
    %add3A_9 = arith.constant 0 : i32
    %add3A_10 = arith.addi %mul3A_8, %add3A_9 : i32
    "tpu.region"() ({
      %run_scoped3A = tpu.sem_alloc : memref<!tpu.dma_semaphore, #tpu.memory_space<semaphore_mem>>
      %dma_start3A = arith.constant 0 : i32
      %dma_start3A_70 = arith.constant 0 : i32
      %dma_start3A_71 = tpu.memref_slice %arg11[%dma_start3A, %dma_start3A_70] : memref<128x128xf32, #tpu.memory_space<vmem>> -> memref<128x128xf32, #tpu.memory_space<vmem>>
      %dma_start3A_72 = arith.constant 0 : i32
      %dma_start3A_73 = tpu.memref_slice %arg12[%add3A_10, %dma_start3A_72] : memref<10000x128xf32, #tpu.memory_space<vmem_shared>> -> memref<128x128xf32, #tpu.memory_space<vmem_shared>>
      %dma_start3A_74 = arith.constant 0 : i32
      %dma_start3A_75 = tpu.memref_slice %arg12[%add3A_10, %dma_start3A_74] : memref<10000x128xf32, #tpu.memory_space<vmem_shared>> -> memref<128x128xf32, #tpu.memory_space<vmem_shared>>
      %dma_start3A_76 = arith.constant 0 : i32
      %dma_start3A_77 = arith.constant 0 : i32
      %dma_start3A_78 = tpu.memref_slice %arg11[%dma_start3A_76, %dma_start3A_77] : memref<128x128xf32, #tpu.memory_space<vmem>> -> memref<128x128xf32, #tpu.memory_space<vmem>>
      tpu.enqueue_dma source(%dma_start3A_78 : memref<128x128xf32, #tpu.memory_space<vmem>>) target(%dma_start3A_75 : memref<128x128xf32, #tpu.memory_space<vmem_shared>>) target_semaphore(%run_scoped3A : memref<!tpu.dma_semaphore, #tpu.memory_space<semaphore_mem>>)
      %dma_wait3A = arith.constant 0 : i32
      %dma_wait3A_79 = arith.constant 0 : i32
      %dma_wait3A_80 = tpu.memref_slice %arg11[%dma_wait3A, %dma_wait3A_79] : memref<128x128xf32, #tpu.memory_space<vmem>> -> memref<128x128xf32, #tpu.memory_space<vmem>>
      %dma_wait3A_81 = arith.constant 0 : i32
      %dma_wait3A_82 = tpu.memref_slice %arg12[%add3A_10, %dma_wait3A_81] : memref<10000x128xf32, #tpu.memory_space<vmem_shared>> -> memref<128x128xf32, #tpu.memory_space<vmem_shared>>
      %dma_wait3A_83 = arith.constant 0 : i32
      %dma_wait3A_84 = tpu.memref_slice %arg12[%add3A_10, %dma_wait3A_83] : memref<10000x128xf32, #tpu.memory_space<vmem_shared>> -> memref<128x128xf32, #tpu.memory_space<vmem_shared>>
      %dma_wait3A_85 = arith.constant 0 : i32
      %dma_wait3A_86 = arith.constant 0 : i32
      %dma_wait3A_87 = tpu.memref_slice %arg11[%dma_wait3A_85, %dma_wait3A_86] : memref<128x128xf32, #tpu.memory_space<vmem>> -> memref<128x128xf32, #tpu.memory_space<vmem>>
      tpu.wait_dma2 semaphore(%run_scoped3A : memref<!tpu.dma_semaphore, #tpu.memory_space<semaphore_mem>>) src(%dma_wait3A_87 : memref<128x128xf32, #tpu.memory_space<vmem>>) dst(%dma_wait3A_84 : memref<128x128xf32, #tpu.memory_space<vmem_shared>>)
      tpu.yield
    }) : () -> ()
    %mul3A_11 = arith.constant 624 : i32
    %mul3A_12 = arith.muli %arg1, %mul3A_11 : i32
    %add3A_13 = arith.constant 128 : i32
    %add3A_14 = arith.addi %mul3A_12, %add3A_13 : i32
    "tpu.region"() ({
      %run_scoped3A = tpu.sem_alloc : memref<!tpu.dma_semaphore, #tpu.memory_space<semaphore_mem>>
      %dma_start3A = arith.constant 0 : i32
      %dma_start3A_70 = arith.constant 0 : i32
      %dma_start3A_71 = tpu.memref_slice %arg11[%dma_start3A, %dma_start3A_70] : memref<128x128xf32, #tpu.memory_space<vmem>> -> memref<128x128xf32, #tpu.memory_space<vmem>>
      %dma_start3A_72 = arith.constant 0 : i32
      %dma_start3A_73 = tpu.memref_slice %arg12[%add3A_14, %dma_start3A_72] : memref<10000x128xf32, #tpu.memory_space<vmem_shared>> -> memref<128x128xf32, #tpu.memory_space<vmem_shared>>
      %dma_start3A_74 = arith.constant 0 : i32
      %dma_start3A_75 = tpu.memref_slice %arg12[%add3A_14, %dma_start3A_74] : memref<10000x128xf32, #tpu.memory_space<vmem_shared>> -> memref<128x128xf32, #tpu.memory_space<vmem_shared>>
      %dma_start3A_76 = arith.constant 0 : i32
      %dma_start3A_77 = arith.constant 0 : i32
      %dma_start3A_78 = tpu.memref_slice %arg11[%dma_start3A_76, %dma_start3A_77] : memref<128x128xf32, #tpu.memory_space<vmem>> -> memref<128x128xf32, #tpu.memory_space<vmem>>
      tpu.enqueue_dma source(%dma_start3A_78 : memref<128x128xf32, #tpu.memory_space<vmem>>) target(%dma_start3A_75 : memref<128x128xf32, #tpu.memory_space<vmem_shared>>) target_semaphore(%run_scoped3A : memref<!tpu.dma_semaphore, #tpu.memory_space<semaphore_mem>>)
      %dma_wait3A = arith.constant 0 : i32
      %dma_wait3A_79 = arith.constant 0 : i32
      %dma_wait3A_80 = tpu.memref_slice %arg11[%dma_wait3A, %dma_wait3A_79] : memref<128x128xf32, #tpu.memory_space<vmem>> -> memref<128x128xf32, #tpu.memory_space<vmem>>
      %dma_wait3A_81 = arith.constant 0 : i32
      %dma_wait3A_82 = tpu.memref_slice %arg12[%add3A_14, %dma_wait3A_81] : memref<10000x128xf32, #tpu.memory_space<vmem_shared>> -> memref<128x128xf32, #tpu.memory_space<vmem_shared>>
      %dma_wait3A_83 = arith.constant 0 : i32
      %dma_wait3A_84 = tpu.memref_slice %arg12[%add3A_14, %dma_wait3A_83] : memref<10000x128xf32, #tpu.memory_space<vmem_shared>> -> memref<128x128xf32, #tpu.memory_space<vmem_shared>>
      %dma_wait3A_85 = arith.constant 0 : i32
      %dma_wait3A_86 = arith.constant 0 : i32
      %dma_wait3A_87 = tpu.memref_slice %arg11[%dma_wait3A_85, %dma_wait3A_86] : memref<128x128xf32, #tpu.memory_space<vmem>> -> memref<128x128xf32, #tpu.memory_space<vmem>>
      tpu.wait_dma2 semaphore(%run_scoped3A : memref<!tpu.dma_semaphore, #tpu.memory_space<semaphore_mem>>) src(%dma_wait3A_87 : memref<128x128xf32, #tpu.memory_space<vmem>>) dst(%dma_wait3A_84 : memref<128x128xf32, #tpu.memory_space<vmem_shared>>)
      tpu.yield
    }) : () -> ()
    %mul3A_15 = arith.constant 624 : i32
    %mul3A_16 = arith.muli %arg1, %mul3A_15 : i32
    %add3A_17 = arith.constant 256 : i32
    %add3A_18 = arith.addi %mul3A_16, %add3A_17 : i32
    "tpu.region"() ({
      %run_scoped3A = tpu.sem_alloc : memref<!tpu.dma_semaphore, #tpu.memory_space<semaphore_mem>>
      %dma_start3A = arith.constant 0 : i32
      %dma_start3A_70 = arith.constant 0 : i32
      %dma_start3A_71 = tpu.memref_slice %arg11[%dma_start3A, %dma_start3A_70] : memref<128x128xf32, #tpu.memory_space<vmem>> -> memref<128x128xf32, #tpu.memory_space<vmem>>
      %dma_start3A_72 = arith.constant 0 : i32
      %dma_start3A_73 = tpu.memref_slice %arg12[%add3A_18, %dma_start3A_72] : memref<10000x128xf32, #tpu.memory_space<vmem_shared>> -> memref<128x128xf32, #tpu.memory_space<vmem_shared>>
      %dma_start3A_74 = arith.constant 0 : i32
      %dma_start3A_75 = tpu.memref_slice %arg12[%add3A_18, %dma_start3A_74] : memref<10000x128xf32, #tpu.memory_space<vmem_shared>> -> memref<128x128xf32, #tpu.memory_space<vmem_shared>>
      %dma_start3A_76 = arith.constant 0 : i32
      %dma_start3A_77 = arith.constant 0 : i32
      %dma_start3A_78 = tpu.memref_slice %arg11[%dma_start3A_76, %dma_start3A_77] : memref<128x128xf32, #tpu.memory_space<vmem>> -> memref<128x128xf32, #tpu.memory_space<vmem>>
      tpu.enqueue_dma source(%dma_start3A_78 : memref<128x128xf32, #tpu.memory_space<vmem>>) target(%dma_start3A_75 : memref<128x128xf32, #tpu.memory_space<vmem_shared>>) target_semaphore(%run_scoped3A : memref<!tpu.dma_semaphore, #tpu.memory_space<semaphore_mem>>)
      %dma_wait3A = arith.constant 0 : i32
      %dma_wait3A_79 = arith.constant 0 : i32
      %dma_wait3A_80 = tpu.memref_slice %arg11[%dma_wait3A, %dma_wait3A_79] : memref<128x128xf32, #tpu.memory_space<vmem>> -> memref<128x128xf32, #tpu.memory_space<vmem>>
      %dma_wait3A_81 = arith.constant 0 : i32
      %dma_wait3A_82 = tpu.memref_slice %arg12[%add3A_18, %dma_wait3A_81] : memref<10000x128xf32, #tpu.memory_space<vmem_shared>> -> memref<128x128xf32, #tpu.memory_space<vmem_shared>>
      %dma_wait3A_83 = arith.constant 0 : i32
      %dma_wait3A_84 = tpu.memref_slice %arg12[%add3A_18, %dma_wait3A_83] : memref<10000x128xf32, #tpu.memory_space<vmem_shared>> -> memref<128x128xf32, #tpu.memory_space<vmem_shared>>
      %dma_wait3A_85 = arith.constant 0 : i32
      %dma_wait3A_86 = arith.constant 0 : i32
      %dma_wait3A_87 = tpu.memref_slice %arg11[%dma_wait3A_85, %dma_wait3A_86] : memref<128x128xf32, #tpu.memory_space<vmem>> -> memref<128x128xf32, #tpu.memory_space<vmem>>
      tpu.wait_dma2 semaphore(%run_scoped3A : memref<!tpu.dma_semaphore, #tpu.memory_space<semaphore_mem>>) src(%dma_wait3A_87 : memref<128x128xf32, #tpu.memory_space<vmem>>) dst(%dma_wait3A_84 : memref<128x128xf32, #tpu.memory_space<vmem_shared>>)
      tpu.yield
    }) : () -> ()
    %mul3A_19 = arith.constant 624 : i32
    %mul3A_20 = arith.muli %arg1, %mul3A_19 : i32
    %add3A_21 = arith.constant 384 : i32
    %add3A_22 = arith.addi %mul3A_20, %add3A_21 : i32
    "tpu.region"() ({
      %run_scoped3A = tpu.sem_alloc : memref<!tpu.dma_semaphore, #tpu.memory_space<semaphore_mem>>
      %dma_start3A = arith.constant 0 : i32
      %dma_start3A_70 = arith.constant 0 : i32
      %dma_start3A_71 = tpu.memref_slice %arg11[%dma_start3A, %dma_start3A_70] : memref<128x128xf32, #tpu.memory_space<vmem>> -> memref<128x128xf32, #tpu.memory_space<vmem>>
      %dma_start3A_72 = arith.constant 0 : i32
      %dma_start3A_73 = tpu.memref_slice %arg12[%add3A_22, %dma_start3A_72] : memref<10000x128xf32, #tpu.memory_space<vmem_shared>> -> memref<128x128xf32, #tpu.memory_space<vmem_shared>>
      %dma_start3A_74 = arith.constant 0 : i32
      %dma_start3A_75 = tpu.memref_slice %arg12[%add3A_22, %dma_start3A_74] : memref<10000x128xf32, #tpu.memory_space<vmem_shared>> -> memref<128x128xf32, #tpu.memory_space<vmem_shared>>
      %dma_start3A_76 = arith.constant 0 : i32
      %dma_start3A_77 = arith.constant 0 : i32
      %dma_start3A_78 = tpu.memref_slice %arg11[%dma_start3A_76, %dma_start3A_77] : memref<128x128xf32, #tpu.memory_space<vmem>> -> memref<128x128xf32, #tpu.memory_space<vmem>>
      tpu.enqueue_dma source(%dma_start3A_78 : memref<128x128xf32, #tpu.memory_space<vmem>>) target(%dma_start3A_75 : memref<128x128xf32, #tpu.memory_space<vmem_shared>>) target_semaphore(%run_scoped3A : memref<!tpu.dma_semaphore, #tpu.memory_space<semaphore_mem>>)
      %dma_wait3A = arith.constant 0 : i32
      %dma_wait3A_79 = arith.constant 0 : i32
      %dma_wait3A_80 = tpu.memref_slice %arg11[%dma_wait3A, %dma_wait3A_79] : memref<128x128xf32, #tpu.memory_space<vmem>> -> memref<128x128xf32, #tpu.memory_space<vmem>>
      %dma_wait3A_81 = arith.constant 0 : i32
      %dma_wait3A_82 = tpu.memref_slice %arg12[%add3A_22, %dma_wait3A_81] : memref<10000x128xf32, #tpu.memory_space<vmem_shared>> -> memref<128x128xf32, #tpu.memory_space<vmem_shared>>
      %dma_wait3A_83 = arith.constant 0 : i32
      %dma_wait3A_84 = tpu.memref_slice %arg12[%add3A_22, %dma_wait3A_83] : memref<10000x128xf32, #tpu.memory_space<vmem_shared>> -> memref<128x128xf32, #tpu.memory_space<vmem_shared>>
      %dma_wait3A_85 = arith.constant 0 : i32
      %dma_wait3A_86 = arith.constant 0 : i32
      %dma_wait3A_87 = tpu.memref_slice %arg11[%dma_wait3A_85, %dma_wait3A_86] : memref<128x128xf32, #tpu.memory_space<vmem>> -> memref<128x128xf32, #tpu.memory_space<vmem>>
      tpu.wait_dma2 semaphore(%run_scoped3A : memref<!tpu.dma_semaphore, #tpu.memory_space<semaphore_mem>>) src(%dma_wait3A_87 : memref<128x128xf32, #tpu.memory_space<vmem>>) dst(%dma_wait3A_84 : memref<128x128xf32, #tpu.memory_space<vmem_shared>>)
      tpu.yield
    }) : () -> ()
    %mul3A_23 = arith.constant 624 : i32
    %mul3A_24 = arith.muli %arg1, %mul3A_23 : i32
    %add3A_25 = arith.constant 512 : i32
    %add3A_26 = arith.addi %mul3A_24, %add3A_25 : i32
    "tpu.region"() ({
      %run_scoped3A = tpu.sem_alloc : memref<!tpu.dma_semaphore, #tpu.memory_space<semaphore_mem>>
      %dma_start3A = arith.constant 0 : i32
      %dma_start3A_70 = arith.constant 0 : i32
      %dma_start3A_71 = tpu.memref_slice %arg11[%dma_start3A, %dma_start3A_70] : memref<128x128xf32, #tpu.memory_space<vmem>> -> memref<112x128xf32, #tpu.memory_space<vmem>>
      %dma_start3A_72 = arith.constant 0 : i32
      %dma_start3A_73 = tpu.memref_slice %arg12[%add3A_26, %dma_start3A_72] : memref<10000x128xf32, #tpu.memory_space<vmem_shared>> -> memref<112x128xf32, #tpu.memory_space<vmem_shared>>
      %dma_start3A_74 = arith.constant 0 : i32
      %dma_start3A_75 = tpu.memref_slice %arg12[%add3A_26, %dma_start3A_74] : memref<10000x128xf32, #tpu.memory_space<vmem_shared>> -> memref<112x128xf32, #tpu.memory_space<vmem_shared>>
      %dma_start3A_76 = arith.constant 0 : i32
      %dma_start3A_77 = arith.constant 0 : i32
      %dma_start3A_78 = tpu.memref_slice %arg11[%dma_start3A_76, %dma_start3A_77] : memref<128x128xf32, #tpu.memory_space<vmem>> -> memref<112x128xf32, #tpu.memory_space<vmem>>
      tpu.enqueue_dma source(%dma_start3A_78 : memref<112x128xf32, #tpu.memory_space<vmem>>) target(%dma_start3A_75 : memref<112x128xf32, #tpu.memory_space<vmem_shared>>) target_semaphore(%run_scoped3A : memref<!tpu.dma_semaphore, #tpu.memory_space<semaphore_mem>>)
      %dma_wait3A = arith.constant 0 : i32
      %dma_wait3A_79 = arith.constant 0 : i32
      %dma_wait3A_80 = tpu.memref_slice %arg11[%dma_wait3A, %dma_wait3A_79] : memref<128x128xf32, #tpu.memory_space<vmem>> -> memref<112x128xf32, #tpu.memory_space<vmem>>
      %dma_wait3A_81 = arith.constant 0 : i32
      %dma_wait3A_82 = tpu.memref_slice %arg12[%add3A_26, %dma_wait3A_81] : memref<10000x128xf32, #tpu.memory_space<vmem_shared>> -> memref<112x128xf32, #tpu.memory_space<vmem_shared>>
      %dma_wait3A_83 = arith.constant 0 : i32
      %dma_wait3A_84 = tpu.memref_slice %arg12[%add3A_26, %dma_wait3A_83] : memref<10000x128xf32, #tpu.memory_space<vmem_shared>> -> memref<112x128xf32, #tpu.memory_space<vmem_shared>>
      %dma_wait3A_85 = arith.constant 0 : i32
      %dma_wait3A_86 = arith.constant 0 : i32
      %dma_wait3A_87 = tpu.memref_slice %arg11[%dma_wait3A_85, %dma_wait3A_86] : memref<128x128xf32, #tpu.memory_space<vmem>> -> memref<112x128xf32, #tpu.memory_space<vmem>>
      tpu.wait_dma2 semaphore(%run_scoped3A : memref<!tpu.dma_semaphore, #tpu.memory_space<semaphore_mem>>) src(%dma_wait3A_87 : memref<112x128xf32, #tpu.memory_space<vmem>>) dst(%dma_wait3A_84 : memref<112x128xf32, #tpu.memory_space<vmem_shared>>)
      tpu.yield
    }) : () -> ()
    %eq3A = arith.constant 15 : i32
    %eq3A_27 = arith.cmpi eq, %arg1, %eq3A : i32
    %convert_element_type3A = arith.extui %eq3A_27 : i1 to i32
    %cond3A = arith.constant 0 : i32
    %cond3A_28 = arith.cmpi ne, %convert_element_type3A, %cond3A : i32
    scf.if %cond3A_28 {
      "tpu.region"() ({
        %run_scoped3A = tpu.sem_alloc : memref<!tpu.dma_semaphore, #tpu.memory_space<semaphore_mem>>
        %dma_start3A = arith.constant 0 : i32
        %dma_start3A_70 = arith.constant 0 : i32
        %dma_start3A_71 = tpu.memref_slice %arg11[%dma_start3A, %dma_start3A_70] : memref<128x128xf32, #tpu.memory_space<vmem>> -> memref<16x128xf32, #tpu.memory_space<vmem>>
        %dma_start3A_72 = arith.constant 9984 : i32
        %dma_start3A_73 = arith.constant 0 : i32
        %dma_start3A_74 = tpu.memref_slice %arg12[%dma_start3A_72, %dma_start3A_73] : memref<10000x128xf32, #tpu.memory_space<vmem_shared>> -> memref<16x128xf32, #tpu.memory_space<vmem_shared>>
        %dma_start3A_75 = arith.constant 9984 : i32
        %dma_start3A_76 = arith.constant 0 : i32
        %dma_start3A_77 = tpu.memref_slice %arg12[%dma_start3A_75, %dma_start3A_76] : memref<10000x128xf32, #tpu.memory_space<vmem_shared>> -> memref<16x128xf32, #tpu.memory_space<vmem_shared>>
        %dma_start3A_78 = arith.constant 0 : i32
        %dma_start3A_79 = arith.constant 0 : i32
        %dma_start3A_80 = tpu.memref_slice %arg11[%dma_start3A_78, %dma_start3A_79] : memref<128x128xf32, #tpu.memory_space<vmem>> -> memref<16x128xf32, #tpu.memory_space<vmem>>
        tpu.enqueue_dma source(%dma_start3A_80 : memref<16x128xf32, #tpu.memory_space<vmem>>) target(%dma_start3A_77 : memref<16x128xf32, #tpu.memory_space<vmem_shared>>) target_semaphore(%run_scoped3A : memref<!tpu.dma_semaphore, #tpu.memory_space<semaphore_mem>>)
        %dma_wait3A = arith.constant 0 : i32
        %dma_wait3A_81 = arith.constant 0 : i32
        %dma_wait3A_82 = tpu.memref_slice %arg11[%dma_wait3A, %dma_wait3A_81] : memref<128x128xf32, #tpu.memory_space<vmem>> -> memref<16x128xf32, #tpu.memory_space<vmem>>
        %dma_wait3A_83 = arith.constant 9984 : i32
        %dma_wait3A_84 = arith.constant 0 : i32
        %dma_wait3A_85 = tpu.memref_slice %arg12[%dma_wait3A_83, %dma_wait3A_84] : memref<10000x128xf32, #tpu.memory_space<vmem_shared>> -> memref<16x128xf32, #tpu.memory_space<vmem_shared>>
        %dma_wait3A_86 = arith.constant 9984 : i32
        %dma_wait3A_87 = arith.constant 0 : i32
        %dma_wait3A_88 = tpu.memref_slice %arg12[%dma_wait3A_86, %dma_wait3A_87] : memref<10000x128xf32, #tpu.memory_space<vmem_shared>> -> memref<16x128xf32, #tpu.memory_space<vmem_shared>>
        %dma_wait3A_89 = arith.constant 0 : i32
        %dma_wait3A_90 = arith.constant 0 : i32
        %dma_wait3A_91 = tpu.memref_slice %arg11[%dma_wait3A_89, %dma_wait3A_90] : memref<128x128xf32, #tpu.memory_space<vmem>> -> memref<16x128xf32, #tpu.memory_space<vmem>>
        tpu.wait_dma2 semaphore(%run_scoped3A : memref<!tpu.dma_semaphore, #tpu.memory_space<semaphore_mem>>) src(%dma_wait3A_91 : memref<16x128xf32, #tpu.memory_space<vmem>>) dst(%dma_wait3A_88 : memref<16x128xf32, #tpu.memory_space<vmem_shared>>)
        tpu.yield
      }) : () -> ()
    } else {
    }
    %barrier3A = arith.constant 0 : index
    tpu.barrier barrier_id(%barrier3A)
    %sub3A = arith.constant 2500 : i32
    %sub3A_29 = arith.subi %sub3A, %add3A : i32
    %add3A_30 = arith.constant 32 : i32
    %add3A_31 = arith.addi %sub3A_29, %add3A_30 : i32
    %sub3A_32 = arith.constant 1 : i32
    %sub3A_33 = arith.subi %add3A_31, %sub3A_32 : i32
    %jit3A = arith.constant 32 : i32
    %div3A = arith.divsi %sub3A_33, %jit3A : i32
    %sign3A = arith.constant 0 : i32
    %sign3A_34 = arith.cmpi sgt, %sub3A_33, %sign3A : i32
    %sign3A_35 = arith.extui %sign3A_34 : i1 to i32
    %sign3A_36 = arith.constant 0 : i32
    %sign3A_37 = arith.cmpi slt, %sub3A_33, %sign3A_36 : i32
    %sign3A_38 = arith.extui %sign3A_37 : i1 to i32
    %sign3A_39 = arith.subi %sign3A_35, %sign3A_38 : i32
    %sign3A_40 = arith.constant 0 : i32
    %sign3A_41 = arith.cmpi sgt, %jit3A, %sign3A_40 : i32
    %sign3A_42 = arith.extui %sign3A_41 : i1 to i32
    %sign3A_43 = arith.constant 0 : i32
    %sign3A_44 = arith.cmpi slt, %jit3A, %sign3A_43 : i32
    %sign3A_45 = arith.extui %sign3A_44 : i1 to i32
    %sign3A_46 = arith.subi %sign3A_42, %sign3A_45 : i32
    %ne3A = arith.cmpi ne, %sign3A_39, %sign3A_46 : i32
    %rem3A = arith.remsi %sub3A_33, %jit3A : i32
    %ne3A_47 = arith.constant 0 : i32
    %ne3A_48 = arith.cmpi ne, %rem3A, %ne3A_47 : i32
    %and3A = arith.andi %ne3A, %ne3A_48 : i1
    %sub3A_49 = arith.constant 1 : i32
    %sub3A_50 = arith.subi %div3A, %sub3A_49 : i32
    %select_n3A = arith.select %and3A, %sub3A_50, %div3A : i32
    %while3A = arith.constant 0 : i32
    %while3A_51 = arith.constant 0 : i32
    %while3A_52 = arith.subi %select_n3A, %while3A_51 : i32
    %while3A_53 = arith.addi %while3A_51, %while3A_52 : i32
    %while3A_54 = arith.constant 1 : i32
    %while3A_55 = arith.divsi %while3A_52, %while3A_54 : i32
    %while3A_56 = arith.muli %while3A_55, %while3A_54 : i32
    %while3A_57 = arith.addi %while3A_51, %while3A_56 : i32
    %while3A_58 = arith.constant 1 : i32
    scf.for %while3A_70 = %while3A_51 to %while3A_57 step %while3A_58  : i32 {
      %mul3A_71 = arith.constant 32 : i32
      %mul3A_72 = arith.muli %while3A_70, %mul3A_71 : i32
      %add3A_73 = arith.addi %add3A, %mul3A_72 : i32
      %mul3A_74 = arith.constant 128 : i32
      %mul3A_75 = arith.muli %add3A_73, %mul3A_74 : i32
      "tpu.region"() ({
        %run_scoped3A = tpu.sem_alloc : memref<!tpu.dma_semaphore, #tpu.memory_space<semaphore_mem>>
        %dma_start3A_94 = tpu.memref_slice %arg4[%mul3A_75] : memref<320000xi32, #tpu.memory_space<hbm>> -> memref<128xi32, #tpu.memory_space<hbm>>
        %dma_start3A_95 = tpu.memref_slice %arg4[%mul3A_75] : memref<320000xi32, #tpu.memory_space<hbm>> -> memref<128xi32, #tpu.memory_space<hbm>>
        tpu.enqueue_dma source(%dma_start3A_95 : memref<128xi32, #tpu.memory_space<hbm>>) target(%arg7 : memref<128xi32, #tpu.memory_space<vmem>>) target_semaphore(%run_scoped3A : memref<!tpu.dma_semaphore, #tpu.memory_space<semaphore_mem>>)
        %dma_wait3A_96 = tpu.memref_slice %arg4[%mul3A_75] : memref<320000xi32, #tpu.memory_space<hbm>> -> memref<128xi32, #tpu.memory_space<hbm>>
        %dma_wait3A_97 = tpu.memref_slice %arg4[%mul3A_75] : memref<320000xi32, #tpu.memory_space<hbm>> -> memref<128xi32, #tpu.memory_space<hbm>>
        tpu.wait_dma2 semaphore(%run_scoped3A : memref<!tpu.dma_semaphore, #tpu.memory_space<semaphore_mem>>) src(%dma_wait3A_97 : memref<128xi32, #tpu.memory_space<hbm>>) dst(%arg7 : memref<128xi32, #tpu.memory_space<vmem>>)
        tpu.yield
      }) : () -> ()
      "tpu.region"() ({
        %run_scoped3A = tpu.sem_alloc : memref<!tpu.dma_semaphore, #tpu.memory_space<semaphore_mem>>
        %dma_start3A_94 = tpu.memref_slice %arg5[%mul3A_75] : memref<320000xi32, #tpu.memory_space<hbm>> -> memref<128xi32, #tpu.memory_space<hbm>>
        %dma_start3A_95 = tpu.memref_slice %arg5[%mul3A_75] : memref<320000xi32, #tpu.memory_space<hbm>> -> memref<128xi32, #tpu.memory_space<hbm>>
        tpu.enqueue_dma source(%dma_start3A_95 : memref<128xi32, #tpu.memory_space<hbm>>) target(%arg8 : memref<128xi32, #tpu.memory_space<vmem>>) target_semaphore(%run_scoped3A : memref<!tpu.dma_semaphore, #tpu.memory_space<semaphore_mem>>)
        %dma_wait3A_96 = tpu.memref_slice %arg5[%mul3A_75] : memref<320000xi32, #tpu.memory_space<hbm>> -> memref<128xi32, #tpu.memory_space<hbm>>
        %dma_wait3A_97 = tpu.memref_slice %arg5[%mul3A_75] : memref<320000xi32, #tpu.memory_space<hbm>> -> memref<128xi32, #tpu.memory_space<hbm>>
        tpu.wait_dma2 semaphore(%run_scoped3A : memref<!tpu.dma_semaphore, #tpu.memory_space<semaphore_mem>>) src(%dma_wait3A_97 : memref<128xi32, #tpu.memory_space<hbm>>) dst(%arg8 : memref<128xi32, #tpu.memory_space<vmem>>)
        tpu.yield
      }) : () -> ()
      %dma_start3A = arith.constant 0 : i32
      %dma_start3A_76 = tpu.memref_slice %arg3[%mul3A_75, %dma_start3A] : memref<320000x128xf32, #tpu.memory_space<hbm>> -> memref<128x128xf32, #tpu.memory_space<hbm>>
      %dma_start3A_77 = arith.constant 0 : i32
      %dma_start3A_78 = tpu.memref_slice %arg3[%mul3A_75, %dma_start3A_77] : memref<320000x128xf32, #tpu.memory_space<hbm>> -> memref<128x128xf32, #tpu.memory_space<hbm>>
      tpu.enqueue_dma source(%dma_start3A_78 : memref<128x128xf32, #tpu.memory_space<hbm>>) target(%arg9 : memref<128x128xf32, #tpu.memory_space<vmem>>) target_semaphore(%arg13 : memref<!tpu.dma_semaphore, #tpu.memory_space<semaphore_mem>>)
      %dma_start3A_79 = arith.constant 0 : i32
      %dma_start3A_80 = arith.constant 0 : i32
      %dma_start3A_81 = tpu.memref_slice %arg2[%dma_start3A_79, %dma_start3A_80] : memref<10000x128xf32, #tpu.memory_space<hbm>> -> memref<10000x128xf32, #tpu.memory_space<hbm>>
      tpu.enqueue_indirect_dma source(%dma_start3A_81 : memref<10000x128xf32, #tpu.memory_space<hbm>>) target(%arg10 : memref<128x128xf32, #tpu.memory_space<vmem>>) offsets(%arg7 : memref<128xi32, #tpu.memory_space<vmem>>) semaphore(%arg14 : memref<!tpu.dma_semaphore, #tpu.memory_space<semaphore_mem>>)
      %dma_wait3A = arith.constant 0 : i32
      %dma_wait3A_82 = tpu.memref_slice %arg3[%mul3A_75, %dma_wait3A] : memref<320000x128xf32, #tpu.memory_space<hbm>> -> memref<128x128xf32, #tpu.memory_space<hbm>>
      %dma_wait3A_83 = arith.constant 0 : i32
      %dma_wait3A_84 = tpu.memref_slice %arg3[%mul3A_75, %dma_wait3A_83] : memref<320000x128xf32, #tpu.memory_space<hbm>> -> memref<128x128xf32, #tpu.memory_space<hbm>>
      tpu.wait_dma2 semaphore(%arg13 : memref<!tpu.dma_semaphore, #tpu.memory_space<semaphore_mem>>) src(%dma_wait3A_84 : memref<128x128xf32, #tpu.memory_space<hbm>>) dst(%arg9 : memref<128x128xf32, #tpu.memory_space<vmem>>)
      %dma_wait3A_85 = arith.constant 0 : i32
      %dma_wait3A_86 = arith.constant 0 : i32
      %dma_wait3A_87 = tpu.memref_slice %arg2[%dma_wait3A_85, %dma_wait3A_86] : memref<10000x128xf32, #tpu.memory_space<hbm>> -> memref<10000x128xf32, #tpu.memory_space<hbm>>
      tpu.wait_indirect_dma semaphore(%arg14 : memref<!tpu.dma_semaphore, #tpu.memory_space<semaphore_mem>>) src(%dma_wait3A_87 : memref<10000x128xf32, #tpu.memory_space<hbm>>) dst(%arg10 : memref<128x128xf32, #tpu.memory_space<vmem>>)
      %scan3A_88 = arith.constant 0 : i32
      %scan3A_89 = arith.constant 0 : i32
      %scan3A_90 = arith.constant 128 : i32
      %scan3A_91 = arith.addi %scan3A_89, %scan3A_90 : i32
      %scan3A_92 = arith.constant 1 : i32
      scf.for %scan3A_94 = %scan3A_89 to %scan3A_91 step %scan3A_92  : i32 {
        %get3A = arith.index_cast %scan3A_94 : i32 to index
        %get3A_95 = arith.constant 0 : index
        %get3A_96 = tpu.vector_load %arg10[%get3A, %get3A_95] {strides = array<i32>} : memref<128x128xf32, #tpu.memory_space<vmem>>, vector<1x16xf32>,
        %get3A_97 = vector.shape_cast %get3A_96 : vector<1x16xf32> to vector<16xf32>
        %get3A_98 = arith.index_cast %scan3A_94 : i32 to index
        %get3A_99 = arith.constant 0 : index
        %get3A_100 = tpu.vector_load %arg9[%get3A_98, %get3A_99] {strides = array<i32>} : memref<128x128xf32, #tpu.memory_space<vmem>>, vector<1x16xf32>,
        %get3A_101 = vector.shape_cast %get3A_100 : vector<1x16xf32> to vector<16xf32>
        %add3A_102 = arith.addf %get3A_97, %get3A_101 : vector<16xf32>
        %max3A = arith.constant 0.000000e+00 : f32
        %max3A_103 = vector.broadcast %max3A : f32 to vector<16xf32>
        %max3A_104 = arith.maximumf %add3A_102, %max3A_103 : vector<16xf32>
        %swap3A = arith.index_cast %scan3A_94 : i32 to index
        %swap3A_105 = arith.constant 0 : index
        %swap3A_106 = tpu.vector_load %arg10[%swap3A, %swap3A_105] {strides = array<i32>} : memref<128x128xf32, #tpu.memory_space<vmem>>, vector<1x16xf32>,
        %swap3A_107 = vector.shape_cast %swap3A_106 : vector<1x16xf32> to vector<16xf32>
        %swap3A_108 = vector.shape_cast %max3A_104 : vector<16xf32> to vector<1x16xf32>
        tpu.vector_store %arg10[%swap3A, %swap3A_105], %swap3A_108 {strides = array<i32>} : memref<128x128xf32, #tpu.memory_space<vmem>>, vector<1x16xf32>,
        %get3A_109 = arith.index_cast %scan3A_94 : i32 to index
        %get3A_110 = arith.constant 16 : index
        %get3A_111 = tpu.vector_load %arg10[%get3A_109, %get3A_110] {strides = array<i32>} : memref<128x128xf32, #tpu.memory_space<vmem>>, vector<1x16xf32>,
        %get3A_112 = vector.shape_cast %get3A_111 : vector<1x16xf32> to vector<16xf32>
        %get3A_113 = arith.index_cast %scan3A_94 : i32 to index
        %get3A_114 = arith.constant 16 : index
        %get3A_115 = tpu.vector_load %arg9[%get3A_113, %get3A_114] {strides = array<i32>} : memref<128x128xf32, #tpu.memory_space<vmem>>, vector<1x16xf32>,
        %get3A_116 = vector.shape_cast %get3A_115 : vector<1x16xf32> to vector<16xf32>
        %add3A_117 = arith.addf %get3A_112, %get3A_116 : vector<16xf32>
        %max3A_118 = arith.constant 0.000000e+00 : f32
        %max3A_119 = vector.broadcast %max3A_118 : f32 to vector<16xf32>
        %max3A_120 = arith.maximumf %add3A_117, %max3A_119 : vector<16xf32>
        %swap3A_121 = arith.index_cast %scan3A_94 : i32 to index
        %swap3A_122 = arith.constant 16 : index
        %swap3A_123 = tpu.vector_load %arg10[%swap3A_121, %swap3A_122] {strides = array<i32>} : memref<128x128xf32, #tpu.memory_space<vmem>>, vector<1x16xf32>,
        %swap3A_124 = vector.shape_cast %swap3A_123 : vector<1x16xf32> to vector<16xf32>
        %swap3A_125 = vector.shape_cast %max3A_120 : vector<16xf32> to vector<1x16xf32>
        tpu.vector_store %arg10[%swap3A_121, %swap3A_122], %swap3A_125 {strides = array<i32>} : memref<128x128xf32, #tpu.memory_space<vmem>>, vector<1x16xf32>,
        %get3A_126 = arith.index_cast %scan3A_94 : i32 to index
        %get3A_127 = arith.constant 32 : index
        %get3A_128 = tpu.vector_load %arg10[%get3A_126, %get3A_127] {strides = array<i32>} : memref<128x128xf32, #tpu.memory_space<vmem>>, vector<1x16xf32>,
        %get3A_129 = vector.shape_cast %get3A_128 : vector<1x16xf32> to vector<16xf32>
        %get3A_130 = arith.index_cast %scan3A_94 : i32 to index
        %get3A_131 = arith.constant 32 : index
        %get3A_132 = tpu.vector_load %arg9[%get3A_130, %get3A_131] {strides = array<i32>} : memref<128x128xf32, #tpu.memory_space<vmem>>, vector<1x16xf32>,
        %get3A_133 = vector.shape_cast %get3A_132 : vector<1x16xf32> to vector<16xf32>
        %add3A_134 = arith.addf %get3A_129, %get3A_133 : vector<16xf32>
        %max3A_135 = arith.constant 0.000000e+00 : f32
        %max3A_136 = vector.broadcast %max3A_135 : f32 to vector<16xf32>
        %max3A_137 = arith.maximumf %add3A_134, %max3A_136 : vector<16xf32>
        %swap3A_138 = arith.index_cast %scan3A_94 : i32 to index
        %swap3A_139 = arith.constant 32 : index
        %swap3A_140 = tpu.vector_load %arg10[%swap3A_138, %swap3A_139] {strides = array<i32>} : memref<128x128xf32, #tpu.memory_space<vmem>>, vector<1x16xf32>,
        %swap3A_141 = vector.shape_cast %swap3A_140 : vector<1x16xf32> to vector<16xf32>
        %swap3A_142 = vector.shape_cast %max3A_137 : vector<16xf32> to vector<1x16xf32>
        tpu.vector_store %arg10[%swap3A_138, %swap3A_139], %swap3A_142 {strides = array<i32>} : memref<128x128xf32, #tpu.memory_space<vmem>>, vector<1x16xf32>,
        %get3A_143 = arith.index_cast %scan3A_94 : i32 to index
        %get3A_144 = arith.constant 48 : index
        %get3A_145 = tpu.vector_load %arg10[%get3A_143, %get3A_144] {strides = array<i32>} : memref<128x128xf32, #tpu.memory_space<vmem>>, vector<1x16xf32>,
        %get3A_146 = vector.shape_cast %get3A_145 : vector<1x16xf32> to vector<16xf32>
        %get3A_147 = arith.index_cast %scan3A_94 : i32 to index
        %get3A_148 = arith.constant 48 : index
        %get3A_149 = tpu.vector_load %arg9[%get3A_147, %get3A_148] {strides = array<i32>} : memref<128x128xf32, #tpu.memory_space<vmem>>, vector<1x16xf32>,
        %get3A_150 = vector.shape_cast %get3A_149 : vector<1x16xf32> to vector<16xf32>
        %add3A_151 = arith.addf %get3A_146, %get3A_150 : vector<16xf32>
        %max3A_152 = arith.constant 0.000000e+00 : f32
        %max3A_153 = vector.broadcast %max3A_152 : f32 to vector<16xf32>
        %max3A_154 = arith.maximumf %add3A_151, %max3A_153 : vector<16xf32>
        %swap3A_155 = arith.index_cast %scan3A_94 : i32 to index
        %swap3A_156 = arith.constant 48 : index
        %swap3A_157 = tpu.vector_load %arg10[%swap3A_155, %swap3A_156] {strides = array<i32>} : memref<128x128xf32, #tpu.memory_space<vmem>>, vector<1x16xf32>,
        %swap3A_158 = vector.shape_cast %swap3A_157 : vector<1x16xf32> to vector<16xf32>
        %swap3A_159 = vector.shape_cast %max3A_154 : vector<16xf32> to vector<1x16xf32>
        tpu.vector_store %arg10[%swap3A_155, %swap3A_156], %swap3A_159 {strides = array<i32>} : memref<128x128xf32, #tpu.memory_space<vmem>>, vector<1x16xf32>,
        %get3A_160 = arith.index_cast %scan3A_94 : i32 to index
        %get3A_161 = arith.constant 64 : index
        %get3A_162 = tpu.vector_load %arg10[%get3A_160, %get3A_161] {strides = array<i32>} : memref<128x128xf32, #tpu.memory_space<vmem>>, vector<1x16xf32>,
        %get3A_163 = vector.shape_cast %get3A_162 : vector<1x16xf32> to vector<16xf32>
        %get3A_164 = arith.index_cast %scan3A_94 : i32 to index
        %get3A_165 = arith.constant 64 : index
        %get3A_166 = tpu.vector_load %arg9[%get3A_164, %get3A_165] {strides = array<i32>} : memref<128x128xf32, #tpu.memory_space<vmem>>, vector<1x16xf32>,
        %get3A_167 = vector.shape_cast %get3A_166 : vector<1x16xf32> to vector<16xf32>
        %add3A_168 = arith.addf %get3A_163, %get3A_167 : vector<16xf32>
        %max3A_169 = arith.constant 0.000000e+00 : f32
        %max3A_170 = vector.broadcast %max3A_169 : f32 to vector<16xf32>
        %max3A_171 = arith.maximumf %add3A_168, %max3A_170 : vector<16xf32>
        %swap3A_172 = arith.index_cast %scan3A_94 : i32 to index
        %swap3A_173 = arith.constant 64 : index
        %swap3A_174 = tpu.vector_load %arg10[%swap3A_172, %swap3A_173] {strides = array<i32>} : memref<128x128xf32, #tpu.memory_space<vmem>>, vector<1x16xf32>,
        %swap3A_175 = vector.shape_cast %swap3A_174 : vector<1x16xf32> to vector<16xf32>
        %swap3A_176 = vector.shape_cast %max3A_171 : vector<16xf32> to vector<1x16xf32>
        tpu.vector_store %arg10[%swap3A_172, %swap3A_173], %swap3A_176 {strides = array<i32>} : memref<128x128xf32, #tpu.memory_space<vmem>>, vector<1x16xf32>,
        %get3A_177 = arith.index_cast %scan3A_94 : i32 to index
        %get3A_178 = arith.constant 80 : index
        %get3A_179 = tpu.vector_load %arg10[%get3A_177, %get3A_178] {strides = array<i32>} : memref<128x128xf32, #tpu.memory_space<vmem>>, vector<1x16xf32>,
        %get3A_180 = vector.shape_cast %get3A_179 : vector<1x16xf32> to vector<16xf32>
        %get3A_181 = arith.index_cast %scan3A_94 : i32 to index
        %get3A_182 = arith.constant 80 : index
        %get3A_183 = tpu.vector_load %arg9[%get3A_181, %get3A_182] {strides = array<i32>} : memref<128x128xf32, #tpu.memory_space<vmem>>, vector<1x16xf32>,
        %get3A_184 = vector.shape_cast %get3A_183 : vector<1x16xf32> to vector<16xf32>
        %add3A_185 = arith.addf %get3A_180, %get3A_184 : vector<16xf32>
        %max3A_186 = arith.constant 0.000000e+00 : f32
        %max3A_187 = vector.broadcast %max3A_186 : f32 to vector<16xf32>
        %max3A_188 = arith.maximumf %add3A_185, %max3A_187 : vector<16xf32>
        %swap3A_189 = arith.index_cast %scan3A_94 : i32 to index
        %swap3A_190 = arith.constant 80 : index
        %swap3A_191 = tpu.vector_load %arg10[%swap3A_189, %swap3A_190] {strides = array<i32>} : memref<128x128xf32, #tpu.memory_space<vmem>>, vector<1x16xf32>,
        %swap3A_192 = vector.shape_cast %swap3A_191 : vector<1x16xf32> to vector<16xf32>
        %swap3A_193 = vector.shape_cast %max3A_188 : vector<16xf32> to vector<1x16xf32>
        tpu.vector_store %arg10[%swap3A_189, %swap3A_190], %swap3A_193 {strides = array<i32>} : memref<128x128xf32, #tpu.memory_space<vmem>>, vector<1x16xf32>,
        %get3A_194 = arith.index_cast %scan3A_94 : i32 to index
        %get3A_195 = arith.constant 96 : index
        %get3A_196 = tpu.vector_load %arg10[%get3A_194, %get3A_195] {strides = array<i32>} : memref<128x128xf32, #tpu.memory_space<vmem>>, vector<1x16xf32>,
        %get3A_197 = vector.shape_cast %get3A_196 : vector<1x16xf32> to vector<16xf32>
        %get3A_198 = arith.index_cast %scan3A_94 : i32 to index
        %get3A_199 = arith.constant 96 : index
        %get3A_200 = tpu.vector_load %arg9[%get3A_198, %get3A_199] {strides = array<i32>} : memref<128x128xf32, #tpu.memory_space<vmem>>, vector<1x16xf32>,
        %get3A_201 = vector.shape_cast %get3A_200 : vector<1x16xf32> to vector<16xf32>
        %add3A_202 = arith.addf %get3A_197, %get3A_201 : vector<16xf32>
        %max3A_203 = arith.constant 0.000000e+00 : f32
        %max3A_204 = vector.broadcast %max3A_203 : f32 to vector<16xf32>
        %max3A_205 = arith.maximumf %add3A_202, %max3A_204 : vector<16xf32>
        %swap3A_206 = arith.index_cast %scan3A_94 : i32 to index
        %swap3A_207 = arith.constant 96 : index
        %swap3A_208 = tpu.vector_load %arg10[%swap3A_206, %swap3A_207] {strides = array<i32>} : memref<128x128xf32, #tpu.memory_space<vmem>>, vector<1x16xf32>,
        %swap3A_209 = vector.shape_cast %swap3A_208 : vector<1x16xf32> to vector<16xf32>
        %swap3A_210 = vector.shape_cast %max3A_205 : vector<16xf32> to vector<1x16xf32>
        tpu.vector_store %arg10[%swap3A_206, %swap3A_207], %swap3A_210 {strides = array<i32>} : memref<128x128xf32, #tpu.memory_space<vmem>>, vector<1x16xf32>,
        %get3A_211 = arith.index_cast %scan3A_94 : i32 to index
        %get3A_212 = arith.constant 112 : index
        %get3A_213 = tpu.vector_load %arg10[%get3A_211, %get3A_212] {strides = array<i32>} : memref<128x128xf32, #tpu.memory_space<vmem>>, vector<1x16xf32>,
        %get3A_214 = vector.shape_cast %get3A_213 : vector<1x16xf32> to vector<16xf32>
        %get3A_215 = arith.index_cast %scan3A_94 : i32 to index
        %get3A_216 = arith.constant 112 : index
        %get3A_217 = tpu.vector_load %arg9[%get3A_215, %get3A_216] {strides = array<i32>} : memref<128x128xf32, #tpu.memory_space<vmem>>, vector<1x16xf32>,
        %get3A_218 = vector.shape_cast %get3A_217 : vector<1x16xf32> to vector<16xf32>
        %add3A_219 = arith.addf %get3A_214, %get3A_218 : vector<16xf32>
        %max3A_220 = arith.constant 0.000000e+00 : f32
        %max3A_221 = vector.broadcast %max3A_220 : f32 to vector<16xf32>
        %max3A_222 = arith.maximumf %add3A_219, %max3A_221 : vector<16xf32>
        %swap3A_223 = arith.index_cast %scan3A_94 : i32 to index
        %swap3A_224 = arith.constant 112 : index
        %swap3A_225 = tpu.vector_load %arg10[%swap3A_223, %swap3A_224] {strides = array<i32>} : memref<128x128xf32, #tpu.memory_space<vmem>>, vector<1x16xf32>,
        %swap3A_226 = vector.shape_cast %swap3A_225 : vector<1x16xf32> to vector<16xf32>
        %swap3A_227 = vector.shape_cast %max3A_222 : vector<16xf32> to vector<1x16xf32>
        tpu.vector_store %arg10[%swap3A_223, %swap3A_224], %swap3A_227 {strides = array<i32>} : memref<128x128xf32, #tpu.memory_space<vmem>>, vector<1x16xf32>,
      }
      %scan3A_93 = arith.constant 128 : i32
      "tpu.region"() ({
        %run_scoped3A = tpu.sem_alloc : memref<!tpu.dma_semaphore, #tpu.memory_space<semaphore_mem>>
        %dma_start3A_94 = arith.constant 0 : i32
        %dma_start3A_95 = arith.constant 0 : i32
        %dma_start3A_96 = tpu.memref_slice %arg12[%dma_start3A_94, %dma_start3A_95] : memref<10000x128xf32, #tpu.memory_space<vmem_shared>> -> memref<10000x128xf32, #tpu.memory_space<vmem_shared>>
        tpu.enqueue_indirect_dma source(%arg10 : memref<128x128xf32, #tpu.memory_space<vmem>>) target(%dma_start3A_96 : memref<10000x128xf32, #tpu.memory_space<vmem_shared>>) offsets(%arg8 : memref<128xi32, #tpu.memory_space<vmem>>) semaphore(%run_scoped3A : memref<!tpu.dma_semaphore, #tpu.memory_space<semaphore_mem>>) {add = true}
        %dma_wait3A_97 = arith.constant 0 : i32
        %dma_wait3A_98 = arith.constant 0 : i32
        %dma_wait3A_99 = tpu.memref_slice %arg12[%dma_wait3A_97, %dma_wait3A_98] : memref<10000x128xf32, #tpu.memory_space<vmem_shared>> -> memref<10000x128xf32, #tpu.memory_space<vmem_shared>>
        tpu.wait_indirect_dma semaphore(%run_scoped3A : memref<!tpu.dma_semaphore, #tpu.memory_space<semaphore_mem>>) src(%arg10 : memref<128x128xf32, #tpu.memory_space<vmem>>) dst(%dma_wait3A_99 : memref<10000x128xf32, #tpu.memory_space<vmem_shared>>)
        tpu.yield
      }) : () -> ()
    }
    %while3A_59 = arith.constant 1 : i32
    scf.for %while3A_70 = %while3A_57 to %while3A_53 step %while3A_59  : i32 {
      %mul3A_71 = arith.constant 32 : i32
      %mul3A_72 = arith.muli %while3A_70, %mul3A_71 : i32
      %add3A_73 = arith.addi %add3A, %mul3A_72 : i32
      %mul3A_74 = arith.constant 128 : i32
      %mul3A_75 = arith.muli %add3A_73, %mul3A_74 : i32
      "tpu.region"() ({
        %run_scoped3A = tpu.sem_alloc : memref<!tpu.dma_semaphore, #tpu.memory_space<semaphore_mem>>
        %dma_start3A_94 = tpu.memref_slice %arg4[%mul3A_75] : memref<320000xi32, #tpu.memory_space<hbm>> -> memref<128xi32, #tpu.memory_space<hbm>>
        %dma_start3A_95 = tpu.memref_slice %arg4[%mul3A_75] : memref<320000xi32, #tpu.memory_space<hbm>> -> memref<128xi32, #tpu.memory_space<hbm>>
        tpu.enqueue_dma source(%dma_start3A_95 : memref<128xi32, #tpu.memory_space<hbm>>) target(%arg7 : memref<128xi32, #tpu.memory_space<vmem>>) target_semaphore(%run_scoped3A : memref<!tpu.dma_semaphore, #tpu.memory_space<semaphore_mem>>)
        %dma_wait3A_96 = tpu.memref_slice %arg4[%mul3A_75] : memref<320000xi32, #tpu.memory_space<hbm>> -> memref<128xi32, #tpu.memory_space<hbm>>
        %dma_wait3A_97 = tpu.memref_slice %arg4[%mul3A_75] : memref<320000xi32, #tpu.memory_space<hbm>> -> memref<128xi32, #tpu.memory_space<hbm>>
        tpu.wait_dma2 semaphore(%run_scoped3A : memref<!tpu.dma_semaphore, #tpu.memory_space<semaphore_mem>>) src(%dma_wait3A_97 : memref<128xi32, #tpu.memory_space<hbm>>) dst(%arg7 : memref<128xi32, #tpu.memory_space<vmem>>)
        tpu.yield
      }) : () -> ()
      "tpu.region"() ({
        %run_scoped3A = tpu.sem_alloc : memref<!tpu.dma_semaphore, #tpu.memory_space<semaphore_mem>>
        %dma_start3A_94 = tpu.memref_slice %arg5[%mul3A_75] : memref<320000xi32, #tpu.memory_space<hbm>> -> memref<128xi32, #tpu.memory_space<hbm>>
        %dma_start3A_95 = tpu.memref_slice %arg5[%mul3A_75] : memref<320000xi32, #tpu.memory_space<hbm>> -> memref<128xi32, #tpu.memory_space<hbm>>
        tpu.enqueue_dma source(%dma_start3A_95 : memref<128xi32, #tpu.memory_space<hbm>>) target(%arg8 : memref<128xi32, #tpu.memory_space<vmem>>) target_semaphore(%run_scoped3A : memref<!tpu.dma_semaphore, #tpu.memory_space<semaphore_mem>>)
        %dma_wait3A_96 = tpu.memref_slice %arg5[%mul3A_75] : memref<320000xi32, #tpu.memory_space<hbm>> -> memref<128xi32, #tpu.memory_space<hbm>>
        %dma_wait3A_97 = tpu.memref_slice %arg5[%mul3A_75] : memref<320000xi32, #tpu.memory_space<hbm>> -> memref<128xi32, #tpu.memory_space<hbm>>
        tpu.wait_dma2 semaphore(%run_scoped3A : memref<!tpu.dma_semaphore, #tpu.memory_space<semaphore_mem>>) src(%dma_wait3A_97 : memref<128xi32, #tpu.memory_space<hbm>>) dst(%arg8 : memref<128xi32, #tpu.memory_space<vmem>>)
        tpu.yield
      }) : () -> ()
      %dma_start3A = arith.constant 0 : i32
      %dma_start3A_76 = tpu.memref_slice %arg3[%mul3A_75, %dma_start3A] : memref<320000x128xf32, #tpu.memory_space<hbm>> -> memref<128x128xf32, #tpu.memory_space<hbm>>
      %dma_start3A_77 = arith.constant 0 : i32
      %dma_start3A_78 = tpu.memref_slice %arg3[%mul3A_75, %dma_start3A_77] : memref<320000x128xf32, #tpu.memory_space<hbm>> -> memref<128x128xf32, #tpu.memory_space<hbm>>
      tpu.enqueue_dma source(%dma_start3A_78 : memref<128x128xf32, #tpu.memory_space<hbm>>) target(%arg9 : memref<128x128xf32, #tpu.memory_space<vmem>>) target_semaphore(%arg13 : memref<!tpu.dma_semaphore, #tpu.memory_space<semaphore_mem>>)
      %dma_start3A_79 = arith.constant 0 : i32
      %dma_start3A_80 = arith.constant 0 : i32
      %dma_start3A_81 = tpu.memref_slice %arg2[%dma_start3A_79, %dma_start3A_80] : memref<10000x128xf32, #tpu.memory_space<hbm>> -> memref<10000x128xf32, #tpu.memory_space<hbm>>
      tpu.enqueue_indirect_dma source(%dma_start3A_81 : memref<10000x128xf32, #tpu.memory_space<hbm>>) target(%arg10 : memref<128x128xf32, #tpu.memory_space<vmem>>) offsets(%arg7 : memref<128xi32, #tpu.memory_space<vmem>>) semaphore(%arg14 : memref<!tpu.dma_semaphore, #tpu.memory_space<semaphore_mem>>)
      %dma_wait3A = arith.constant 0 : i32
      %dma_wait3A_82 = tpu.memref_slice %arg3[%mul3A_75, %dma_wait3A] : memref<320000x128xf32, #tpu.memory_space<hbm>> -> memref<128x128xf32, #tpu.memory_space<hbm>>
      %dma_wait3A_83 = arith.constant 0 : i32
      %dma_wait3A_84 = tpu.memref_slice %arg3[%mul3A_75, %dma_wait3A_83] : memref<320000x128xf32, #tpu.memory_space<hbm>> -> memref<128x128xf32, #tpu.memory_space<hbm>>
      tpu.wait_dma2 semaphore(%arg13 : memref<!tpu.dma_semaphore, #tpu.memory_space<semaphore_mem>>) src(%dma_wait3A_84 : memref<128x128xf32, #tpu.memory_space<hbm>>) dst(%arg9 : memref<128x128xf32, #tpu.memory_space<vmem>>)
      %dma_wait3A_85 = arith.constant 0 : i32
      %dma_wait3A_86 = arith.constant 0 : i32
      %dma_wait3A_87 = tpu.memref_slice %arg2[%dma_wait3A_85, %dma_wait3A_86] : memref<10000x128xf32, #tpu.memory_space<hbm>> -> memref<10000x128xf32, #tpu.memory_space<hbm>>
      tpu.wait_indirect_dma semaphore(%arg14 : memref<!tpu.dma_semaphore, #tpu.memory_space<semaphore_mem>>) src(%dma_wait3A_87 : memref<10000x128xf32, #tpu.memory_space<hbm>>) dst(%arg10 : memref<128x128xf32, #tpu.memory_space<vmem>>)
      %scan3A_88 = arith.constant 0 : i32
      %scan3A_89 = arith.constant 0 : i32
      %scan3A_90 = arith.constant 128 : i32
      %scan3A_91 = arith.addi %scan3A_89, %scan3A_90 : i32
      %scan3A_92 = arith.constant 1 : i32
      scf.for %scan3A_94 = %scan3A_89 to %scan3A_91 step %scan3A_92  : i32 {
        %get3A = arith.index_cast %scan3A_94 : i32 to index
        %get3A_95 = arith.constant 0 : index
        %get3A_96 = tpu.vector_load %arg10[%get3A, %get3A_95] {strides = array<i32>} : memref<128x128xf32, #tpu.memory_space<vmem>>, vector<1x16xf32>,
        %get3A_97 = vector.shape_cast %get3A_96 : vector<1x16xf32> to vector<16xf32>
        %get3A_98 = arith.index_cast %scan3A_94 : i32 to index
        %get3A_99 = arith.constant 0 : index
        %get3A_100 = tpu.vector_load %arg9[%get3A_98, %get3A_99] {strides = array<i32>} : memref<128x128xf32, #tpu.memory_space<vmem>>, vector<1x16xf32>,
        %get3A_101 = vector.shape_cast %get3A_100 : vector<1x16xf32> to vector<16xf32>
        %add3A_102 = arith.addf %get3A_97, %get3A_101 : vector<16xf32>
        %max3A = arith.constant 0.000000e+00 : f32
        %max3A_103 = vector.broadcast %max3A : f32 to vector<16xf32>
        %max3A_104 = arith.maximumf %add3A_102, %max3A_103 : vector<16xf32>
        %swap3A = arith.index_cast %scan3A_94 : i32 to index
        %swap3A_105 = arith.constant 0 : index
        %swap3A_106 = tpu.vector_load %arg10[%swap3A, %swap3A_105] {strides = array<i32>} : memref<128x128xf32, #tpu.memory_space<vmem>>, vector<1x16xf32>,
        %swap3A_107 = vector.shape_cast %swap3A_106 : vector<1x16xf32> to vector<16xf32>
        %swap3A_108 = vector.shape_cast %max3A_104 : vector<16xf32> to vector<1x16xf32>
        tpu.vector_store %arg10[%swap3A, %swap3A_105], %swap3A_108 {strides = array<i32>} : memref<128x128xf32, #tpu.memory_space<vmem>>, vector<1x16xf32>,
        %get3A_109 = arith.index_cast %scan3A_94 : i32 to index
        %get3A_110 = arith.constant 16 : index
        %get3A_111 = tpu.vector_load %arg10[%get3A_109, %get3A_110] {strides = array<i32>} : memref<128x128xf32, #tpu.memory_space<vmem>>, vector<1x16xf32>,
        %get3A_112 = vector.shape_cast %get3A_111 : vector<1x16xf32> to vector<16xf32>
        %get3A_113 = arith.index_cast %scan3A_94 : i32 to index
        %get3A_114 = arith.constant 16 : index
        %get3A_115 = tpu.vector_load %arg9[%get3A_113, %get3A_114] {strides = array<i32>} : memref<128x128xf32, #tpu.memory_space<vmem>>, vector<1x16xf32>,
        %get3A_116 = vector.shape_cast %get3A_115 : vector<1x16xf32> to vector<16xf32>
        %add3A_117 = arith.addf %get3A_112, %get3A_116 : vector<16xf32>
        %max3A_118 = arith.constant 0.000000e+00 : f32
        %max3A_119 = vector.broadcast %max3A_118 : f32 to vector<16xf32>
        %max3A_120 = arith.maximumf %add3A_117, %max3A_119 : vector<16xf32>
        %swap3A_121 = arith.index_cast %scan3A_94 : i32 to index
        %swap3A_122 = arith.constant 16 : index
        %swap3A_123 = tpu.vector_load %arg10[%swap3A_121, %swap3A_122] {strides = array<i32>} : memref<128x128xf32, #tpu.memory_space<vmem>>, vector<1x16xf32>,
        %swap3A_124 = vector.shape_cast %swap3A_123 : vector<1x16xf32> to vector<16xf32>
        %swap3A_125 = vector.shape_cast %max3A_120 : vector<16xf32> to vector<1x16xf32>
        tpu.vector_store %arg10[%swap3A_121, %swap3A_122], %swap3A_125 {strides = array<i32>} : memref<128x128xf32, #tpu.memory_space<vmem>>, vector<1x16xf32>,
        %get3A_126 = arith.index_cast %scan3A_94 : i32 to index
        %get3A_127 = arith.constant 32 : index
        %get3A_128 = tpu.vector_load %arg10[%get3A_126, %get3A_127] {strides = array<i32>} : memref<128x128xf32, #tpu.memory_space<vmem>>, vector<1x16xf32>,
        %get3A_129 = vector.shape_cast %get3A_128 : vector<1x16xf32> to vector<16xf32>
        %get3A_130 = arith.index_cast %scan3A_94 : i32 to index
        %get3A_131 = arith.constant 32 : index
        %get3A_132 = tpu.vector_load %arg9[%get3A_130, %get3A_131] {strides = array<i32>} : memref<128x128xf32, #tpu.memory_space<vmem>>, vector<1x16xf32>,
        %get3A_133 = vector.shape_cast %get3A_132 : vector<1x16xf32> to vector<16xf32>
        %add3A_134 = arith.addf %get3A_129, %get3A_133 : vector<16xf32>
        %max3A_135 = arith.constant 0.000000e+00 : f32
        %max3A_136 = vector.broadcast %max3A_135 : f32 to vector<16xf32>
        %max3A_137 = arith.maximumf %add3A_134, %max3A_136 : vector<16xf32>
        %swap3A_138 = arith.index_cast %scan3A_94 : i32 to index
        %swap3A_139 = arith.constant 32 : index
        %swap3A_140 = tpu.vector_load %arg10[%swap3A_138, %swap3A_139] {strides = array<i32>} : memref<128x128xf32, #tpu.memory_space<vmem>>, vector<1x16xf32>,
        %swap3A_141 = vector.shape_cast %swap3A_140 : vector<1x16xf32> to vector<16xf32>
        %swap3A_142 = vector.shape_cast %max3A_137 : vector<16xf32> to vector<1x16xf32>
        tpu.vector_store %arg10[%swap3A_138, %swap3A_139], %swap3A_142 {strides = array<i32>} : memref<128x128xf32, #tpu.memory_space<vmem>>, vector<1x16xf32>,
        %get3A_143 = arith.index_cast %scan3A_94 : i32 to index
        %get3A_144 = arith.constant 48 : index
        %get3A_145 = tpu.vector_load %arg10[%get3A_143, %get3A_144] {strides = array<i32>} : memref<128x128xf32, #tpu.memory_space<vmem>>, vector<1x16xf32>,
        %get3A_146 = vector.shape_cast %get3A_145 : vector<1x16xf32> to vector<16xf32>
        %get3A_147 = arith.index_cast %scan3A_94 : i32 to index
        %get3A_148 = arith.constant 48 : index
        %get3A_149 = tpu.vector_load %arg9[%get3A_147, %get3A_148] {strides = array<i32>} : memref<128x128xf32, #tpu.memory_space<vmem>>, vector<1x16xf32>,
        %get3A_150 = vector.shape_cast %get3A_149 : vector<1x16xf32> to vector<16xf32>
        %add3A_151 = arith.addf %get3A_146, %get3A_150 : vector<16xf32>
        %max3A_152 = arith.constant 0.000000e+00 : f32
        %max3A_153 = vector.broadcast %max3A_152 : f32 to vector<16xf32>
        %max3A_154 = arith.maximumf %add3A_151, %max3A_153 : vector<16xf32>
        %swap3A_155 = arith.index_cast %scan3A_94 : i32 to index
        %swap3A_156 = arith.constant 48 : index
        %swap3A_157 = tpu.vector_load %arg10[%swap3A_155, %swap3A_156] {strides = array<i32>} : memref<128x128xf32, #tpu.memory_space<vmem>>, vector<1x16xf32>,
        %swap3A_158 = vector.shape_cast %swap3A_157 : vector<1x16xf32> to vector<16xf32>
        %swap3A_159 = vector.shape_cast %max3A_154 : vector<16xf32> to vector<1x16xf32>
        tpu.vector_store %arg10[%swap3A_155, %swap3A_156], %swap3A_159 {strides = array<i32>} : memref<128x128xf32, #tpu.memory_space<vmem>>, vector<1x16xf32>,
        %get3A_160 = arith.index_cast %scan3A_94 : i32 to index
        %get3A_161 = arith.constant 64 : index
        %get3A_162 = tpu.vector_load %arg10[%get3A_160, %get3A_161] {strides = array<i32>} : memref<128x128xf32, #tpu.memory_space<vmem>>, vector<1x16xf32>,
        %get3A_163 = vector.shape_cast %get3A_162 : vector<1x16xf32> to vector<16xf32>
        %get3A_164 = arith.index_cast %scan3A_94 : i32 to index
        %get3A_165 = arith.constant 64 : index
        %get3A_166 = tpu.vector_load %arg9[%get3A_164, %get3A_165] {strides = array<i32>} : memref<128x128xf32, #tpu.memory_space<vmem>>, vector<1x16xf32>,
        %get3A_167 = vector.shape_cast %get3A_166 : vector<1x16xf32> to vector<16xf32>
        %add3A_168 = arith.addf %get3A_163, %get3A_167 : vector<16xf32>
        %max3A_169 = arith.constant 0.000000e+00 : f32
        %max3A_170 = vector.broadcast %max3A_169 : f32 to vector<16xf32>
        %max3A_171 = arith.maximumf %add3A_168, %max3A_170 : vector<16xf32>
        %swap3A_172 = arith.index_cast %scan3A_94 : i32 to index
        %swap3A_173 = arith.constant 64 : index
        %swap3A_174 = tpu.vector_load %arg10[%swap3A_172, %swap3A_173] {strides = array<i32>} : memref<128x128xf32, #tpu.memory_space<vmem>>, vector<1x16xf32>,
        %swap3A_175 = vector.shape_cast %swap3A_174 : vector<1x16xf32> to vector<16xf32>
        %swap3A_176 = vector.shape_cast %max3A_171 : vector<16xf32> to vector<1x16xf32>
        tpu.vector_store %arg10[%swap3A_172, %swap3A_173], %swap3A_176 {strides = array<i32>} : memref<128x128xf32, #tpu.memory_space<vmem>>, vector<1x16xf32>,
        %get3A_177 = arith.index_cast %scan3A_94 : i32 to index
        %get3A_178 = arith.constant 80 : index
        %get3A_179 = tpu.vector_load %arg10[%get3A_177, %get3A_178] {strides = array<i32>} : memref<128x128xf32, #tpu.memory_space<vmem>>, vector<1x16xf32>,
        %get3A_180 = vector.shape_cast %get3A_179 : vector<1x16xf32> to vector<16xf32>
        %get3A_181 = arith.index_cast %scan3A_94 : i32 to index
        %get3A_182 = arith.constant 80 : index
        %get3A_183 = tpu.vector_load %arg9[%get3A_181, %get3A_182] {strides = array<i32>} : memref<128x128xf32, #tpu.memory_space<vmem>>, vector<1x16xf32>,
        %get3A_184 = vector.shape_cast %get3A_183 : vector<1x16xf32> to vector<16xf32>
        %add3A_185 = arith.addf %get3A_180, %get3A_184 : vector<16xf32>
        %max3A_186 = arith.constant 0.000000e+00 : f32
        %max3A_187 = vector.broadcast %max3A_186 : f32 to vector<16xf32>
        %max3A_188 = arith.maximumf %add3A_185, %max3A_187 : vector<16xf32>
        %swap3A_189 = arith.index_cast %scan3A_94 : i32 to index
        %swap3A_190 = arith.constant 80 : index
        %swap3A_191 = tpu.vector_load %arg10[%swap3A_189, %swap3A_190] {strides = array<i32>} : memref<128x128xf32, #tpu.memory_space<vmem>>, vector<1x16xf32>,
        %swap3A_192 = vector.shape_cast %swap3A_191 : vector<1x16xf32> to vector<16xf32>
        %swap3A_193 = vector.shape_cast %max3A_188 : vector<16xf32> to vector<1x16xf32>
        tpu.vector_store %arg10[%swap3A_189, %swap3A_190], %swap3A_193 {strides = array<i32>} : memref<128x128xf32, #tpu.memory_space<vmem>>, vector<1x16xf32>,
        %get3A_194 = arith.index_cast %scan3A_94 : i32 to index
        %get3A_195 = arith.constant 96 : index
        %get3A_196 = tpu.vector_load %arg10[%get3A_194, %get3A_195] {strides = array<i32>} : memref<128x128xf32, #tpu.memory_space<vmem>>, vector<1x16xf32>,
        %get3A_197 = vector.shape_cast %get3A_196 : vector<1x16xf32> to vector<16xf32>
        %get3A_198 = arith.index_cast %scan3A_94 : i32 to index
        %get3A_199 = arith.constant 96 : index
        %get3A_200 = tpu.vector_load %arg9[%get3A_198, %get3A_199] {strides = array<i32>} : memref<128x128xf32, #tpu.memory_space<vmem>>, vector<1x16xf32>,
        %get3A_201 = vector.shape_cast %get3A_200 : vector<1x16xf32> to vector<16xf32>
        %add3A_202 = arith.addf %get3A_197, %get3A_201 : vector<16xf32>
        %max3A_203 = arith.constant 0.000000e+00 : f32
        %max3A_204 = vector.broadcast %max3A_203 : f32 to vector<16xf32>
        %max3A_205 = arith.maximumf %add3A_202, %max3A_204 : vector<16xf32>
        %swap3A_206 = arith.index_cast %scan3A_94 : i32 to index
        %swap3A_207 = arith.constant 96 : index
        %swap3A_208 = tpu.vector_load %arg10[%swap3A_206, %swap3A_207] {strides = array<i32>} : memref<128x128xf32, #tpu.memory_space<vmem>>, vector<1x16xf32>,
        %swap3A_209 = vector.shape_cast %swap3A_208 : vector<1x16xf32> to vector<16xf32>
        %swap3A_210 = vector.shape_cast %max3A_205 : vector<16xf32> to vector<1x16xf32>
        tpu.vector_store %arg10[%swap3A_206, %swap3A_207], %swap3A_210 {strides = array<i32>} : memref<128x128xf32, #tpu.memory_space<vmem>>, vector<1x16xf32>,
        %get3A_211 = arith.index_cast %scan3A_94 : i32 to index
        %get3A_212 = arith.constant 112 : index
        %get3A_213 = tpu.vector_load %arg10[%get3A_211, %get3A_212] {strides = array<i32>} : memref<128x128xf32, #tpu.memory_space<vmem>>, vector<1x16xf32>,
        %get3A_214 = vector.shape_cast %get3A_213 : vector<1x16xf32> to vector<16xf32>
        %get3A_215 = arith.index_cast %scan3A_94 : i32 to index
        %get3A_216 = arith.constant 112 : index
        %get3A_217 = tpu.vector_load %arg9[%get3A_215, %get3A_216] {strides = array<i32>} : memref<128x128xf32, #tpu.memory_space<vmem>>, vector<1x16xf32>,
        %get3A_218 = vector.shape_cast %get3A_217 : vector<1x16xf32> to vector<16xf32>
        %add3A_219 = arith.addf %get3A_214, %get3A_218 : vector<16xf32>
        %max3A_220 = arith.constant 0.000000e+00 : f32
        %max3A_221 = vector.broadcast %max3A_220 : f32 to vector<16xf32>
        %max3A_222 = arith.maximumf %add3A_219, %max3A_221 : vector<16xf32>
        %swap3A_223 = arith.index_cast %scan3A_94 : i32 to index
        %swap3A_224 = arith.constant 112 : index
        %swap3A_225 = tpu.vector_load %arg10[%swap3A_223, %swap3A_224] {strides = array<i32>} : memref<128x128xf32, #tpu.memory_space<vmem>>, vector<1x16xf32>,
        %swap3A_226 = vector.shape_cast %swap3A_225 : vector<1x16xf32> to vector<16xf32>
        %swap3A_227 = vector.shape_cast %max3A_222 : vector<16xf32> to vector<1x16xf32>
        tpu.vector_store %arg10[%swap3A_223, %swap3A_224], %swap3A_227 {strides = array<i32>} : memref<128x128xf32, #tpu.memory_space<vmem>>, vector<1x16xf32>,
      }
      %scan3A_93 = arith.constant 128 : i32
      "tpu.region"() ({
        %run_scoped3A = tpu.sem_alloc : memref<!tpu.dma_semaphore, #tpu.memory_space<semaphore_mem>>
        %dma_start3A_94 = arith.constant 0 : i32
        %dma_start3A_95 = arith.constant 0 : i32
        %dma_start3A_96 = tpu.memref_slice %arg12[%dma_start3A_94, %dma_start3A_95] : memref<10000x128xf32, #tpu.memory_space<vmem_shared>> -> memref<10000x128xf32, #tpu.memory_space<vmem_shared>>
        tpu.enqueue_indirect_dma source(%arg10 : memref<128x128xf32, #tpu.memory_space<vmem>>) target(%dma_start3A_96 : memref<10000x128xf32, #tpu.memory_space<vmem_shared>>) offsets(%arg8 : memref<128xi32, #tpu.memory_space<vmem>>) semaphore(%run_scoped3A : memref<!tpu.dma_semaphore, #tpu.memory_space<semaphore_mem>>) {add = true}
        %dma_wait3A_97 = arith.constant 0 : i32
        %dma_wait3A_98 = arith.constant 0 : i32
        %dma_wait3A_99 = tpu.memref_slice %arg12[%dma_wait3A_97, %dma_wait3A_98] : memref<10000x128xf32, #tpu.memory_space<vmem_shared>> -> memref<10000x128xf32, #tpu.memory_space<vmem_shared>>
        tpu.wait_indirect_dma semaphore(%run_scoped3A : memref<!tpu.dma_semaphore, #tpu.memory_space<semaphore_mem>>) src(%arg10 : memref<128x128xf32, #tpu.memory_space<vmem>>) dst(%dma_wait3A_99 : memref<10000x128xf32, #tpu.memory_space<vmem_shared>>)
        tpu.yield
      }) : () -> ()
    }
    %barrier3A_60 = arith.constant 0 : index
    tpu.barrier barrier_id(%barrier3A_60)
    %mul3A_61 = arith.constant 624 : i32
    %mul3A_62 = arith.muli %arg1, %mul3A_61 : i32
    %mul3A_63 = arith.constant 624 : i32
    %mul3A_64 = arith.muli %arg1, %mul3A_63 : i32
    "tpu.region"() ({
      %run_scoped3A = tpu.sem_alloc : memref<!tpu.dma_semaphore, #tpu.memory_space<semaphore_mem>>
      %dma_start3A = arith.constant 0 : i32
      %dma_start3A_70 = tpu.memref_slice %arg6[%arg0, %mul3A_64, %dma_start3A] : memref<2x10000x128xf32, #tpu.memory_space<hbm>> -> memref<1x624x128xf32, #tpu.memory_space<hbm>>
      %dma_start3A_71 = tpu.memref_squeeze %dma_start3A_70 : memref<1x624x128xf32, #tpu.memory_space<hbm>> -> memref<624x128xf32, #tpu.memory_space<hbm>>
      %dma_start3A_72 = arith.constant 0 : i32
      %dma_start3A_73 = tpu.memref_slice %arg12[%mul3A_62, %dma_start3A_72] : memref<10000x128xf32, #tpu.memory_space<vmem_shared>> -> memref<624x128xf32, #tpu.memory_space<vmem_shared>>
      tpu.enqueue_dma source(%dma_start3A_73 : memref<624x128xf32, #tpu.memory_space<vmem_shared>>) target(%dma_start3A_71 : memref<624x128xf32, #tpu.memory_space<hbm>>) target_semaphore(%run_scoped3A : memref<!tpu.dma_semaphore, #tpu.memory_space<semaphore_mem>>)
      %dma_wait3A = arith.constant 0 : i32
      %dma_wait3A_74 = tpu.memref_slice %arg6[%arg0, %mul3A_64, %dma_wait3A] : memref<2x10000x128xf32, #tpu.memory_space<hbm>> -> memref<1x624x128xf32, #tpu.memory_space<hbm>>
      %dma_wait3A_75 = tpu.memref_squeeze %dma_wait3A_74 : memref<1x624x128xf32, #tpu.memory_space<hbm>> -> memref<624x128xf32, #tpu.memory_space<hbm>>
      %dma_wait3A_76 = arith.constant 0 : i32
      %dma_wait3A_77 = tpu.memref_slice %arg12[%mul3A_62, %dma_wait3A_76] : memref<10000x128xf32, #tpu.memory_space<vmem_shared>> -> memref<624x128xf32, #tpu.memory_space<vmem_shared>>
      tpu.wait_dma2 semaphore(%run_scoped3A : memref<!tpu.dma_semaphore, #tpu.memory_space<semaphore_mem>>) src(%dma_wait3A_77 : memref<624x128xf32, #tpu.memory_space<vmem_shared>>) dst(%dma_wait3A_75 : memref<624x128xf32, #tpu.memory_space<hbm>>)
      tpu.yield
    }) : () -> ()
    %eq3A_65 = arith.constant 15 : i32
    %eq3A_66 = arith.cmpi eq, %arg1, %eq3A_65 : i32
    %convert_element_type3A_67 = arith.extui %eq3A_66 : i1 to i32
    %cond3A_68 = arith.constant 0 : i32
    %cond3A_69 = arith.cmpi ne, %convert_element_type3A_67, %cond3A_68 : i32
    scf.if %cond3A_69 {
      "tpu.region"() ({
        %run_scoped3A = tpu.sem_alloc : memref<!tpu.dma_semaphore, #tpu.memory_space<semaphore_mem>>
        %dma_start3A = arith.constant 9984 : i32
        %dma_start3A_70 = arith.constant 0 : i32
        %dma_start3A_71 = tpu.memref_slice %arg6[%arg0, %dma_start3A, %dma_start3A_70] : memref<2x10000x128xf32, #tpu.memory_space<hbm>> -> memref<1x16x128xf32, #tpu.memory_space<hbm>>
        %dma_start3A_72 = tpu.memref_squeeze %dma_start3A_71 : memref<1x16x128xf32, #tpu.memory_space<hbm>> -> memref<16x128xf32, #tpu.memory_space<hbm>>
        %dma_start3A_73 = arith.constant 9984 : i32
        %dma_start3A_74 = arith.constant 0 : i32
        %dma_start3A_75 = tpu.memref_slice %arg12[%dma_start3A_73, %dma_start3A_74] : memref<10000x128xf32, #tpu.memory_space<vmem_shared>> -> memref<16x128xf32, #tpu.memory_space<vmem_shared>>
        tpu.enqueue_dma source(%dma_start3A_75 : memref<16x128xf32, #tpu.memory_space<vmem_shared>>) target(%dma_start3A_72 : memref<16x128xf32, #tpu.memory_space<hbm>>) target_semaphore(%run_scoped3A : memref<!tpu.dma_semaphore, #tpu.memory_space<semaphore_mem>>)
        %dma_wait3A = arith.constant 9984 : i32
        %dma_wait3A_76 = arith.constant 0 : i32
        %dma_wait3A_77 = tpu.memref_slice %arg6[%arg0, %dma_wait3A, %dma_wait3A_76] : memref<2x10000x128xf32, #tpu.memory_space<hbm>> -> memref<1x16x128xf32, #tpu.memory_space<hbm>>
        %dma_wait3A_78 = tpu.memref_squeeze %dma_wait3A_77 : memref<1x16x128xf32, #tpu.memory_space<hbm>> -> memref<16x128xf32, #tpu.memory_space<hbm>>
        %dma_wait3A_79 = arith.constant 9984 : i32
        %dma_wait3A_80 = arith.constant 0 : i32
        %dma_wait3A_81 = tpu.memref_slice %arg12[%dma_wait3A_79, %dma_wait3A_80] : memref<10000x128xf32, #tpu.memory_space<vmem_shared>> -> memref<16x128xf32, #tpu.memory_space<vmem_shared>>
        tpu.wait_dma2 semaphore(%run_scoped3A : memref<!tpu.dma_semaphore, #tpu.memory_space<semaphore_mem>>) src(%dma_wait3A_81 : memref<16x128xf32, #tpu.memory_space<vmem_shared>>) dst(%dma_wait3A_78 : memref<16x128xf32, #tpu.memory_space<hbm>>)
        tpu.yield
      }) : () -> ()
    } else {
    }
    return
  }
}

#map = affine_map<(d0, d1) -> (0, 0)>
#map1 = affine_map<(d0, d1) -> (0)>
#map2 = affine_map<(d0, d1) -> (0, 0, 0)>
module attributes {stable_mosaic.version = 14 : i64} {
  func.func @_sc_body(%arg0: i32, %arg1: i32, %arg2: memref<10000x128xf32, #tpu.memory_space<hbm>>, %arg3: memref<320000x128xf32, #tpu.memory_space<hbm>>, %arg4: memref<320000xi32, #tpu.memory_space<hbm>>, %arg5: memref<320000xi32, #tpu.memory_space<hbm>>, %arg6: memref<2x10000x128xf32, #tpu.memory_space<hbm>>, %arg7: memref<128xi32, #tpu.memory_space<vmem>>, %arg8: memref<128xi32, #tpu.memory_space<vmem>>, %arg9: memref<128x128xf32, #tpu.memory_space<vmem>>, %arg10: memref<128x128xf32, #tpu.memory_space<vmem>>, %arg11: memref<128x128xf32, #tpu.memory_space<vmem>>, %arg12: memref<10000x128xf32, #tpu.memory_space<vmem_shared>>, %arg13: memref<!tpu.dma_semaphore, #tpu.memory_space<semaphore_mem>>, %arg14: memref<!tpu.dma_semaphore, #tpu.memory_space<semaphore_mem>>) attributes {dimension_semantics = [#tpu.dimension_semantics<core_parallel>, #tpu.dimension_semantics<subcore_parallel>], iteration_bounds = array<i64: 2, 16>, scalar_prefetch = 0 : i64, scratch_operands = 8 : i64, tpu.core_type = #tpu.core_type<sc_vector_subcore>, window_params = [{transform_indices = #map}, {transform_indices = #map}, {transform_indices = #map1}, {transform_indices = #map1}, {transform_indices = #map2}]} {
    %mul3A = arith.constant 2 : i32
    %mul3A_0 = arith.muli %arg1, %mul3A : i32
    %add3A = arith.addi %mul3A_0, %arg0 : i32
    %broadcast_in_dim3A = arith.constant 0.000000e+00 : f32
    %broadcast_in_dim3A_1 = vector.broadcast %broadcast_in_dim3A : f32 to vector<16xf32>
    %scan3A = arith.constant 0 : i32
    %scan3A_2 = arith.constant 0 : i32
    %scan3A_3 = arith.constant 128 : i32
    %scan3A_4 = arith.addi %scan3A_2, %scan3A_3 : i32
    %scan3A_5 = arith.constant 1 : i32
    scf.for %scan3A_70 = %scan3A_2 to %scan3A_4 step %scan3A_5  : i32 {
      %swap3A = arith.index_cast %scan3A_70 : i32 to index
      %swap3A_71 = arith.constant 0 : index
      %swap3A_72 = tpu.vector_load %arg11[%swap3A, %swap3A_71] {strides = array<i32>} : memref<128x128xf32, #tpu.memory_space<vmem>>, vector<1x16xf32>,
      %swap3A_73 = vector.shape_cast %swap3A_72 : vector<1x16xf32> to vector<16xf32>
      %swap3A_74 = vector.shape_cast %broadcast_in_dim3A_1 : vector<16xf32> to vector<1x16xf32>
      tpu.vector_store %arg11[%swap3A, %swap3A_71], %swap3A_74 {strides = array<i32>} : memref<128x128xf32, #tpu.memory_space<vmem>>, vector<1x16xf32>,
      %swap3A_75 = arith.index_cast %scan3A_70 : i32 to index
      %swap3A_76 = arith.constant 16 : index
      %swap3A_77 = tpu.vector_load %arg11[%swap3A_75, %swap3A_76] {strides = array<i32>} : memref<128x128xf32, #tpu.memory_space<vmem>>, vector<1x16xf32>,
      %swap3A_78 = vector.shape_cast %swap3A_77 : vector<1x16xf32> to vector<16xf32>
      %swap3A_79 = vector.shape_cast %broadcast_in_dim3A_1 : vector<16xf32> to vector<1x16xf32>
      tpu.vector_store %arg11[%swap3A_75, %swap3A_76], %swap3A_79 {strides = array<i32>} : memref<128x128xf32, #tpu.memory_space<vmem>>, vector<1x16xf32>,
      %swap3A_80 = arith.index_cast %scan3A_70 : i32 to index
      %swap3A_81 = arith.constant 32 : index
      %swap3A_82 = tpu.vector_load %arg11[%swap3A_80, %swap3A_81] {strides = array<i32>} : memref<128x128xf32, #tpu.memory_space<vmem>>, vector<1x16xf32>,
      %swap3A_83 = vector.shape_cast %swap3A_82 : vector<1x16xf32> to vector<16xf32>
      %swap3A_84 = vector.shape_cast %broadcast_in_dim3A_1 : vector<16xf32> to vector<1x16xf32>
      tpu.vector_store %arg11[%swap3A_80, %swap3A_81], %swap3A_84 {strides = array<i32>} : memref<128x128xf32, #tpu.memory_space<vmem>>, vector<1x16xf32>,
      %swap3A_85 = arith.index_cast %scan3A_70 : i32 to index
      %swap3A_86 = arith.constant 48 : index
      %swap3A_87 = tpu.vector_load %arg11[%swap3A_85, %swap3A_86] {strides = array<i32>} : memref<128x128xf32, #tpu.memory_space<vmem>>, vector<1x16xf32>,
      %swap3A_88 = vector.shape_cast %swap3A_87 : vector<1x16xf32> to vector<16xf32>
      %swap3A_89 = vector.shape_cast %broadcast_in_dim3A_1 : vector<16xf32> to vector<1x16xf32>
      tpu.vector_store %arg11[%swap3A_85, %swap3A_86], %swap3A_89 {strides = array<i32>} : memref<128x128xf32, #tpu.memory_space<vmem>>, vector<1x16xf32>,
      %swap3A_90 = arith.index_cast %scan3A_70 : i32 to index
      %swap3A_91 = arith.constant 64 : index
      %swap3A_92 = tpu.vector_load %arg11[%swap3A_90, %swap3A_91] {strides = array<i32>} : memref<128x128xf32, #tpu.memory_space<vmem>>, vector<1x16xf32>,
      %swap3A_93 = vector.shape_cast %swap3A_92 : vector<1x16xf32> to vector<16xf32>
      %swap3A_94 = vector.shape_cast %broadcast_in_dim3A_1 : vector<16xf32> to vector<1x16xf32>
      tpu.vector_store %arg11[%swap3A_90, %swap3A_91], %swap3A_94 {strides = array<i32>} : memref<128x128xf32, #tpu.memory_space<vmem>>, vector<1x16xf32>,
      %swap3A_95 = arith.index_cast %scan3A_70 : i32 to index
      %swap3A_96 = arith.constant 80 : index
      %swap3A_97 = tpu.vector_load %arg11[%swap3A_95, %swap3A_96] {strides = array<i32>} : memref<128x128xf32, #tpu.memory_space<vmem>>, vector<1x16xf32>,
      %swap3A_98 = vector.shape_cast %swap3A_97 : vector<1x16xf32> to vector<16xf32>
      %swap3A_99 = vector.shape_cast %broadcast_in_dim3A_1 : vector<16xf32> to vector<1x16xf32>
      tpu.vector_store %arg11[%swap3A_95, %swap3A_96], %swap3A_99 {strides = array<i32>} : memref<128x128xf32, #tpu.memory_space<vmem>>, vector<1x16xf32>,
      %swap3A_100 = arith.index_cast %scan3A_70 : i32 to index
      %swap3A_101 = arith.constant 96 : index
      %swap3A_102 = tpu.vector_load %arg11[%swap3A_100, %swap3A_101] {strides = array<i32>} : memref<128x128xf32, #tpu.memory_space<vmem>>, vector<1x16xf32>,
      %swap3A_103 = vector.shape_cast %swap3A_102 : vector<1x16xf32> to vector<16xf32>
      %swap3A_104 = vector.shape_cast %broadcast_in_dim3A_1 : vector<16xf32> to vector<1x16xf32>
      tpu.vector_store %arg11[%swap3A_100, %swap3A_101], %swap3A_104 {strides = array<i32>} : memref<128x128xf32, #tpu.memory_space<vmem>>, vector<1x16xf32>,
      %swap3A_105 = arith.index_cast %scan3A_70 : i32 to index
      %swap3A_106 = arith.constant 112 : index
      %swap3A_107 = tpu.vector_load %arg11[%swap3A_105, %swap3A_106] {strides = array<i32>} : memref<128x128xf32, #tpu.memory_space<vmem>>, vector<1x16xf32>,
      %swap3A_108 = vector.shape_cast %swap3A_107 : vector<1x16xf32> to vector<16xf32>
      %swap3A_109 = vector.shape_cast %broadcast_in_dim3A_1 : vector<16xf32> to vector<1x16xf32>
      tpu.vector_store %arg11[%swap3A_105, %swap3A_106], %swap3A_109 {strides = array<i32>} : memref<128x128xf32, #tpu.memory_space<vmem>>, vector<1x16xf32>,
    }
    %scan3A_6 = arith.constant 128 : i32
    %mul3A_7 = arith.constant 624 : i32
    %mul3A_8 = arith.muli %arg1, %mul3A_7 : i32
    %add3A_9 = arith.constant 0 : i32
    %add3A_10 = arith.addi %mul3A_8, %add3A_9 : i32
    "tpu.region"() ({
      %run_scoped3A = tpu.sem_alloc : memref<!tpu.dma_semaphore, #tpu.memory_space<semaphore_mem>>
      %dma_start3A = arith.constant 0 : i32
      %dma_start3A_70 = arith.constant 0 : i32
      %dma_start3A_71 = tpu.memref_slice %arg11[%dma_start3A, %dma_start3A_70] : memref<128x128xf32, #tpu.memory_space<vmem>> -> memref<128x128xf32, #tpu.memory_space<vmem>>
      %dma_start3A_72 = arith.constant 0 : i32
      %dma_start3A_73 = tpu.memref_slice %arg12[%add3A_10, %dma_start3A_72] : memref<10000x128xf32, #tpu.memory_space<vmem_shared>> -> memref<128x128xf32, #tpu.memory_space<vmem_shared>>
      %dma_start3A_74 = arith.constant 0 : i32
      %dma_start3A_75 = tpu.memref_slice %arg12[%add3A_10, %dma_start3A_74] : memref<10000x128xf32, #tpu.memory_space<vmem_shared>> -> memref<128x128xf32, #tpu.memory_space<vmem_shared>>
      %dma_start3A_76 = arith.constant 0 : i32
      %dma_start3A_77 = arith.constant 0 : i32
      %dma_start3A_78 = tpu.memref_slice %arg11[%dma_start3A_76, %dma_start3A_77] : memref<128x128xf32, #tpu.memory_space<vmem>> -> memref<128x128xf32, #tpu.memory_space<vmem>>
      tpu.enqueue_dma source(%dma_start3A_78 : memref<128x128xf32, #tpu.memory_space<vmem>>) target(%dma_start3A_75 : memref<128x128xf32, #tpu.memory_space<vmem_shared>>) target_semaphore(%run_scoped3A : memref<!tpu.dma_semaphore, #tpu.memory_space<semaphore_mem>>)
      %dma_wait3A = arith.constant 0 : i32
      %dma_wait3A_79 = arith.constant 0 : i32
      %dma_wait3A_80 = tpu.memref_slice %arg11[%dma_wait3A, %dma_wait3A_79] : memref<128x128xf32, #tpu.memory_space<vmem>> -> memref<128x128xf32, #tpu.memory_space<vmem>>
      %dma_wait3A_81 = arith.constant 0 : i32
      %dma_wait3A_82 = tpu.memref_slice %arg12[%add3A_10, %dma_wait3A_81] : memref<10000x128xf32, #tpu.memory_space<vmem_shared>> -> memref<128x128xf32, #tpu.memory_space<vmem_shared>>
      %dma_wait3A_83 = arith.constant 0 : i32
      %dma_wait3A_84 = tpu.memref_slice %arg12[%add3A_10, %dma_wait3A_83] : memref<10000x128xf32, #tpu.memory_space<vmem_shared>> -> memref<128x128xf32, #tpu.memory_space<vmem_shared>>
      %dma_wait3A_85 = arith.constant 0 : i32
      %dma_wait3A_86 = arith.constant 0 : i32
      %dma_wait3A_87 = tpu.memref_slice %arg11[%dma_wait3A_85, %dma_wait3A_86] : memref<128x128xf32, #tpu.memory_space<vmem>> -> memref<128x128xf32, #tpu.memory_space<vmem>>
      tpu.wait_dma2 semaphore(%run_scoped3A : memref<!tpu.dma_semaphore, #tpu.memory_space<semaphore_mem>>) src(%dma_wait3A_87 : memref<128x128xf32, #tpu.memory_space<vmem>>) dst(%dma_wait3A_84 : memref<128x128xf32, #tpu.memory_space<vmem_shared>>)
      tpu.yield
    }) : () -> ()
    %mul3A_11 = arith.constant 624 : i32
    %mul3A_12 = arith.muli %arg1, %mul3A_11 : i32
    %add3A_13 = arith.constant 128 : i32
    %add3A_14 = arith.addi %mul3A_12, %add3A_13 : i32
    "tpu.region"() ({
      %run_scoped3A = tpu.sem_alloc : memref<!tpu.dma_semaphore, #tpu.memory_space<semaphore_mem>>
      %dma_start3A = arith.constant 0 : i32
      %dma_start3A_70 = arith.constant 0 : i32
      %dma_start3A_71 = tpu.memref_slice %arg11[%dma_start3A, %dma_start3A_70] : memref<128x128xf32, #tpu.memory_space<vmem>> -> memref<128x128xf32, #tpu.memory_space<vmem>>
      %dma_start3A_72 = arith.constant 0 : i32
      %dma_start3A_73 = tpu.memref_slice %arg12[%add3A_14, %dma_start3A_72] : memref<10000x128xf32, #tpu.memory_space<vmem_shared>> -> memref<128x128xf32, #tpu.memory_space<vmem_shared>>
      %dma_start3A_74 = arith.constant 0 : i32
      %dma_start3A_75 = tpu.memref_slice %arg12[%add3A_14, %dma_start3A_74] : memref<10000x128xf32, #tpu.memory_space<vmem_shared>> -> memref<128x128xf32, #tpu.memory_space<vmem_shared>>
      %dma_start3A_76 = arith.constant 0 : i32
      %dma_start3A_77 = arith.constant 0 : i32
      %dma_start3A_78 = tpu.memref_slice %arg11[%dma_start3A_76, %dma_start3A_77] : memref<128x128xf32, #tpu.memory_space<vmem>> -> memref<128x128xf32, #tpu.memory_space<vmem>>
      tpu.enqueue_dma source(%dma_start3A_78 : memref<128x128xf32, #tpu.memory_space<vmem>>) target(%dma_start3A_75 : memref<128x128xf32, #tpu.memory_space<vmem_shared>>) target_semaphore(%run_scoped3A : memref<!tpu.dma_semaphore, #tpu.memory_space<semaphore_mem>>)
      %dma_wait3A = arith.constant 0 : i32
      %dma_wait3A_79 = arith.constant 0 : i32
      %dma_wait3A_80 = tpu.memref_slice %arg11[%dma_wait3A, %dma_wait3A_79] : memref<128x128xf32, #tpu.memory_space<vmem>> -> memref<128x128xf32, #tpu.memory_space<vmem>>
      %dma_wait3A_81 = arith.constant 0 : i32
      %dma_wait3A_82 = tpu.memref_slice %arg12[%add3A_14, %dma_wait3A_81] : memref<10000x128xf32, #tpu.memory_space<vmem_shared>> -> memref<128x128xf32, #tpu.memory_space<vmem_shared>>
      %dma_wait3A_83 = arith.constant 0 : i32
      %dma_wait3A_84 = tpu.memref_slice %arg12[%add3A_14, %dma_wait3A_83] : memref<10000x128xf32, #tpu.memory_space<vmem_shared>> -> memref<128x128xf32, #tpu.memory_space<vmem_shared>>
      %dma_wait3A_85 = arith.constant 0 : i32
      %dma_wait3A_86 = arith.constant 0 : i32
      %dma_wait3A_87 = tpu.memref_slice %arg11[%dma_wait3A_85, %dma_wait3A_86] : memref<128x128xf32, #tpu.memory_space<vmem>> -> memref<128x128xf32, #tpu.memory_space<vmem>>
      tpu.wait_dma2 semaphore(%run_scoped3A : memref<!tpu.dma_semaphore, #tpu.memory_space<semaphore_mem>>) src(%dma_wait3A_87 : memref<128x128xf32, #tpu.memory_space<vmem>>) dst(%dma_wait3A_84 : memref<128x128xf32, #tpu.memory_space<vmem_shared>>)
      tpu.yield
    }) : () -> ()
    %mul3A_15 = arith.constant 624 : i32
    %mul3A_16 = arith.muli %arg1, %mul3A_15 : i32
    %add3A_17 = arith.constant 256 : i32
    %add3A_18 = arith.addi %mul3A_16, %add3A_17 : i32
    "tpu.region"() ({
      %run_scoped3A = tpu.sem_alloc : memref<!tpu.dma_semaphore, #tpu.memory_space<semaphore_mem>>
      %dma_start3A = arith.constant 0 : i32
      %dma_start3A_70 = arith.constant 0 : i32
      %dma_start3A_71 = tpu.memref_slice %arg11[%dma_start3A, %dma_start3A_70] : memref<128x128xf32, #tpu.memory_space<vmem>> -> memref<128x128xf32, #tpu.memory_space<vmem>>
      %dma_start3A_72 = arith.constant 0 : i32
      %dma_start3A_73 = tpu.memref_slice %arg12[%add3A_18, %dma_start3A_72] : memref<10000x128xf32, #tpu.memory_space<vmem_shared>> -> memref<128x128xf32, #tpu.memory_space<vmem_shared>>
      %dma_start3A_74 = arith.constant 0 : i32
      %dma_start3A_75 = tpu.memref_slice %arg12[%add3A_18, %dma_start3A_74] : memref<10000x128xf32, #tpu.memory_space<vmem_shared>> -> memref<128x128xf32, #tpu.memory_space<vmem_shared>>
      %dma_start3A_76 = arith.constant 0 : i32
      %dma_start3A_77 = arith.constant 0 : i32
      %dma_start3A_78 = tpu.memref_slice %arg11[%dma_start3A_76, %dma_start3A_77] : memref<128x128xf32, #tpu.memory_space<vmem>> -> memref<128x128xf32, #tpu.memory_space<vmem>>
      tpu.enqueue_dma source(%dma_start3A_78 : memref<128x128xf32, #tpu.memory_space<vmem>>) target(%dma_start3A_75 : memref<128x128xf32, #tpu.memory_space<vmem_shared>>) target_semaphore(%run_scoped3A : memref<!tpu.dma_semaphore, #tpu.memory_space<semaphore_mem>>)
      %dma_wait3A = arith.constant 0 : i32
      %dma_wait3A_79 = arith.constant 0 : i32
      %dma_wait3A_80 = tpu.memref_slice %arg11[%dma_wait3A, %dma_wait3A_79] : memref<128x128xf32, #tpu.memory_space<vmem>> -> memref<128x128xf32, #tpu.memory_space<vmem>>
      %dma_wait3A_81 = arith.constant 0 : i32
      %dma_wait3A_82 = tpu.memref_slice %arg12[%add3A_18, %dma_wait3A_81] : memref<10000x128xf32, #tpu.memory_space<vmem_shared>> -> memref<128x128xf32, #tpu.memory_space<vmem_shared>>
      %dma_wait3A_83 = arith.constant 0 : i32
      %dma_wait3A_84 = tpu.memref_slice %arg12[%add3A_18, %dma_wait3A_83] : memref<10000x128xf32, #tpu.memory_space<vmem_shared>> -> memref<128x128xf32, #tpu.memory_space<vmem_shared>>
      %dma_wait3A_85 = arith.constant 0 : i32
      %dma_wait3A_86 = arith.constant 0 : i32
      %dma_wait3A_87 = tpu.memref_slice %arg11[%dma_wait3A_85, %dma_wait3A_86] : memref<128x128xf32, #tpu.memory_space<vmem>> -> memref<128x128xf32, #tpu.memory_space<vmem>>
      tpu.wait_dma2 semaphore(%run_scoped3A : memref<!tpu.dma_semaphore, #tpu.memory_space<semaphore_mem>>) src(%dma_wait3A_87 : memref<128x128xf32, #tpu.memory_space<vmem>>) dst(%dma_wait3A_84 : memref<128x128xf32, #tpu.memory_space<vmem_shared>>)
      tpu.yield
    }) : () -> ()
    %mul3A_19 = arith.constant 624 : i32
    %mul3A_20 = arith.muli %arg1, %mul3A_19 : i32
    %add3A_21 = arith.constant 384 : i32
    %add3A_22 = arith.addi %mul3A_20, %add3A_21 : i32
    "tpu.region"() ({
      %run_scoped3A = tpu.sem_alloc : memref<!tpu.dma_semaphore, #tpu.memory_space<semaphore_mem>>
      %dma_start3A = arith.constant 0 : i32
      %dma_start3A_70 = arith.constant 0 : i32
      %dma_start3A_71 = tpu.memref_slice %arg11[%dma_start3A, %dma_start3A_70] : memref<128x128xf32, #tpu.memory_space<vmem>> -> memref<128x128xf32, #tpu.memory_space<vmem>>
      %dma_start3A_72 = arith.constant 0 : i32
      %dma_start3A_73 = tpu.memref_slice %arg12[%add3A_22, %dma_start3A_72] : memref<10000x128xf32, #tpu.memory_space<vmem_shared>> -> memref<128x128xf32, #tpu.memory_space<vmem_shared>>
      %dma_start3A_74 = arith.constant 0 : i32
      %dma_start3A_75 = tpu.memref_slice %arg12[%add3A_22, %dma_start3A_74] : memref<10000x128xf32, #tpu.memory_space<vmem_shared>> -> memref<128x128xf32, #tpu.memory_space<vmem_shared>>
      %dma_start3A_76 = arith.constant 0 : i32
      %dma_start3A_77 = arith.constant 0 : i32
      %dma_start3A_78 = tpu.memref_slice %arg11[%dma_start3A_76, %dma_start3A_77] : memref<128x128xf32, #tpu.memory_space<vmem>> -> memref<128x128xf32, #tpu.memory_space<vmem>>
      tpu.enqueue_dma source(%dma_start3A_78 : memref<128x128xf32, #tpu.memory_space<vmem>>) target(%dma_start3A_75 : memref<128x128xf32, #tpu.memory_space<vmem_shared>>) target_semaphore(%run_scoped3A : memref<!tpu.dma_semaphore, #tpu.memory_space<semaphore_mem>>)
      %dma_wait3A = arith.constant 0 : i32
      %dma_wait3A_79 = arith.constant 0 : i32
      %dma_wait3A_80 = tpu.memref_slice %arg11[%dma_wait3A, %dma_wait3A_79] : memref<128x128xf32, #tpu.memory_space<vmem>> -> memref<128x128xf32, #tpu.memory_space<vmem>>
      %dma_wait3A_81 = arith.constant 0 : i32
      %dma_wait3A_82 = tpu.memref_slice %arg12[%add3A_22, %dma_wait3A_81] : memref<10000x128xf32, #tpu.memory_space<vmem_shared>> -> memref<128x128xf32, #tpu.memory_space<vmem_shared>>
      %dma_wait3A_83 = arith.constant 0 : i32
      %dma_wait3A_84 = tpu.memref_slice %arg12[%add3A_22, %dma_wait3A_83] : memref<10000x128xf32, #tpu.memory_space<vmem_shared>> -> memref<128x128xf32, #tpu.memory_space<vmem_shared>>
      %dma_wait3A_85 = arith.constant 0 : i32
      %dma_wait3A_86 = arith.constant 0 : i32
      %dma_wait3A_87 = tpu.memref_slice %arg11[%dma_wait3A_85, %dma_wait3A_86] : memref<128x128xf32, #tpu.memory_space<vmem>> -> memref<128x128xf32, #tpu.memory_space<vmem>>
      tpu.wait_dma2 semaphore(%run_scoped3A : memref<!tpu.dma_semaphore, #tpu.memory_space<semaphore_mem>>) src(%dma_wait3A_87 : memref<128x128xf32, #tpu.memory_space<vmem>>) dst(%dma_wait3A_84 : memref<128x128xf32, #tpu.memory_space<vmem_shared>>)
      tpu.yield
    }) : () -> ()
    %mul3A_23 = arith.constant 624 : i32
    %mul3A_24 = arith.muli %arg1, %mul3A_23 : i32
    %add3A_25 = arith.constant 512 : i32
    %add3A_26 = arith.addi %mul3A_24, %add3A_25 : i32
    "tpu.region"() ({
      %run_scoped3A = tpu.sem_alloc : memref<!tpu.dma_semaphore, #tpu.memory_space<semaphore_mem>>
      %dma_start3A = arith.constant 0 : i32
      %dma_start3A_70 = arith.constant 0 : i32
      %dma_start3A_71 = tpu.memref_slice %arg11[%dma_start3A, %dma_start3A_70] : memref<128x128xf32, #tpu.memory_space<vmem>> -> memref<112x128xf32, #tpu.memory_space<vmem>>
      %dma_start3A_72 = arith.constant 0 : i32
      %dma_start3A_73 = tpu.memref_slice %arg12[%add3A_26, %dma_start3A_72] : memref<10000x128xf32, #tpu.memory_space<vmem_shared>> -> memref<112x128xf32, #tpu.memory_space<vmem_shared>>
      %dma_start3A_74 = arith.constant 0 : i32
      %dma_start3A_75 = tpu.memref_slice %arg12[%add3A_26, %dma_start3A_74] : memref<10000x128xf32, #tpu.memory_space<vmem_shared>> -> memref<112x128xf32, #tpu.memory_space<vmem_shared>>
      %dma_start3A_76 = arith.constant 0 : i32
      %dma_start3A_77 = arith.constant 0 : i32
      %dma_start3A_78 = tpu.memref_slice %arg11[%dma_start3A_76, %dma_start3A_77] : memref<128x128xf32, #tpu.memory_space<vmem>> -> memref<112x128xf32, #tpu.memory_space<vmem>>
      tpu.enqueue_dma source(%dma_start3A_78 : memref<112x128xf32, #tpu.memory_space<vmem>>) target(%dma_start3A_75 : memref<112x128xf32, #tpu.memory_space<vmem_shared>>) target_semaphore(%run_scoped3A : memref<!tpu.dma_semaphore, #tpu.memory_space<semaphore_mem>>)
      %dma_wait3A = arith.constant 0 : i32
      %dma_wait3A_79 = arith.constant 0 : i32
      %dma_wait3A_80 = tpu.memref_slice %arg11[%dma_wait3A, %dma_wait3A_79] : memref<128x128xf32, #tpu.memory_space<vmem>> -> memref<112x128xf32, #tpu.memory_space<vmem>>
      %dma_wait3A_81 = arith.constant 0 : i32
      %dma_wait3A_82 = tpu.memref_slice %arg12[%add3A_26, %dma_wait3A_81] : memref<10000x128xf32, #tpu.memory_space<vmem_shared>> -> memref<112x128xf32, #tpu.memory_space<vmem_shared>>
      %dma_wait3A_83 = arith.constant 0 : i32
      %dma_wait3A_84 = tpu.memref_slice %arg12[%add3A_26, %dma_wait3A_83] : memref<10000x128xf32, #tpu.memory_space<vmem_shared>> -> memref<112x128xf32, #tpu.memory_space<vmem_shared>>
      %dma_wait3A_85 = arith.constant 0 : i32
      %dma_wait3A_86 = arith.constant 0 : i32
      %dma_wait3A_87 = tpu.memref_slice %arg11[%dma_wait3A_85, %dma_wait3A_86] : memref<128x128xf32, #tpu.memory_space<vmem>> -> memref<112x128xf32, #tpu.memory_space<vmem>>
      tpu.wait_dma2 semaphore(%run_scoped3A : memref<!tpu.dma_semaphore, #tpu.memory_space<semaphore_mem>>) src(%dma_wait3A_87 : memref<112x128xf32, #tpu.memory_space<vmem>>) dst(%dma_wait3A_84 : memref<112x128xf32, #tpu.memory_space<vmem_shared>>)
      tpu.yield
    }) : () -> ()
    %eq3A = arith.constant 15 : i32
    %eq3A_27 = arith.cmpi eq, %arg1, %eq3A : i32
    %convert_element_type3A = arith.extui %eq3A_27 : i1 to i32
    %cond3A = arith.constant 0 : i32
    %cond3A_28 = arith.cmpi ne, %convert_element_type3A, %cond3A : i32
    scf.if %cond3A_28 {
      "tpu.region"() ({
        %run_scoped3A = tpu.sem_alloc : memref<!tpu.dma_semaphore, #tpu.memory_space<semaphore_mem>>
        %dma_start3A = arith.constant 0 : i32
        %dma_start3A_70 = arith.constant 0 : i32
        %dma_start3A_71 = tpu.memref_slice %arg11[%dma_start3A, %dma_start3A_70] : memref<128x128xf32, #tpu.memory_space<vmem>> -> memref<16x128xf32, #tpu.memory_space<vmem>>
        %dma_start3A_72 = arith.constant 9984 : i32
        %dma_start3A_73 = arith.constant 0 : i32
        %dma_start3A_74 = tpu.memref_slice %arg12[%dma_start3A_72, %dma_start3A_73] : memref<10000x128xf32, #tpu.memory_space<vmem_shared>> -> memref<16x128xf32, #tpu.memory_space<vmem_shared>>
        %dma_start3A_75 = arith.constant 9984 : i32
        %dma_start3A_76 = arith.constant 0 : i32
        %dma_start3A_77 = tpu.memref_slice %arg12[%dma_start3A_75, %dma_start3A_76] : memref<10000x128xf32, #tpu.memory_space<vmem_shared>> -> memref<16x128xf32, #tpu.memory_space<vmem_shared>>
        %dma_start3A_78 = arith.constant 0 : i32
        %dma_start3A_79 = arith.constant 0 : i32
        %dma_start3A_80 = tpu.memref_slice %arg11[%dma_start3A_78, %dma_start3A_79] : memref<128x128xf32, #tpu.memory_space<vmem>> -> memref<16x128xf32, #tpu.memory_space<vmem>>
        tpu.enqueue_dma source(%dma_start3A_80 : memref<16x128xf32, #tpu.memory_space<vmem>>) target(%dma_start3A_77 : memref<16x128xf32, #tpu.memory_space<vmem_shared>>) target_semaphore(%run_scoped3A : memref<!tpu.dma_semaphore, #tpu.memory_space<semaphore_mem>>)
        %dma_wait3A = arith.constant 0 : i32
        %dma_wait3A_81 = arith.constant 0 : i32
        %dma_wait3A_82 = tpu.memref_slice %arg11[%dma_wait3A, %dma_wait3A_81] : memref<128x128xf32, #tpu.memory_space<vmem>> -> memref<16x128xf32, #tpu.memory_space<vmem>>
        %dma_wait3A_83 = arith.constant 9984 : i32
        %dma_wait3A_84 = arith.constant 0 : i32
        %dma_wait3A_85 = tpu.memref_slice %arg12[%dma_wait3A_83, %dma_wait3A_84] : memref<10000x128xf32, #tpu.memory_space<vmem_shared>> -> memref<16x128xf32, #tpu.memory_space<vmem_shared>>
        %dma_wait3A_86 = arith.constant 9984 : i32
        %dma_wait3A_87 = arith.constant 0 : i32
        %dma_wait3A_88 = tpu.memref_slice %arg12[%dma_wait3A_86, %dma_wait3A_87] : memref<10000x128xf32, #tpu.memory_space<vmem_shared>> -> memref<16x128xf32, #tpu.memory_space<vmem_shared>>
        %dma_wait3A_89 = arith.constant 0 : i32
        %dma_wait3A_90 = arith.constant 0 : i32
        %dma_wait3A_91 = tpu.memref_slice %arg11[%dma_wait3A_89, %dma_wait3A_90] : memref<128x128xf32, #tpu.memory_space<vmem>> -> memref<16x128xf32, #tpu.memory_space<vmem>>
        tpu.wait_dma2 semaphore(%run_scoped3A : memref<!tpu.dma_semaphore, #tpu.memory_space<semaphore_mem>>) src(%dma_wait3A_91 : memref<16x128xf32, #tpu.memory_space<vmem>>) dst(%dma_wait3A_88 : memref<16x128xf32, #tpu.memory_space<vmem_shared>>)
        tpu.yield
      }) : () -> ()
    } else {
    }
    %barrier3A = arith.constant 0 : index
    tpu.barrier barrier_id(%barrier3A)
    %sub3A = arith.constant 2500 : i32
    %sub3A_29 = arith.subi %sub3A, %add3A : i32
    %add3A_30 = arith.constant 32 : i32
    %add3A_31 = arith.addi %sub3A_29, %add3A_30 : i32
    %sub3A_32 = arith.constant 1 : i32
    %sub3A_33 = arith.subi %add3A_31, %sub3A_32 : i32
    %jit3A = arith.constant 32 : i32
    %div3A = arith.divsi %sub3A_33, %jit3A : i32
    %sign3A = arith.constant 0 : i32
    %sign3A_34 = arith.cmpi sgt, %sub3A_33, %sign3A : i32
    %sign3A_35 = arith.extui %sign3A_34 : i1 to i32
    %sign3A_36 = arith.constant 0 : i32
    %sign3A_37 = arith.cmpi slt, %sub3A_33, %sign3A_36 : i32
    %sign3A_38 = arith.extui %sign3A_37 : i1 to i32
    %sign3A_39 = arith.subi %sign3A_35, %sign3A_38 : i32
    %sign3A_40 = arith.constant 0 : i32
    %sign3A_41 = arith.cmpi sgt, %jit3A, %sign3A_40 : i32
    %sign3A_42 = arith.extui %sign3A_41 : i1 to i32
    %sign3A_43 = arith.constant 0 : i32
    %sign3A_44 = arith.cmpi slt, %jit3A, %sign3A_43 : i32
    %sign3A_45 = arith.extui %sign3A_44 : i1 to i32
    %sign3A_46 = arith.subi %sign3A_42, %sign3A_45 : i32
    %ne3A = arith.cmpi ne, %sign3A_39, %sign3A_46 : i32
    %rem3A = arith.remsi %sub3A_33, %jit3A : i32
    %ne3A_47 = arith.constant 0 : i32
    %ne3A_48 = arith.cmpi ne, %rem3A, %ne3A_47 : i32
    %and3A = arith.andi %ne3A, %ne3A_48 : i1
    %sub3A_49 = arith.constant 1 : i32
    %sub3A_50 = arith.subi %div3A, %sub3A_49 : i32
    %select_n3A = arith.select %and3A, %sub3A_50, %div3A : i32
    %while3A = arith.constant 0 : i32
    %while3A_51 = arith.constant 0 : i32
    %while3A_52 = arith.subi %select_n3A, %while3A_51 : i32
    %while3A_53 = arith.addi %while3A_51, %while3A_52 : i32
    %while3A_54 = arith.constant 1 : i32
    %while3A_55 = arith.divsi %while3A_52, %while3A_54 : i32
    %while3A_56 = arith.muli %while3A_55, %while3A_54 : i32
    %while3A_57 = arith.addi %while3A_51, %while3A_56 : i32
    %while3A_58 = arith.constant 1 : i32
    scf.for %while3A_70 = %while3A_51 to %while3A_57 step %while3A_58  : i32 {
      %mul3A_71 = arith.constant 32 : i32
      %mul3A_72 = arith.muli %while3A_70, %mul3A_71 : i32
      %add3A_73 = arith.addi %add3A, %mul3A_72 : i32
      %mul3A_74 = arith.constant 128 : i32
      %mul3A_75 = arith.muli %add3A_73, %mul3A_74 : i32
      "tpu.region"() ({
        %run_scoped3A = tpu.sem_alloc : memref<!tpu.dma_semaphore, #tpu.memory_space<semaphore_mem>>
        %dma_start3A_94 = tpu.memref_slice %arg4[%mul3A_75] : memref<320000xi32, #tpu.memory_space<hbm>> -> memref<128xi32, #tpu.memory_space<hbm>>
        %dma_start3A_95 = tpu.memref_slice %arg4[%mul3A_75] : memref<320000xi32, #tpu.memory_space<hbm>> -> memref<128xi32, #tpu.memory_space<hbm>>
        tpu.enqueue_dma source(%dma_start3A_95 : memref<128xi32, #tpu.memory_space<hbm>>) target(%arg7 : memref<128xi32, #tpu.memory_space<vmem>>) target_semaphore(%run_scoped3A : memref<!tpu.dma_semaphore, #tpu.memory_space<semaphore_mem>>)
        %dma_wait3A_96 = tpu.memref_slice %arg4[%mul3A_75] : memref<320000xi32, #tpu.memory_space<hbm>> -> memref<128xi32, #tpu.memory_space<hbm>>
        %dma_wait3A_97 = tpu.memref_slice %arg4[%mul3A_75] : memref<320000xi32, #tpu.memory_space<hbm>> -> memref<128xi32, #tpu.memory_space<hbm>>
        tpu.wait_dma2 semaphore(%run_scoped3A : memref<!tpu.dma_semaphore, #tpu.memory_space<semaphore_mem>>) src(%dma_wait3A_97 : memref<128xi32, #tpu.memory_space<hbm>>) dst(%arg7 : memref<128xi32, #tpu.memory_space<vmem>>)
        tpu.yield
      }) : () -> ()
      "tpu.region"() ({
        %run_scoped3A = tpu.sem_alloc : memref<!tpu.dma_semaphore, #tpu.memory_space<semaphore_mem>>
        %dma_start3A_94 = tpu.memref_slice %arg5[%mul3A_75] : memref<320000xi32, #tpu.memory_space<hbm>> -> memref<128xi32, #tpu.memory_space<hbm>>
        %dma_start3A_95 = tpu.memref_slice %arg5[%mul3A_75] : memref<320000xi32, #tpu.memory_space<hbm>> -> memref<128xi32, #tpu.memory_space<hbm>>
        tpu.enqueue_dma source(%dma_start3A_95 : memref<128xi32, #tpu.memory_space<hbm>>) target(%arg8 : memref<128xi32, #tpu.memory_space<vmem>>) target_semaphore(%run_scoped3A : memref<!tpu.dma_semaphore, #tpu.memory_space<semaphore_mem>>)
        %dma_wait3A_96 = tpu.memref_slice %arg5[%mul3A_75] : memref<320000xi32, #tpu.memory_space<hbm>> -> memref<128xi32, #tpu.memory_space<hbm>>
        %dma_wait3A_97 = tpu.memref_slice %arg5[%mul3A_75] : memref<320000xi32, #tpu.memory_space<hbm>> -> memref<128xi32, #tpu.memory_space<hbm>>
        tpu.wait_dma2 semaphore(%run_scoped3A : memref<!tpu.dma_semaphore, #tpu.memory_space<semaphore_mem>>) src(%dma_wait3A_97 : memref<128xi32, #tpu.memory_space<hbm>>) dst(%arg8 : memref<128xi32, #tpu.memory_space<vmem>>)
        tpu.yield
      }) : () -> ()
      %dma_start3A = arith.constant 0 : i32
      %dma_start3A_76 = tpu.memref_slice %arg3[%mul3A_75, %dma_start3A] : memref<320000x128xf32, #tpu.memory_space<hbm>> -> memref<128x128xf32, #tpu.memory_space<hbm>>
      %dma_start3A_77 = arith.constant 0 : i32
      %dma_start3A_78 = tpu.memref_slice %arg3[%mul3A_75, %dma_start3A_77] : memref<320000x128xf32, #tpu.memory_space<hbm>> -> memref<128x128xf32, #tpu.memory_space<hbm>>
      tpu.enqueue_dma source(%dma_start3A_78 : memref<128x128xf32, #tpu.memory_space<hbm>>) target(%arg9 : memref<128x128xf32, #tpu.memory_space<vmem>>) target_semaphore(%arg13 : memref<!tpu.dma_semaphore, #tpu.memory_space<semaphore_mem>>)
      %dma_start3A_79 = arith.constant 0 : i32
      %dma_start3A_80 = arith.constant 0 : i32
      %dma_start3A_81 = tpu.memref_slice %arg2[%dma_start3A_79, %dma_start3A_80] : memref<10000x128xf32, #tpu.memory_space<hbm>> -> memref<10000x128xf32, #tpu.memory_space<hbm>>
      tpu.enqueue_indirect_dma source(%dma_start3A_81 : memref<10000x128xf32, #tpu.memory_space<hbm>>) target(%arg10 : memref<128x128xf32, #tpu.memory_space<vmem>>) offsets(%arg7 : memref<128xi32, #tpu.memory_space<vmem>>) semaphore(%arg14 : memref<!tpu.dma_semaphore, #tpu.memory_space<semaphore_mem>>)
      %dma_wait3A = arith.constant 0 : i32
      %dma_wait3A_82 = tpu.memref_slice %arg3[%mul3A_75, %dma_wait3A] : memref<320000x128xf32, #tpu.memory_space<hbm>> -> memref<128x128xf32, #tpu.memory_space<hbm>>
      %dma_wait3A_83 = arith.constant 0 : i32
      %dma_wait3A_84 = tpu.memref_slice %arg3[%mul3A_75, %dma_wait3A_83] : memref<320000x128xf32, #tpu.memory_space<hbm>> -> memref<128x128xf32, #tpu.memory_space<hbm>>
      tpu.wait_dma2 semaphore(%arg13 : memref<!tpu.dma_semaphore, #tpu.memory_space<semaphore_mem>>) src(%dma_wait3A_84 : memref<128x128xf32, #tpu.memory_space<hbm>>) dst(%arg9 : memref<128x128xf32, #tpu.memory_space<vmem>>)
      %dma_wait3A_85 = arith.constant 0 : i32
      %dma_wait3A_86 = arith.constant 0 : i32
      %dma_wait3A_87 = tpu.memref_slice %arg2[%dma_wait3A_85, %dma_wait3A_86] : memref<10000x128xf32, #tpu.memory_space<hbm>> -> memref<10000x128xf32, #tpu.memory_space<hbm>>
      tpu.wait_indirect_dma semaphore(%arg14 : memref<!tpu.dma_semaphore, #tpu.memory_space<semaphore_mem>>) src(%dma_wait3A_87 : memref<10000x128xf32, #tpu.memory_space<hbm>>) dst(%arg10 : memref<128x128xf32, #tpu.memory_space<vmem>>)
      %scan3A_88 = arith.constant 0 : i32
      %scan3A_89 = arith.constant 0 : i32
      %scan3A_90 = arith.constant 128 : i32
      %scan3A_91 = arith.addi %scan3A_89, %scan3A_90 : i32
      %scan3A_92 = arith.constant 1 : i32
      scf.for %scan3A_94 = %scan3A_89 to %scan3A_91 step %scan3A_92  : i32 {
        %get3A = arith.index_cast %scan3A_94 : i32 to index
        %get3A_95 = arith.constant 0 : index
        %get3A_96 = tpu.vector_load %arg10[%get3A, %get3A_95] {strides = array<i32>} : memref<128x128xf32, #tpu.memory_space<vmem>>, vector<1x16xf32>,
        %get3A_97 = vector.shape_cast %get3A_96 : vector<1x16xf32> to vector<16xf32>
        %get3A_98 = arith.index_cast %scan3A_94 : i32 to index
        %get3A_99 = arith.constant 0 : index
        %get3A_100 = tpu.vector_load %arg9[%get3A_98, %get3A_99] {strides = array<i32>} : memref<128x128xf32, #tpu.memory_space<vmem>>, vector<1x16xf32>,
        %get3A_101 = vector.shape_cast %get3A_100 : vector<1x16xf32> to vector<16xf32>
        %add3A_102 = arith.addf %get3A_97, %get3A_101 : vector<16xf32>
        %max3A = arith.constant 0.000000e+00 : f32
        %max3A_103 = vector.broadcast %max3A : f32 to vector<16xf32>
        %max3A_104 = arith.maximumf %add3A_102, %max3A_103 : vector<16xf32>
        %swap3A = arith.index_cast %scan3A_94 : i32 to index
        %swap3A_105 = arith.constant 0 : index
        %swap3A_106 = tpu.vector_load %arg10[%swap3A, %swap3A_105] {strides = array<i32>} : memref<128x128xf32, #tpu.memory_space<vmem>>, vector<1x16xf32>,
        %swap3A_107 = vector.shape_cast %swap3A_106 : vector<1x16xf32> to vector<16xf32>
        %swap3A_108 = vector.shape_cast %max3A_104 : vector<16xf32> to vector<1x16xf32>
        tpu.vector_store %arg10[%swap3A, %swap3A_105], %swap3A_108 {strides = array<i32>} : memref<128x128xf32, #tpu.memory_space<vmem>>, vector<1x16xf32>,
        %get3A_109 = arith.index_cast %scan3A_94 : i32 to index
        %get3A_110 = arith.constant 16 : index
        %get3A_111 = tpu.vector_load %arg10[%get3A_109, %get3A_110] {strides = array<i32>} : memref<128x128xf32, #tpu.memory_space<vmem>>, vector<1x16xf32>,
        %get3A_112 = vector.shape_cast %get3A_111 : vector<1x16xf32> to vector<16xf32>
        %get3A_113 = arith.index_cast %scan3A_94 : i32 to index
        %get3A_114 = arith.constant 16 : index
        %get3A_115 = tpu.vector_load %arg9[%get3A_113, %get3A_114] {strides = array<i32>} : memref<128x128xf32, #tpu.memory_space<vmem>>, vector<1x16xf32>,
        %get3A_116 = vector.shape_cast %get3A_115 : vector<1x16xf32> to vector<16xf32>
        %add3A_117 = arith.addf %get3A_112, %get3A_116 : vector<16xf32>
        %max3A_118 = arith.constant 0.000000e+00 : f32
        %max3A_119 = vector.broadcast %max3A_118 : f32 to vector<16xf32>
        %max3A_120 = arith.maximumf %add3A_117, %max3A_119 : vector<16xf32>
        %swap3A_121 = arith.index_cast %scan3A_94 : i32 to index
        %swap3A_122 = arith.constant 16 : index
        %swap3A_123 = tpu.vector_load %arg10[%swap3A_121, %swap3A_122] {strides = array<i32>} : memref<128x128xf32, #tpu.memory_space<vmem>>, vector<1x16xf32>,
        %swap3A_124 = vector.shape_cast %swap3A_123 : vector<1x16xf32> to vector<16xf32>
        %swap3A_125 = vector.shape_cast %max3A_120 : vector<16xf32> to vector<1x16xf32>
        tpu.vector_store %arg10[%swap3A_121, %swap3A_122], %swap3A_125 {strides = array<i32>} : memref<128x128xf32, #tpu.memory_space<vmem>>, vector<1x16xf32>,
        %get3A_126 = arith.index_cast %scan3A_94 : i32 to index
        %get3A_127 = arith.constant 32 : index
        %get3A_128 = tpu.vector_load %arg10[%get3A_126, %get3A_127] {strides = array<i32>} : memref<128x128xf32, #tpu.memory_space<vmem>>, vector<1x16xf32>,
        %get3A_129 = vector.shape_cast %get3A_128 : vector<1x16xf32> to vector<16xf32>
        %get3A_130 = arith.index_cast %scan3A_94 : i32 to index
        %get3A_131 = arith.constant 32 : index
        %get3A_132 = tpu.vector_load %arg9[%get3A_130, %get3A_131] {strides = array<i32>} : memref<128x128xf32, #tpu.memory_space<vmem>>, vector<1x16xf32>,
        %get3A_133 = vector.shape_cast %get3A_132 : vector<1x16xf32> to vector<16xf32>
        %add3A_134 = arith.addf %get3A_129, %get3A_133 : vector<16xf32>
        %max3A_135 = arith.constant 0.000000e+00 : f32
        %max3A_136 = vector.broadcast %max3A_135 : f32 to vector<16xf32>
        %max3A_137 = arith.maximumf %add3A_134, %max3A_136 : vector<16xf32>
        %swap3A_138 = arith.index_cast %scan3A_94 : i32 to index
        %swap3A_139 = arith.constant 32 : index
        %swap3A_140 = tpu.vector_load %arg10[%swap3A_138, %swap3A_139] {strides = array<i32>} : memref<128x128xf32, #tpu.memory_space<vmem>>, vector<1x16xf32>,
        %swap3A_141 = vector.shape_cast %swap3A_140 : vector<1x16xf32> to vector<16xf32>
        %swap3A_142 = vector.shape_cast %max3A_137 : vector<16xf32> to vector<1x16xf32>
        tpu.vector_store %arg10[%swap3A_138, %swap3A_139], %swap3A_142 {strides = array<i32>} : memref<128x128xf32, #tpu.memory_space<vmem>>, vector<1x16xf32>,
        %get3A_143 = arith.index_cast %scan3A_94 : i32 to index
        %get3A_144 = arith.constant 48 : index
        %get3A_145 = tpu.vector_load %arg10[%get3A_143, %get3A_144] {strides = array<i32>} : memref<128x128xf32, #tpu.memory_space<vmem>>, vector<1x16xf32>,
        %get3A_146 = vector.shape_cast %get3A_145 : vector<1x16xf32> to vector<16xf32>
        %get3A_147 = arith.index_cast %scan3A_94 : i32 to index
        %get3A_148 = arith.constant 48 : index
        %get3A_149 = tpu.vector_load %arg9[%get3A_147, %get3A_148] {strides = array<i32>} : memref<128x128xf32, #tpu.memory_space<vmem>>, vector<1x16xf32>,
        %get3A_150 = vector.shape_cast %get3A_149 : vector<1x16xf32> to vector<16xf32>
        %add3A_151 = arith.addf %get3A_146, %get3A_150 : vector<16xf32>
        %max3A_152 = arith.constant 0.000000e+00 : f32
        %max3A_153 = vector.broadcast %max3A_152 : f32 to vector<16xf32>
        %max3A_154 = arith.maximumf %add3A_151, %max3A_153 : vector<16xf32>
        %swap3A_155 = arith.index_cast %scan3A_94 : i32 to index
        %swap3A_156 = arith.constant 48 : index
        %swap3A_157 = tpu.vector_load %arg10[%swap3A_155, %swap3A_156] {strides = array<i32>} : memref<128x128xf32, #tpu.memory_space<vmem>>, vector<1x16xf32>,
        %swap3A_158 = vector.shape_cast %swap3A_157 : vector<1x16xf32> to vector<16xf32>
        %swap3A_159 = vector.shape_cast %max3A_154 : vector<16xf32> to vector<1x16xf32>
        tpu.vector_store %arg10[%swap3A_155, %swap3A_156], %swap3A_159 {strides = array<i32>} : memref<128x128xf32, #tpu.memory_space<vmem>>, vector<1x16xf32>,
        %get3A_160 = arith.index_cast %scan3A_94 : i32 to index
        %get3A_161 = arith.constant 64 : index
        %get3A_162 = tpu.vector_load %arg10[%get3A_160, %get3A_161] {strides = array<i32>} : memref<128x128xf32, #tpu.memory_space<vmem>>, vector<1x16xf32>,
        %get3A_163 = vector.shape_cast %get3A_162 : vector<1x16xf32> to vector<16xf32>
        %get3A_164 = arith.index_cast %scan3A_94 : i32 to index
        %get3A_165 = arith.constant 64 : index
        %get3A_166 = tpu.vector_load %arg9[%get3A_164, %get3A_165] {strides = array<i32>} : memref<128x128xf32, #tpu.memory_space<vmem>>, vector<1x16xf32>,
        %get3A_167 = vector.shape_cast %get3A_166 : vector<1x16xf32> to vector<16xf32>
        %add3A_168 = arith.addf %get3A_163, %get3A_167 : vector<16xf32>
        %max3A_169 = arith.constant 0.000000e+00 : f32
        %max3A_170 = vector.broadcast %max3A_169 : f32 to vector<16xf32>
        %max3A_171 = arith.maximumf %add3A_168, %max3A_170 : vector<16xf32>
        %swap3A_172 = arith.index_cast %scan3A_94 : i32 to index
        %swap3A_173 = arith.constant 64 : index
        %swap3A_174 = tpu.vector_load %arg10[%swap3A_172, %swap3A_173] {strides = array<i32>} : memref<128x128xf32, #tpu.memory_space<vmem>>, vector<1x16xf32>,
        %swap3A_175 = vector.shape_cast %swap3A_174 : vector<1x16xf32> to vector<16xf32>
        %swap3A_176 = vector.shape_cast %max3A_171 : vector<16xf32> to vector<1x16xf32>
        tpu.vector_store %arg10[%swap3A_172, %swap3A_173], %swap3A_176 {strides = array<i32>} : memref<128x128xf32, #tpu.memory_space<vmem>>, vector<1x16xf32>,
        %get3A_177 = arith.index_cast %scan3A_94 : i32 to index
        %get3A_178 = arith.constant 80 : index
        %get3A_179 = tpu.vector_load %arg10[%get3A_177, %get3A_178] {strides = array<i32>} : memref<128x128xf32, #tpu.memory_space<vmem>>, vector<1x16xf32>,
        %get3A_180 = vector.shape_cast %get3A_179 : vector<1x16xf32> to vector<16xf32>
        %get3A_181 = arith.index_cast %scan3A_94 : i32 to index
        %get3A_182 = arith.constant 80 : index
        %get3A_183 = tpu.vector_load %arg9[%get3A_181, %get3A_182] {strides = array<i32>} : memref<128x128xf32, #tpu.memory_space<vmem>>, vector<1x16xf32>,
        %get3A_184 = vector.shape_cast %get3A_183 : vector<1x16xf32> to vector<16xf32>
        %add3A_185 = arith.addf %get3A_180, %get3A_184 : vector<16xf32>
        %max3A_186 = arith.constant 0.000000e+00 : f32
        %max3A_187 = vector.broadcast %max3A_186 : f32 to vector<16xf32>
        %max3A_188 = arith.maximumf %add3A_185, %max3A_187 : vector<16xf32>
        %swap3A_189 = arith.index_cast %scan3A_94 : i32 to index
        %swap3A_190 = arith.constant 80 : index
        %swap3A_191 = tpu.vector_load %arg10[%swap3A_189, %swap3A_190] {strides = array<i32>} : memref<128x128xf32, #tpu.memory_space<vmem>>, vector<1x16xf32>,
        %swap3A_192 = vector.shape_cast %swap3A_191 : vector<1x16xf32> to vector<16xf32>
        %swap3A_193 = vector.shape_cast %max3A_188 : vector<16xf32> to vector<1x16xf32>
        tpu.vector_store %arg10[%swap3A_189, %swap3A_190], %swap3A_193 {strides = array<i32>} : memref<128x128xf32, #tpu.memory_space<vmem>>, vector<1x16xf32>,
        %get3A_194 = arith.index_cast %scan3A_94 : i32 to index
        %get3A_195 = arith.constant 96 : index
        %get3A_196 = tpu.vector_load %arg10[%get3A_194, %get3A_195] {strides = array<i32>} : memref<128x128xf32, #tpu.memory_space<vmem>>, vector<1x16xf32>,
        %get3A_197 = vector.shape_cast %get3A_196 : vector<1x16xf32> to vector<16xf32>
        %get3A_198 = arith.index_cast %scan3A_94 : i32 to index
        %get3A_199 = arith.constant 96 : index
        %get3A_200 = tpu.vector_load %arg9[%get3A_198, %get3A_199] {strides = array<i32>} : memref<128x128xf32, #tpu.memory_space<vmem>>, vector<1x16xf32>,
        %get3A_201 = vector.shape_cast %get3A_200 : vector<1x16xf32> to vector<16xf32>
        %add3A_202 = arith.addf %get3A_197, %get3A_201 : vector<16xf32>
        %max3A_203 = arith.constant 0.000000e+00 : f32
        %max3A_204 = vector.broadcast %max3A_203 : f32 to vector<16xf32>
        %max3A_205 = arith.maximumf %add3A_202, %max3A_204 : vector<16xf32>
        %swap3A_206 = arith.index_cast %scan3A_94 : i32 to index
        %swap3A_207 = arith.constant 96 : index
        %swap3A_208 = tpu.vector_load %arg10[%swap3A_206, %swap3A_207] {strides = array<i32>} : memref<128x128xf32, #tpu.memory_space<vmem>>, vector<1x16xf32>,
        %swap3A_209 = vector.shape_cast %swap3A_208 : vector<1x16xf32> to vector<16xf32>
        %swap3A_210 = vector.shape_cast %max3A_205 : vector<16xf32> to vector<1x16xf32>
        tpu.vector_store %arg10[%swap3A_206, %swap3A_207], %swap3A_210 {strides = array<i32>} : memref<128x128xf32, #tpu.memory_space<vmem>>, vector<1x16xf32>,
        %get3A_211 = arith.index_cast %scan3A_94 : i32 to index
        %get3A_212 = arith.constant 112 : index
        %get3A_213 = tpu.vector_load %arg10[%get3A_211, %get3A_212] {strides = array<i32>} : memref<128x128xf32, #tpu.memory_space<vmem>>, vector<1x16xf32>,
        %get3A_214 = vector.shape_cast %get3A_213 : vector<1x16xf32> to vector<16xf32>
        %get3A_215 = arith.index_cast %scan3A_94 : i32 to index
        %get3A_216 = arith.constant 112 : index
        %get3A_217 = tpu.vector_load %arg9[%get3A_215, %get3A_216] {strides = array<i32>} : memref<128x128xf32, #tpu.memory_space<vmem>>, vector<1x16xf32>,
        %get3A_218 = vector.shape_cast %get3A_217 : vector<1x16xf32> to vector<16xf32>
        %add3A_219 = arith.addf %get3A_214, %get3A_218 : vector<16xf32>
        %max3A_220 = arith.constant 0.000000e+00 : f32
        %max3A_221 = vector.broadcast %max3A_220 : f32 to vector<16xf32>
        %max3A_222 = arith.maximumf %add3A_219, %max3A_221 : vector<16xf32>
        %swap3A_223 = arith.index_cast %scan3A_94 : i32 to index
        %swap3A_224 = arith.constant 112 : index
        %swap3A_225 = tpu.vector_load %arg10[%swap3A_223, %swap3A_224] {strides = array<i32>} : memref<128x128xf32, #tpu.memory_space<vmem>>, vector<1x16xf32>,
        %swap3A_226 = vector.shape_cast %swap3A_225 : vector<1x16xf32> to vector<16xf32>
        %swap3A_227 = vector.shape_cast %max3A_222 : vector<16xf32> to vector<1x16xf32>
        tpu.vector_store %arg10[%swap3A_223, %swap3A_224], %swap3A_227 {strides = array<i32>} : memref<128x128xf32, #tpu.memory_space<vmem>>, vector<1x16xf32>,
      }
      %scan3A_93 = arith.constant 128 : i32
      "tpu.region"() ({
        %run_scoped3A = tpu.sem_alloc : memref<!tpu.dma_semaphore, #tpu.memory_space<semaphore_mem>>
        %dma_start3A_94 = arith.constant 0 : i32
        %dma_start3A_95 = arith.constant 0 : i32
        %dma_start3A_96 = tpu.memref_slice %arg12[%dma_start3A_94, %dma_start3A_95] : memref<10000x128xf32, #tpu.memory_space<vmem_shared>> -> memref<10000x128xf32, #tpu.memory_space<vmem_shared>>
        tpu.enqueue_indirect_dma source(%arg10 : memref<128x128xf32, #tpu.memory_space<vmem>>) target(%dma_start3A_96 : memref<10000x128xf32, #tpu.memory_space<vmem_shared>>) offsets(%arg8 : memref<128xi32, #tpu.memory_space<vmem>>) semaphore(%run_scoped3A : memref<!tpu.dma_semaphore, #tpu.memory_space<semaphore_mem>>) {add = true}
        %dma_wait3A_97 = arith.constant 0 : i32
        %dma_wait3A_98 = arith.constant 0 : i32
        %dma_wait3A_99 = tpu.memref_slice %arg12[%dma_wait3A_97, %dma_wait3A_98] : memref<10000x128xf32, #tpu.memory_space<vmem_shared>> -> memref<10000x128xf32, #tpu.memory_space<vmem_shared>>
        tpu.wait_indirect_dma semaphore(%run_scoped3A : memref<!tpu.dma_semaphore, #tpu.memory_space<semaphore_mem>>) src(%arg10 : memref<128x128xf32, #tpu.memory_space<vmem>>) dst(%dma_wait3A_99 : memref<10000x128xf32, #tpu.memory_space<vmem_shared>>)
        tpu.yield
      }) : () -> ()
    }
    %while3A_59 = arith.constant 1 : i32
    scf.for %while3A_70 = %while3A_57 to %while3A_53 step %while3A_59  : i32 {
      %mul3A_71 = arith.constant 32 : i32
      %mul3A_72 = arith.muli %while3A_70, %mul3A_71 : i32
      %add3A_73 = arith.addi %add3A, %mul3A_72 : i32
      %mul3A_74 = arith.constant 128 : i32
      %mul3A_75 = arith.muli %add3A_73, %mul3A_74 : i32
      "tpu.region"() ({
        %run_scoped3A = tpu.sem_alloc : memref<!tpu.dma_semaphore, #tpu.memory_space<semaphore_mem>>
        %dma_start3A_94 = tpu.memref_slice %arg4[%mul3A_75] : memref<320000xi32, #tpu.memory_space<hbm>> -> memref<128xi32, #tpu.memory_space<hbm>>
        %dma_start3A_95 = tpu.memref_slice %arg4[%mul3A_75] : memref<320000xi32, #tpu.memory_space<hbm>> -> memref<128xi32, #tpu.memory_space<hbm>>
        tpu.enqueue_dma source(%dma_start3A_95 : memref<128xi32, #tpu.memory_space<hbm>>) target(%arg7 : memref<128xi32, #tpu.memory_space<vmem>>) target_semaphore(%run_scoped3A : memref<!tpu.dma_semaphore, #tpu.memory_space<semaphore_mem>>)
        %dma_wait3A_96 = tpu.memref_slice %arg4[%mul3A_75] : memref<320000xi32, #tpu.memory_space<hbm>> -> memref<128xi32, #tpu.memory_space<hbm>>
        %dma_wait3A_97 = tpu.memref_slice %arg4[%mul3A_75] : memref<320000xi32, #tpu.memory_space<hbm>> -> memref<128xi32, #tpu.memory_space<hbm>>
        tpu.wait_dma2 semaphore(%run_scoped3A : memref<!tpu.dma_semaphore, #tpu.memory_space<semaphore_mem>>) src(%dma_wait3A_97 : memref<128xi32, #tpu.memory_space<hbm>>) dst(%arg7 : memref<128xi32, #tpu.memory_space<vmem>>)
        tpu.yield
      }) : () -> ()
      "tpu.region"() ({
        %run_scoped3A = tpu.sem_alloc : memref<!tpu.dma_semaphore, #tpu.memory_space<semaphore_mem>>
        %dma_start3A_94 = tpu.memref_slice %arg5[%mul3A_75] : memref<320000xi32, #tpu.memory_space<hbm>> -> memref<128xi32, #tpu.memory_space<hbm>>
        %dma_start3A_95 = tpu.memref_slice %arg5[%mul3A_75] : memref<320000xi32, #tpu.memory_space<hbm>> -> memref<128xi32, #tpu.memory_space<hbm>>
        tpu.enqueue_dma source(%dma_start3A_95 : memref<128xi32, #tpu.memory_space<hbm>>) target(%arg8 : memref<128xi32, #tpu.memory_space<vmem>>) target_semaphore(%run_scoped3A : memref<!tpu.dma_semaphore, #tpu.memory_space<semaphore_mem>>)
        %dma_wait3A_96 = tpu.memref_slice %arg5[%mul3A_75] : memref<320000xi32, #tpu.memory_space<hbm>> -> memref<128xi32, #tpu.memory_space<hbm>>
        %dma_wait3A_97 = tpu.memref_slice %arg5[%mul3A_75] : memref<320000xi32, #tpu.memory_space<hbm>> -> memref<128xi32, #tpu.memory_space<hbm>>
        tpu.wait_dma2 semaphore(%run_scoped3A : memref<!tpu.dma_semaphore, #tpu.memory_space<semaphore_mem>>) src(%dma_wait3A_97 : memref<128xi32, #tpu.memory_space<hbm>>) dst(%arg8 : memref<128xi32, #tpu.memory_space<vmem>>)
        tpu.yield
      }) : () -> ()
      %dma_start3A = arith.constant 0 : i32
      %dma_start3A_76 = tpu.memref_slice %arg3[%mul3A_75, %dma_start3A] : memref<320000x128xf32, #tpu.memory_space<hbm>> -> memref<128x128xf32, #tpu.memory_space<hbm>>
      %dma_start3A_77 = arith.constant 0 : i32
      %dma_start3A_78 = tpu.memref_slice %arg3[%mul3A_75, %dma_start3A_77] : memref<320000x128xf32, #tpu.memory_space<hbm>> -> memref<128x128xf32, #tpu.memory_space<hbm>>
      tpu.enqueue_dma source(%dma_start3A_78 : memref<128x128xf32, #tpu.memory_space<hbm>>) target(%arg9 : memref<128x128xf32, #tpu.memory_space<vmem>>) target_semaphore(%arg13 : memref<!tpu.dma_semaphore, #tpu.memory_space<semaphore_mem>>)
      %dma_start3A_79 = arith.constant 0 : i32
      %dma_start3A_80 = arith.constant 0 : i32
      %dma_start3A_81 = tpu.memref_slice %arg2[%dma_start3A_79, %dma_start3A_80] : memref<10000x128xf32, #tpu.memory_space<hbm>> -> memref<10000x128xf32, #tpu.memory_space<hbm>>
      tpu.enqueue_indirect_dma source(%dma_start3A_81 : memref<10000x128xf32, #tpu.memory_space<hbm>>) target(%arg10 : memref<128x128xf32, #tpu.memory_space<vmem>>) offsets(%arg7 : memref<128xi32, #tpu.memory_space<vmem>>) semaphore(%arg14 : memref<!tpu.dma_semaphore, #tpu.memory_space<semaphore_mem>>)
      %dma_wait3A = arith.constant 0 : i32
      %dma_wait3A_82 = tpu.memref_slice %arg3[%mul3A_75, %dma_wait3A] : memref<320000x128xf32, #tpu.memory_space<hbm>> -> memref<128x128xf32, #tpu.memory_space<hbm>>
      %dma_wait3A_83 = arith.constant 0 : i32
      %dma_wait3A_84 = tpu.memref_slice %arg3[%mul3A_75, %dma_wait3A_83] : memref<320000x128xf32, #tpu.memory_space<hbm>> -> memref<128x128xf32, #tpu.memory_space<hbm>>
      tpu.wait_dma2 semaphore(%arg13 : memref<!tpu.dma_semaphore, #tpu.memory_space<semaphore_mem>>) src(%dma_wait3A_84 : memref<128x128xf32, #tpu.memory_space<hbm>>) dst(%arg9 : memref<128x128xf32, #tpu.memory_space<vmem>>)
      %dma_wait3A_85 = arith.constant 0 : i32
      %dma_wait3A_86 = arith.constant 0 : i32
      %dma_wait3A_87 = tpu.memref_slice %arg2[%dma_wait3A_85, %dma_wait3A_86] : memref<10000x128xf32, #tpu.memory_space<hbm>> -> memref<10000x128xf32, #tpu.memory_space<hbm>>
      tpu.wait_indirect_dma semaphore(%arg14 : memref<!tpu.dma_semaphore, #tpu.memory_space<semaphore_mem>>) src(%dma_wait3A_87 : memref<10000x128xf32, #tpu.memory_space<hbm>>) dst(%arg10 : memref<128x128xf32, #tpu.memory_space<vmem>>)
      %scan3A_88 = arith.constant 0 : i32
      %scan3A_89 = arith.constant 0 : i32
      %scan3A_90 = arith.constant 128 : i32
      %scan3A_91 = arith.addi %scan3A_89, %scan3A_90 : i32
      %scan3A_92 = arith.constant 1 : i32
      scf.for %scan3A_94 = %scan3A_89 to %scan3A_91 step %scan3A_92  : i32 {
        %get3A = arith.index_cast %scan3A_94 : i32 to index
        %get3A_95 = arith.constant 0 : index
        %get3A_96 = tpu.vector_load %arg10[%get3A, %get3A_95] {strides = array<i32>} : memref<128x128xf32, #tpu.memory_space<vmem>>, vector<1x16xf32>,
        %get3A_97 = vector.shape_cast %get3A_96 : vector<1x16xf32> to vector<16xf32>
        %get3A_98 = arith.index_cast %scan3A_94 : i32 to index
        %get3A_99 = arith.constant 0 : index
        %get3A_100 = tpu.vector_load %arg9[%get3A_98, %get3A_99] {strides = array<i32>} : memref<128x128xf32, #tpu.memory_space<vmem>>, vector<1x16xf32>,
        %get3A_101 = vector.shape_cast %get3A_100 : vector<1x16xf32> to vector<16xf32>
        %add3A_102 = arith.addf %get3A_97, %get3A_101 : vector<16xf32>
        %max3A = arith.constant 0.000000e+00 : f32
        %max3A_103 = vector.broadcast %max3A : f32 to vector<16xf32>
        %max3A_104 = arith.maximumf %add3A_102, %max3A_103 : vector<16xf32>
        %swap3A = arith.index_cast %scan3A_94 : i32 to index
        %swap3A_105 = arith.constant 0 : index
        %swap3A_106 = tpu.vector_load %arg10[%swap3A, %swap3A_105] {strides = array<i32>} : memref<128x128xf32, #tpu.memory_space<vmem>>, vector<1x16xf32>,
        %swap3A_107 = vector.shape_cast %swap3A_106 : vector<1x16xf32> to vector<16xf32>
        %swap3A_108 = vector.shape_cast %max3A_104 : vector<16xf32> to vector<1x16xf32>
        tpu.vector_store %arg10[%swap3A, %swap3A_105], %swap3A_108 {strides = array<i32>} : memref<128x128xf32, #tpu.memory_space<vmem>>, vector<1x16xf32>,
        %get3A_109 = arith.index_cast %scan3A_94 : i32 to index
        %get3A_110 = arith.constant 16 : index
        %get3A_111 = tpu.vector_load %arg10[%get3A_109, %get3A_110] {strides = array<i32>} : memref<128x128xf32, #tpu.memory_space<vmem>>, vector<1x16xf32>,
        %get3A_112 = vector.shape_cast %get3A_111 : vector<1x16xf32> to vector<16xf32>
        %get3A_113 = arith.index_cast %scan3A_94 : i32 to index
        %get3A_114 = arith.constant 16 : index
        %get3A_115 = tpu.vector_load %arg9[%get3A_113, %get3A_114] {strides = array<i32>} : memref<128x128xf32, #tpu.memory_space<vmem>>, vector<1x16xf32>,
        %get3A_116 = vector.shape_cast %get3A_115 : vector<1x16xf32> to vector<16xf32>
        %add3A_117 = arith.addf %get3A_112, %get3A_116 : vector<16xf32>
        %max3A_118 = arith.constant 0.000000e+00 : f32
        %max3A_119 = vector.broadcast %max3A_118 : f32 to vector<16xf32>
        %max3A_120 = arith.maximumf %add3A_117, %max3A_119 : vector<16xf32>
        %swap3A_121 = arith.index_cast %scan3A_94 : i32 to index
        %swap3A_122 = arith.constant 16 : index
        %swap3A_123 = tpu.vector_load %arg10[%swap3A_121, %swap3A_122] {strides = array<i32>} : memref<128x128xf32, #tpu.memory_space<vmem>>, vector<1x16xf32>,
        %swap3A_124 = vector.shape_cast %swap3A_123 : vector<1x16xf32> to vector<16xf32>
        %swap3A_125 = vector.shape_cast %max3A_120 : vector<16xf32> to vector<1x16xf32>
        tpu.vector_store %arg10[%swap3A_121, %swap3A_122], %swap3A_125 {strides = array<i32>} : memref<128x128xf32, #tpu.memory_space<vmem>>, vector<1x16xf32>,
        %get3A_126 = arith.index_cast %scan3A_94 : i32 to index
        %get3A_127 = arith.constant 32 : index
        %get3A_128 = tpu.vector_load %arg10[%get3A_126, %get3A_127] {strides = array<i32>} : memref<128x128xf32, #tpu.memory_space<vmem>>, vector<1x16xf32>,
        %get3A_129 = vector.shape_cast %get3A_128 : vector<1x16xf32> to vector<16xf32>
        %get3A_130 = arith.index_cast %scan3A_94 : i32 to index
        %get3A_131 = arith.constant 32 : index
        %get3A_132 = tpu.vector_load %arg9[%get3A_130, %get3A_131] {strides = array<i32>} : memref<128x128xf32, #tpu.memory_space<vmem>>, vector<1x16xf32>,
        %get3A_133 = vector.shape_cast %get3A_132 : vector<1x16xf32> to vector<16xf32>
        %add3A_134 = arith.addf %get3A_129, %get3A_133 : vector<16xf32>
        %max3A_135 = arith.constant 0.000000e+00 : f32
        %max3A_136 = vector.broadcast %max3A_135 : f32 to vector<16xf32>
        %max3A_137 = arith.maximumf %add3A_134, %max3A_136 : vector<16xf32>
        %swap3A_138 = arith.index_cast %scan3A_94 : i32 to index
        %swap3A_139 = arith.constant 32 : index
        %swap3A_140 = tpu.vector_load %arg10[%swap3A_138, %swap3A_139] {strides = array<i32>} : memref<128x128xf32, #tpu.memory_space<vmem>>, vector<1x16xf32>,
        %swap3A_141 = vector.shape_cast %swap3A_140 : vector<1x16xf32> to vector<16xf32>
        %swap3A_142 = vector.shape_cast %max3A_137 : vector<16xf32> to vector<1x16xf32>
        tpu.vector_store %arg10[%swap3A_138, %swap3A_139], %swap3A_142 {strides = array<i32>} : memref<128x128xf32, #tpu.memory_space<vmem>>, vector<1x16xf32>,
        %get3A_143 = arith.index_cast %scan3A_94 : i32 to index
        %get3A_144 = arith.constant 48 : index
        %get3A_145 = tpu.vector_load %arg10[%get3A_143, %get3A_144] {strides = array<i32>} : memref<128x128xf32, #tpu.memory_space<vmem>>, vector<1x16xf32>,
        %get3A_146 = vector.shape_cast %get3A_145 : vector<1x16xf32> to vector<16xf32>
        %get3A_147 = arith.index_cast %scan3A_94 : i32 to index
        %get3A_148 = arith.constant 48 : index
        %get3A_149 = tpu.vector_load %arg9[%get3A_147, %get3A_148] {strides = array<i32>} : memref<128x128xf32, #tpu.memory_space<vmem>>, vector<1x16xf32>,
        %get3A_150 = vector.shape_cast %get3A_149 : vector<1x16xf32> to vector<16xf32>
        %add3A_151 = arith.addf %get3A_146, %get3A_150 : vector<16xf32>
        %max3A_152 = arith.constant 0.000000e+00 : f32
        %max3A_153 = vector.broadcast %max3A_152 : f32 to vector<16xf32>
        %max3A_154 = arith.maximumf %add3A_151, %max3A_153 : vector<16xf32>
        %swap3A_155 = arith.index_cast %scan3A_94 : i32 to index
        %swap3A_156 = arith.constant 48 : index
        %swap3A_157 = tpu.vector_load %arg10[%swap3A_155, %swap3A_156] {strides = array<i32>} : memref<128x128xf32, #tpu.memory_space<vmem>>, vector<1x16xf32>,
        %swap3A_158 = vector.shape_cast %swap3A_157 : vector<1x16xf32> to vector<16xf32>
        %swap3A_159 = vector.shape_cast %max3A_154 : vector<16xf32> to vector<1x16xf32>
        tpu.vector_store %arg10[%swap3A_155, %swap3A_156], %swap3A_159 {strides = array<i32>} : memref<128x128xf32, #tpu.memory_space<vmem>>, vector<1x16xf32>,
        %get3A_160 = arith.index_cast %scan3A_94 : i32 to index
        %get3A_161 = arith.constant 64 : index
        %get3A_162 = tpu.vector_load %arg10[%get3A_160, %get3A_161] {strides = array<i32>} : memref<128x128xf32, #tpu.memory_space<vmem>>, vector<1x16xf32>,
        %get3A_163 = vector.shape_cast %get3A_162 : vector<1x16xf32> to vector<16xf32>
        %get3A_164 = arith.index_cast %scan3A_94 : i32 to index
        %get3A_165 = arith.constant 64 : index
        %get3A_166 = tpu.vector_load %arg9[%get3A_164, %get3A_165] {strides = array<i32>} : memref<128x128xf32, #tpu.memory_space<vmem>>, vector<1x16xf32>,
        %get3A_167 = vector.shape_cast %get3A_166 : vector<1x16xf32> to vector<16xf32>
        %add3A_168 = arith.addf %get3A_163, %get3A_167 : vector<16xf32>
        %max3A_169 = arith.constant 0.000000e+00 : f32
        %max3A_170 = vector.broadcast %max3A_169 : f32 to vector<16xf32>
        %max3A_171 = arith.maximumf %add3A_168, %max3A_170 : vector<16xf32>
        %swap3A_172 = arith.index_cast %scan3A_94 : i32 to index
        %swap3A_173 = arith.constant 64 : index
        %swap3A_174 = tpu.vector_load %arg10[%swap3A_172, %swap3A_173] {strides = array<i32>} : memref<128x128xf32, #tpu.memory_space<vmem>>, vector<1x16xf32>,
        %swap3A_175 = vector.shape_cast %swap3A_174 : vector<1x16xf32> to vector<16xf32>
        %swap3A_176 = vector.shape_cast %max3A_171 : vector<16xf32> to vector<1x16xf32>
        tpu.vector_store %arg10[%swap3A_172, %swap3A_173], %swap3A_176 {strides = array<i32>} : memref<128x128xf32, #tpu.memory_space<vmem>>, vector<1x16xf32>,
        %get3A_177 = arith.index_cast %scan3A_94 : i32 to index
        %get3A_178 = arith.constant 80 : index
        %get3A_179 = tpu.vector_load %arg10[%get3A_177, %get3A_178] {strides = array<i32>} : memref<128x128xf32, #tpu.memory_space<vmem>>, vector<1x16xf32>,
        %get3A_180 = vector.shape_cast %get3A_179 : vector<1x16xf32> to vector<16xf32>
        %get3A_181 = arith.index_cast %scan3A_94 : i32 to index
        %get3A_182 = arith.constant 80 : index
        %get3A_183 = tpu.vector_load %arg9[%get3A_181, %get3A_182] {strides = array<i32>} : memref<128x128xf32, #tpu.memory_space<vmem>>, vector<1x16xf32>,
        %get3A_184 = vector.shape_cast %get3A_183 : vector<1x16xf32> to vector<16xf32>
        %add3A_185 = arith.addf %get3A_180, %get3A_184 : vector<16xf32>
        %max3A_186 = arith.constant 0.000000e+00 : f32
        %max3A_187 = vector.broadcast %max3A_186 : f32 to vector<16xf32>
        %max3A_188 = arith.maximumf %add3A_185, %max3A_187 : vector<16xf32>
        %swap3A_189 = arith.index_cast %scan3A_94 : i32 to index
        %swap3A_190 = arith.constant 80 : index
        %swap3A_191 = tpu.vector_load %arg10[%swap3A_189, %swap3A_190] {strides = array<i32>} : memref<128x128xf32, #tpu.memory_space<vmem>>, vector<1x16xf32>,
        %swap3A_192 = vector.shape_cast %swap3A_191 : vector<1x16xf32> to vector<16xf32>
        %swap3A_193 = vector.shape_cast %max3A_188 : vector<16xf32> to vector<1x16xf32>
        tpu.vector_store %arg10[%swap3A_189, %swap3A_190], %swap3A_193 {strides = array<i32>} : memref<128x128xf32, #tpu.memory_space<vmem>>, vector<1x16xf32>,
        %get3A_194 = arith.index_cast %scan3A_94 : i32 to index
        %get3A_195 = arith.constant 96 : index
        %get3A_196 = tpu.vector_load %arg10[%get3A_194, %get3A_195] {strides = array<i32>} : memref<128x128xf32, #tpu.memory_space<vmem>>, vector<1x16xf32>,
        %get3A_197 = vector.shape_cast %get3A_196 : vector<1x16xf32> to vector<16xf32>
        %get3A_198 = arith.index_cast %scan3A_94 : i32 to index
        %get3A_199 = arith.constant 96 : index
        %get3A_200 = tpu.vector_load %arg9[%get3A_198, %get3A_199] {strides = array<i32>} : memref<128x128xf32, #tpu.memory_space<vmem>>, vector<1x16xf32>,
        %get3A_201 = vector.shape_cast %get3A_200 : vector<1x16xf32> to vector<16xf32>
        %add3A_202 = arith.addf %get3A_197, %get3A_201 : vector<16xf32>
        %max3A_203 = arith.constant 0.000000e+00 : f32
        %max3A_204 = vector.broadcast %max3A_203 : f32 to vector<16xf32>
        %max3A_205 = arith.maximumf %add3A_202, %max3A_204 : vector<16xf32>
        %swap3A_206 = arith.index_cast %scan3A_94 : i32 to index
        %swap3A_207 = arith.constant 96 : index
        %swap3A_208 = tpu.vector_load %arg10[%swap3A_206, %swap3A_207] {strides = array<i32>} : memref<128x128xf32, #tpu.memory_space<vmem>>, vector<1x16xf32>,
        %swap3A_209 = vector.shape_cast %swap3A_208 : vector<1x16xf32> to vector<16xf32>
        %swap3A_210 = vector.shape_cast %max3A_205 : vector<16xf32> to vector<1x16xf32>
        tpu.vector_store %arg10[%swap3A_206, %swap3A_207], %swap3A_210 {strides = array<i32>} : memref<128x128xf32, #tpu.memory_space<vmem>>, vector<1x16xf32>,
        %get3A_211 = arith.index_cast %scan3A_94 : i32 to index
        %get3A_212 = arith.constant 112 : index
        %get3A_213 = tpu.vector_load %arg10[%get3A_211, %get3A_212] {strides = array<i32>} : memref<128x128xf32, #tpu.memory_space<vmem>>, vector<1x16xf32>,
        %get3A_214 = vector.shape_cast %get3A_213 : vector<1x16xf32> to vector<16xf32>
        %get3A_215 = arith.index_cast %scan3A_94 : i32 to index
        %get3A_216 = arith.constant 112 : index
        %get3A_217 = tpu.vector_load %arg9[%get3A_215, %get3A_216] {strides = array<i32>} : memref<128x128xf32, #tpu.memory_space<vmem>>, vector<1x16xf32>,
        %get3A_218 = vector.shape_cast %get3A_217 : vector<1x16xf32> to vector<16xf32>
        %add3A_219 = arith.addf %get3A_214, %get3A_218 : vector<16xf32>
        %max3A_220 = arith.constant 0.000000e+00 : f32
        %max3A_221 = vector.broadcast %max3A_220 : f32 to vector<16xf32>
        %max3A_222 = arith.maximumf %add3A_219, %max3A_221 : vector<16xf32>
        %swap3A_223 = arith.index_cast %scan3A_94 : i32 to index
        %swap3A_224 = arith.constant 112 : index
        %swap3A_225 = tpu.vector_load %arg10[%swap3A_223, %swap3A_224] {strides = array<i32>} : memref<128x128xf32, #tpu.memory_space<vmem>>, vector<1x16xf32>,
        %swap3A_226 = vector.shape_cast %swap3A_225 : vector<1x16xf32> to vector<16xf32>
        %swap3A_227 = vector.shape_cast %max3A_222 : vector<16xf32> to vector<1x16xf32>
        tpu.vector_store %arg10[%swap3A_223, %swap3A_224], %swap3A_227 {strides = array<i32>} : memref<128x128xf32, #tpu.memory_space<vmem>>, vector<1x16xf32>,
      }
      %scan3A_93 = arith.constant 128 : i32
      "tpu.region"() ({
        %run_scoped3A = tpu.sem_alloc : memref<!tpu.dma_semaphore, #tpu.memory_space<semaphore_mem>>
        %dma_start3A_94 = arith.constant 0 : i32
        %dma_start3A_95 = arith.constant 0 : i32
        %dma_start3A_96 = tpu.memref_slice %arg12[%dma_start3A_94, %dma_start3A_95] : memref<10000x128xf32, #tpu.memory_space<vmem_shared>> -> memref<10000x128xf32, #tpu.memory_space<vmem_shared>>
        tpu.enqueue_indirect_dma source(%arg10 : memref<128x128xf32, #tpu.memory_space<vmem>>) target(%dma_start3A_96 : memref<10000x128xf32, #tpu.memory_space<vmem_shared>>) offsets(%arg8 : memref<128xi32, #tpu.memory_space<vmem>>) semaphore(%run_scoped3A : memref<!tpu.dma_semaphore, #tpu.memory_space<semaphore_mem>>) {add = true}
        %dma_wait3A_97 = arith.constant 0 : i32
        %dma_wait3A_98 = arith.constant 0 : i32
        %dma_wait3A_99 = tpu.memref_slice %arg12[%dma_wait3A_97, %dma_wait3A_98] : memref<10000x128xf32, #tpu.memory_space<vmem_shared>> -> memref<10000x128xf32, #tpu.memory_space<vmem_shared>>
        tpu.wait_indirect_dma semaphore(%run_scoped3A : memref<!tpu.dma_semaphore, #tpu.memory_space<semaphore_mem>>) src(%arg10 : memref<128x128xf32, #tpu.memory_space<vmem>>) dst(%dma_wait3A_99 : memref<10000x128xf32, #tpu.memory_space<vmem_shared>>)
        tpu.yield
      }) : () -> ()
    }
    %barrier3A_60 = arith.constant 0 : index
    tpu.barrier barrier_id(%barrier3A_60)
    %mul3A_61 = arith.constant 624 : i32
    %mul3A_62 = arith.muli %arg1, %mul3A_61 : i32
    %mul3A_63 = arith.constant 624 : i32
    %mul3A_64 = arith.muli %arg1, %mul3A_63 : i32
    "tpu.region"() ({
      %run_scoped3A = tpu.sem_alloc : memref<!tpu.dma_semaphore, #tpu.memory_space<semaphore_mem>>
      %dma_start3A = arith.constant 0 : i32
      %dma_start3A_70 = tpu.memref_slice %arg6[%arg0, %mul3A_64, %dma_start3A] : memref<2x10000x128xf32, #tpu.memory_space<hbm>> -> memref<1x624x128xf32, #tpu.memory_space<hbm>>
      %dma_start3A_71 = tpu.memref_squeeze %dma_start3A_70 : memref<1x624x128xf32, #tpu.memory_space<hbm>> -> memref<624x128xf32, #tpu.memory_space<hbm>>
      %dma_start3A_72 = arith.constant 0 : i32
      %dma_start3A_73 = tpu.memref_slice %arg12[%mul3A_62, %dma_start3A_72] : memref<10000x128xf32, #tpu.memory_space<vmem_shared>> -> memref<624x128xf32, #tpu.memory_space<vmem_shared>>
      tpu.enqueue_dma source(%dma_start3A_73 : memref<624x128xf32, #tpu.memory_space<vmem_shared>>) target(%dma_start3A_71 : memref<624x128xf32, #tpu.memory_space<hbm>>) target_semaphore(%run_scoped3A : memref<!tpu.dma_semaphore, #tpu.memory_space<semaphore_mem>>)
      %dma_wait3A = arith.constant 0 : i32
      %dma_wait3A_74 = tpu.memref_slice %arg6[%arg0, %mul3A_64, %dma_wait3A] : memref<2x10000x128xf32, #tpu.memory_space<hbm>> -> memref<1x624x128xf32, #tpu.memory_space<hbm>>
      %dma_wait3A_75 = tpu.memref_squeeze %dma_wait3A_74 : memref<1x624x128xf32, #tpu.memory_space<hbm>> -> memref<624x128xf32, #tpu.memory_space<hbm>>
      %dma_wait3A_76 = arith.constant 0 : i32
      %dma_wait3A_77 = tpu.memref_slice %arg12[%mul3A_62, %dma_wait3A_76] : memref<10000x128xf32, #tpu.memory_space<vmem_shared>> -> memref<624x128xf32, #tpu.memory_space<vmem_shared>>
      tpu.wait_dma2 semaphore(%run_scoped3A : memref<!tpu.dma_semaphore, #tpu.memory_space<semaphore_mem>>) src(%dma_wait3A_77 : memref<624x128xf32, #tpu.memory_space<vmem_shared>>) dst(%dma_wait3A_75 : memref<624x128xf32, #tpu.memory_space<hbm>>)
      tpu.yield
    }) : () -> ()
    %eq3A_65 = arith.constant 15 : i32
    %eq3A_66 = arith.cmpi eq, %arg1, %eq3A_65 : i32
    %convert_element_type3A_67 = arith.extui %eq3A_66 : i1 to i32
    %cond3A_68 = arith.constant 0 : i32
    %cond3A_69 = arith.cmpi ne, %convert_element_type3A_67, %cond3A_68 : i32
    scf.if %cond3A_69 {
      "tpu.region"() ({
        %run_scoped3A = tpu.sem_alloc : memref<!tpu.dma_semaphore, #tpu.memory_space<semaphore_mem>>
        %dma_start3A = arith.constant 9984 : i32
        %dma_start3A_70 = arith.constant 0 : i32
        %dma_start3A_71 = tpu.memref_slice %arg6[%arg0, %dma_start3A, %dma_start3A_70] : memref<2x10000x128xf32, #tpu.memory_space<hbm>> -> memref<1x16x128xf32, #tpu.memory_space<hbm>>
        %dma_start3A_72 = tpu.memref_squeeze %dma_start3A_71 : memref<1x16x128xf32, #tpu.memory_space<hbm>> -> memref<16x128xf32, #tpu.memory_space<hbm>>
        %dma_start3A_73 = arith.constant 9984 : i32
        %dma_start3A_74 = arith.constant 0 : i32
        %dma_start3A_75 = tpu.memref_slice %arg12[%dma_start3A_73, %dma_start3A_74] : memref<10000x128xf32, #tpu.memory_space<vmem_shared>> -> memref<16x128xf32, #tpu.memory_space<vmem_shared>>
        tpu.enqueue_dma source(%dma_start3A_75 : memref<16x128xf32, #tpu.memory_space<vmem_shared>>) target(%dma_start3A_72 : memref<16x128xf32, #tpu.memory_space<hbm>>) target_semaphore(%run_scoped3A : memref<!tpu.dma_semaphore, #tpu.memory_space<semaphore_mem>>)
        %dma_wait3A = arith.constant 9984 : i32
        %dma_wait3A_76 = arith.constant 0 : i32
        %dma_wait3A_77 = tpu.memref_slice %arg6[%arg0, %dma_wait3A, %dma_wait3A_76] : memref<2x10000x128xf32, #tpu.memory_space<hbm>> -> memref<1x16x128xf32, #tpu.memory_space<hbm>>
        %dma_wait3A_78 = tpu.memref_squeeze %dma_wait3A_77 : memref<1x16x128xf32, #tpu.memory_space<hbm>> -> memref<16x128xf32, #tpu.memory_space<hbm>>
        %dma_wait3A_79 = arith.constant 9984 : i32
        %dma_wait3A_80 = arith.constant 0 : i32
        %dma_wait3A_81 = tpu.memref_slice %arg12[%dma_wait3A_79, %dma_wait3A_80] : memref<10000x128xf32, #tpu.memory_space<vmem_shared>> -> memref<16x128xf32, #tpu.memory_space<vmem_shared>>
        tpu.wait_dma2 semaphore(%run_scoped3A : memref<!tpu.dma_semaphore, #tpu.memory_space<semaphore_mem>>) src(%dma_wait3A_81 : memref<16x128xf32, #tpu.memory_space<vmem_shared>>) dst(%dma_wait3A_78 : memref<16x128xf32, #tpu.memory_space<hbm>>)
        tpu.yield
      }) : () -> ()
    } else {
    }
    return
  }
}

module attributes {stable_mosaic.version = 14 : i64} {
  func.func @_edge_body(%arg0: i32, %arg1: memref<3200x16xf32, #tpu.memory_space<vmem>>, %arg2: memref<16x128xf32, #tpu.memory_space<vmem>>, %arg3: memref<1x128xf32, #tpu.memory_space<vmem>>, %arg4: memref<128x128xf32, #tpu.memory_space<vmem>>, %arg5: memref<1x128xf32, #tpu.memory_space<vmem>>, %arg6: memref<128x128xf32, #tpu.memory_space<vmem>>, %arg7: memref<1x128xf32, #tpu.memory_space<vmem>>, %arg8: memref<128x128xf32, #tpu.memory_space<vmem>>, %arg9: memref<1x128xf32, #tpu.memory_space<vmem>>, %arg10: memref<3200x128xf32, #tpu.memory_space<vmem>>, %arg11: memref<3200x128xf32, #tpu.memory_space<vmem>>, %arg12: memref<3200x128xf32, #tpu.memory_space<vmem>>) attributes {dimension_semantics = [#tpu.dimension_semantics<arbitrary>], iteration_bounds = array<i64: 100>, scalar_prefetch = 0 : i64, scratch_operands = 0 : i64, tpu.core_type = #tpu.core_type<tc>, window_params = [{transform_indices = @transform_0, window_bounds = array<i64: 3200, 16>}, {pipeline_mode = #tpu.pipeline_mode<synchronous>, transform_indices = @transform_1, window_bounds = array<i64: 16, 128>}, {pipeline_mode = #tpu.pipeline_mode<synchronous>, transform_indices = @transform_2, window_bounds = array<i64: 1, 128>}, {pipeline_mode = #tpu.pipeline_mode<synchronous>, transform_indices = @transform_3, window_bounds = array<i64: 128, 128>}, {pipeline_mode = #tpu.pipeline_mode<synchronous>, transform_indices = @transform_4, window_bounds = array<i64: 1, 128>}, {pipeline_mode = #tpu.pipeline_mode<synchronous>, transform_indices = @transform_5, window_bounds = array<i64: 128, 128>}, {pipeline_mode = #tpu.pipeline_mode<synchronous>, transform_indices = @transform_6, window_bounds = array<i64: 1, 128>}, {pipeline_mode = #tpu.pipeline_mode<synchronous>, transform_indices = @transform_7, window_bounds = array<i64: 128, 128>}, {pipeline_mode = #tpu.pipeline_mode<synchronous>, transform_indices = @transform_8, window_bounds = array<i64: 1, 128>}, {transform_indices = @transform_9, window_bounds = array<i64: 3200, 128>}, {transform_indices = @transform_10, window_bounds = array<i64: 3200, 128>}, {transform_indices = @transform_11, window_bounds = array<i64: 3200, 128>}]} {
    %get3A = arith.constant 0 : index
    %get3A_0 = arith.constant 0 : index
    %get3A_1 = vector.load %arg1[%get3A, %get3A_0] : memref<3200x16xf32, #tpu.memory_space<vmem>>, vector<3200x16xf32>
    %get3A_2 = arith.constant 0 : index
    %get3A_3 = arith.constant 0 : index
    %get3A_4 = vector.load %arg2[%get3A_2, %get3A_3] : memref<16x128xf32, #tpu.memory_space<vmem>>, vector<16x128xf32>
    %dot_general3A = arith.constant dense<0.000000e+00> : vector<3200x128xf32>
    %dot_general3A_5 = tpu.matmul %get3A_1, %get3A_4, %dot_general3A {dimension_numbers = #tpu.dot_dimension_numbers<[1], [0], [0], [1], [0, 0, 1, 1], [], []>, transpose_lhs_hint = false} : vector<3200x16xf32>, vector<16x128xf32>, vector<3200x128xf32> -> vector<3200x128xf32>
    %get3A_6 = arith.constant 0 : index
    %get3A_7 = arith.constant 0 : index
    %get3A_8 = vector.load %arg3[%get3A_6, %get3A_7] : memref<1x128xf32, #tpu.memory_space<vmem>>, vector<1x128xf32>
    %add3A = vector.broadcast %get3A_8 : vector<1x128xf32> to vector<3200x128xf32>
    %add3A_9 = arith.addf %dot_general3A_5, %add3A : vector<3200x128xf32>
    %max3A = arith.constant 0.000000e+00 : f32
    %max3A_10 = vector.broadcast %max3A : f32 to vector<3200x128xf32>
    %max3A_11 = arith.maximumf %add3A_9, %max3A_10 : vector<3200x128xf32>
    %get3A_12 = arith.constant 0 : index
    %get3A_13 = arith.constant 0 : index
    %get3A_14 = vector.load %arg4[%get3A_12, %get3A_13] : memref<128x128xf32, #tpu.memory_space<vmem>>, vector<128x128xf32>
    %dot_general3A_15 = arith.constant dense<0.000000e+00> : vector<3200x128xf32>
    %dot_general3A_16 = tpu.matmul %max3A_11, %get3A_14, %dot_general3A_15 {dimension_numbers = #tpu.dot_dimension_numbers<[1], [0], [0], [1], [0, 0, 1, 1], [], []>, transpose_lhs_hint = false} : vector<3200x128xf32>, vector<128x128xf32>, vector<3200x128xf32> -> vector<3200x128xf32>
    %get3A_17 = arith.constant 0 : index
    %get3A_18 = arith.constant 0 : index
    %get3A_19 = vector.load %arg5[%get3A_17, %get3A_18] : memref<1x128xf32, #tpu.memory_space<vmem>>, vector<1x128xf32>
    %add3A_20 = vector.broadcast %get3A_19 : vector<1x128xf32> to vector<3200x128xf32>
    %add3A_21 = arith.addf %dot_general3A_16, %add3A_20 : vector<3200x128xf32>
    %swap3A = arith.constant 0 : index
    %swap3A_22 = arith.constant 0 : index
    %swap3A_23 = vector.load %arg10[%swap3A, %swap3A_22] : memref<3200x128xf32, #tpu.memory_space<vmem>>, vector<3200x128xf32>
    tpu.vector_store %arg10[%swap3A, %swap3A_22], %add3A_21 {strides = array<i32>} : memref<3200x128xf32, #tpu.memory_space<vmem>>, vector<3200x128xf32>,
    %get3A_24 = arith.constant 0 : index
    %get3A_25 = arith.constant 0 : index
    %get3A_26 = vector.load %arg6[%get3A_24, %get3A_25] : memref<128x128xf32, #tpu.memory_space<vmem>>, vector<128x128xf32>
    %dot_general3A_27 = arith.constant dense<0.000000e+00> : vector<3200x128xf32>
    %dot_general3A_28 = tpu.matmul %max3A_11, %get3A_26, %dot_general3A_27 {dimension_numbers = #tpu.dot_dimension_numbers<[1], [0], [0], [1], [0, 0, 1, 1], [], []>, transpose_lhs_hint = false} : vector<3200x128xf32>, vector<128x128xf32>, vector<3200x128xf32> -> vector<3200x128xf32>
    %get3A_29 = arith.constant 0 : index
    %get3A_30 = arith.constant 0 : index
    %get3A_31 = vector.load %arg7[%get3A_29, %get3A_30] : memref<1x128xf32, #tpu.memory_space<vmem>>, vector<1x128xf32>
    %add3A_32 = vector.broadcast %get3A_31 : vector<1x128xf32> to vector<3200x128xf32>
    %add3A_33 = arith.addf %dot_general3A_28, %add3A_32 : vector<3200x128xf32>
    %swap3A_34 = arith.constant 0 : index
    %swap3A_35 = arith.constant 0 : index
    %swap3A_36 = vector.load %arg11[%swap3A_34, %swap3A_35] : memref<3200x128xf32, #tpu.memory_space<vmem>>, vector<3200x128xf32>
    tpu.vector_store %arg11[%swap3A_34, %swap3A_35], %add3A_33 {strides = array<i32>} : memref<3200x128xf32, #tpu.memory_space<vmem>>, vector<3200x128xf32>,
    %get3A_37 = arith.constant 0 : index
    %get3A_38 = arith.constant 0 : index
    %get3A_39 = vector.load %arg8[%get3A_37, %get3A_38] : memref<128x128xf32, #tpu.memory_space<vmem>>, vector<128x128xf32>
    %dot_general3A_40 = arith.constant dense<0.000000e+00> : vector<3200x128xf32>
    %dot_general3A_41 = tpu.matmul %max3A_11, %get3A_39, %dot_general3A_40 {dimension_numbers = #tpu.dot_dimension_numbers<[1], [0], [0], [1], [0, 0, 1, 1], [], []>, transpose_lhs_hint = false} : vector<3200x128xf32>, vector<128x128xf32>, vector<3200x128xf32> -> vector<3200x128xf32>
    %get3A_42 = arith.constant 0 : index
    %get3A_43 = arith.constant 0 : index
    %get3A_44 = vector.load %arg9[%get3A_42, %get3A_43] : memref<1x128xf32, #tpu.memory_space<vmem>>, vector<1x128xf32>
    %add3A_45 = vector.broadcast %get3A_44 : vector<1x128xf32> to vector<3200x128xf32>
    %add3A_46 = arith.addf %dot_general3A_41, %add3A_45 : vector<3200x128xf32>
    %swap3A_47 = arith.constant 0 : index
    %swap3A_48 = arith.constant 0 : index
    %swap3A_49 = vector.load %arg12[%swap3A_47, %swap3A_48] : memref<3200x128xf32, #tpu.memory_space<vmem>>, vector<3200x128xf32>
    tpu.vector_store %arg12[%swap3A_47, %swap3A_48], %add3A_46 {strides = array<i32>} : memref<3200x128xf32, #tpu.memory_space<vmem>>, vector<3200x128xf32>,
    return
  }
  func.func @transform_0(%arg0: i32) -> (i32, i32) {
    %c0_i32 = arith.constant 0 : i32
    %c0_i32_0 = arith.constant 0 : i32
    return %arg0, %c0_i32 : i32, i32
  }
  func.func @transform_1(%arg0: i32) -> (i32, i32) {
    %c0_i32 = arith.constant 0 : i32
    %c0_i32_0 = arith.constant 0 : i32
    %c0_i32_1 = arith.constant 0 : i32
    return %c0_i32, %c0_i32_0 : i32, i32
  }
  func.func @transform_2(%arg0: i32) -> (i32, i32) {
    %c0_i32 = arith.constant 0 : i32
    %c0_i32_0 = arith.constant 0 : i32
    %c0_i32_1 = arith.constant 0 : i32
    return %c0_i32, %c0_i32_0 : i32, i32
  }
  func.func @transform_3(%arg0: i32) -> (i32, i32) {
    %c0_i32 = arith.constant 0 : i32
    %c0_i32_0 = arith.constant 0 : i32
    %c0_i32_1 = arith.constant 0 : i32
    return %c0_i32, %c0_i32_0 : i32, i32
  }
  func.func @transform_4(%arg0: i32) -> (i32, i32) {
    %c0_i32 = arith.constant 0 : i32
    %c0_i32_0 = arith.constant 0 : i32
    %c0_i32_1 = arith.constant 0 : i32
    return %c0_i32, %c0_i32_0 : i32, i32
  }
  func.func @transform_5(%arg0: i32) -> (i32, i32) {
    %c0_i32 = arith.constant 0 : i32
    %c0_i32_0 = arith.constant 0 : i32
    %c0_i32_1 = arith.constant 0 : i32
    return %c0_i32, %c0_i32_0 : i32, i32
  }
  func.func @transform_6(%arg0: i32) -> (i32, i32) {
    %c0_i32 = arith.constant 0 : i32
    %c0_i32_0 = arith.constant 0 : i32
    %c0_i32_1 = arith.constant 0 : i32
    return %c0_i32, %c0_i32_0 : i32, i32
  }
  func.func @transform_7(%arg0: i32) -> (i32, i32) {
    %c0_i32 = arith.constant 0 : i32
    %c0_i32_0 = arith.constant 0 : i32
    %c0_i32_1 = arith.constant 0 : i32
    return %c0_i32, %c0_i32_0 : i32, i32
  }
  func.func @transform_8(%arg0: i32) -> (i32, i32) {
    %c0_i32 = arith.constant 0 : i32
    %c0_i32_0 = arith.constant 0 : i32
    %c0_i32_1 = arith.constant 0 : i32
    return %c0_i32, %c0_i32_0 : i32, i32
  }
  func.func @transform_9(%arg0: i32) -> (i32, i32) {
    %c0_i32 = arith.constant 0 : i32
    %c0_i32_0 = arith.constant 0 : i32
    return %arg0, %c0_i32 : i32, i32
  }
  func.func @transform_10(%arg0: i32) -> (i32, i32) {
    %c0_i32 = arith.constant 0 : i32
    %c0_i32_0 = arith.constant 0 : i32
    return %arg0, %c0_i32 : i32, i32
  }
  func.func @transform_11(%arg0: i32) -> (i32, i32) {
    %c0_i32 = arith.constant 0 : i32
    %c0_i32_0 = arith.constant 0 : i32
    return %arg0, %c0_i32 : i32, i32
  }
}

module attributes {stable_mosaic.version = 14 : i64} {
  func.func @_prep_body(%arg0: memref<10000x128xf32, #tpu.memory_space<vmem>>, %arg1: memref<128x128xf32, #tpu.memory_space<vmem>>, %arg2: memref<1x128xf32, #tpu.memory_space<vmem>>, %arg3: memref<1x128xf32, #tpu.memory_space<vmem>>, %arg4: memref<1x128xf32, #tpu.memory_space<vmem>>, %arg5: memref<10000x128xf32, #tpu.memory_space<vmem>>) attributes {dimension_semantics = [], scalar_prefetch = 0 : i64, scratch_operands = 0 : i64, tpu.core_type = #tpu.core_type<tc>} {
    %get3A = arith.constant 0 : index
    %get3A_0 = arith.constant 0 : index
    %get3A_1 = vector.load %arg0[%get3A, %get3A_0] : memref<10000x128xf32, #tpu.memory_space<vmem>>, vector<10000x128xf32>
    %get3A_2 = arith.constant 0 : index
    %get3A_3 = arith.constant 0 : index
    %get3A_4 = vector.load %arg1[%get3A_2, %get3A_3] : memref<128x128xf32, #tpu.memory_space<vmem>>, vector<128x128xf32>
    %dot_general3A = arith.constant dense<0.000000e+00> : vector<10000x128xf32>
    %dot_general3A_5 = tpu.matmul %get3A_1, %get3A_4, %dot_general3A {dimension_numbers = #tpu.dot_dimension_numbers<[1], [0], [0], [1], [0, 0, 1, 1], [], []>, transpose_lhs_hint = false} : vector<10000x128xf32>, vector<128x128xf32>, vector<10000x128xf32> -> vector<10000x128xf32>
    %get3A_6 = arith.constant 0 : index
    %get3A_7 = arith.constant 0 : index
    %get3A_8 = vector.load %arg2[%get3A_6, %get3A_7] : memref<1x128xf32, #tpu.memory_space<vmem>>, vector<1x128xf32>
    %add3A = vector.broadcast %get3A_8 : vector<1x128xf32> to vector<10000x128xf32>
    %add3A_9 = arith.addf %dot_general3A_5, %add3A : vector<10000x128xf32>
    %get3A_10 = arith.constant 0 : index
    %get3A_11 = arith.constant 0 : index
    %get3A_12 = vector.load %arg3[%get3A_10, %get3A_11] : memref<1x128xf32, #tpu.memory_space<vmem>>, vector<1x128xf32>
    %get3A_13 = arith.constant 0 : index
    %get3A_14 = arith.constant 0 : index
    %get3A_15 = vector.load %arg4[%get3A_13, %get3A_14] : memref<1x128xf32, #tpu.memory_space<vmem>>, vector<1x128xf32>
    %reduce_sum3A = arith.constant dense<0.000000e+00> : vector<128xf32>
    %reduce_sum3A_16 = vector.multi_reduction <add>, %add3A_9, %reduce_sum3A [0] : vector<10000x128xf32> to vector<128xf32>
    %broadcast_in_dim3A = vector.shape_cast %reduce_sum3A_16 : vector<128xf32> to vector<1x128xf32>
    %div3A = arith.constant 1.000000e+04 : f32
    %div3A_17 = vector.broadcast %div3A : f32 to vector<1x128xf32>
    %div3A_18 = arith.divf %broadcast_in_dim3A, %div3A_17 : vector<1x128xf32>
    %sub3A = vector.broadcast %div3A_18 : vector<1x128xf32> to vector<10000x128xf32>
    %sub3A_19 = arith.subf %add3A_9, %sub3A : vector<10000x128xf32>
    %mul3A = arith.mulf %sub3A_19, %sub3A_19 : vector<10000x128xf32>
    %reduce_sum3A_20 = arith.constant dense<0.000000e+00> : vector<128xf32>
    %reduce_sum3A_21 = vector.multi_reduction <add>, %mul3A, %reduce_sum3A_20 [0] : vector<10000x128xf32> to vector<128xf32>
    %broadcast_in_dim3A_22 = vector.shape_cast %reduce_sum3A_21 : vector<128xf32> to vector<1x128xf32>
    %div3A_23 = arith.constant 1.000000e+04 : f32
    %div3A_24 = vector.broadcast %div3A_23 : f32 to vector<1x128xf32>
    %div3A_25 = arith.divf %broadcast_in_dim3A_22, %div3A_24 : vector<1x128xf32>
    %add3A_26 = arith.constant 9.99999974E-6 : f32
    %add3A_27 = vector.broadcast %add3A_26 : f32 to vector<1x128xf32>
    %add3A_28 = arith.addf %div3A_25, %add3A_27 : vector<1x128xf32>
    %sqrt3A = math.sqrt %add3A_28 : vector<1x128xf32>
    %div3A_29 = vector.broadcast %sqrt3A : vector<1x128xf32> to vector<10000x128xf32>
    %div3A_30 = arith.divf %sub3A_19, %div3A_29 : vector<10000x128xf32>
    %mul3A_31 = vector.broadcast %get3A_12 : vector<1x128xf32> to vector<10000x128xf32>
    %mul3A_32 = arith.mulf %div3A_30, %mul3A_31 : vector<10000x128xf32>
    %add3A_33 = vector.broadcast %get3A_15 : vector<1x128xf32> to vector<10000x128xf32>
    %add3A_34 = arith.addf %mul3A_32, %add3A_33 : vector<10000x128xf32>
    %max3A = arith.constant 0.000000e+00 : f32
    %max3A_35 = vector.broadcast %max3A : f32 to vector<10000x128xf32>
    %max3A_36 = arith.maximumf %add3A_34, %max3A_35 : vector<10000x128xf32>
    %swap3A = arith.constant 0 : index
    %swap3A_37 = arith.constant 0 : index
    %swap3A_38 = vector.load %arg5[%swap3A, %swap3A_37] : memref<10000x128xf32, #tpu.memory_space<vmem>>, vector<10000x128xf32>
    tpu.vector_store %arg5[%swap3A, %swap3A_37], %max3A_36 {strides = array<i32>} : memref<10000x128xf32, #tpu.memory_space<vmem>>, vector<10000x128xf32>,
    return
  }
}

module attributes {stable_mosaic.version = 14 : i64} {
  func.func @_block_body(%arg0: memref<10000x128xf32, #tpu.memory_space<vmem>>, %arg1: memref<2x10000x128xf32, #tpu.memory_space<vmem>>, %arg2: memref<1x1xf32, #tpu.memory_space<vmem>>, %arg3: memref<128x128xf32, #tpu.memory_space<vmem>>, %arg4: memref<1x128xf32, #tpu.memory_space<vmem>>, %arg5: memref<1x128xf32, #tpu.memory_space<vmem>>, %arg6: memref<1x128xf32, #tpu.memory_space<vmem>>, %arg7: memref<128x128xf32, #tpu.memory_space<vmem>>, %arg8: memref<1x128xf32, #tpu.memory_space<vmem>>, %arg9: memref<1x128xf32, #tpu.memory_space<vmem>>, %arg10: memref<1x128xf32, #tpu.memory_space<vmem>>, %arg11: memref<10000x128xf32, #tpu.memory_space<vmem>>) attributes {dimension_semantics = [], scalar_prefetch = 0 : i64, scratch_operands = 0 : i64, tpu.core_type = #tpu.core_type<tc>} {
    %get3A = arith.constant 0 : index
    %get3A_0 = arith.constant 0 : index
    %get3A_1 = vector.load %arg0[%get3A, %get3A_0] : memref<10000x128xf32, #tpu.memory_space<vmem>>, vector<10000x128xf32>
    %get3A_2 = arith.constant 0 : index
    %get3A_3 = arith.constant 0 : index
    %get3A_4 = arith.constant 0 : index
    %get3A_5 = vector.load %arg1[%get3A_2, %get3A_3, %get3A_4] : memref<2x10000x128xf32, #tpu.memory_space<vmem>>, vector<1x10000x128xf32>
    %get3A_6 = vector.shape_cast %get3A_5 : vector<1x10000x128xf32> to vector<10000x128xf32>
    %get3A_7 = arith.constant 1 : index
    %get3A_8 = arith.constant 0 : index
    %get3A_9 = arith.constant 0 : index
    %get3A_10 = vector.load %arg1[%get3A_7, %get3A_8, %get3A_9] : memref<2x10000x128xf32, #tpu.memory_space<vmem>>, vector<1x10000x128xf32>
    %get3A_11 = vector.shape_cast %get3A_10 : vector<1x10000x128xf32> to vector<10000x128xf32>
    %add3A = arith.addf %get3A_6, %get3A_11 : vector<10000x128xf32>
    %get3A_12 = arith.constant 0 : index
    %get3A_13 = arith.constant 0 : index
    %get3A_14 = vector.load %arg2[%get3A_12, %get3A_13] : memref<1x1xf32, #tpu.memory_space<vmem>>, vector<1x1xf32>
    %get3A_15 = vector.extract %get3A_14[0, 0] : f32 from vector<1x1xf32>
    %add3A_16 = arith.constant 1.000000e+00 : f32
    %add3A_17 = arith.addf %add3A_16, %get3A_15 : f32
    %mul3A = vector.broadcast %add3A_17 : f32 to vector<10000x128xf32>
    %mul3A_18 = arith.mulf %mul3A, %get3A_1 : vector<10000x128xf32>
    %add3A_19 = arith.addf %mul3A_18, %add3A : vector<10000x128xf32>
    %get3A_20 = arith.constant 0 : index
    %get3A_21 = arith.constant 0 : index
    %get3A_22 = vector.load %arg3[%get3A_20, %get3A_21] : memref<128x128xf32, #tpu.memory_space<vmem>>, vector<128x128xf32>
    %dot_general3A = arith.constant dense<0.000000e+00> : vector<10000x128xf32>
    %dot_general3A_23 = tpu.matmul %add3A_19, %get3A_22, %dot_general3A {dimension_numbers = #tpu.dot_dimension_numbers<[1], [0], [0], [1], [0, 0, 1, 1], [], []>, transpose_lhs_hint = false} : vector<10000x128xf32>, vector<128x128xf32>, vector<10000x128xf32> -> vector<10000x128xf32>
    %get3A_24 = arith.constant 0 : index
    %get3A_25 = arith.constant 0 : index
    %get3A_26 = vector.load %arg4[%get3A_24, %get3A_25] : memref<1x128xf32, #tpu.memory_space<vmem>>, vector<1x128xf32>
    %add3A_27 = vector.broadcast %get3A_26 : vector<1x128xf32> to vector<10000x128xf32>
    %add3A_28 = arith.addf %dot_general3A_23, %add3A_27 : vector<10000x128xf32>
    %get3A_29 = arith.constant 0 : index
    %get3A_30 = arith.constant 0 : index
    %get3A_31 = vector.load %arg5[%get3A_29, %get3A_30] : memref<1x128xf32, #tpu.memory_space<vmem>>, vector<1x128xf32>
    %get3A_32 = arith.constant 0 : index
    %get3A_33 = arith.constant 0 : index
    %get3A_34 = vector.load %arg6[%get3A_32, %get3A_33] : memref<1x128xf32, #tpu.memory_space<vmem>>, vector<1x128xf32>
    %reduce_sum3A = arith.constant dense<0.000000e+00> : vector<128xf32>
    %reduce_sum3A_35 = vector.multi_reduction <add>, %add3A_28, %reduce_sum3A [0] : vector<10000x128xf32> to vector<128xf32>
    %broadcast_in_dim3A = vector.shape_cast %reduce_sum3A_35 : vector<128xf32> to vector<1x128xf32>
    %div3A = arith.constant 1.000000e+04 : f32
    %div3A_36 = vector.broadcast %div3A : f32 to vector<1x128xf32>
    %div3A_37 = arith.divf %broadcast_in_dim3A, %div3A_36 : vector<1x128xf32>
    %sub3A = vector.broadcast %div3A_37 : vector<1x128xf32> to vector<10000x128xf32>
    %sub3A_38 = arith.subf %add3A_28, %sub3A : vector<10000x128xf32>
    %mul3A_39 = arith.mulf %sub3A_38, %sub3A_38 : vector<10000x128xf32>
    %reduce_sum3A_40 = arith.constant dense<0.000000e+00> : vector<128xf32>
    %reduce_sum3A_41 = vector.multi_reduction <add>, %mul3A_39, %reduce_sum3A_40 [0] : vector<10000x128xf32> to vector<128xf32>
    %broadcast_in_dim3A_42 = vector.shape_cast %reduce_sum3A_41 : vector<128xf32> to vector<1x128xf32>
    %div3A_43 = arith.constant 1.000000e+04 : f32
    %div3A_44 = vector.broadcast %div3A_43 : f32 to vector<1x128xf32>
    %div3A_45 = arith.divf %broadcast_in_dim3A_42, %div3A_44 : vector<1x128xf32>
    %add3A_46 = arith.constant 9.99999974E-6 : f32
    %add3A_47 = vector.broadcast %add3A_46 : f32 to vector<1x128xf32>
    %add3A_48 = arith.addf %div3A_45, %add3A_47 : vector<1x128xf32>
    %sqrt3A = math.sqrt %add3A_48 : vector<1x128xf32>
    %div3A_49 = vector.broadcast %sqrt3A : vector<1x128xf32> to vector<10000x128xf32>
    %div3A_50 = arith.divf %sub3A_38, %div3A_49 : vector<10000x128xf32>
    %mul3A_51 = vector.broadcast %get3A_31 : vector<1x128xf32> to vector<10000x128xf32>
    %mul3A_52 = arith.mulf %div3A_50, %mul3A_51 : vector<10000x128xf32>
    %add3A_53 = vector.broadcast %get3A_34 : vector<1x128xf32> to vector<10000x128xf32>
    %add3A_54 = arith.addf %mul3A_52, %add3A_53 : vector<10000x128xf32>
    %max3A = arith.constant 0.000000e+00 : f32
    %max3A_55 = vector.broadcast %max3A : f32 to vector<10000x128xf32>
    %max3A_56 = arith.maximumf %add3A_54, %max3A_55 : vector<10000x128xf32>
    %get3A_57 = arith.constant 0 : index
    %get3A_58 = arith.constant 0 : index
    %get3A_59 = vector.load %arg7[%get3A_57, %get3A_58] : memref<128x128xf32, #tpu.memory_space<vmem>>, vector<128x128xf32>
    %dot_general3A_60 = arith.constant dense<0.000000e+00> : vector<10000x128xf32>
    %dot_general3A_61 = tpu.matmul %max3A_56, %get3A_59, %dot_general3A_60 {dimension_numbers = #tpu.dot_dimension_numbers<[1], [0], [0], [1], [0, 0, 1, 1], [], []>, transpose_lhs_hint = false} : vector<10000x128xf32>, vector<128x128xf32>, vector<10000x128xf32> -> vector<10000x128xf32>
    %get3A_62 = arith.constant 0 : index
    %get3A_63 = arith.constant 0 : index
    %get3A_64 = vector.load %arg8[%get3A_62, %get3A_63] : memref<1x128xf32, #tpu.memory_space<vmem>>, vector<1x128xf32>
    %add3A_65 = vector.broadcast %get3A_64 : vector<1x128xf32> to vector<10000x128xf32>
    %add3A_66 = arith.addf %dot_general3A_61, %add3A_65 : vector<10000x128xf32>
    %reduce_sum3A_67 = arith.constant dense<0.000000e+00> : vector<10000xf32>
    %reduce_sum3A_68 = vector.multi_reduction <add>, %add3A_66, %reduce_sum3A_67 [1] : vector<10000x128xf32> to vector<10000xf32>
    %broadcast_in_dim3A_69 = vector.shape_cast %reduce_sum3A_68 : vector<10000xf32> to vector<10000x1xf32>
    %div3A_70 = arith.constant 1.280000e+02 : f32
    %div3A_71 = vector.broadcast %div3A_70 : f32 to vector<10000x1xf32>
    %div3A_72 = arith.divf %broadcast_in_dim3A_69, %div3A_71 : vector<10000x1xf32>
    %sub3A_73 = vector.broadcast %div3A_72 : vector<10000x1xf32> to vector<10000x128xf32>
    %sub3A_74 = arith.subf %add3A_66, %sub3A_73 : vector<10000x128xf32>
    %mul3A_75 = arith.mulf %sub3A_74, %sub3A_74 : vector<10000x128xf32>
    %reduce_sum3A_76 = arith.constant dense<0.000000e+00> : vector<10000xf32>
    %reduce_sum3A_77 = vector.multi_reduction <add>, %mul3A_75, %reduce_sum3A_76 [1] : vector<10000x128xf32> to vector<10000xf32>
    %broadcast_in_dim3A_78 = vector.shape_cast %reduce_sum3A_77 : vector<10000xf32> to vector<10000x1xf32>
    %div3A_79 = arith.constant 1.280000e+02 : f32
    %div3A_80 = vector.broadcast %div3A_79 : f32 to vector<10000x1xf32>
    %div3A_81 = arith.divf %broadcast_in_dim3A_78, %div3A_80 : vector<10000x1xf32>
    %add3A_82 = arith.constant 9.99999974E-6 : f32
    %add3A_83 = vector.broadcast %add3A_82 : f32 to vector<10000x1xf32>
    %add3A_84 = arith.addf %div3A_81, %add3A_83 : vector<10000x1xf32>
    %sqrt3A_85 = math.sqrt %add3A_84 : vector<10000x1xf32>
    %div3A_86 = vector.broadcast %sqrt3A_85 : vector<10000x1xf32> to vector<10000x128xf32>
    %div3A_87 = arith.divf %sub3A_74, %div3A_86 : vector<10000x128xf32>
    %get3A_88 = arith.constant 0 : index
    %get3A_89 = arith.constant 0 : index
    %get3A_90 = vector.load %arg9[%get3A_88, %get3A_89] : memref<1x128xf32, #tpu.memory_space<vmem>>, vector<1x128xf32>
    %mul3A_91 = vector.broadcast %get3A_90 : vector<1x128xf32> to vector<10000x128xf32>
    %mul3A_92 = arith.mulf %div3A_87, %mul3A_91 : vector<10000x128xf32>
    %get3A_93 = arith.constant 0 : index
    %get3A_94 = arith.constant 0 : index
    %get3A_95 = vector.load %arg10[%get3A_93, %get3A_94] : memref<1x128xf32, #tpu.memory_space<vmem>>, vector<1x128xf32>
    %add3A_96 = vector.broadcast %get3A_95 : vector<1x128xf32> to vector<10000x128xf32>
    %add3A_97 = arith.addf %mul3A_92, %add3A_96 : vector<10000x128xf32>
    %add3A_98 = arith.addf %add3A_97, %get3A_1 : vector<10000x128xf32>
    %max3A_99 = arith.constant 0.000000e+00 : f32
    %max3A_100 = vector.broadcast %max3A_99 : f32 to vector<10000x128xf32>
    %max3A_101 = arith.maximumf %add3A_98, %max3A_100 : vector<10000x128xf32>
    %swap3A = arith.constant 0 : index
    %swap3A_102 = arith.constant 0 : index
    %swap3A_103 = vector.load %arg11[%swap3A, %swap3A_102] : memref<10000x128xf32, #tpu.memory_space<vmem>>, vector<10000x128xf32>
    tpu.vector_store %arg11[%swap3A, %swap3A_102], %max3A_101 {strides = array<i32>} : memref<10000x128xf32, #tpu.memory_space<vmem>>, vector<10000x128xf32>,
    return
  }
}

module attributes {stable_mosaic.version = 14 : i64} {
  func.func @_jk_body(%arg0: i32, %arg1: memref<2000x128xf32, #tpu.memory_space<vmem>>, %arg2: memref<2000x128xf32, #tpu.memory_space<vmem>>, %arg3: memref<2000x128xf32, #tpu.memory_space<vmem>>, %arg4: memref<128x64xf32, #tpu.memory_space<vmem>>, %arg5: memref<1x64xf32, #tpu.memory_space<vmem>>, %arg6: memref<64x1xf32, #tpu.memory_space<vmem>>, %arg7: memref<1x1xf32, #tpu.memory_space<vmem>>, %arg8: memref<2000x128xf32, #tpu.memory_space<vmem>>) attributes {dimension_semantics = [#tpu.dimension_semantics<arbitrary>], iteration_bounds = array<i64: 5>, scalar_prefetch = 0 : i64, scratch_operands = 0 : i64, tpu.core_type = #tpu.core_type<tc>, window_params = [{transform_indices = @transform_0, window_bounds = array<i64: 2000, 128>}, {transform_indices = @transform_1, window_bounds = array<i64: 2000, 128>}, {transform_indices = @transform_2, window_bounds = array<i64: 2000, 128>}, {pipeline_mode = #tpu.pipeline_mode<synchronous>, transform_indices = @transform_3, window_bounds = array<i64: 128, 64>}, {pipeline_mode = #tpu.pipeline_mode<synchronous>, transform_indices = @transform_4, window_bounds = array<i64: 1, 64>}, {pipeline_mode = #tpu.pipeline_mode<synchronous>, transform_indices = @transform_5, window_bounds = array<i64: 64, 1>}, {pipeline_mode = #tpu.pipeline_mode<synchronous>, transform_indices = @transform_6, window_bounds = array<i64: 1, 1>}, {transform_indices = @transform_7, window_bounds = array<i64: 2000, 128>}]} {
    %get3A = arith.constant 0 : index
    %get3A_0 = arith.constant 0 : index
    %get3A_1 = vector.load %arg1[%get3A, %get3A_0] : memref<2000x128xf32, #tpu.memory_space<vmem>>, vector<2000x128xf32>
    %get3A_2 = arith.constant 0 : index
    %get3A_3 = arith.constant 0 : index
    %get3A_4 = vector.load %arg2[%get3A_2, %get3A_3] : memref<2000x128xf32, #tpu.memory_space<vmem>>, vector<2000x128xf32>
    %get3A_5 = arith.constant 0 : index
    %get3A_6 = arith.constant 0 : index
    %get3A_7 = vector.load %arg3[%get3A_5, %get3A_6] : memref<2000x128xf32, #tpu.memory_space<vmem>>, vector<2000x128xf32>
    %get3A_8 = arith.constant 0 : index
    %get3A_9 = arith.constant 0 : index
    %get3A_10 = vector.load %arg4[%get3A_8, %get3A_9] : memref<128x64xf32, #tpu.memory_space<vmem>>, vector<128x64xf32>
    %dot_general3A = arith.constant dense<0.000000e+00> : vector<2000x64xf32>
    %dot_general3A_11 = tpu.matmul %get3A_1, %get3A_10, %dot_general3A {dimension_numbers = #tpu.dot_dimension_numbers<[1], [0], [0], [1], [0, 0, 1, 1], [], []>, transpose_lhs_hint = false} : vector<2000x128xf32>, vector<128x64xf32>, vector<2000x64xf32> -> vector<2000x64xf32>
    %get3A_12 = arith.constant 0 : index
    %get3A_13 = arith.constant 0 : index
    %get3A_14 = vector.load %arg5[%get3A_12, %get3A_13] : memref<1x64xf32, #tpu.memory_space<vmem>>, vector<1x64xf32>
    %add3A = vector.broadcast %get3A_14 : vector<1x64xf32> to vector<2000x64xf32>
    %add3A_15 = arith.addf %dot_general3A_11, %add3A : vector<2000x64xf32>
    %max3A = arith.constant 0.000000e+00 : f32
    %max3A_16 = vector.broadcast %max3A : f32 to vector<2000x64xf32>
    %max3A_17 = arith.maximumf %add3A_15, %max3A_16 : vector<2000x64xf32>
    %get3A_18 = arith.constant 0 : index
    %get3A_19 = arith.constant 0 : index
    %get3A_20 = vector.load %arg6[%get3A_18, %get3A_19] : memref<64x1xf32, #tpu.memory_space<vmem>>, vector<64x1xf32>
    %dot_general3A_21 = arith.constant dense<0.000000e+00> : vector<2000x1xf32>
    %dot_general3A_22 = tpu.matmul %max3A_17, %get3A_20, %dot_general3A_21 {dimension_numbers = #tpu.dot_dimension_numbers<[1], [0], [0], [1], [0, 0, 1, 1], [], []>, transpose_lhs_hint = false} : vector<2000x64xf32>, vector<64x1xf32>, vector<2000x1xf32> -> vector<2000x1xf32>
    %get3A_23 = arith.constant 0 : index
    %get3A_24 = arith.constant 0 : index
    %get3A_25 = vector.load %arg7[%get3A_23, %get3A_24] : memref<1x1xf32, #tpu.memory_space<vmem>>, vector<1x1xf32>
    %add3A_26 = vector.broadcast %get3A_25 : vector<1x1xf32> to vector<2000x1xf32>
    %add3A_27 = arith.addf %dot_general3A_22, %add3A_26 : vector<2000x1xf32>
    %get3A_28 = arith.constant 0 : index
    %get3A_29 = arith.constant 0 : index
    %get3A_30 = vector.load %arg4[%get3A_28, %get3A_29] : memref<128x64xf32, #tpu.memory_space<vmem>>, vector<128x64xf32>
    %dot_general3A_31 = arith.constant dense<0.000000e+00> : vector<2000x64xf32>
    %dot_general3A_32 = tpu.matmul %get3A_4, %get3A_30, %dot_general3A_31 {dimension_numbers = #tpu.dot_dimension_numbers<[1], [0], [0], [1], [0, 0, 1, 1], [], []>, transpose_lhs_hint = false} : vector<2000x128xf32>, vector<128x64xf32>, vector<2000x64xf32> -> vector<2000x64xf32>
    %get3A_33 = arith.constant 0 : index
    %get3A_34 = arith.constant 0 : index
    %get3A_35 = vector.load %arg5[%get3A_33, %get3A_34] : memref<1x64xf32, #tpu.memory_space<vmem>>, vector<1x64xf32>
    %add3A_36 = vector.broadcast %get3A_35 : vector<1x64xf32> to vector<2000x64xf32>
    %add3A_37 = arith.addf %dot_general3A_32, %add3A_36 : vector<2000x64xf32>
    %max3A_38 = arith.constant 0.000000e+00 : f32
    %max3A_39 = vector.broadcast %max3A_38 : f32 to vector<2000x64xf32>
    %max3A_40 = arith.maximumf %add3A_37, %max3A_39 : vector<2000x64xf32>
    %get3A_41 = arith.constant 0 : index
    %get3A_42 = arith.constant 0 : index
    %get3A_43 = vector.load %arg6[%get3A_41, %get3A_42] : memref<64x1xf32, #tpu.memory_space<vmem>>, vector<64x1xf32>
    %dot_general3A_44 = arith.constant dense<0.000000e+00> : vector<2000x1xf32>
    %dot_general3A_45 = tpu.matmul %max3A_40, %get3A_43, %dot_general3A_44 {dimension_numbers = #tpu.dot_dimension_numbers<[1], [0], [0], [1], [0, 0, 1, 1], [], []>, transpose_lhs_hint = false} : vector<2000x64xf32>, vector<64x1xf32>, vector<2000x1xf32> -> vector<2000x1xf32>
    %get3A_46 = arith.constant 0 : index
    %get3A_47 = arith.constant 0 : index
    %get3A_48 = vector.load %arg7[%get3A_46, %get3A_47] : memref<1x1xf32, #tpu.memory_space<vmem>>, vector<1x1xf32>
    %add3A_49 = vector.broadcast %get3A_48 : vector<1x1xf32> to vector<2000x1xf32>
    %add3A_50 = arith.addf %dot_general3A_45, %add3A_49 : vector<2000x1xf32>
    %get3A_51 = arith.constant 0 : index
    %get3A_52 = arith.constant 0 : index
    %get3A_53 = vector.load %arg4[%get3A_51, %get3A_52] : memref<128x64xf32, #tpu.memory_space<vmem>>, vector<128x64xf32>
    %dot_general3A_54 = arith.constant dense<0.000000e+00> : vector<2000x64xf32>
    %dot_general3A_55 = tpu.matmul %get3A_7, %get3A_53, %dot_general3A_54 {dimension_numbers = #tpu.dot_dimension_numbers<[1], [0], [0], [1], [0, 0, 1, 1], [], []>, transpose_lhs_hint = false} : vector<2000x128xf32>, vector<128x64xf32>, vector<2000x64xf32> -> vector<2000x64xf32>
    %get3A_56 = arith.constant 0 : index
    %get3A_57 = arith.constant 0 : index
    %get3A_58 = vector.load %arg5[%get3A_56, %get3A_57] : memref<1x64xf32, #tpu.memory_space<vmem>>, vector<1x64xf32>
    %add3A_59 = vector.broadcast %get3A_58 : vector<1x64xf32> to vector<2000x64xf32>
    %add3A_60 = arith.addf %dot_general3A_55, %add3A_59 : vector<2000x64xf32>
    %max3A_61 = arith.constant 0.000000e+00 : f32
    %max3A_62 = vector.broadcast %max3A_61 : f32 to vector<2000x64xf32>
    %max3A_63 = arith.maximumf %add3A_60, %max3A_62 : vector<2000x64xf32>
    %get3A_64 = arith.constant 0 : index
    %get3A_65 = arith.constant 0 : index
    %get3A_66 = vector.load %arg6[%get3A_64, %get3A_65] : memref<64x1xf32, #tpu.memory_space<vmem>>, vector<64x1xf32>
    %dot_general3A_67 = arith.constant dense<0.000000e+00> : vector<2000x1xf32>
    %dot_general3A_68 = tpu.matmul %max3A_63, %get3A_66, %dot_general3A_67 {dimension_numbers = #tpu.dot_dimension_numbers<[1], [0], [0], [1], [0, 0, 1, 1], [], []>, transpose_lhs_hint = false} : vector<2000x64xf32>, vector<64x1xf32>, vector<2000x1xf32> -> vector<2000x1xf32>
    %get3A_69 = arith.constant 0 : index
    %get3A_70 = arith.constant 0 : index
    %get3A_71 = vector.load %arg7[%get3A_69, %get3A_70] : memref<1x1xf32, #tpu.memory_space<vmem>>, vector<1x1xf32>
    %add3A_72 = vector.broadcast %get3A_71 : vector<1x1xf32> to vector<2000x1xf32>
    %add3A_73 = arith.addf %dot_general3A_68, %add3A_72 : vector<2000x1xf32>
    %max3A_74 = arith.maximumf %add3A_27, %add3A_50 : vector<2000x1xf32>
    %max3A_75 = arith.maximumf %max3A_74, %add3A_73 : vector<2000x1xf32>
    %sub3A = arith.subf %add3A_27, %max3A_75 : vector<2000x1xf32>
    %exp3A = math.exp %sub3A : vector<2000x1xf32>
    %sub3A_76 = arith.subf %add3A_50, %max3A_75 : vector<2000x1xf32>
    %exp3A_77 = math.exp %sub3A_76 : vector<2000x1xf32>
    %sub3A_78 = arith.subf %add3A_73, %max3A_75 : vector<2000x1xf32>
    %exp3A_79 = math.exp %sub3A_78 : vector<2000x1xf32>
    %add3A_80 = arith.addf %exp3A, %exp3A_77 : vector<2000x1xf32>
    %add3A_81 = arith.addf %add3A_80, %exp3A_79 : vector<2000x1xf32>
    %mul3A = vector.broadcast %exp3A : vector<2000x1xf32> to vector<2000x128xf32>
    %mul3A_82 = arith.mulf %mul3A, %get3A_1 : vector<2000x128xf32>
    %mul3A_83 = vector.broadcast %exp3A_77 : vector<2000x1xf32> to vector<2000x128xf32>
    %mul3A_84 = arith.mulf %mul3A_83, %get3A_4 : vector<2000x128xf32>
    %add3A_85 = arith.addf %mul3A_82, %mul3A_84 : vector<2000x128xf32>
    %mul3A_86 = vector.broadcast %exp3A_79 : vector<2000x1xf32> to vector<2000x128xf32>
    %mul3A_87 = arith.mulf %mul3A_86, %get3A_7 : vector<2000x128xf32>
    %add3A_88 = arith.addf %add3A_85, %mul3A_87 : vector<2000x128xf32>
    %div3A = vector.broadcast %add3A_81 : vector<2000x1xf32> to vector<2000x128xf32>
    %div3A_89 = arith.divf %add3A_88, %div3A : vector<2000x128xf32>
    %swap3A = arith.constant 0 : index
    %swap3A_90 = arith.constant 0 : index
    %swap3A_91 = vector.load %arg8[%swap3A, %swap3A_90] : memref<2000x128xf32, #tpu.memory_space<vmem>>, vector<2000x128xf32>
    tpu.vector_store %arg8[%swap3A, %swap3A_90], %div3A_89 {strides = array<i32>} : memref<2000x128xf32, #tpu.memory_space<vmem>>, vector<2000x128xf32>,
    return
  }
  func.func @transform_0(%arg0: i32) -> (i32, i32) {
    %c0_i32 = arith.constant 0 : i32
    %c0_i32_0 = arith.constant 0 : i32
    return %arg0, %c0_i32 : i32, i32
  }
  func.func @transform_1(%arg0: i32) -> (i32, i32) {
    %c0_i32 = arith.constant 0 : i32
    %c0_i32_0 = arith.constant 0 : i32
    return %arg0, %c0_i32 : i32, i32
  }
  func.func @transform_2(%arg0: i32) -> (i32, i32) {
    %c0_i32 = arith.constant 0 : i32
    %c0_i32_0 = arith.constant 0 : i32
    return %arg0, %c0_i32 : i32, i32
  }
  func.func @transform_3(%arg0: i32) -> (i32, i32) {
    %c0_i32 = arith.constant 0 : i32
    %c0_i32_0 = arith.constant 0 : i32
    %c0_i32_1 = arith.constant 0 : i32
    return %c0_i32, %c0_i32_0 : i32, i32
  }
  func.func @transform_4(%arg0: i32) -> (i32, i32) {
    %c0_i32 = arith.constant 0 : i32
    %c0_i32_0 = arith.constant 0 : i32
    %c0_i32_1 = arith.constant 0 : i32
    return %c0_i32, %c0_i32_0 : i32, i32
  }
  func.func @transform_5(%arg0: i32) -> (i32, i32) {
    %c0_i32 = arith.constant 0 : i32
    %c0_i32_0 = arith.constant 0 : i32
    %c0_i32_1 = arith.constant 0 : i32
    return %c0_i32, %c0_i32_0 : i32, i32
  }
  func.func @transform_6(%arg0: i32) -> (i32, i32) {
    %c0_i32 = arith.constant 0 : i32
    %c0_i32_0 = arith.constant 0 : i32
    %c0_i32_1 = arith.constant 0 : i32
    return %c0_i32, %c0_i32_0 : i32, i32
  }
  func.func @transform_7(%arg0: i32) -> (i32, i32) {
    %c0_i32 = arith.constant 0 : i32
    %c0_i32_0 = arith.constant 0 : i32
    return %arg0, %c0_i32 : i32, i32
  }
}

module attributes {stable_mosaic.version = 14 : i64} {
  func.func @_pool_body(%arg0: memref<10000x128xf32, #tpu.memory_space<vmem>>, %arg1: memref<10000x1xi32, #tpu.memory_space<vmem>>, %arg2: memref<64x128xf32, #tpu.memory_space<vmem>>, %arg3: memref<64x1xf32, #tpu.memory_space<vmem>>) attributes {dimension_semantics = [], scalar_prefetch = 0 : i64, scratch_operands = 0 : i64, tpu.core_type = #tpu.core_type<tc>} {
    %get3A = arith.constant 0 : index
    %get3A_0 = arith.constant 0 : index
    %get3A_1 = vector.load %arg0[%get3A, %get3A_0] : memref<10000x128xf32, #tpu.memory_space<vmem>>, vector<10000x128xf32>
    %get3A_2 = arith.constant 0 : index
    %get3A_3 = arith.constant 0 : index
    %get3A_4 = vector.load %arg1[%get3A_2, %get3A_3] : memref<10000x1xi32, #tpu.memory_space<vmem>>, vector<10000x1xi32>
    %iota3A = tpu.iota {dimensions = array<i32: 1>} : vector<10000x64xi32>
    %eq3A = vector.broadcast %get3A_4 : vector<10000x1xi32> to vector<10000x64xi32>
    %eq3A_5 = arith.cmpi eq, %eq3A, %iota3A : vector<10000x64xi32>
    %convert_element_type3A = arith.extui %eq3A_5 : vector<10000x64xi1> to vector<10000x64xi32>
    %convert_element_type3A_6 = arith.sitofp %convert_element_type3A : vector<10000x64xi32> to vector<10000x64xf32>
    %dot_general3A = arith.constant dense<0.000000e+00> : vector<64x128xf32>
    %dot_general3A_7 = tpu.matmul %convert_element_type3A_6, %get3A_1, %dot_general3A {dimension_numbers = #tpu.dot_dimension_numbers<[0], [0], [1], [1], [0, 1, 1, 1], [], []>, precision = #tpu.contract_precision<fp32>, transpose_lhs_hint = false} : vector<10000x64xf32>, vector<10000x128xf32>, vector<64x128xf32> -> vector<64x128xf32>
    %swap3A = arith.constant 0 : index
    %swap3A_8 = arith.constant 0 : index
    %swap3A_9 = vector.load %arg2[%swap3A, %swap3A_8] : memref<64x128xf32, #tpu.memory_space<vmem>>, vector<64x128xf32>
    tpu.vector_store %arg2[%swap3A, %swap3A_8], %dot_general3A_7 {strides = array<i32>} : memref<64x128xf32, #tpu.memory_space<vmem>>, vector<64x128xf32>,
    %broadcast_in_dim3A = arith.constant 1.000000e+00 : f32
    %broadcast_in_dim3A_10 = vector.broadcast %broadcast_in_dim3A : f32 to vector<10000x1xf32>
    %dot_general3A_11 = arith.constant dense<0.000000e+00> : vector<64x1xf32>
    %dot_general3A_12 = tpu.matmul %convert_element_type3A_6, %broadcast_in_dim3A_10, %dot_general3A_11 {dimension_numbers = #tpu.dot_dimension_numbers<[0], [0], [1], [1], [0, 1, 1, 1], [], []>, precision = #tpu.contract_precision<fp32>, transpose_lhs_hint = false} : vector<10000x64xf32>, vector<10000x1xf32>, vector<64x1xf32> -> vector<64x1xf32>
    %swap3A_13 = arith.constant 0 : index
    %swap3A_14 = arith.constant 0 : index
    %swap3A_15 = vector.load %arg3[%swap3A_13, %swap3A_14] : memref<64x1xf32, #tpu.memory_space<vmem>>, vector<64x1xf32>
    tpu.vector_store %arg3[%swap3A_13, %swap3A_14], %dot_general3A_12 {strides = array<i32>} : memref<64x1xf32, #tpu.memory_space<vmem>>, vector<64x1xf32>,
    return
  }
}

module attributes {stable_mosaic.version = 14 : i64} {
  func.func @_segmax_body(%arg0: i32, %arg1: memref<10000x128xf32, #tpu.memory_space<vmem>>, %arg2: memref<10000x1xi32, #tpu.memory_space<vmem>>, %arg3: memref<8x128xf32, #tpu.memory_space<vmem>>) attributes {dimension_semantics = [#tpu.dimension_semantics<arbitrary>], iteration_bounds = array<i64: 8>, scalar_prefetch = 0 : i64, scratch_operands = 0 : i64, tpu.core_type = #tpu.core_type<tc>, window_params = [{pipeline_mode = #tpu.pipeline_mode<synchronous>, transform_indices = @transform_0, window_bounds = array<i64: 10000, 128>}, {pipeline_mode = #tpu.pipeline_mode<synchronous>, transform_indices = @transform_1, window_bounds = array<i64: 10000, 1>}, {transform_indices = @transform_2, window_bounds = array<i64: 8, 128>}]} {
    %mul3A = arith.constant 8 : i32
    %mul3A_0 = arith.muli %arg0, %mul3A : i32
    %get3A = arith.constant 0 : index
    %get3A_1 = arith.constant 0 : index
    %get3A_2 = vector.load %arg1[%get3A, %get3A_1] : memref<10000x128xf32, #tpu.memory_space<vmem>>, vector<10000x128xf32>
    %get3A_3 = arith.constant 0 : index
    %get3A_4 = arith.constant 0 : index
    %get3A_5 = vector.load %arg2[%get3A_3, %get3A_4] : memref<10000x1xi32, #tpu.memory_space<vmem>>, vector<10000x1xi32>
    %add3A = arith.constant 0 : i32
    %add3A_6 = arith.addi %mul3A_0, %add3A : i32
    %eq3A = vector.broadcast %add3A_6 : i32 to vector<10000x1xi32>
    %eq3A_7 = arith.cmpi eq, %get3A_5, %eq3A : vector<10000x1xi32>
    %jit3A = arith.constant 0xFF800000 : f32
    %broadcast_in_dim3A = vector.shape_cast %eq3A_7 : vector<10000x1xi1> to vector<10000x1xi1>
    %broadcast_in_dim3A_8 = vector.broadcast %broadcast_in_dim3A : vector<10000x1xi1> to vector<10000x128xi1>
    %broadcast_in_dim3A_9 = vector.broadcast %jit3A : f32 to vector<10000x128xf32>
    %select_n3A = arith.select %broadcast_in_dim3A_8, %get3A_2, %broadcast_in_dim3A_9 : vector<10000x128xi1>, vector<10000x128xf32>
    %reduce_max3A = arith.constant dense<0xFF800000> : vector<128xf32>
    %reduce_max3A_10 = vector.multi_reduction <maximumf>, %select_n3A, %reduce_max3A [0] : vector<10000x128xf32> to vector<128xf32>
    %broadcast_in_dim3A_11 = vector.shape_cast %reduce_max3A_10 : vector<128xf32> to vector<1x128xf32>
    %swap3A = arith.constant 0 : index
    %swap3A_12 = arith.constant 0 : index
    %swap3A_13 = vector.load %arg3[%swap3A, %swap3A_12] : memref<8x128xf32, #tpu.memory_space<vmem>>, vector<1x128xf32>
    tpu.vector_store %arg3[%swap3A, %swap3A_12], %broadcast_in_dim3A_11 {strides = array<i32>} : memref<8x128xf32, #tpu.memory_space<vmem>>, vector<1x128xf32>,
    %add3A_14 = arith.constant 1 : i32
    %add3A_15 = arith.addi %mul3A_0, %add3A_14 : i32
    %eq3A_16 = vector.broadcast %add3A_15 : i32 to vector<10000x1xi32>
    %eq3A_17 = arith.cmpi eq, %get3A_5, %eq3A_16 : vector<10000x1xi32>
    %jit3A_18 = arith.constant 0xFF800000 : f32
    %broadcast_in_dim3A_19 = vector.shape_cast %eq3A_17 : vector<10000x1xi1> to vector<10000x1xi1>
    %broadcast_in_dim3A_20 = vector.broadcast %broadcast_in_dim3A_19 : vector<10000x1xi1> to vector<10000x128xi1>
    %broadcast_in_dim3A_21 = vector.broadcast %jit3A_18 : f32 to vector<10000x128xf32>
    %select_n3A_22 = arith.select %broadcast_in_dim3A_20, %get3A_2, %broadcast_in_dim3A_21 : vector<10000x128xi1>, vector<10000x128xf32>
    %reduce_max3A_23 = arith.constant dense<0xFF800000> : vector<128xf32>
    %reduce_max3A_24 = vector.multi_reduction <maximumf>, %select_n3A_22, %reduce_max3A_23 [0] : vector<10000x128xf32> to vector<128xf32>
    %broadcast_in_dim3A_25 = vector.shape_cast %reduce_max3A_24 : vector<128xf32> to vector<1x128xf32>
    %swap3A_26 = arith.constant 1 : index
    %swap3A_27 = arith.constant 0 : index
    %swap3A_28 = vector.load %arg3[%swap3A_26, %swap3A_27] : memref<8x128xf32, #tpu.memory_space<vmem>>, vector<1x128xf32>
    tpu.vector_store %arg3[%swap3A_26, %swap3A_27], %broadcast_in_dim3A_25 {strides = array<i32>} : memref<8x128xf32, #tpu.memory_space<vmem>>, vector<1x128xf32>,
    %add3A_29 = arith.constant 2 : i32
    %add3A_30 = arith.addi %mul3A_0, %add3A_29 : i32
    %eq3A_31 = vector.broadcast %add3A_30 : i32 to vector<10000x1xi32>
    %eq3A_32 = arith.cmpi eq, %get3A_5, %eq3A_31 : vector<10000x1xi32>
    %jit3A_33 = arith.constant 0xFF800000 : f32
    %broadcast_in_dim3A_34 = vector.shape_cast %eq3A_32 : vector<10000x1xi1> to vector<10000x1xi1>
    %broadcast_in_dim3A_35 = vector.broadcast %broadcast_in_dim3A_34 : vector<10000x1xi1> to vector<10000x128xi1>
    %broadcast_in_dim3A_36 = vector.broadcast %jit3A_33 : f32 to vector<10000x128xf32>
    %select_n3A_37 = arith.select %broadcast_in_dim3A_35, %get3A_2, %broadcast_in_dim3A_36 : vector<10000x128xi1>, vector<10000x128xf32>
    %reduce_max3A_38 = arith.constant dense<0xFF800000> : vector<128xf32>
    %reduce_max3A_39 = vector.multi_reduction <maximumf>, %select_n3A_37, %reduce_max3A_38 [0] : vector<10000x128xf32> to vector<128xf32>
    %broadcast_in_dim3A_40 = vector.shape_cast %reduce_max3A_39 : vector<128xf32> to vector<1x128xf32>
    %swap3A_41 = arith.constant 2 : index
    %swap3A_42 = arith.constant 0 : index
    %swap3A_43 = vector.load %arg3[%swap3A_41, %swap3A_42] : memref<8x128xf32, #tpu.memory_space<vmem>>, vector<1x128xf32>
    tpu.vector_store %arg3[%swap3A_41, %swap3A_42], %broadcast_in_dim3A_40 {strides = array<i32>} : memref<8x128xf32, #tpu.memory_space<vmem>>, vector<1x128xf32>,
    %add3A_44 = arith.constant 3 : i32
    %add3A_45 = arith.addi %mul3A_0, %add3A_44 : i32
    %eq3A_46 = vector.broadcast %add3A_45 : i32 to vector<10000x1xi32>
    %eq3A_47 = arith.cmpi eq, %get3A_5, %eq3A_46 : vector<10000x1xi32>
    %jit3A_48 = arith.constant 0xFF800000 : f32
    %broadcast_in_dim3A_49 = vector.shape_cast %eq3A_47 : vector<10000x1xi1> to vector<10000x1xi1>
    %broadcast_in_dim3A_50 = vector.broadcast %broadcast_in_dim3A_49 : vector<10000x1xi1> to vector<10000x128xi1>
    %broadcast_in_dim3A_51 = vector.broadcast %jit3A_48 : f32 to vector<10000x128xf32>
    %select_n3A_52 = arith.select %broadcast_in_dim3A_50, %get3A_2, %broadcast_in_dim3A_51 : vector<10000x128xi1>, vector<10000x128xf32>
    %reduce_max3A_53 = arith.constant dense<0xFF800000> : vector<128xf32>
    %reduce_max3A_54 = vector.multi_reduction <maximumf>, %select_n3A_52, %reduce_max3A_53 [0] : vector<10000x128xf32> to vector<128xf32>
    %broadcast_in_dim3A_55 = vector.shape_cast %reduce_max3A_54 : vector<128xf32> to vector<1x128xf32>
    %swap3A_56 = arith.constant 3 : index
    %swap3A_57 = arith.constant 0 : index
    %swap3A_58 = vector.load %arg3[%swap3A_56, %swap3A_57] : memref<8x128xf32, #tpu.memory_space<vmem>>, vector<1x128xf32>
    tpu.vector_store %arg3[%swap3A_56, %swap3A_57], %broadcast_in_dim3A_55 {strides = array<i32>} : memref<8x128xf32, #tpu.memory_space<vmem>>, vector<1x128xf32>,
    %add3A_59 = arith.constant 4 : i32
    %add3A_60 = arith.addi %mul3A_0, %add3A_59 : i32
    %eq3A_61 = vector.broadcast %add3A_60 : i32 to vector<10000x1xi32>
    %eq3A_62 = arith.cmpi eq, %get3A_5, %eq3A_61 : vector<10000x1xi32>
    %jit3A_63 = arith.constant 0xFF800000 : f32
    %broadcast_in_dim3A_64 = vector.shape_cast %eq3A_62 : vector<10000x1xi1> to vector<10000x1xi1>
    %broadcast_in_dim3A_65 = vector.broadcast %broadcast_in_dim3A_64 : vector<10000x1xi1> to vector<10000x128xi1>
    %broadcast_in_dim3A_66 = vector.broadcast %jit3A_63 : f32 to vector<10000x128xf32>
    %select_n3A_67 = arith.select %broadcast_in_dim3A_65, %get3A_2, %broadcast_in_dim3A_66 : vector<10000x128xi1>, vector<10000x128xf32>
    %reduce_max3A_68 = arith.constant dense<0xFF800000> : vector<128xf32>
    %reduce_max3A_69 = vector.multi_reduction <maximumf>, %select_n3A_67, %reduce_max3A_68 [0] : vector<10000x128xf32> to vector<128xf32>
    %broadcast_in_dim3A_70 = vector.shape_cast %reduce_max3A_69 : vector<128xf32> to vector<1x128xf32>
    %swap3A_71 = arith.constant 4 : index
    %swap3A_72 = arith.constant 0 : index
    %swap3A_73 = vector.load %arg3[%swap3A_71, %swap3A_72] : memref<8x128xf32, #tpu.memory_space<vmem>>, vector<1x128xf32>
    tpu.vector_store %arg3[%swap3A_71, %swap3A_72], %broadcast_in_dim3A_70 {strides = array<i32>} : memref<8x128xf32, #tpu.memory_space<vmem>>, vector<1x128xf32>,
    %add3A_74 = arith.constant 5 : i32
    %add3A_75 = arith.addi %mul3A_0, %add3A_74 : i32
    %eq3A_76 = vector.broadcast %add3A_75 : i32 to vector<10000x1xi32>
    %eq3A_77 = arith.cmpi eq, %get3A_5, %eq3A_76 : vector<10000x1xi32>
    %jit3A_78 = arith.constant 0xFF800000 : f32
    %broadcast_in_dim3A_79 = vector.shape_cast %eq3A_77 : vector<10000x1xi1> to vector<10000x1xi1>
    %broadcast_in_dim3A_80 = vector.broadcast %broadcast_in_dim3A_79 : vector<10000x1xi1> to vector<10000x128xi1>
    %broadcast_in_dim3A_81 = vector.broadcast %jit3A_78 : f32 to vector<10000x128xf32>
    %select_n3A_82 = arith.select %broadcast_in_dim3A_80, %get3A_2, %broadcast_in_dim3A_81 : vector<10000x128xi1>, vector<10000x128xf32>
    %reduce_max3A_83 = arith.constant dense<0xFF800000> : vector<128xf32>
    %reduce_max3A_84 = vector.multi_reduction <maximumf>, %select_n3A_82, %reduce_max3A_83 [0] : vector<10000x128xf32> to vector<128xf32>
    %broadcast_in_dim3A_85 = vector.shape_cast %reduce_max3A_84 : vector<128xf32> to vector<1x128xf32>
    %swap3A_86 = arith.constant 5 : index
    %swap3A_87 = arith.constant 0 : index
    %swap3A_88 = vector.load %arg3[%swap3A_86, %swap3A_87] : memref<8x128xf32, #tpu.memory_space<vmem>>, vector<1x128xf32>
    tpu.vector_store %arg3[%swap3A_86, %swap3A_87], %broadcast_in_dim3A_85 {strides = array<i32>} : memref<8x128xf32, #tpu.memory_space<vmem>>, vector<1x128xf32>,
    %add3A_89 = arith.constant 6 : i32
    %add3A_90 = arith.addi %mul3A_0, %add3A_89 : i32
    %eq3A_91 = vector.broadcast %add3A_90 : i32 to vector<10000x1xi32>
    %eq3A_92 = arith.cmpi eq, %get3A_5, %eq3A_91 : vector<10000x1xi32>
    %jit3A_93 = arith.constant 0xFF800000 : f32
    %broadcast_in_dim3A_94 = vector.shape_cast %eq3A_92 : vector<10000x1xi1> to vector<10000x1xi1>
    %broadcast_in_dim3A_95 = vector.broadcast %broadcast_in_dim3A_94 : vector<10000x1xi1> to vector<10000x128xi1>
    %broadcast_in_dim3A_96 = vector.broadcast %jit3A_93 : f32 to vector<10000x128xf32>
    %select_n3A_97 = arith.select %broadcast_in_dim3A_95, %get3A_2, %broadcast_in_dim3A_96 : vector<10000x128xi1>, vector<10000x128xf32>
    %reduce_max3A_98 = arith.constant dense<0xFF800000> : vector<128xf32>
    %reduce_max3A_99 = vector.multi_reduction <maximumf>, %select_n3A_97, %reduce_max3A_98 [0] : vector<10000x128xf32> to vector<128xf32>
    %broadcast_in_dim3A_100 = vector.shape_cast %reduce_max3A_99 : vector<128xf32> to vector<1x128xf32>
    %swap3A_101 = arith.constant 6 : index
    %swap3A_102 = arith.constant 0 : index
    %swap3A_103 = vector.load %arg3[%swap3A_101, %swap3A_102] : memref<8x128xf32, #tpu.memory_space<vmem>>, vector<1x128xf32>
    tpu.vector_store %arg3[%swap3A_101, %swap3A_102], %broadcast_in_dim3A_100 {strides = array<i32>} : memref<8x128xf32, #tpu.memory_space<vmem>>, vector<1x128xf32>,
    %add3A_104 = arith.constant 7 : i32
    %add3A_105 = arith.addi %mul3A_0, %add3A_104 : i32
    %eq3A_106 = vector.broadcast %add3A_105 : i32 to vector<10000x1xi32>
    %eq3A_107 = arith.cmpi eq, %get3A_5, %eq3A_106 : vector<10000x1xi32>
    %jit3A_108 = arith.constant 0xFF800000 : f32
    %broadcast_in_dim3A_109 = vector.shape_cast %eq3A_107 : vector<10000x1xi1> to vector<10000x1xi1>
    %broadcast_in_dim3A_110 = vector.broadcast %broadcast_in_dim3A_109 : vector<10000x1xi1> to vector<10000x128xi1>
    %broadcast_in_dim3A_111 = vector.broadcast %jit3A_108 : f32 to vector<10000x128xf32>
    %select_n3A_112 = arith.select %broadcast_in_dim3A_110, %get3A_2, %broadcast_in_dim3A_111 : vector<10000x128xi1>, vector<10000x128xf32>
    %reduce_max3A_113 = arith.constant dense<0xFF800000> : vector<128xf32>
    %reduce_max3A_114 = vector.multi_reduction <maximumf>, %select_n3A_112, %reduce_max3A_113 [0] : vector<10000x128xf32> to vector<128xf32>
    %broadcast_in_dim3A_115 = vector.shape_cast %reduce_max3A_114 : vector<128xf32> to vector<1x128xf32>
    %swap3A_116 = arith.constant 7 : index
    %swap3A_117 = arith.constant 0 : index
    %swap3A_118 = vector.load %arg3[%swap3A_116, %swap3A_117] : memref<8x128xf32, #tpu.memory_space<vmem>>, vector<1x128xf32>
    tpu.vector_store %arg3[%swap3A_116, %swap3A_117], %broadcast_in_dim3A_115 {strides = array<i32>} : memref<8x128xf32, #tpu.memory_space<vmem>>, vector<1x128xf32>,
    return
  }
  func.func @transform_0(%arg0: i32) -> (i32, i32) {
    %c0_i32 = arith.constant 0 : i32
    %c0_i32_0 = arith.constant 0 : i32
    %c0_i32_1 = arith.constant 0 : i32
    return %c0_i32, %c0_i32_0 : i32, i32
  }
  func.func @transform_1(%arg0: i32) -> (i32, i32) {
    %c0_i32 = arith.constant 0 : i32
    %c0_i32_0 = arith.constant 0 : i32
    %c0_i32_1 = arith.constant 0 : i32
    return %c0_i32, %c0_i32_0 : i32, i32
  }
  func.func @transform_2(%arg0: i32) -> (i32, i32) {
    %c0_i32 = arith.constant 0 : i32
    %c0_i32_0 = arith.constant 0 : i32
    return %arg0, %c0_i32 : i32, i32
  }
}

module attributes {stable_mosaic.version = 14 : i64} {
  func.func @_cls_body(%arg0: memref<64x128xf32, #tpu.memory_space<vmem>>, %arg1: memref<64x1xf32, #tpu.memory_space<vmem>>, %arg2: memref<64x128xf32, #tpu.memory_space<vmem>>, %arg3: memref<64x10xf32, #tpu.memory_space<vmem>>, %arg4: memref<10x32xf32, #tpu.memory_space<vmem>>, %arg5: memref<1x32xf32, #tpu.memory_space<vmem>>, %arg6: memref<128x128xf32, #tpu.memory_space<vmem>>, %arg7: memref<128x128xf32, #tpu.memory_space<vmem>>, %arg8: memref<128x128xf32, #tpu.memory_space<vmem>>, %arg9: memref<32x128xf32, #tpu.memory_space<vmem>>, %arg10: memref<1x128xf32, #tpu.memory_space<vmem>>, %arg11: memref<1x128xf32, #tpu.memory_space<vmem>>, %arg12: memref<1x128xf32, #tpu.memory_space<vmem>>, %arg13: memref<128x1xf32, #tpu.memory_space<vmem>>, %arg14: memref<1x1xf32, #tpu.memory_space<vmem>>, %arg15: memref<64x1xf32, #tpu.memory_space<vmem>>) attributes {dimension_semantics = [], scalar_prefetch = 0 : i64, scratch_operands = 0 : i64, tpu.core_type = #tpu.core_type<tc>} {
    %get3A = arith.constant 0 : index
    %get3A_0 = arith.constant 0 : index
    %get3A_1 = vector.load %arg0[%get3A, %get3A_0] : memref<64x128xf32, #tpu.memory_space<vmem>>, vector<64x128xf32>
    %get3A_2 = arith.constant 0 : index
    %get3A_3 = arith.constant 0 : index
    %get3A_4 = vector.load %arg1[%get3A_2, %get3A_3] : memref<64x1xf32, #tpu.memory_space<vmem>>, vector<64x1xf32>
    %max3A = arith.constant 1.000000e+00 : f32
    %max3A_5 = vector.broadcast %max3A : f32 to vector<64x1xf32>
    %max3A_6 = arith.maximumf %get3A_4, %max3A_5 : vector<64x1xf32>
    %div3A = vector.broadcast %max3A_6 : vector<64x1xf32> to vector<64x128xf32>
    %div3A_7 = arith.divf %get3A_1, %div3A : vector<64x128xf32>
    %gt3A = arith.constant 0.000000e+00 : f32
    %gt3A_8 = vector.broadcast %gt3A : f32 to vector<64x1xf32>
    %gt3A_9 = arith.cmpf ogt, %get3A_4, %gt3A_8 : vector<64x1xf32>
    %get3A_10 = arith.constant 0 : index
    %get3A_11 = arith.constant 0 : index
    %get3A_12 = vector.load %arg2[%get3A_10, %get3A_11] : memref<64x128xf32, #tpu.memory_space<vmem>>, vector<64x128xf32>
    %jit3A = arith.constant 0.000000e+00 : f32
    %broadcast_in_dim3A = vector.shape_cast %gt3A_9 : vector<64x1xi1> to vector<64x1xi1>
    %broadcast_in_dim3A_13 = vector.broadcast %broadcast_in_dim3A : vector<64x1xi1> to vector<64x128xi1>
    %broadcast_in_dim3A_14 = vector.broadcast %jit3A : f32 to vector<64x128xf32>
    %select_n3A = arith.select %broadcast_in_dim3A_13, %get3A_12, %broadcast_in_dim3A_14 : vector<64x128xi1>, vector<64x128xf32>
    %get3A_15 = arith.constant 0 : index
    %get3A_16 = arith.constant 0 : index
    %get3A_17 = vector.load %arg3[%get3A_15, %get3A_16] : memref<64x10xf32, #tpu.memory_space<vmem>>, vector<64x10xf32>
    %get3A_18 = arith.constant 0 : index
    %get3A_19 = arith.constant 0 : index
    %get3A_20 = vector.load %arg4[%get3A_18, %get3A_19] : memref<10x32xf32, #tpu.memory_space<vmem>>, vector<10x32xf32>
    %dot_general3A = arith.constant dense<0.000000e+00> : vector<64x32xf32>
    %dot_general3A_21 = tpu.matmul %get3A_17, %get3A_20, %dot_general3A {dimension_numbers = #tpu.dot_dimension_numbers<[1], [0], [0], [1], [0, 0, 1, 1], [], []>, transpose_lhs_hint = false} : vector<64x10xf32>, vector<10x32xf32>, vector<64x32xf32> -> vector<64x32xf32>
    %get3A_22 = arith.constant 0 : index
    %get3A_23 = arith.constant 0 : index
    %get3A_24 = vector.load %arg5[%get3A_22, %get3A_23] : memref<1x32xf32, #tpu.memory_space<vmem>>, vector<1x32xf32>
    %add3A = vector.broadcast %get3A_24 : vector<1x32xf32> to vector<64x32xf32>
    %add3A_25 = arith.addf %dot_general3A_21, %add3A : vector<64x32xf32>
    %get3A_26 = arith.constant 0 : index
    %get3A_27 = arith.constant 0 : index
    %get3A_28 = vector.load %arg6[%get3A_26, %get3A_27] : memref<128x128xf32, #tpu.memory_space<vmem>>, vector<128x128xf32>
    %dot_general3A_29 = arith.constant dense<0.000000e+00> : vector<64x128xf32>
    %dot_general3A_30 = tpu.matmul %div3A_7, %get3A_28, %dot_general3A_29 {dimension_numbers = #tpu.dot_dimension_numbers<[1], [0], [0], [1], [0, 0, 1, 1], [], []>, transpose_lhs_hint = false} : vector<64x128xf32>, vector<128x128xf32>, vector<64x128xf32> -> vector<64x128xf32>
    %get3A_31 = arith.constant 0 : index
    %get3A_32 = arith.constant 0 : index
    %get3A_33 = vector.load %arg7[%get3A_31, %get3A_32] : memref<128x128xf32, #tpu.memory_space<vmem>>, vector<128x128xf32>
    %dot_general3A_34 = arith.constant dense<0.000000e+00> : vector<64x128xf32>
    %dot_general3A_35 = tpu.matmul %select_n3A, %get3A_33, %dot_general3A_34 {dimension_numbers = #tpu.dot_dimension_numbers<[1], [0], [0], [1], [0, 0, 1, 1], [], []>, transpose_lhs_hint = false} : vector<64x128xf32>, vector<128x128xf32>, vector<64x128xf32> -> vector<64x128xf32>
    %add3A_36 = arith.addf %dot_general3A_30, %dot_general3A_35 : vector<64x128xf32>
    %get3A_37 = arith.constant 0 : index
    %get3A_38 = arith.constant 0 : index
    %get3A_39 = vector.load %arg8[%get3A_37, %get3A_38] : memref<128x128xf32, #tpu.memory_space<vmem>>, vector<128x128xf32>
    %dot_general3A_40 = arith.constant dense<0.000000e+00> : vector<64x128xf32>
    %dot_general3A_41 = tpu.matmul %get3A_1, %get3A_39, %dot_general3A_40 {dimension_numbers = #tpu.dot_dimension_numbers<[1], [0], [0], [1], [0, 0, 1, 1], [], []>, transpose_lhs_hint = false} : vector<64x128xf32>, vector<128x128xf32>, vector<64x128xf32> -> vector<64x128xf32>
    %add3A_42 = arith.addf %add3A_36, %dot_general3A_41 : vector<64x128xf32>
    %get3A_43 = arith.constant 0 : index
    %get3A_44 = arith.constant 0 : index
    %get3A_45 = vector.load %arg9[%get3A_43, %get3A_44] : memref<32x128xf32, #tpu.memory_space<vmem>>, vector<32x128xf32>
    %dot_general3A_46 = arith.constant dense<0.000000e+00> : vector<64x128xf32>
    %dot_general3A_47 = tpu.matmul %add3A_25, %get3A_45, %dot_general3A_46 {dimension_numbers = #tpu.dot_dimension_numbers<[1], [0], [0], [1], [0, 0, 1, 1], [], []>, transpose_lhs_hint = false} : vector<64x32xf32>, vector<32x128xf32>, vector<64x128xf32> -> vector<64x128xf32>
    %add3A_48 = arith.addf %add3A_42, %dot_general3A_47 : vector<64x128xf32>
    %get3A_49 = arith.constant 0 : index
    %get3A_50 = arith.constant 0 : index
    %get3A_51 = vector.load %arg10[%get3A_49, %get3A_50] : memref<1x128xf32, #tpu.memory_space<vmem>>, vector<1x128xf32>
    %add3A_52 = vector.broadcast %get3A_51 : vector<1x128xf32> to vector<64x128xf32>
    %add3A_53 = arith.addf %add3A_48, %add3A_52 : vector<64x128xf32>
    %get3A_54 = arith.constant 0 : index
    %get3A_55 = arith.constant 0 : index
    %get3A_56 = vector.load %arg11[%get3A_54, %get3A_55] : memref<1x128xf32, #tpu.memory_space<vmem>>, vector<1x128xf32>
    %get3A_57 = arith.constant 0 : index
    %get3A_58 = arith.constant 0 : index
    %get3A_59 = vector.load %arg12[%get3A_57, %get3A_58] : memref<1x128xf32, #tpu.memory_space<vmem>>, vector<1x128xf32>
    %reduce_sum3A = arith.constant dense<0.000000e+00> : vector<128xf32>
    %reduce_sum3A_60 = vector.multi_reduction <add>, %add3A_53, %reduce_sum3A [0] : vector<64x128xf32> to vector<128xf32>
    %broadcast_in_dim3A_61 = vector.shape_cast %reduce_sum3A_60 : vector<128xf32> to vector<1x128xf32>
    %div3A_62 = arith.constant 6.400000e+01 : f32
    %div3A_63 = vector.broadcast %div3A_62 : f32 to vector<1x128xf32>
    %div3A_64 = arith.divf %broadcast_in_dim3A_61, %div3A_63 : vector<1x128xf32>
    %sub3A = vector.broadcast %div3A_64 : vector<1x128xf32> to vector<64x128xf32>
    %sub3A_65 = arith.subf %add3A_53, %sub3A : vector<64x128xf32>
    %mul3A = arith.mulf %sub3A_65, %sub3A_65 : vector<64x128xf32>
    %reduce_sum3A_66 = arith.constant dense<0.000000e+00> : vector<128xf32>
    %reduce_sum3A_67 = vector.multi_reduction <add>, %mul3A, %reduce_sum3A_66 [0] : vector<64x128xf32> to vector<128xf32>
    %broadcast_in_dim3A_68 = vector.shape_cast %reduce_sum3A_67 : vector<128xf32> to vector<1x128xf32>
    %div3A_69 = arith.constant 6.400000e+01 : f32
    %div3A_70 = vector.broadcast %div3A_69 : f32 to vector<1x128xf32>
    %div3A_71 = arith.divf %broadcast_in_dim3A_68, %div3A_70 : vector<1x128xf32>
    %add3A_72 = arith.constant 9.99999974E-6 : f32
    %add3A_73 = vector.broadcast %add3A_72 : f32 to vector<1x128xf32>
    %add3A_74 = arith.addf %div3A_71, %add3A_73 : vector<1x128xf32>
    %sqrt3A = math.sqrt %add3A_74 : vector<1x128xf32>
    %div3A_75 = vector.broadcast %sqrt3A : vector<1x128xf32> to vector<64x128xf32>
    %div3A_76 = arith.divf %sub3A_65, %div3A_75 : vector<64x128xf32>
    %mul3A_77 = vector.broadcast %get3A_56 : vector<1x128xf32> to vector<64x128xf32>
    %mul3A_78 = arith.mulf %div3A_76, %mul3A_77 : vector<64x128xf32>
    %add3A_79 = vector.broadcast %get3A_59 : vector<1x128xf32> to vector<64x128xf32>
    %add3A_80 = arith.addf %mul3A_78, %add3A_79 : vector<64x128xf32>
    %max3A_81 = arith.constant 0.000000e+00 : f32
    %max3A_82 = vector.broadcast %max3A_81 : f32 to vector<64x128xf32>
    %max3A_83 = arith.maximumf %add3A_80, %max3A_82 : vector<64x128xf32>
    %get3A_84 = arith.constant 0 : index
    %get3A_85 = arith.constant 0 : index
    %get3A_86 = vector.load %arg13[%get3A_84, %get3A_85] : memref<128x1xf32, #tpu.memory_space<vmem>>, vector<128x1xf32>
    %dot_general3A_87 = arith.constant dense<0.000000e+00> : vector<64x1xf32>
    %dot_general3A_88 = tpu.matmul %max3A_83, %get3A_86, %dot_general3A_87 {dimension_numbers = #tpu.dot_dimension_numbers<[1], [0], [0], [1], [0, 0, 1, 1], [], []>, transpose_lhs_hint = false} : vector<64x128xf32>, vector<128x1xf32>, vector<64x1xf32> -> vector<64x1xf32>
    %get3A_89 = arith.constant 0 : index
    %get3A_90 = arith.constant 0 : index
    %get3A_91 = vector.load %arg14[%get3A_89, %get3A_90] : memref<1x1xf32, #tpu.memory_space<vmem>>, vector<1x1xf32>
    %add3A_92 = vector.broadcast %get3A_91 : vector<1x1xf32> to vector<64x1xf32>
    %add3A_93 = arith.addf %dot_general3A_88, %add3A_92 : vector<64x1xf32>
    %swap3A = arith.constant 0 : index
    %swap3A_94 = arith.constant 0 : index
    %swap3A_95 = vector.load %arg15[%swap3A, %swap3A_94] : memref<64x1xf32, #tpu.memory_space<vmem>>, vector<64x1xf32>
    tpu.vector_store %arg15[%swap3A, %swap3A_94], %add3A_93 {strides = array<i32>} : memref<64x1xf32, #tpu.memory_space<vmem>>, vector<64x1xf32>,
    return
  }
}

</mosaic_0001>

<sc_bundles>
// kernel: kernel.14.cloned.1.call-start
scs
__scs_entry_jumppad:
0x0: {  	(pc) =	sbr.rel $0x88, $3  }
0x1: {  	(tag) =	ssettag $0x0;
	lr =	simm.s32 $0x1  }
0x2: {  	[smem:$0x3F69] =	sst lr;
	_ =	strace $0xD0000000  }
0x3: {  	_ = 	snop  }
0x4: {  	_ = 	snop  }
0x5: {  	_ = 	snop  }
0x6: {  	_ = 	snop  }
0x7: {  	_ = 	snop  }
__scs_overlays_trampoline_lowered:
0x8: {  	[smem:$0x3F78] =	sst s0  }
0x9: {  	[smem:$0x3F79] =	sst s1  }
0xa: {  	[smem:$0x3F7A] =	sst s2  }
0xb: {  	[smem:$0x3F7B] =	sst s3  }
0xc: {  	[smem:$0x3F7C] =	sst s4  }
0xd: {  	[smem:$0x3F7D] =	sst s5  }
0xe: {  	[smem:$0x3F7E] =	sst s6  }
0xf: {  	[smem:$0x3F7F] =	sst s7  }
0x10: {  	[smem:$0x3F80] =	sst s8  }
0x11: {  	[smem:$0x3F81] =	sst s9;
	s0 =	simm.s32 @!p0 $0x0  }
0x12: {  	s1 =	sld [smem:$0x3F67];
	s0 =	simm.s32 @p0 $0x1  }
0x13: {  	[smem:$0x3F82] =	sst s0;
	s0 =	simm.s32 @!p1 $0x0  }
0x14: {  	s2 =	sld [smem:$0x3F66];
	s0 =	simm.s32 @p1 $0x1  }
0x15: {  	[smem:$0x3F83] =	sst s0;
	s0 =	simm.s32 @!p2 $0x0  }
0x16: {  	s3 =	sld [smem:$0x3FDB];
	s0 =	simm.s32 @p2 $0x1  }
0x17: {  	s4 =	simm.s32 $0x1BF5;
	[smem:$0x3F85] =	sst s0  }
0x18: {  	s0 =	sld [smem:$0x3F68];
	_ =	swait.ge [sflag:s4], $0x0  }
0x19: {  	s7 =	sld [smem:$0x3F69]  }
0x1a: {  	s8 =	sadd.s32 $0xFFFFE003, lr  }
0x1b: {  	s9 =	sadd.s32 $0xFFFFFEF7, lr;
	s5 =	simm.s32 $0xFFFFFFFF;
	p2 =	slt.u32 s8, $0xFFFFF086  }
0x1c: {  	p1 =	slt.u32 s9, $0xF7A;
	s5 =	simm.s32 @!p2 $0x0  }
0x1d: {  	s5 =	simm.s32 @p1 $0x1;
	p0 =	seq.s32 s7, s2  }
0x1e: {  	s7 =	smul.u32 @!p0 $0xF7A, s2;
	p2 =	seq.s32 @!p0 s5, $0x0  }
0x1f: {  	s9 =	smul.u32 $0xF7A, s1;
	s8 =	simm.s32 @!p0 $0x1BF5;
	p2 =	por !p2, p0  }
0x20: {  	[sflag:s8] =	ssyncset.s32 @!p0 $0xFFFFF086;
	s6 =	sadd.s32 @!p0 s3, s7;
	s7 =	simm.s32 @!p0 $0x108  }
0x21: {  	s3 =	sadd.s32 s3, s9;
	s6 =	sadd.s32 @!p0 $0x88, s6;
	s7 =	simm.s32 @p2 $0x1082  }
0x22: {  	[simem:s7], [sflag:s8] =	dma.local @!p0 [hbm:s6], $0xF7A  }
0x23: {  	s9 =	sor.u32 $0xD0000000, s2;
	s6 =	simm.s32 $0x108;
	_ =	swait.ge @!p0 [sflag:s8], $0x0  }
0x24: {  	s3 =	sadd.s32 $0x88, s3;
	s6 =	simm.s32 @!p1 $0x1082;
	[sflag:s4] =	ssyncset.s32 $0xFFFFF086  }
0x25: {  	[simem:s6], [sflag:s4] =	dma.local [hbm:s3], $0xF7A  }
0x26: {  	[smem:$0x3F69] =	sst s1;
	(tag) =	ssettag s2;
	_ =	strace s9  }
0x27: {  	s1 =	sld [smem:$0x3F79]  }
0x28: {  	s2 =	sld [smem:$0x3F7A]  }
0x29: {  	s4 =	sld [smem:$0x3F7C]  }
0x2a: {  	p0 =	seq.s32 s5, $0x0;
	s5 =	sld [smem:$0x3F7D]  }
0x2b: {  	s6 =	sld [smem:$0x3F7E]  }
0x2c: {  	s7 =	sld [smem:$0x3F7F]  }
0x2d: {  	s3 =	simm.s32 $0x108;
	s8 =	sld [smem:$0x3F80]  }
0x2e: {  	s3 =	simm.s32 @!p0 $0x1082;
	s9 =	sld [smem:$0x3F81]  }
0x2f: {  	lr =	sadd.s32 s0, s3;
	s0 =	sld [smem:$0x3F78]  }
0x30: {  	s3 =	sld [smem:$0x3F7B]  }
0x31: {  	[smem:$0x3F84] =	sst s10  }
0x32: {  	s10 =	sld [smem:$0x3F82];
	_ =	sdelay $0x3  }
0x33: {  	p0 =	seq.s32 s10, $0x1;
	s10 =	sld [smem:$0x3F84];
	_ =	sdelay $0x3  }
0x34: {  	[smem:$0x3F84] =	sst s10  }
0x35: {  	s10 =	sld [smem:$0x3F83];
	_ =	sdelay $0x3  }
0x36: {  	p1 =	seq.s32 s10, $0x1;
	s10 =	sld [smem:$0x3F84];
	_ =	sdelay $0x3  }
0x37: {  	[smem:$0x3F84] =	sst s10  }
0x38: {  	s10 =	sld [smem:$0x3F85]  }
0x39: {  	_ = 	snop;
	(pc) =	sbr.ind lr, $3  }
0x3a: {  	_ = 	snop  }
0x3b: {  	_ = 	snop  }
0x3c: {  	p2 =	seq.s32 s10, $0x1;
	s10 =	sld [smem:$0x3F84]  }
0x3d: {  	_ =	shalt  }
0x3e: {  	_ =	shalt  }
0x3f: {  	_ =	shalt  }
0x40: {  	_ =	shalt  }
0x41: {  	_ =	shalt  }
0x42: {  	_ =	shalt  }
0x43: {  	_ =	shalt  }
0x44: {  	_ =	shalt  }
0x45: {  	_ =	shalt  }
0x46: {  	_ =	shalt  }
0x47: {  	_ =	shalt  }
0x48: {  	_ =	shalt  }
0x49: {  	_ =	shalt  }
0x4a: {  	_ =	shalt  }
0x4b: {  	_ =	shalt  }
0x4c: {  	_ =	shalt  }
0x4d: {  	_ =	shalt  }
0x4e: {  	_ =	shalt  }
0x4f: {  	_ =	shalt  }
0x50: {  	_ =	shalt  }
0x51: {  	_ =	shalt  }
0x52: {  	_ =	shalt  }
0x53: {  	_ =	shalt  }
0x54: {  	_ =	shalt  }
0x55: {  	_ =	shalt  }
0x56: {  	_ =	shalt  }
0x57: {  	_ =	shalt  }
0x58: {  	_ =	shalt  }
0x59: {  	_ =	shalt  }
0x5a: {  	_ =	shalt  }
0x5b: {  	_ =	shalt  }
0x5c: {  	_ =	shalt  }
0x5d: {  	_ =	shalt  }
0x5e: {  	_ =	shalt  }
0x5f: {  	_ =	shalt  }
0x60: {  	_ =	shalt  }
0x61: {  	_ =	shalt  }
0x62: {  	_ =	shalt  }
0x63: {  	_ =	shalt  }
0x64: {  	_ =	shalt  }
0x65: {  	_ =	shalt  }
0x66: {  	_ =	shalt  }
0x67: {  	_ =	shalt  }
0x68: {  	_ =	shalt  }
0x69: {  	_ =	shalt  }
0x6a: {  	_ =	shalt  }
0x6b: {  	_ =	shalt  }
0x6c: {  	_ =	shalt  }
0x6d: {  	_ =	shalt  }
0x6e: {  	_ =	shalt  }
0x6f: {  	_ =	shalt  }
0x70: {  	_ =	shalt  }
0x71: {  	_ =	shalt  }
0x72: {  	_ =	shalt  }
0x73: {  	_ =	shalt  }
0x74: {  	_ =	shalt  }
0x75: {  	_ =	shalt  }
0x76: {  	_ =	shalt  }
0x77: {  	_ =	shalt  }
0x78: {  	_ =	shalt  }
0x79: {  	_ =	shalt  }
0x7a: {  	_ =	shalt  }
0x7b: {  	_ =	shalt  }
0x7c: {  	_ =	shalt  }
0x7d: {  	_ =	shalt  }
0x7e: {  	_ =	shalt  }
0x7f: {  	_ =	shalt  }
0x80: {  	_ =	shalt  }
0x81: {  	_ =	shalt  }
0x82: {  	_ =	shalt  }
0x83: {  	_ =	shalt  }
0x84: {  	_ =	shalt  }
0x85: {  	_ =	shalt  }
0x86: {  	_ =	shalt  }
0x87: {  	_ =	shalt  }
.Lfunc_end0:
.L_simem_size_0:
called_computation_lowered:
.L_overlay_start_0:
0x88: {  	s2 =	sld [smem:$0x3FD9]  }
0x89: {  	s3 =	sld [smem:$0x3FFE];
	_ =	sdelay $0x1  }
0x8a: {  	s1 =	srdreg.scid  }
0x8b: {  	s0 =	sand.u32 $0x1, s1  }
0x8c: {  	s16 =	sshll.u32 s0, $0xA;
	s2 =	sadd.s32 s3, s2  }
0x8d: {  	s2 =	sadd.s32 s2, s16  }
0x8e: {  	[smem:$0x3F90] =	sst s2  }
0x8f: {  	_ = 	snop  }
0x90: {  	(tm) =	ssettm $0x1  }
0x91: {  	s17 =	sld [smem:$0x3FFB];
	_ =	sdelay $0x3  }
0x92: {  	_ =	strace s17  }
0x93: {  	s2 =	sld [smem:$0x3FFC];
	_ =	sdelay $0x3  }
0x94: {  	_ =	strace s2  }
0x95: {  	s2 =	sld [smem:$0x3FFD];
	_ =	sdelay $0x3  }
0x96: {  	_ =	strace s2  }
0x97: {  	_ =	strace $0x8FFFFFFF  }
0x98: {  	s18 =	sld [smem:$0x3FDB];
	_ =	sdelay $0x1  }
0x99: {  	s19 =	simm.s32 $_scs_section_size  }
0x9a: {  	s4 =	simm.s32 $_size__tile_overlayer_lowered;
	s5 =	simm.s32 $_tile_overlayer_lowered  }
0x9b: {  	s22 =	simm.s32 $0x1BFF;
	s21 =	sshll.u32 s5, $0x1;
	s2 =	sadd.s32 s19, s18  }
0x9c: {  	s6 =	simm.s32 $0x0;
	s20 =	sshll.u32 s4, $0x1;
	s4 =	sadd.s32 s21, s2  }
0x9d: {  	[timem:s6], [sflag:s22] =	dma.local [hbm:s4], s20  }
0x9e: {  	_ =	swait.ge [sflag:s22], s20  }
0x9f: {  	s3 =	ssub.s32 $0x0, s20;
	[sflag:s22] =	ssyncset.done $0x0  }
0xa0: {  	[sflag:s22] =	ssyncadd.s32 s3;
	_ =	sdelay $0x1  }
0xa1: {  	s23 =	simm.s32 $0x1B8B  }
0xa2: {  	_ =	swait.ge [sflag:s23], $0x1  }
0xa3: {  	[sflag:s23] =	ssyncset.done $0x0  }
0xa4: {  	s25 =	simm.s32 $0x1B8E;
	s24 =	sld [smem:$0x3FFE];
	[sflag:s23] =	ssyncadd.s32 $0xFFFFFFFF  }
0xa5: {  	s26 =	simm.s32 $execute0_lowered;
	[smem:$0x3FD2] =	sst s25  }
0xa6: {  	s4 =	sshll.u32 s26, $0x1;
	_ =	strace $0x80000046;
	[dreg:$0x1] =	wrdreg $0xFFFFFFFF  }
0xa7: {  	s28 =	simm.s32 $_size_execute0_lowered;
	s2 =	sadd.s32 s2, s4;
	[dreg:$0x0] =	wrdreg $0x0  }
0xa8: {  	s4 =	sshll.u32 s28, $0x1;
	[dreg:$0x2] =	wrdreg s2  }
0xa9: {  	[dreg:$0x3] =	wrdreg s4  }
0xaa: {  	[dreg:$0x4] =	wrdreg $0xC0  }
0xab: {  	_ =	task [dreg:s6], $0x5FFFF  }
0xac: {  	[dreg:$0x1] =	wrdreg $0xFFFFFFFF  }
0xad: {  	[dreg:$0x0] =	wrdreg $0x60  }
0xae: {  	[dreg:$0x2] =	wrdreg s24  }
0xaf: {  	[dreg:$0x3] =	wrdreg $0xC1000  }
0xb0: {  	[dreg:$0x4] =	wrdreg $0x9  }
0xb1: {  	_ =	task.clear_ibuf [dreg:s6], $0x5FFFF;
	_ =	strace $0x90000046  }
0xb2: {  	s29 =	simm.s32 $0x9;
	_ =	strace $0x80000048  }
0xb3: {  	_ =	swait.ge [sflag:s29], $0x1  }
0xb4: {  	[sflag:s29] =	ssyncadd.s32 $0xFFFFFFFF  }
0xb5: {  	_ =	strace $0x90000048  }
0xb6: {  	_ =	sfence  }
0xb7: {  	s30 =	sld [smem:$0x0];
	_ =	sdelay $0x2  }
0xb8: {  	s31 =	sshll.u32 s1, $0xD;
	s1 =	sshrl.u32 s1, $0x2  }
0xb9: {  	s3 =	sand.u32 $0x4000, s31;
	s1 =	sadd.s32 s1, s30  }
0xba: {  	s0 =	sor.u32 s3, s0;
	s1 =	sshll.u32 s1, $0x11  }
0xbb: {  	s0 =	sor.u32 s1, s0  }
0xbc: {  	s0 =	sadd.s32 $0x8F2B, s0  }
0xbd: {  	[sflag:s0] =	ssyncadd.remote.s32 $0x1  }
0xbe: {  	_ =	sfence.sel $0xFFFF  }
0xbf: {  	[dreg:$0x0] =	wrdreg $0xFFFFFFFF;
	(pc) =	sbr.abs _section_cstart, $3  }
0xc0: {  	[dreg:$0x1] =	wrdreg $0xFFFFFFFF  }
0xc1: {  	_ =	task.clear_ibuf [dreg:s6], $0x2FFFF;
	_ =	strace $0x9FFFFFFF  }
0xc2: {  	(tm) =	ssettm $0x7FFFFFFF  }
0xc3: {  	_ =	shalt  }
tec
execute0_lowered:
.L_overlay_start_1:
0x0: {  	(tag) =	ssettag $0x1  }
0x1: {  	s8 =	rddreg [dreg:$0x0]  }
0x2: {  	s1 =	rddreg [dreg:$0x1]  }
0x3: {  	s0 =	rddreg [dreg:$0x2];
	s2 =	simm.s32 $0x0;
	s6 =	srdreg.scid  }
0x4: {  	s3 =	stileid.u32;
	s21 =	simm.s32 $0x80;
	s22 =	simm.s32 $0x100  }
0x5: {  	s23 =	simm.s32 $0x4100;
	s24 =	simm.s32 $0x1;
	[smem:$0x7FF] =	sst s2  }
0x6: {  	s25 =	simm.s32 $0x2;
	s4 =	sadd.s32 $0x4FE400, s8;
	s5 =	sadd.s32 $0x525600, s8  }
0x7: {  	s9 =	sand.u32 $0x1, s6;
	s6 =	sadd.s32 $0x12600, s8;
	s11 =	smul.u32 $0x4E000, s3  }
0x8: {  	s7 =	sadd.s32 $0x8800, s8;
	s15 =	sadd.s32 $0x1C400, s8;
	s30 =	sshll.u32 s3, $0x1  }
0x9: {  	s19 =	smul.u32 $0x13800, s3;
	s13 =	sadd.s32 $0x138000, s1;
	p0 =	sne.s32 s3, $0xF  }
0xa: {  	_ =	strace $0x80000047;
	s10 =	ssub.s32 $0x2, s9;
	s16 =	sor.u32 s9, s30  }
0xb: {  	s17 =	smul.u32 $0x138800, s9;
	s29 =	sshrl.u32 s10, $0x1;
	s31 =	sshrl.u32 s11, $0x2  }
0xc: {  	s14 =	sshll.u32 s16, $0x7;
	s20 =	ssub.s32 $0x9E3, s16;
	s18 =	ssub.s32 s10, s29  }
0xd: {  	s8 =	sadd.s32 s31, s1;
	s19 =	sadd.s32 s19, s17;
	s17 =	sshrl.u32 s17, $0x3  }
0xe: {  	s9 =	sadd.s32 $0x4000, s8;
	s10 =	sadd.s32 $0x8000, s8;
	s11 =	sadd.s32 $0xC000, s8  }
0xf: {  	s12 =	sadd.s32 $0x10000, s8;
	s19 =	sshrl.u32 s19, $0x3;
	s17 =	sadd.s32 s15, s17  }
0x10: {  	s18 =	smax.u32 s18, $0x1;
	s15 =	sadd.s32 s15, s19;
	s16 =	sadd.s32 $0x27000, s17  }
0x11: {  	v0 =	vimm.f32 $0.0e+00;
	s17 =	sshrl.u32 s20, $0x5;
	s19 =	simm.s32 $0x8100;
	s20 =	simm.s32 $0x3  }
.LBB2_1:
0x12: {  	s26 =	simm.s32 $0x0;
	s28 =	simm.s32 $0x200  }
.LBB2_2:
0x13: {  	p1 =	sne.s32 s28, $0xFE00;
	[tilespmem:s26+$0x8170] =	vst v0  }
0x14: {  	[tilespmem:s26+$0x8100] =	vst v0  }
0x15: {  	[tilespmem:s26+$0x8110] =	vst v0  }
.Ltmp0:
0x16: {  	[tilespmem:s26+$0x8120] =	vst v0;
	(pc) =	sbr.rel @p1 .LBB2_2-.Ltmp0, $4  }
0x17: {  	[tilespmem:s26+$0x8130] =	vst v0  }
0x18: {  	[tilespmem:s26+$0x8140] =	vst v0  }
0x19: {  	[tilespmem:s26+$0x8150] =	vst v0  }
0x1a: {  	[tilespmem:s26+$0x8160] =	vst v0;
	s26 =	sshra.s32 s28, $0x2;
	s28 =	sadd.s32 $0x200, s28  }
0x1b: {  	[tilespmem:s26+$0x8170] =	vst v0  }
0x1c: {  	[tilespmem:s26+$0x8100] =	vst v0  }
0x1d: {  	[tilespmem:s26+$0x8110] =	vst v0  }
0x1e: {  	[tilespmem:s26+$0x8120] =	vst v0  }
0x1f: {  	[tilespmem:s26+$0x8130] =	vst v0  }
0x20: {  	[tilespmem:s26+$0x8140] =	vst v0  }
0x21: {  	[tilespmem:s26+$0x8150] =	vst v0  }
0x22: {  	[tilespmem:s26+$0x8160] =	vst v0  }
0x23: {  	[spmem:s8] =	stream.linear.scatter [tilespmem:s19], [sflag:$0x3], $0x4000, $0x38;
	[tilespmem:$0x1F980] =	vst v63  }
0x24: {  	_ =	swait.ge [sflag:s20], $0x4000  }
0x25: {  	[sflag:s20] =	ssyncset.done $0x0  }
0x26: {  	[sflag:s20] =	ssyncadd.s32 $0xFFFFC000  }
0x27: {  	[spmem:s9] =	stream.linear.scatter [tilespmem:s19], [sflag:$0x3], $0x4000, $0x38;
	[tilespmem:$0x1F980] =	vst v63  }
0x28: {  	_ =	swait.ge [sflag:s20], $0x4000  }
0x29: {  	[sflag:s20] =	ssyncset.done $0x0  }
0x2a: {  	[sflag:s20] =	ssyncadd.s32 $0xFFFFC000  }
0x2b: {  	[spmem:s10] =	stream.linear.scatter [tilespmem:s19], [sflag:$0x3], $0x4000, $0x38;
	[tilespmem:$0x1F980] =	vst v63  }
0x2c: {  	_ =	swait.ge [sflag:s20], $0x4000  }
0x2d: {  	[sflag:s20] =	ssyncset.done $0x0  }
0x2e: {  	[sflag:s20] =	ssyncadd.s32 $0xFFFFC000  }
0x2f: {  	[spmem:s11] =	stream.linear.scatter [tilespmem:s19], [sflag:$0x3], $0x4000, $0x38;
	[tilespmem:$0x1F980] =	vst v63  }
0x30: {  	_ =	swait.ge [sflag:s20], $0x4000  }
0x31: {  	[sflag:s20] =	ssyncset.done $0x0  }
0x32: {  	[sflag:s20] =	ssyncadd.s32 $0xFFFFC000  }
0x33: {  	[spmem:s12] =	stream.linear.scatter [tilespmem:s19], [sflag:$0x3], $0x3800, $0x38;
	[tilespmem:$0x1F980] =	vst v63  }
0x34: {  	_ =	swait.ge [sflag:s20], $0x3800  }
0x35: {  	[sflag:s20] =	ssyncset.done $0x0  }
0x36: {  	s26 =	simm.s32 @!p0 $0x8100;
	[sflag:s20] =	ssyncadd.s32 $0xFFFFC800  }
0x37: {  	[spmem:s13] =	stream.linear.scatter @!p0 [tilespmem:s26], [sflag:$0x3], $0x800, $0x38;
	[tilespmem:$0x1F980] =	vst v63  }
0x38: {  	s26 =	simm.s32 @!p0 $0x3  }
0x39: {  	_ =	swait.ge @!p0 [sflag:s26], $0x800  }
0x3a: {  	[sflag:s26] =	ssyncset.done @!p0 $0x0  }
0x3b: {  	[sflag:s26] =	ssyncadd.s32 @!p0 $0xFFFFF800  }
0x3c: {  	s28 =	simm.s32 $0x0;
	s26 =	simm.s32 $0x0;
	[bflag:$0x0] =	sbarrier.arrive $0xFFFF  }
.LBB2_4:
0x3d: {  	s29 =	sshll.u32 s28, $0xC  }
0x3e: {  	s29 =	sor.u32 s14, s29  }
0x3f: {  	s30 =	sshrl.u32 s29, $0x3  }
0x40: {  	s31 =	sadd.s32 s6, s30  }
0x41: {  	[tilespmem:s26], [sflag:$0x3] =	stream.linear.gather [hbm4b:s31+s26], $0x80, $0x38;
	[tilespmem:$0x1F980] =	vst v63  }
0x42: {  	_ =	swait.ge [sflag:s20], $0x80  }
0x43: {  	[sflag:s20] =	ssyncset.done $0x0  }
0x44: {  	s30 =	sadd.s32 s7, s30;
	[sflag:s20] =	ssyncadd.s32 $0xFFFFFF80  }
0x45: {  	[tilespmem:s21], [sflag:$0x3] =	stream.linear.gather [hbm4b:s30+s26], $0x80, $0x38;
	[tilespmem:$0x1F980] =	vst v63  }
0x46: {  	_ =	swait.ge [sflag:s20], $0x80  }
0x47: {  	s29 =	sshll.u32 s29, $0x4;
	[sflag:s20] =	ssyncset.done $0x0  }
0x48: {  	s29 =	sadd.s32 s5, s29;
	[sflag:s20] =	ssyncadd.s32 $0xFFFFFF80  }
0x49: {  	[tilespmem:s22], [sflag:$0x1] =	stream.linear.gather [hbm4b:s29+s26], $0x4000, $0x38;
	[tilespmem:$0x1F980] =	vst v63  }
0x4a: {  	_ = 	snop  }
0x4b: {  	[tilespmem:s23], [sflag:$0x2] =	stream.indirect.gather [hbm4b:s4+s21], $0x80, s26, s21, $0xb8;
	[tilespmem:$0x1F980] =	vst v63  }
0x4c: {  	_ =	swait.ge [sflag:s24], $0x4000  }
0x4d: {  	[sflag:s24] =	ssyncset.done $0x0  }
0x4e: {  	[sflag:s24] =	ssyncadd.s32 $0xFFFFC000  }
0x4f: {  	_ =	swait.ge [sflag:s25], $0x4000  }
0x50: {  	[sflag:s25] =	ssyncset.done $0x0  }
0x51: {  	s29 =	simm.s32 $0x0;
	[sflag:s25] =	ssyncadd.s32 $0xFFFFC000  }
0x52: {  	v7 =	vld [tilespmem:s29+$0x100]  }
0x53: {  	v12 =	vld [tilespmem:s29+$0x110]  }
0x54: {  	v6 =	vld [tilespmem:s29+$0x120]  }
0x55: {  	v5 =	vld [tilespmem:s29+$0x130]  }
0x56: {  	v4 =	vld [tilespmem:s29+$0x140]  }
0x57: {  	v3 =	vld [tilespmem:s29+$0x150]  }
0x58: {  	v2 =	vld [tilespmem:s29+$0x160]  }
0x59: {  	v1 =	vld [tilespmem:s29+$0x170]  }
0x5a: {  	v13 =	vld [tilespmem:s29+$0x4100]  }
0x5b: {  	v14 =	vld [tilespmem:s29+$0x4110]  }
0x5c: {  	v11 =	vld [tilespmem:s29+$0x4120]  }
0x5d: {  	v10 =	vld [tilespmem:s29+$0x4130]  }
0x5e: {  	v9 =	vld [tilespmem:s29+$0x4140]  }
0x5f: {  	v8 =	vld [tilespmem:s29+$0x4150];
	v13 =	vadd.f32 v7, v13  }
0x60: {  	s30 =	simm.s32 $0x200;
	v12 =	vadd.f32 v12, v14;
	v7 =	vld [tilespmem:s29+$0x4160]  }
.LBB2_5:
0x61: {  	s31 =	sshra.s32 s30, $0x2;
	p1 =	sne.s32 s30, $0xFE00;
	v13 =	vmax.f32 v13, $0.0e+00;
	v6 =	vadd.f32 v6, v11;
	v11 =	vld [tilespmem:s29+$0x4170]  }
0x62: {  	v14 =	vld [tilespmem:s31+$0x100];
	[tilespmem:s29+$0x4100] =	vst v13;
	v12 =	vmax.f32 v12, $0.0e+00;
	v5 =	vadd.f32 v5, v10  }
0x63: {  	v15 =	vld [tilespmem:s31+$0x110];
	[tilespmem:s29+$0x4110] =	vst v12;
	v10 =	vmax.f32 v6, $0.0e+00;
	v4 =	vadd.f32 v4, v9  }
0x64: {  	v6 =	vld [tilespmem:s31+$0x120];
	[tilespmem:s29+$0x4120] =	vst v10;
	v9 =	vmax.f32 v5, $0.0e+00;
	v3 =	vadd.f32 v3, v8  }
0x65: {  	v5 =	vld [tilespmem:s31+$0x130];
	[tilespmem:s29+$0x4130] =	vst v9;
	v8 =	vmax.f32 v4, $0.0e+00;
	v2 =	vadd.f32 v2, v7  }
0x66: {  	v4 =	vld [tilespmem:s31+$0x140];
	[tilespmem:s29+$0x4140] =	vst v8;
	v7 =	vmax.f32 v3, $0.0e+00;
	v1 =	vadd.f32 v1, v11  }
0x67: {  	v3 =	vld [tilespmem:s31+$0x150];
	[tilespmem:s29+$0x4150] =	vst v7;
	v7 =	vmax.f32 v2, $0.0e+00  }
0x68: {  	v2 =	vld [tilespmem:s31+$0x160];
	[tilespmem:s29+$0x4160] =	vst v7;
	v7 =	vmax.f32 v1, $0.0e+00  }
0x69: {  	v1 =	vld [tilespmem:s31+$0x170];
	[tilespmem:s29+$0x4170] =	vst v7;
	s29 =	smov.u32 s31  }
0x6a: {  	v7 =	vld [tilespmem:s29+$0x4100]  }
0x6b: {  	v12 =	vld [tilespmem:s29+$0x4110]  }
.Ltmp1:
0x6c: {  	v11 =	vld [tilespmem:s29+$0x4120];
	(pc) =	sbr.rel @p1 .LBB2_5-.Ltmp1, $4  }
0x6d: {  	v10 =	vld [tilespmem:s29+$0x4130]  }
0x6e: {  	v9 =	vld [tilespmem:s29+$0x4140]  }
0x6f: {  	v13 =	vadd.f32 v14, v7;
	v8 =	vld [tilespmem:s29+$0x4150]  }
0x70: {  	s30 =	sadd.s32 $0x200, s30;
	v12 =	vadd.f32 v15, v12;
	v7 =	vld [tilespmem:s29+$0x4160]  }
0x71: {  	v13 =	vmax.f32 v13, $0.0e+00;
	v6 =	vadd.f32 v6, v11;
	v63 =	vld [tilespmem:s29+$0x4170]  }
0x72: {  	[tilespmem:s29+$0x4100] =	vst v13;
	v12 =	vmax.f32 v12, $0.0e+00;
	v5 =	vadd.f32 v5, v10  }
0x73: {  	[tilespmem:s29+$0x4110] =	vst v12;
	v6 =	vmax.f32 v6, $0.0e+00;
	v4 =	vadd.f32 v4, v9  }
0x74: {  	[tilespmem:s29+$0x4120] =	vst v6;
	v5 =	vmax.f32 v5, $0.0e+00;
	v3 =	vadd.f32 v3, v8  }
0x75: {  	[tilespmem:s29+$0x4130] =	vst v5;
	v4 =	vmax.f32 v4, $0.0e+00;
	v2 =	vadd.f32 v2, v7  }
0x76: {  	[tilespmem:s29+$0x4140] =	vst v4;
	v3 =	vmax.f32 v3, $0.0e+00;
	v1 =	vadd.f32 v1, v63  }
0x77: {  	s28 =	sadd.s32 $0x1, s28;
	[tilespmem:s29+$0x4150] =	vst v3;
	v2 =	vmax.f32 v2, $0.0e+00  }
0x78: {  	p1 =	sne.s32 s28, s17;
	[tilespmem:s29+$0x4160] =	vst v2;
	v1 =	vmax.f32 v1, $0.0e+00  }
.Ltmp2:
0x79: {  	[tilespmem:s29+$0x4170] =	vst v1;
	(pc) =	sbr.rel @p1 .LBB2_4-.Ltmp2, $4  }
0x7a: {  	[spmem:s1] =	stream.indirect.scatter.add.f32 [tilespmem:s23], [sflag:$0x3], $0x80, s21, s21, $0xb8;
	[tilespmem:$0x1F980] =	vst v63  }
0x7b: {  	_ =	swait.ge [sflag:s20], $0x4000  }
0x7c: {  	[sflag:s20] =	ssyncset.done $0x0  }
0x7d: {  	[sflag:s20] =	ssyncadd.s32 $0xFFFFC000  }
0x7e: {  	s26 =	sshll.u32 s3, $0x6  }
0x7f: {  	[bflag:$0x0] =	sbarrier.arrive $0xFFFF;
	s28 =	sshrl.u32 s8, $0x3;
	s26 =	sor.u32 $0x1C03, s26  }
0x80: {  	[hbm:s15], [sflag:s26] =	dma.local [spmem:s28], $0x2700  }
0x81: {  	_ =	swait.ge [sflag:s20], $0x2700  }
0x82: {  	s2 =	sadd.s32 $0x1, s2;
	[sflag:s20] =	ssyncset.done $0x0  }
0x83: {  	p1 =	sne.s32 s2, s18;
	s28 =	sshrl.u32 @!p0 s13, $0x3;
	[sflag:s20] =	ssyncadd.s32 $0xFFFFD900  }
0x84: {  	[hbm:s16], [sflag:s26] =	dma.local @!p0 [spmem:s28], $0x100  }
.Ltmp3:
0x85: {  	_ = 	snop;
	(pc) =	sbr.rel @p1 .LBB2_1-.Ltmp3, $4  }
0x86: {  	s26 =	simm.s32 @!p0 $0x3  }
0x87: {  	_ =	swait.ge @!p0 [sflag:s26], $0x100  }
0x88: {  	[sflag:s26] =	ssyncset.done @!p0 $0x0  }
0x89: {  	[sflag:s26] =	ssyncadd.s32 @!p0 $0xFFFFFF00  }
0x8a: {  	_ =	sfence.sel $0x180000  }
0x8b: {  	[bflag:$0x0] =	sbarrier.arrive $0xFFFF  }
0x8c: {  	p0 =	sne.s32 s3, $0x0;
	_ =	strace $0x90000047  }
0x8d: {  	s0 =	sadd.s32 @!p0 $0x100000, s0;
	[bflag:$0x2] =	sbarrier.arrive $0xFFFF  }
0x8e: {  	[sflag:s0] =	ssyncadd.tile.s32 @!p0 $0x1;
	_ =	shalt  }
.Lfunc_end2:
_tile_overlayer_lowered:
.L_overlay_start_2:
0x8f: {  	(tag) =	ssettag $0x2  }
0x90: {  	s0 =	rddreg [dreg:$0x0];
	s2 =	stileid.u32  }
0x91: {  	s1 =	rddreg [dreg:$0x1];
	p0 =	sne.s32 s2, $0x0  }
0x92: {  	s3 =	rddreg [dreg:$0x2];
	[bflag:$0x3] =	sbarrier.arrive $0xFFFF;
	s2 =	simm.s32 @!p0 $0x1C03  }
0x93: {  	[timem:s3], [sflag:s2] =	dma.local @!p0 [hbm:s0], s1  }
0x94: {  	s0 =	simm.s32 @!p0 $0x3  }
0x95: {  	_ =	swait.ge @!p0 [sflag:s0], s1  }
0x96: {  	s1 =	ssub.s32 @!p0 $0x0, s1;
	[sflag:s0] =	ssyncset.done @!p0 $0x0  }
0x97: {  	[sflag:s0] =	ssyncadd.s32 @!p0 s1  }
0x98: {  	[bflag:$0x3] =	sbarrier.arrive $0xFFFF  }
0x99: {  	_ =	shalt  }

// kernel: kernel.17.cloned.1.call-start
scs
__scs_entry_jumppad:
0x0: {  	(pc) =	sbr.rel $0x88, $3  }
0x1: {  	(tag) =	ssettag $0x0;
	lr =	simm.s32 $0x1  }
0x2: {  	[smem:$0x3F69] =	sst lr;
	_ =	strace $0xD0000000  }
0x3: {  	_ = 	snop  }
0x4: {  	_ = 	snop  }
0x5: {  	_ = 	snop  }
0x6: {  	_ = 	snop  }
0x7: {  	_ = 	snop  }
__scs_overlays_trampoline_lowered:
0x8: {  	[smem:$0x3F78] =	sst s0  }
0x9: {  	[smem:$0x3F79] =	sst s1  }
0xa: {  	[smem:$0x3F7A] =	sst s2  }
0xb: {  	[smem:$0x3F7B] =	sst s3  }
0xc: {  	[smem:$0x3F7C] =	sst s4  }
0xd: {  	[smem:$0x3F7D] =	sst s5  }
0xe: {  	[smem:$0x3F7E] =	sst s6  }
0xf: {  	[smem:$0x3F7F] =	sst s7  }
0x10: {  	[smem:$0x3F80] =	sst s8  }
0x11: {  	[smem:$0x3F81] =	sst s9;
	s0 =	simm.s32 @!p0 $0x0  }
0x12: {  	s1 =	sld [smem:$0x3F67];
	s0 =	simm.s32 @p0 $0x1  }
0x13: {  	[smem:$0x3F82] =	sst s0;
	s0 =	simm.s32 @!p1 $0x0  }
0x14: {  	s2 =	sld [smem:$0x3F66];
	s0 =	simm.s32 @p1 $0x1  }
0x15: {  	[smem:$0x3F83] =	sst s0;
	s0 =	simm.s32 @!p2 $0x0  }
0x16: {  	s3 =	sld [smem:$0x3FDB];
	s0 =	simm.s32 @p2 $0x1  }
0x17: {  	s4 =	simm.s32 $0x1BF5;
	[smem:$0x3F85] =	sst s0  }
0x18: {  	s0 =	sld [smem:$0x3F68];
	_ =	swait.ge [sflag:s4], $0x0  }
0x19: {  	s7 =	sld [smem:$0x3F69]  }
0x1a: {  	s8 =	sadd.s32 $0xFFFFE003, lr  }
0x1b: {  	s9 =	sadd.s32 $0xFFFFFEF7, lr;
	s5 =	simm.s32 $0xFFFFFFFF;
	p2 =	slt.u32 s8, $0xFFFFF086  }
0x1c: {  	p1 =	slt.u32 s9, $0xF7A;
	s5 =	simm.s32 @!p2 $0x0  }
0x1d: {  	s5 =	simm.s32 @p1 $0x1;
	p0 =	seq.s32 s7, s2  }
0x1e: {  	s7 =	smul.u32 @!p0 $0xF7A, s2;
	p2 =	seq.s32 @!p0 s5, $0x0  }
0x1f: {  	s9 =	smul.u32 $0xF7A, s1;
	s8 =	simm.s32 @!p0 $0x1BF5;
	p2 =	por !p2, p0  }
0x20: {  	[sflag:s8] =	ssyncset.s32 @!p0 $0xFFFFF086;
	s6 =	sadd.s32 @!p0 s3, s7;
	s7 =	simm.s32 @!p0 $0x108  }
0x21: {  	s3 =	sadd.s32 s3, s9;
	s6 =	sadd.s32 @!p0 $0x88, s6;
	s7 =	simm.s32 @p2 $0x1082  }
0x22: {  	[simem:s7], [sflag:s8] =	dma.local @!p0 [hbm:s6], $0xF7A  }
0x23: {  	s9 =	sor.u32 $0xD0000000, s2;
	s6 =	simm.s32 $0x108;
	_ =	swait.ge @!p0 [sflag:s8], $0x0  }
0x24: {  	s3 =	sadd.s32 $0x88, s3;
	s6 =	simm.s32 @!p1 $0x1082;
	[sflag:s4] =	ssyncset.s32 $0xFFFFF086  }
0x25: {  	[simem:s6], [sflag:s4] =	dma.local [hbm:s3], $0xF7A  }
0x26: {  	[smem:$0x3F69] =	sst s1;
	(tag) =	ssettag s2;
	_ =	strace s9  }
0x27: {  	s1 =	sld [smem:$0x3F79]  }
0x28: {  	s2 =	sld [smem:$0x3F7A]  }
0x29: {  	s4 =	sld [smem:$0x3F7C]  }
0x2a: {  	p0 =	seq.s32 s5, $0x0;
	s5 =	sld [smem:$0x3F7D]  }
0x2b: {  	s6 =	sld [smem:$0x3F7E]  }
0x2c: {  	s7 =	sld [smem:$0x3F7F]  }
0x2d: {  	s3 =	simm.s32 $0x108;
	s8 =	sld [smem:$0x3F80]  }
0x2e: {  	s3 =	simm.s32 @!p0 $0x1082;
	s9 =	sld [smem:$0x3F81]  }
0x2f: {  	lr =	sadd.s32 s0, s3;
	s0 =	sld [smem:$0x3F78]  }
0x30: {  	s3 =	sld [smem:$0x3F7B]  }
0x31: {  	[smem:$0x3F84] =	sst s10  }
0x32: {  	s10 =	sld [smem:$0x3F82];
	_ =	sdelay $0x3  }
0x33: {  	p0 =	seq.s32 s10, $0x1;
	s10 =	sld [smem:$0x3F84];
	_ =	sdelay $0x3  }
0x34: {  	[smem:$0x3F84] =	sst s10  }
0x35: {  	s10 =	sld [smem:$0x3F83];
	_ =	sdelay $0x3  }
0x36: {  	p1 =	seq.s32 s10, $0x1;
	s10 =	sld [smem:$0x3F84];
	_ =	sdelay $0x3  }
0x37: {  	[smem:$0x3F84] =	sst s10  }
0x38: {  	s10 =	sld [smem:$0x3F85]  }
0x39: {  	_ = 	snop;
	(pc) =	sbr.ind lr, $3  }
0x3a: {  	_ = 	snop  }
0x3b: {  	_ = 	snop  }
0x3c: {  	p2 =	seq.s32 s10, $0x1;
	s10 =	sld [smem:$0x3F84]  }
0x3d: {  	_ =	shalt  }
0x3e: {  	_ =	shalt  }
0x3f: {  	_ =	shalt  }
0x40: {  	_ =	shalt  }
0x41: {  	_ =	shalt  }
0x42: {  	_ =	shalt  }
0x43: {  	_ =	shalt  }
0x44: {  	_ =	shalt  }
0x45: {  	_ =	shalt  }
0x46: {  	_ =	shalt  }
0x47: {  	_ =	shalt  }
0x48: {  	_ =	shalt  }
0x49: {  	_ =	shalt  }
0x4a: {  	_ =	shalt  }
0x4b: {  	_ =	shalt  }
0x4c: {  	_ =	shalt  }
0x4d: {  	_ =	shalt  }
0x4e: {  	_ =	shalt  }
0x4f: {  	_ =	shalt  }
0x50: {  	_ =	shalt  }
0x51: {  	_ =	shalt  }
0x52: {  	_ =	shalt  }
0x53: {  	_ =	shalt  }
0x54: {  	_ =	shalt  }
0x55: {  	_ =	shalt  }
0x56: {  	_ =	shalt  }
0x57: {  	_ =	shalt  }
0x58: {  	_ =	shalt  }
0x59: {  	_ =	shalt  }
0x5a: {  	_ =	shalt  }
0x5b: {  	_ =	shalt  }
0x5c: {  	_ =	shalt  }
0x5d: {  	_ =	shalt  }
0x5e: {  	_ =	shalt  }
0x5f: {  	_ =	shalt  }
0x60: {  	_ =	shalt  }
0x61: {  	_ =	shalt  }
0x62: {  	_ =	shalt  }
0x63: {  	_ =	shalt  }
0x64: {  	_ =	shalt  }
0x65: {  	_ =	shalt  }
0x66: {  	_ =	shalt  }
0x67: {  	_ =	shalt  }
0x68: {  	_ =	shalt  }
0x69: {  	_ =	shalt  }
0x6a: {  	_ =	shalt  }
0x6b: {  	_ =	shalt  }
0x6c: {  	_ =	shalt  }
0x6d: {  	_ =	shalt  }
0x6e: {  	_ =	shalt  }
0x6f: {  	_ =	shalt  }
0x70: {  	_ =	shalt  }
0x71: {  	_ =	shalt  }
0x72: {  	_ =	shalt  }
0x73: {  	_ =	shalt  }
0x74: {  	_ =	shalt  }
0x75: {  	_ =	shalt  }
0x76: {  	_ =	shalt  }
0x77: {  	_ =	shalt  }
0x78: {  	_ =	shalt  }
0x79: {  	_ =	shalt  }
0x7a: {  	_ =	shalt  }
0x7b: {  	_ =	shalt  }
0x7c: {  	_ =	shalt  }
0x7d: {  	_ =	shalt  }
0x7e: {  	_ =	shalt  }
0x7f: {  	_ =	shalt  }
0x80: {  	_ =	shalt  }
0x81: {  	_ =	shalt  }
0x82: {  	_ =	shalt  }
0x83: {  	_ =	shalt  }
0x84: {  	_ =	shalt  }
0x85: {  	_ =	shalt  }
0x86: {  	_ =	shalt  }
0x87: {  	_ =	shalt  }
.Lfunc_end0:
.L_simem_size_0:
called_computation.1_lowered:
.L_overlay_start_0:
0x88: {  	s2 =	sld [smem:$0x3FD9]  }
0x89: {  	s3 =	sld [smem:$0x3FFE];
	_ =	sdelay $0x1  }
0x8a: {  	s1 =	srdreg.scid  }
0x8b: {  	s0 =	sand.u32 $0x1, s1  }
0x8c: {  	s16 =	sshll.u32 s0, $0xA;
	s2 =	sadd.s32 s3, s2  }
0x8d: {  	s2 =	sadd.s32 s2, s16  }
0x8e: {  	[smem:$0x3F90] =	sst s2  }
0x8f: {  	_ = 	snop  }
0x90: {  	(tm) =	ssettm $0x1  }
0x91: {  	s17 =	sld [smem:$0x3FFB];
	_ =	sdelay $0x3  }
0x92: {  	_ =	strace s17  }
0x93: {  	s2 =	sld [smem:$0x3FFC];
	_ =	sdelay $0x3  }
0x94: {  	_ =	strace s2  }
0x95: {  	s2 =	sld [smem:$0x3FFD];
	_ =	sdelay $0x3  }
0x96: {  	_ =	strace s2  }
0x97: {  	_ =	strace $0x8FFFFFFF  }
0x98: {  	s18 =	sld [smem:$0x3FDB];
	_ =	sdelay $0x1  }
0x99: {  	s19 =	simm.s32 $_scs_section_size  }
0x9a: {  	s4 =	simm.s32 $_size__tile_overlayer_lowered;
	s5 =	simm.s32 $_tile_overlayer_lowered  }
0x9b: {  	s22 =	simm.s32 $0x1BFF;
	s21 =	sshll.u32 s5, $0x1;
	s2 =	sadd.s32 s19, s18  }
0x9c: {  	s6 =	simm.s32 $0x0;
	s20 =	sshll.u32 s4, $0x1;
	s4 =	sadd.s32 s21, s2  }
0x9d: {  	[timem:s6], [sflag:s22] =	dma.local [hbm:s4], s20  }
0x9e: {  	_ =	swait.ge [sflag:s22], s20  }
0x9f: {  	s3 =	ssub.s32 $0x0, s20;
	[sflag:s22] =	ssyncset.done $0x0  }
0xa0: {  	[sflag:s22] =	ssyncadd.s32 s3;
	_ =	sdelay $0x1  }
0xa1: {  	s23 =	simm.s32 $0x1B8B  }
0xa2: {  	_ =	swait.ge [sflag:s23], $0x1  }
0xa3: {  	[sflag:s23] =	ssyncset.done $0x0  }
0xa4: {  	s25 =	simm.s32 $0x1B8E;
	s24 =	sld [smem:$0x3FFE];
	[sflag:s23] =	ssyncadd.s32 $0xFFFFFFFF  }
0xa5: {  	s26 =	simm.s32 $execute0_lowered;
	[smem:$0x3FD2] =	sst s25  }
0xa6: {  	s4 =	sshll.u32 s26, $0x1;
	_ =	strace $0x80000049;
	[dreg:$0x1] =	wrdreg $0xFFFFFFFF  }
0xa7: {  	s28 =	simm.s32 $_size_execute0_lowered;
	s2 =	sadd.s32 s2, s4;
	[dreg:$0x0] =	wrdreg $0x0  }
0xa8: {  	s4 =	sshll.u32 s28, $0x1;
	[dreg:$0x2] =	wrdreg s2  }
0xa9: {  	[dreg:$0x3] =	wrdreg s4  }
0xaa: {  	[dreg:$0x4] =	wrdreg $0xC0  }
0xab: {  	_ =	task [dreg:s6], $0x5FFFF  }
0xac: {  	[dreg:$0x1] =	wrdreg $0xFFFFFFFF  }
0xad: {  	[dreg:$0x0] =	wrdreg $0x60  }
0xae: {  	[dreg:$0x2] =	wrdreg s24  }
0xaf: {  	[dreg:$0x3] =	wrdreg $0xC1000  }
0xb0: {  	[dreg:$0x4] =	wrdreg $0x9  }
0xb1: {  	_ =	task.clear_ibuf [dreg:s6], $0x5FFFF;
	_ =	strace $0x90000049  }
0xb2: {  	s29 =	simm.s32 $0x9;
	_ =	strace $0x8000004B  }
0xb3: {  	_ =	swait.ge [sflag:s29], $0x1  }
0xb4: {  	[sflag:s29] =	ssyncadd.s32 $0xFFFFFFFF  }
0xb5: {  	_ =	strace $0x9000004B  }
0xb6: {  	_ =	sfence  }
0xb7: {  	s30 =	sld [smem:$0x0];
	_ =	sdelay $0x2  }
0xb8: {  	s31 =	sshll.u32 s1, $0xD;
	s1 =	sshrl.u32 s1, $0x2  }
0xb9: {  	s3 =	sand.u32 $0x4000, s31;
	s1 =	sadd.s32 s1, s30  }
0xba: {  	s0 =	sor.u32 s3, s0;
	s1 =	sshll.u32 s1, $0x11  }
0xbb: {  	s0 =	sor.u32 s1, s0  }
0xbc: {  	s0 =	sadd.s32 $0x8F2B, s0  }
0xbd: {  	[sflag:s0] =	ssyncadd.remote.s32 $0x1  }
0xbe: {  	_ =	sfence.sel $0xFFFF  }
0xbf: {  	[dreg:$0x0] =	wrdreg $0xFFFFFFFF;
	(pc) =	sbr.abs _section_cstart, $3  }
0xc0: {  	[dreg:$0x1] =	wrdreg $0xFFFFFFFF  }
0xc1: {  	_ =	task.clear_ibuf [dreg:s6], $0x2FFFF;
	_ =	strace $0x9FFFFFFF  }
0xc2: {  	(tm) =	ssettm $0x7FFFFFFF  }
0xc3: {  	_ =	shalt  }
tec
execute0_lowered:
.L_overlay_start_1:
0x0: {  	(tag) =	ssettag $0x1  }
0x1: {  	s8 =	rddreg [dreg:$0x0]  }
0x2: {  	s1 =	rddreg [dreg:$0x1]  }
0x3: {  	s0 =	rddreg [dreg:$0x2];
	s2 =	simm.s32 $0x0;
	s6 =	srdreg.scid  }
0x4: {  	s3 =	stileid.u32;
	s21 =	simm.s32 $0x80;
	s22 =	simm.s32 $0x100  }
0x5: {  	s23 =	simm.s32 $0x4100;
	s24 =	simm.s32 $0x1;
	s25 =	simm.s32 $0x2  }
0x6: {  	[smem:$0x7FF] =	sst s2;
	s4 =	sadd.s32 $0x1C400, s8;
	s5 =	sadd.s32 $0xA07600, s8  }
0x7: {  	s9 =	sand.u32 $0x1, s6;
	s6 =	sadd.s32 $0x12600, s8;
	s11 =	smul.u32 $0x4E000, s3  }
0x8: {  	s7 =	sadd.s32 $0x8800, s8;
	s15 =	sadd.s32 $0x43600, s8;
	s30 =	sshll.u32 s3, $0x1  }
0x9: {  	s19 =	smul.u32 $0x13800, s3;
	s13 =	sadd.s32 $0x138000, s1;
	p0 =	sne.s32 s3, $0xF  }
0xa: {  	_ =	strace $0x8000004A;
	s10 =	ssub.s32 $0x2, s9;
	s16 =	sor.u32 s9, s30  }
0xb: {  	s17 =	smul.u32 $0x138800, s9;
	s29 =	sshrl.u32 s10, $0x1;
	s31 =	sshrl.u32 s11, $0x2  }
0xc: {  	s14 =	sshll.u32 s16, $0x7;
	s20 =	ssub.s32 $0x9E3, s16;
	s18 =	ssub.s32 s10, s29  }
0xd: {  	s8 =	sadd.s32 s31, s1;
	s19 =	sadd.s32 s19, s17;
	s17 =	sshrl.u32 s17, $0x3  }
0xe: {  	s9 =	sadd.s32 $0x4000, s8;
	s10 =	sadd.s32 $0x8000, s8;
	s11 =	sadd.s32 $0xC000, s8  }
0xf: {  	s12 =	sadd.s32 $0x10000, s8;
	s19 =	sshrl.u32 s19, $0x3;
	s17 =	sadd.s32 s15, s17  }
0x10: {  	s18 =	smax.u32 s18, $0x1;
	s15 =	sadd.s32 s15, s19;
	s16 =	sadd.s32 $0x27000, s17  }
0x11: {  	v0 =	vimm.f32 $0.0e+00;
	s17 =	sshrl.u32 s20, $0x5;
	s19 =	simm.s32 $0x8100;
	s20 =	simm.s32 $0x3  }
.LBB2_1:
0x12: {  	s26 =	simm.s32 $0x0;
	s28 =	simm.s32 $0x200  }
.LBB2_2:
0x13: {  	p1 =	sne.s32 s28, $0xFE00;
	[tilespmem:s26+$0x8170] =	vst v0  }
0x14: {  	[tilespmem:s26+$0x8100] =	vst v0  }
0x15: {  	[tilespmem:s26+$0x8110] =	vst v0  }
.Ltmp0:
0x16: {  	[tilespmem:s26+$0x8120] =	vst v0;
	(pc) =	sbr.rel @p1 .LBB2_2-.Ltmp0, $4  }
0x17: {  	[tilespmem:s26+$0x8130] =	vst v0  }
0x18: {  	[tilespmem:s26+$0x8140] =	vst v0  }
0x19: {  	[tilespmem:s26+$0x8150] =	vst v0  }
0x1a: {  	[tilespmem:s26+$0x8160] =	vst v0;
	s26 =	sshra.s32 s28, $0x2;
	s28 =	sadd.s32 $0x200, s28  }
0x1b: {  	[tilespmem:s26+$0x8170] =	vst v0  }
0x1c: {  	[tilespmem:s26+$0x8100] =	vst v0  }
0x1d: {  	[tilespmem:s26+$0x8110] =	vst v0  }
0x1e: {  	[tilespmem:s26+$0x8120] =	vst v0  }
0x1f: {  	[tilespmem:s26+$0x8130] =	vst v0  }
0x20: {  	[tilespmem:s26+$0x8140] =	vst v0  }
0x21: {  	[tilespmem:s26+$0x8150] =	vst v0  }
0x22: {  	[tilespmem:s26+$0x8160] =	vst v0  }
0x23: {  	[spmem:s8] =	stream.linear.scatter [tilespmem:s19], [sflag:$0x3], $0x4000, $0x38;
	[tilespmem:$0x1F980] =	vst v63  }
0x24: {  	_ =	swait.ge [sflag:s20], $0x4000  }
0x25: {  	[sflag:s20] =	ssyncset.done $0x0  }
0x26: {  	[sflag:s20] =	ssyncadd.s32 $0xFFFFC000  }
0x27: {  	[spmem:s9] =	stream.linear.scatter [tilespmem:s19], [sflag:$0x3], $0x4000, $0x38;
	[tilespmem:$0x1F980] =	vst v63  }
0x28: {  	_ =	swait.ge [sflag:s20], $0x4000  }
0x29: {  	[sflag:s20] =	ssyncset.done $0x0  }
0x2a: {  	[sflag:s20] =	ssyncadd.s32 $0xFFFFC000  }
0x2b: {  	[spmem:s10] =	stream.linear.scatter [tilespmem:s19], [sflag:$0x3], $0x4000, $0x38;
	[tilespmem:$0x1F980] =	vst v63  }
0x2c: {  	_ =	swait.ge [sflag:s20], $0x4000  }
0x2d: {  	[sflag:s20] =	ssyncset.done $0x0  }
0x2e: {  	[sflag:s20] =	ssyncadd.s32 $0xFFFFC000  }
0x2f: {  	[spmem:s11] =	stream.linear.scatter [tilespmem:s19], [sflag:$0x3], $0x4000, $0x38;
	[tilespmem:$0x1F980] =	vst v63  }
0x30: {  	_ =	swait.ge [sflag:s20], $0x4000  }
0x31: {  	[sflag:s20] =	ssyncset.done $0x0  }
0x32: {  	[sflag:s20] =	ssyncadd.s32 $0xFFFFC000  }
0x33: {  	[spmem:s12] =	stream.linear.scatter [tilespmem:s19], [sflag:$0x3], $0x3800, $0x38;
	[tilespmem:$0x1F980] =	vst v63  }
0x34: {  	_ =	swait.ge [sflag:s20], $0x3800  }
0x35: {  	[sflag:s20] =	ssyncset.done $0x0  }
0x36: {  	s26 =	simm.s32 @!p0 $0x8100;
	[sflag:s20] =	ssyncadd.s32 $0xFFFFC800  }
0x37: {  	[spmem:s13] =	stream.linear.scatter @!p0 [tilespmem:s26], [sflag:$0x3], $0x800, $0x38;
	[tilespmem:$0x1F980] =	vst v63  }
0x38: {  	s26 =	simm.s32 @!p0 $0x3  }
0x39: {  	_ =	swait.ge @!p0 [sflag:s26], $0x800  }
0x3a: {  	[sflag:s26] =	ssyncset.done @!p0 $0x0  }
0x3b: {  	[sflag:s26] =	ssyncadd.s32 @!p0 $0xFFFFF800  }
0x3c: {  	s28 =	simm.s32 $0x0;
	s26 =	simm.s32 $0x0;
	[bflag:$0x0] =	sbarrier.arrive $0xFFFF  }
.LBB2_4:
0x3d: {  	s29 =	sshll.u32 s28, $0xC  }
0x3e: {  	s29 =	sor.u32 s14, s29  }
0x3f: {  	s30 =	sshrl.u32 s29, $0x3  }
0x40: {  	s31 =	sadd.s32 s6, s30  }
0x41: {  	[tilespmem:s26], [sflag:$0x3] =	stream.linear.gather [hbm4b:s31+s26], $0x80, $0x38;
	[tilespmem:$0x1F980] =	vst v63  }
0x42: {  	_ =	swait.ge [sflag:s20], $0x80  }
0x43: {  	[sflag:s20] =	ssyncset.done $0x0  }
0x44: {  	s30 =	sadd.s32 s7, s30;
	[sflag:s20] =	ssyncadd.s32 $0xFFFFFF80  }
0x45: {  	[tilespmem:s21], [sflag:$0x3] =	stream.linear.gather [hbm4b:s30+s26], $0x80, $0x38;
	[tilespmem:$0x1F980] =	vst v63  }
0x46: {  	_ =	swait.ge [sflag:s20], $0x80  }
0x47: {  	s29 =	sshll.u32 s29, $0x4;
	[sflag:s20] =	ssyncset.done $0x0  }
0x48: {  	s29 =	sadd.s32 s5, s29;
	[sflag:s20] =	ssyncadd.s32 $0xFFFFFF80  }
0x49: {  	[tilespmem:s22], [sflag:$0x1] =	stream.linear.gather [hbm4b:s29+s26], $0x4000, $0x38;
	[tilespmem:$0x1F980] =	vst v63  }
0x4a: {  	_ = 	snop  }
0x4b: {  	[tilespmem:s23], [sflag:$0x2] =	stream.indirect.gather [hbm4b:s4+s21], $0x80, s26, s21, $0xb8;
	[tilespmem:$0x1F980] =	vst v63  }
0x4c: {  	_ =	swait.ge [sflag:s24], $0x4000  }
0x4d: {  	[sflag:s24] =	ssyncset.done $0x0  }
0x4e: {  	[sflag:s24] =	ssyncadd.s32 $0xFFFFC000  }
0x4f: {  	_ =	swait.ge [sflag:s25], $0x4000  }
0x50: {  	[sflag:s25] =	ssyncset.done $0x0  }
0x51: {  	s29 =	simm.s32 $0x0;
	[sflag:s25] =	ssyncadd.s32 $0xFFFFC000  }
0x52: {  	v7 =	vld [tilespmem:s29+$0x100]  }
0x53: {  	v12 =	vld [tilespmem:s29+$0x110]  }
0x54: {  	v6 =	vld [tilespmem:s29+$0x120]  }
0x55: {  	v5 =	vld [tilespmem:s29+$0x130]  }
0x56: {  	v4 =	vld [tilespmem:s29+$0x140]  }
0x57: {  	v3 =	vld [tilespmem:s29+$0x150]  }
0x58: {  	v2 =	vld [tilespmem:s29+$0x160]  }
0x59: {  	v1 =	vld [tilespmem:s29+$0x170]  }
0x5a: {  	v13 =	vld [tilespmem:s29+$0x4100]  }
0x5b: {  	v14 =	vld [tilespmem:s29+$0x4110]  }
0x5c: {  	v11 =	vld [tilespmem:s29+$0x4120]  }
0x5d: {  	v10 =	vld [tilespmem:s29+$0x4130]  }
0x5e: {  	v9 =	vld [tilespmem:s29+$0x4140]  }
0x5f: {  	v8 =	vld [tilespmem:s29+$0x4150];
	v13 =	vadd.f32 v7, v13  }
0x60: {  	s30 =	simm.s32 $0x200;
	v12 =	vadd.f32 v12, v14;
	v7 =	vld [tilespmem:s29+$0x4160]  }
.LBB2_5:
0x61: {  	s31 =	sshra.s32 s30, $0x2;
	p1 =	sne.s32 s30, $0xFE00;
	v13 =	vmax.f32 v13, $0.0e+00;
	v6 =	vadd.f32 v6, v11;
	v11 =	vld [tilespmem:s29+$0x4170]  }
0x62: {  	v14 =	vld [tilespmem:s31+$0x100];
	[tilespmem:s29+$0x4100] =	vst v13;
	v12 =	vmax.f32 v12, $0.0e+00;
	v5 =	vadd.f32 v5, v10  }
0x63: {  	v15 =	vld [tilespmem:s31+$0x110];
	[tilespmem:s29+$0x4110] =	vst v12;
	v10 =	vmax.f32 v6, $0.0e+00;
	v4 =	vadd.f32 v4, v9  }
0x64: {  	v6 =	vld [tilespmem:s31+$0x120];
	[tilespmem:s29+$0x4120] =	vst v10;
	v9 =	vmax.f32 v5, $0.0e+00;
	v3 =	vadd.f32 v3, v8  }
0x65: {  	v5 =	vld [tilespmem:s31+$0x130];
	[tilespmem:s29+$0x4130] =	vst v9;
	v8 =	vmax.f32 v4, $0.0e+00;
	v2 =	vadd.f32 v2, v7  }
0x66: {  	v4 =	vld [tilespmem:s31+$0x140];
	[tilespmem:s29+$0x4140] =	vst v8;
	v7 =	vmax.f32 v3, $0.0e+00;
	v1 =	vadd.f32 v1, v11  }
0x67: {  	v3 =	vld [tilespmem:s31+$0x150];
	[tilespmem:s29+$0x4150] =	vst v7;
	v7 =	vmax.f32 v2, $0.0e+00  }
0x68: {  	v2 =	vld [tilespmem:s31+$0x160];
	[tilespmem:s29+$0x4160] =	vst v7;
	v7 =	vmax.f32 v1, $0.0e+00  }
0x69: {  	v1 =	vld [tilespmem:s31+$0x170];
	[tilespmem:s29+$0x4170] =	vst v7;
	s29 =	smov.u32 s31  }
0x6a: {  	v7 =	vld [tilespmem:s29+$0x4100]  }
0x6b: {  	v12 =	vld [tilespmem:s29+$0x4110]  }
.Ltmp1:
0x6c: {  	v11 =	vld [tilespmem:s29+$0x4120];
	(pc) =	sbr.rel @p1 .LBB2_5-.Ltmp1, $4  }
0x6d: {  	v10 =	vld [tilespmem:s29+$0x4130]  }
0x6e: {  	v9 =	vld [tilespmem:s29+$0x4140]  }
0x6f: {  	v13 =	vadd.f32 v14, v7;
	v8 =	vld [tilespmem:s29+$0x4150]  }
0x70: {  	s30 =	sadd.s32 $0x200, s30;
	v12 =	vadd.f32 v15, v12;
	v7 =	vld [tilespmem:s29+$0x4160]  }
0x71: {  	v13 =	vmax.f32 v13, $0.0e+00;
	v6 =	vadd.f32 v6, v11;
	v63 =	vld [tilespmem:s29+$0x4170]  }
0x72: {  	[tilespmem:s29+$0x4100] =	vst v13;
	v12 =	vmax.f32 v12, $0.0e+00;
	v5 =	vadd.f32 v5, v10  }
0x73: {  	[tilespmem:s29+$0x4110] =	vst v12;
	v6 =	vmax.f32 v6, $0.0e+00;
	v4 =	vadd.f32 v4, v9  }
0x74: {  	[tilespmem:s29+$0x4120] =	vst v6;
	v5 =	vmax.f32 v5, $0.0e+00;
	v3 =	vadd.f32 v3, v8  }
0x75: {  	[tilespmem:s29+$0x4130] =	vst v5;
	v4 =	vmax.f32 v4, $0.0e+00;
	v2 =	vadd.f32 v2, v7  }
0x76: {  	[tilespmem:s29+$0x4140] =	vst v4;
	v3 =	vmax.f32 v3, $0.0e+00;
	v1 =	vadd.f32 v1, v63  }
0x77: {  	s28 =	sadd.s32 $0x1, s28;
	[tilespmem:s29+$0x4150] =	vst v3;
	v2 =	vmax.f32 v2, $0.0e+00  }
0x78: {  	p1 =	sne.s32 s28, s17;
	[tilespmem:s29+$0x4160] =	vst v2;
	v1 =	vmax.f32 v1, $0.0e+00  }
.Ltmp2:
0x79: {  	[tilespmem:s29+$0x4170] =	vst v1;
	(pc) =	sbr.rel @p1 .LBB2_4-.Ltmp2, $4  }
0x7a: {  	[spmem:s1] =	stream.indirect.scatter.add.f32 [tilespmem:s23], [sflag:$0x3], $0x80, s21, s21, $0xb8;
	[tilespmem:$0x1F980] =	vst v63  }
0x7b: {  	_ =	swait.ge [sflag:s20], $0x4000  }
0x7c: {  	[sflag:s20] =	ssyncset.done $0x0  }
0x7d: {  	[sflag:s20] =	ssyncadd.s32 $0xFFFFC000  }
0x7e: {  	s26 =	sshll.u32 s3, $0x6  }
0x7f: {  	[bflag:$0x0] =	sbarrier.arrive $0xFFFF;
	s28 =	sshrl.u32 s8, $0x3;
	s26 =	sor.u32 $0x1C03, s26  }
0x80: {  	[hbm:s15], [sflag:s26] =	dma.local [spmem:s28], $0x2700  }
0x81: {  	_ =	swait.ge [sflag:s20], $0x2700  }
0x82: {  	s2 =	sadd.s32 $0x1, s2;
	[sflag:s20] =	ssyncset.done $0x0  }
0x83: {  	p1 =	sne.s32 s2, s18;
	s28 =	sshrl.u32 @!p0 s13, $0x3;
	[sflag:s20] =	ssyncadd.s32 $0xFFFFD900  }
0x84: {  	[hbm:s16], [sflag:s26] =	dma.local @!p0 [spmem:s28], $0x100  }
.Ltmp3:
0x85: {  	_ = 	snop;
	(pc) =	sbr.rel @p1 .LBB2_1-.Ltmp3, $4  }
0x86: {  	s26 =	simm.s32 @!p0 $0x3  }
0x87: {  	_ =	swait.ge @!p0 [sflag:s26], $0x100  }
0x88: {  	[sflag:s26] =	ssyncset.done @!p0 $0x0  }
0x89: {  	[sflag:s26] =	ssyncadd.s32 @!p0 $0xFFFFFF00  }
0x8a: {  	_ =	sfence.sel $0x180000  }
0x8b: {  	[bflag:$0x0] =	sbarrier.arrive $0xFFFF  }
0x8c: {  	p0 =	sne.s32 s3, $0x0;
	_ =	strace $0x9000004A  }
0x8d: {  	s0 =	sadd.s32 @!p0 $0x100000, s0;
	[bflag:$0x2] =	sbarrier.arrive $0xFFFF  }
0x8e: {  	[sflag:s0] =	ssyncadd.tile.s32 @!p0 $0x1;
	_ =	shalt  }
.Lfunc_end2:
_tile_overlayer_lowered:
.L_overlay_start_2:
0x8f: {  	(tag) =	ssettag $0x2  }
0x90: {  	s0 =	rddreg [dreg:$0x0];
	s2 =	stileid.u32  }
0x91: {  	s1 =	rddreg [dreg:$0x1];
	p0 =	sne.s32 s2, $0x0  }
0x92: {  	s3 =	rddreg [dreg:$0x2];
	[bflag:$0x3] =	sbarrier.arrive $0xFFFF;
	s2 =	simm.s32 @!p0 $0x1C03  }
0x93: {  	[timem:s3], [sflag:s2] =	dma.local @!p0 [hbm:s0], s1  }
0x94: {  	s0 =	simm.s32 @!p0 $0x3  }
0x95: {  	_ =	swait.ge @!p0 [sflag:s0], s1  }
0x96: {  	s1 =	ssub.s32 @!p0 $0x0, s1;
	[sflag:s0] =	ssyncset.done @!p0 $0x0  }
0x97: {  	[sflag:s0] =	ssyncadd.s32 @!p0 s1  }
0x98: {  	[bflag:$0x3] =	sbarrier.arrive $0xFFFF  }
0x99: {  	_ =	shalt  }

// kernel: kernel.20.cloned.1.call-start
scs
__scs_entry_jumppad:
0x0: {  	(pc) =	sbr.rel $0x88, $3  }
0x1: {  	(tag) =	ssettag $0x0;
	lr =	simm.s32 $0x1  }
0x2: {  	[smem:$0x3F69] =	sst lr;
	_ =	strace $0xD0000000  }
0x3: {  	_ = 	snop  }
0x4: {  	_ = 	snop  }
0x5: {  	_ = 	snop  }
0x6: {  	_ = 	snop  }
0x7: {  	_ = 	snop  }
__scs_overlays_trampoline_lowered:
0x8: {  	[smem:$0x3F78] =	sst s0  }
0x9: {  	[smem:$0x3F79] =	sst s1  }
0xa: {  	[smem:$0x3F7A] =	sst s2  }
0xb: {  	[smem:$0x3F7B] =	sst s3  }
0xc: {  	[smem:$0x3F7C] =	sst s4  }
0xd: {  	[smem:$0x3F7D] =	sst s5  }
0xe: {  	[smem:$0x3F7E] =	sst s6  }
0xf: {  	[smem:$0x3F7F] =	sst s7  }
0x10: {  	[smem:$0x3F80] =	sst s8  }
0x11: {  	[smem:$0x3F81] =	sst s9;
	s0 =	simm.s32 @!p0 $0x0  }
0x12: {  	s1 =	sld [smem:$0x3F67];
	s0 =	simm.s32 @p0 $0x1  }
0x13: {  	[smem:$0x3F82] =	sst s0;
	s0 =	simm.s32 @!p1 $0x0  }
0x14: {  	s2 =	sld [smem:$0x3F66];
	s0 =	simm.s32 @p1 $0x1  }
0x15: {  	[smem:$0x3F83] =	sst s0;
	s0 =	simm.s32 @!p2 $0x0  }
0x16: {  	s3 =	sld [smem:$0x3FDB];
	s0 =	simm.s32 @p2 $0x1  }
0x17: {  	s4 =	simm.s32 $0x1BF5;
	[smem:$0x3F85] =	sst s0  }
0x18: {  	s0 =	sld [smem:$0x3F68];
	_ =	swait.ge [sflag:s4], $0x0  }
0x19: {  	s7 =	sld [smem:$0x3F69]  }
0x1a: {  	s8 =	sadd.s32 $0xFFFFE003, lr  }
0x1b: {  	s9 =	sadd.s32 $0xFFFFFEF7, lr;
	s5 =	simm.s32 $0xFFFFFFFF;
	p2 =	slt.u32 s8, $0xFFFFF086  }
0x1c: {  	p1 =	slt.u32 s9, $0xF7A;
	s5 =	simm.s32 @!p2 $0x0  }
0x1d: {  	s5 =	simm.s32 @p1 $0x1;
	p0 =	seq.s32 s7, s2  }
0x1e: {  	s7 =	smul.u32 @!p0 $0xF7A, s2;
	p2 =	seq.s32 @!p0 s5, $0x0  }
0x1f: {  	s9 =	smul.u32 $0xF7A, s1;
	s8 =	simm.s32 @!p0 $0x1BF5;
	p2 =	por !p2, p0  }
0x20: {  	[sflag:s8] =	ssyncset.s32 @!p0 $0xFFFFF086;
	s6 =	sadd.s32 @!p0 s3, s7;
	s7 =	simm.s32 @!p0 $0x108  }
0x21: {  	s3 =	sadd.s32 s3, s9;
	s6 =	sadd.s32 @!p0 $0x88, s6;
	s7 =	simm.s32 @p2 $0x1082  }
0x22: {  	[simem:s7], [sflag:s8] =	dma.local @!p0 [hbm:s6], $0xF7A  }
0x23: {  	s9 =	sor.u32 $0xD0000000, s2;
	s6 =	simm.s32 $0x108;
	_ =	swait.ge @!p0 [sflag:s8], $0x0  }
0x24: {  	s3 =	sadd.s32 $0x88, s3;
	s6 =	simm.s32 @!p1 $0x1082;
	[sflag:s4] =	ssyncset.s32 $0xFFFFF086  }
0x25: {  	[simem:s6], [sflag:s4] =	dma.local [hbm:s3], $0xF7A  }
0x26: {  	[smem:$0x3F69] =	sst s1;
	(tag) =	ssettag s2;
	_ =	strace s9  }
0x27: {  	s1 =	sld [smem:$0x3F79]  }
0x28: {  	s2 =	sld [smem:$0x3F7A]  }
0x29: {  	s4 =	sld [smem:$0x3F7C]  }
0x2a: {  	p0 =	seq.s32 s5, $0x0;
	s5 =	sld [smem:$0x3F7D]  }
0x2b: {  	s6 =	sld [smem:$0x3F7E]  }
0x2c: {  	s7 =	sld [smem:$0x3F7F]  }
0x2d: {  	s3 =	simm.s32 $0x108;
	s8 =	sld [smem:$0x3F80]  }
0x2e: {  	s3 =	simm.s32 @!p0 $0x1082;
	s9 =	sld [smem:$0x3F81]  }
0x2f: {  	lr =	sadd.s32 s0, s3;
	s0 =	sld [smem:$0x3F78]  }
0x30: {  	s3 =	sld [smem:$0x3F7B]  }
0x31: {  	[smem:$0x3F84] =	sst s10  }
0x32: {  	s10 =	sld [smem:$0x3F82];
	_ =	sdelay $0x3  }
0x33: {  	p0 =	seq.s32 s10, $0x1;
	s10 =	sld [smem:$0x3F84];
	_ =	sdelay $0x3  }
0x34: {  	[smem:$0x3F84] =	sst s10  }
0x35: {  	s10 =	sld [smem:$0x3F83];
	_ =	sdelay $0x3  }
0x36: {  	p1 =	seq.s32 s10, $0x1;
	s10 =	sld [smem:$0x3F84];
	_ =	sdelay $0x3  }
0x37: {  	[smem:$0x3F84] =	sst s10  }
0x38: {  	s10 =	sld [smem:$0x3F85]  }
0x39: {  	_ = 	snop;
	(pc) =	sbr.ind lr, $3  }
0x3a: {  	_ = 	snop  }
0x3b: {  	_ = 	snop  }
0x3c: {  	p2 =	seq.s32 s10, $0x1;
	s10 =	sld [smem:$0x3F84]  }
0x3d: {  	_ =	shalt  }
0x3e: {  	_ =	shalt  }
0x3f: {  	_ =	shalt  }
0x40: {  	_ =	shalt  }
0x41: {  	_ =	shalt  }
0x42: {  	_ =	shalt  }
0x43: {  	_ =	shalt  }
0x44: {  	_ =	shalt  }
0x45: {  	_ =	shalt  }
0x46: {  	_ =	shalt  }
0x47: {  	_ =	shalt  }
0x48: {  	_ =	shalt  }
0x49: {  	_ =	shalt  }
0x4a: {  	_ =	shalt  }
0x4b: {  	_ =	shalt  }
0x4c: {  	_ =	shalt  }
0x4d: {  	_ =	shalt  }
0x4e: {  	_ =	shalt  }
0x4f: {  	_ =	shalt  }
0x50: {  	_ =	shalt  }
0x51: {  	_ =	shalt  }
0x52: {  	_ =	shalt  }
0x53: {  	_ =	shalt  }
0x54: {  	_ =	shalt  }
0x55: {  	_ =	shalt  }
0x56: {  	_ =	shalt  }
0x57: {  	_ =	shalt  }
0x58: {  	_ =	shalt  }
0x59: {  	_ =	shalt  }
0x5a: {  	_ =	shalt  }
0x5b: {  	_ =	shalt  }
0x5c: {  	_ =	shalt  }
0x5d: {  	_ =	shalt  }
0x5e: {  	_ =	shalt  }
0x5f: {  	_ =	shalt  }
0x60: {  	_ =	shalt  }
0x61: {  	_ =	shalt  }
0x62: {  	_ =	shalt  }
0x63: {  	_ =	shalt  }
0x64: {  	_ =	shalt  }
0x65: {  	_ =	shalt  }
0x66: {  	_ =	shalt  }
0x67: {  	_ =	shalt  }
0x68: {  	_ =	shalt  }
0x69: {  	_ =	shalt  }
0x6a: {  	_ =	shalt  }
0x6b: {  	_ =	shalt  }
0x6c: {  	_ =	shalt  }
0x6d: {  	_ =	shalt  }
0x6e: {  	_ =	shalt  }
0x6f: {  	_ =	shalt  }
0x70: {  	_ =	shalt  }
0x71: {  	_ =	shalt  }
0x72: {  	_ =	shalt  }
0x73: {  	_ =	shalt  }
0x74: {  	_ =	shalt  }
0x75: {  	_ =	shalt  }
0x76: {  	_ =	shalt  }
0x77: {  	_ =	shalt  }
0x78: {  	_ =	shalt  }
0x79: {  	_ =	shalt  }
0x7a: {  	_ =	shalt  }
0x7b: {  	_ =	shalt  }
0x7c: {  	_ =	shalt  }
0x7d: {  	_ =	shalt  }
0x7e: {  	_ =	shalt  }
0x7f: {  	_ =	shalt  }
0x80: {  	_ =	shalt  }
0x81: {  	_ =	shalt  }
0x82: {  	_ =	shalt  }
0x83: {  	_ =	shalt  }
0x84: {  	_ =	shalt  }
0x85: {  	_ =	shalt  }
0x86: {  	_ =	shalt  }
0x87: {  	_ =	shalt  }
.Lfunc_end0:
.L_simem_size_0:
called_computation.2_lowered:
.L_overlay_start_0:
0x88: {  	s2 =	sld [smem:$0x3FD9]  }
0x89: {  	s3 =	sld [smem:$0x3FFE];
	_ =	sdelay $0x1  }
0x8a: {  	s1 =	srdreg.scid  }
0x8b: {  	s0 =	sand.u32 $0x1, s1  }
0x8c: {  	s16 =	sshll.u32 s0, $0xA;
	s2 =	sadd.s32 s3, s2  }
0x8d: {  	s2 =	sadd.s32 s2, s16  }
0x8e: {  	[smem:$0x3F90] =	sst s2  }
0x8f: {  	_ = 	snop  }
0x90: {  	(tm) =	ssettm $0x1  }
0x91: {  	s17 =	sld [smem:$0x3FFB];
	_ =	sdelay $0x3  }
0x92: {  	_ =	strace s17  }
0x93: {  	s2 =	sld [smem:$0x3FFC];
	_ =	sdelay $0x3  }
0x94: {  	_ =	strace s2  }
0x95: {  	s2 =	sld [smem:$0x3FFD];
	_ =	sdelay $0x3  }
0x96: {  	_ =	strace s2  }
0x97: {  	_ =	strace $0x8FFFFFFF  }
0x98: {  	s18 =	sld [smem:$0x3FDB];
	_ =	sdelay $0x1  }
0x99: {  	s19 =	simm.s32 $_scs_section_size  }
0x9a: {  	s4 =	simm.s32 $_size__tile_overlayer_lowered;
	s5 =	simm.s32 $_tile_overlayer_lowered  }
0x9b: {  	s22 =	simm.s32 $0x1BFF;
	s21 =	sshll.u32 s5, $0x1;
	s2 =	sadd.s32 s19, s18  }
0x9c: {  	s6 =	simm.s32 $0x0;
	s20 =	sshll.u32 s4, $0x1;
	s4 =	sadd.s32 s21, s2  }
0x9d: {  	[timem:s6], [sflag:s22] =	dma.local [hbm:s4], s20  }
0x9e: {  	_ =	swait.ge [sflag:s22], s20  }
0x9f: {  	s3 =	ssub.s32 $0x0, s20;
	[sflag:s22] =	ssyncset.done $0x0  }
0xa0: {  	[sflag:s22] =	ssyncadd.s32 s3;
	_ =	sdelay $0x1  }
0xa1: {  	s23 =	simm.s32 $0x1B8B  }
0xa2: {  	_ =	swait.ge [sflag:s23], $0x1  }
0xa3: {  	[sflag:s23] =	ssyncset.done $0x0  }
0xa4: {  	s25 =	simm.s32 $0x1B8E;
	s24 =	sld [smem:$0x3FFE];
	[sflag:s23] =	ssyncadd.s32 $0xFFFFFFFF  }
0xa5: {  	s26 =	simm.s32 $execute0_lowered;
	[smem:$0x3FD2] =	sst s25  }
0xa6: {  	s4 =	sshll.u32 s26, $0x1;
	_ =	strace $0x8000004C;
	[dreg:$0x1] =	wrdreg $0xFFFFFFFF  }
0xa7: {  	s28 =	simm.s32 $_size_execute0_lowered;
	s2 =	sadd.s32 s2, s4;
	[dreg:$0x0] =	wrdreg $0x0  }
0xa8: {  	s4 =	sshll.u32 s28, $0x1;
	[dreg:$0x2] =	wrdreg s2  }
0xa9: {  	[dreg:$0x3] =	wrdreg s4  }
0xaa: {  	[dreg:$0x4] =	wrdreg $0xC0  }
0xab: {  	_ =	task [dreg:s6], $0x5FFFF  }
0xac: {  	[dreg:$0x1] =	wrdreg $0xFFFFFFFF  }
0xad: {  	[dreg:$0x0] =	wrdreg $0x60  }
0xae: {  	[dreg:$0x2] =	wrdreg s24  }
0xaf: {  	[dreg:$0x3] =	wrdreg $0xC1000  }
0xb0: {  	[dreg:$0x4] =	wrdreg $0x9  }
0xb1: {  	_ =	task.clear_ibuf [dreg:s6], $0x5FFFF;
	_ =	strace $0x9000004C  }
0xb2: {  	s29 =	simm.s32 $0x9;
	_ =	strace $0x8000004E  }
0xb3: {  	_ =	swait.ge [sflag:s29], $0x1  }
0xb4: {  	[sflag:s29] =	ssyncadd.s32 $0xFFFFFFFF  }
0xb5: {  	_ =	strace $0x9000004E  }
0xb6: {  	_ =	sfence  }
0xb7: {  	s30 =	sld [smem:$0x0];
	_ =	sdelay $0x2  }
0xb8: {  	s31 =	sshll.u32 s1, $0xD;
	s1 =	sshrl.u32 s1, $0x2  }
0xb9: {  	s3 =	sand.u32 $0x4000, s31;
	s1 =	sadd.s32 s1, s30  }
0xba: {  	s0 =	sor.u32 s3, s0;
	s1 =	sshll.u32 s1, $0x11  }
0xbb: {  	s0 =	sor.u32 s1, s0  }
0xbc: {  	s0 =	sadd.s32 $0x8F2B, s0  }
0xbd: {  	[sflag:s0] =	ssyncadd.remote.s32 $0x1  }
0xbe: {  	_ =	sfence.sel $0xFFFF  }
0xbf: {  	[dreg:$0x0] =	wrdreg $0xFFFFFFFF;
	(pc) =	sbr.abs _section_cstart, $3  }
0xc0: {  	[dreg:$0x1] =	wrdreg $0xFFFFFFFF  }
0xc1: {  	_ =	task.clear_ibuf [dreg:s6], $0x2FFFF;
	_ =	strace $0x9FFFFFFF  }
0xc2: {  	(tm) =	ssettm $0x7FFFFFFF  }
0xc3: {  	_ =	shalt  }
tec
execute0_lowered:
.L_overlay_start_1:
0x0: {  	(tag) =	ssettag $0x1  }
0x1: {  	s8 =	rddreg [dreg:$0x0]  }
0x2: {  	s1 =	rddreg [dreg:$0x1]  }
0x3: {  	s0 =	rddreg [dreg:$0x2];
	s2 =	simm.s32 $0x0;
	s6 =	srdreg.scid  }
0x4: {  	s3 =	stileid.u32;
	s21 =	simm.s32 $0x80;
	s22 =	simm.s32 $0x100  }
0x5: {  	s23 =	simm.s32 $0x4100;
	s24 =	simm.s32 $0x1;
	s25 =	simm.s32 $0x2  }
0x6: {  	[smem:$0x7FF] =	sst s2;
	s4 =	sadd.s32 $0x43600, s8;
	s5 =	sadd.s32 $0xEE9600, s8  }
0x7: {  	s9 =	sand.u32 $0x1, s6;
	s6 =	sadd.s32 $0x12600, s8;
	s11 =	smul.u32 $0x4E000, s3  }
0x8: {  	s7 =	sadd.s32 $0x8800, s8;
	s15 =	sadd.s32 $0x6A800, s8;
	s30 =	sshll.u32 s3, $0x1  }
0x9: {  	s19 =	smul.u32 $0x13800, s3;
	s13 =	sadd.s32 $0x138000, s1;
	p0 =	sne.s32 s3, $0xF  }
0xa: {  	_ =	strace $0x8000004D;
	s10 =	ssub.s32 $0x2, s9;
	s16 =	sor.u32 s9, s30  }
0xb: {  	s17 =	smul.u32 $0x138800, s9;
	s29 =	sshrl.u32 s10, $0x1;
	s31 =	sshrl.u32 s11, $0x2  }
0xc: {  	s14 =	sshll.u32 s16, $0x7;
	s20 =	ssub.s32 $0x9E3, s16;
	s18 =	ssub.s32 s10, s29  }
0xd: {  	s8 =	sadd.s32 s31, s1;
	s19 =	sadd.s32 s19, s17;
	s17 =	sshrl.u32 s17, $0x3  }
0xe: {  	s9 =	sadd.s32 $0x4000, s8;
	s10 =	sadd.s32 $0x8000, s8;
	s11 =	sadd.s32 $0xC000, s8  }
0xf: {  	s12 =	sadd.s32 $0x10000, s8;
	s19 =	sshrl.u32 s19, $0x3;
	s17 =	sadd.s32 s15, s17  }
0x10: {  	s18 =	smax.u32 s18, $0x1;
	s15 =	sadd.s32 s15, s19;
	s16 =	sadd.s32 $0x27000, s17  }
0x11: {  	v0 =	vimm.f32 $0.0e+00;
	s17 =	sshrl.u32 s20, $0x5;
	s19 =	simm.s32 $0x8100;
	s20 =	simm.s32 $0x3  }
.LBB2_1:
0x12: {  	s26 =	simm.s32 $0x0;
	s28 =	simm.s32 $0x200  }
.LBB2_2:
0x13: {  	p1 =	sne.s32 s28, $0xFE00;
	[tilespmem:s26+$0x8170] =	vst v0  }
0x14: {  	[tilespmem:s26+$0x8100] =	vst v0  }
0x15: {  	[tilespmem:s26+$0x8110] =	vst v0  }
.Ltmp0:
0x16: {  	[tilespmem:s26+$0x8120] =	vst v0;
	(pc) =	sbr.rel @p1 .LBB2_2-.Ltmp0, $4  }
0x17: {  	[tilespmem:s26+$0x8130] =	vst v0  }
0x18: {  	[tilespmem:s26+$0x8140] =	vst v0  }
0x19: {  	[tilespmem:s26+$0x8150] =	vst v0  }
0x1a: {  	[tilespmem:s26+$0x8160] =	vst v0;
	s26 =	sshra.s32 s28, $0x2;
	s28 =	sadd.s32 $0x200, s28  }
0x1b: {  	[tilespmem:s26+$0x8170] =	vst v0  }
0x1c: {  	[tilespmem:s26+$0x8100] =	vst v0  }
0x1d: {  	[tilespmem:s26+$0x8110] =	vst v0  }
0x1e: {  	[tilespmem:s26+$0x8120] =	vst v0  }
0x1f: {  	[tilespmem:s26+$0x8130] =	vst v0  }
0x20: {  	[tilespmem:s26+$0x8140] =	vst v0  }
0x21: {  	[tilespmem:s26+$0x8150] =	vst v0  }
0x22: {  	[tilespmem:s26+$0x8160] =	vst v0  }
0x23: {  	[spmem:s8] =	stream.linear.scatter [tilespmem:s19], [sflag:$0x3], $0x4000, $0x38;
	[tilespmem:$0x1F980] =	vst v63  }
0x24: {  	_ =	swait.ge [sflag:s20], $0x4000  }
0x25: {  	[sflag:s20] =	ssyncset.done $0x0  }
0x26: {  	[sflag:s20] =	ssyncadd.s32 $0xFFFFC000  }
0x27: {  	[spmem:s9] =	stream.linear.scatter [tilespmem:s19], [sflag:$0x3], $0x4000, $0x38;
	[tilespmem:$0x1F980] =	vst v63  }
0x28: {  	_ =	swait.ge [sflag:s20], $0x4000  }
0x29: {  	[sflag:s20] =	ssyncset.done $0x0  }
0x2a: {  	[sflag:s20] =	ssyncadd.s32 $0xFFFFC000  }
0x2b: {  	[spmem:s10] =	stream.linear.scatter [tilespmem:s19], [sflag:$0x3], $0x4000, $0x38;
	[tilespmem:$0x1F980] =	vst v63  }
0x2c: {  	_ =	swait.ge [sflag:s20], $0x4000  }
0x2d: {  	[sflag:s20] =	ssyncset.done $0x0  }
0x2e: {  	[sflag:s20] =	ssyncadd.s32 $0xFFFFC000  }
0x2f: {  	[spmem:s11] =	stream.linear.scatter [tilespmem:s19], [sflag:$0x3], $0x4000, $0x38;
	[tilespmem:$0x1F980] =	vst v63  }
0x30: {  	_ =	swait.ge [sflag:s20], $0x4000  }
0x31: {  	[sflag:s20] =	ssyncset.done $0x0  }
0x32: {  	[sflag:s20] =	ssyncadd.s32 $0xFFFFC000  }
0x33: {  	[spmem:s12] =	stream.linear.scatter [tilespmem:s19], [sflag:$0x3], $0x3800, $0x38;
	[tilespmem:$0x1F980] =	vst v63  }
0x34: {  	_ =	swait.ge [sflag:s20], $0x3800  }
0x35: {  	[sflag:s20] =	ssyncset.done $0x0  }
0x36: {  	s26 =	simm.s32 @!p0 $0x8100;
	[sflag:s20] =	ssyncadd.s32 $0xFFFFC800  }
0x37: {  	[spmem:s13] =	stream.linear.scatter @!p0 [tilespmem:s26], [sflag:$0x3], $0x800, $0x38;
	[tilespmem:$0x1F980] =	vst v63  }
0x38: {  	s26 =	simm.s32 @!p0 $0x3  }
0x39: {  	_ =	swait.ge @!p0 [sflag:s26], $0x800  }
0x3a: {  	[sflag:s26] =	ssyncset.done @!p0 $0x0  }
0x3b: {  	[sflag:s26] =	ssyncadd.s32 @!p0 $0xFFFFF800  }
0x3c: {  	s28 =	simm.s32 $0x0;
	s26 =	simm.s32 $0x0;
	[bflag:$0x0] =	sbarrier.arrive $0xFFFF  }
.LBB2_4:
0x3d: {  	s29 =	sshll.u32 s28, $0xC  }
0x3e: {  	s29 =	sor.u32 s14, s29  }
0x3f: {  	s30 =	sshrl.u32 s29, $0x3  }
0x40: {  	s31 =	sadd.s32 s6, s30  }
0x41: {  	[tilespmem:s26], [sflag:$0x3] =	stream.linear.gather [hbm4b:s31+s26], $0x80, $0x38;
	[tilespmem:$0x1F980] =	vst v63  }
0x42: {  	_ =	swait.ge [sflag:s20], $0x80  }
0x43: {  	[sflag:s20] =	ssyncset.done $0x0  }
0x44: {  	s30 =	sadd.s32 s7, s30;
	[sflag:s20] =	ssyncadd.s32 $0xFFFFFF80  }
0x45: {  	[tilespmem:s21], [sflag:$0x3] =	stream.linear.gather [hbm4b:s30+s26], $0x80, $0x38;
	[tilespmem:$0x1F980] =	vst v63  }
0x46: {  	_ =	swait.ge [sflag:s20], $0x80  }
0x47: {  	s29 =	sshll.u32 s29, $0x4;
	[sflag:s20] =	ssyncset.done $0x0  }
0x48: {  	s29 =	sadd.s32 s5, s29;
	[sflag:s20] =	ssyncadd.s32 $0xFFFFFF80  }
0x49: {  	[tilespmem:s22], [sflag:$0x1] =	stream.linear.gather [hbm4b:s29+s26], $0x4000, $0x38;
	[tilespmem:$0x1F980] =	vst v63  }
0x4a: {  	_ = 	snop  }
0x4b: {  	[tilespmem:s23], [sflag:$0x2] =	stream.indirect.gather [hbm4b:s4+s21], $0x80, s26, s21, $0xb8;
	[tilespmem:$0x1F980] =	vst v63  }
0x4c: {  	_ =	swait.ge [sflag:s24], $0x4000  }
0x4d: {  	[sflag:s24] =	ssyncset.done $0x0  }
0x4e: {  	[sflag:s24] =	ssyncadd.s32 $0xFFFFC000  }
0x4f: {  	_ =	swait.ge [sflag:s25], $0x4000  }
0x50: {  	[sflag:s25] =	ssyncset.done $0x0  }
0x51: {  	s29 =	simm.s32 $0x0;
	[sflag:s25] =	ssyncadd.s32 $0xFFFFC000  }
0x52: {  	v7 =	vld [tilespmem:s29+$0x100]  }
0x53: {  	v12 =	vld [tilespmem:s29+$0x110]  }
0x54: {  	v6 =	vld [tilespmem:s29+$0x120]  }
0x55: {  	v5 =	vld [tilespmem:s29+$0x130]  }
0x56: {  	v4 =	vld [tilespmem:s29+$0x140]  }
0x57: {  	v3 =	vld [tilespmem:s29+$0x150]  }
0x58: {  	v2 =	vld [tilespmem:s29+$0x160]  }
0x59: {  	v1 =	vld [tilespmem:s29+$0x170]  }
0x5a: {  	v13 =	vld [tilespmem:s29+$0x4100]  }
0x5b: {  	v14 =	vld [tilespmem:s29+$0x4110]  }
0x5c: {  	v11 =	vld [tilespmem:s29+$0x4120]  }
0x5d: {  	v10 =	vld [tilespmem:s29+$0x4130]  }
0x5e: {  	v9 =	vld [tilespmem:s29+$0x4140]  }
0x5f: {  	v8 =	vld [tilespmem:s29+$0x4150];
	v13 =	vadd.f32 v7, v13  }
0x60: {  	s30 =	simm.s32 $0x200;
	v12 =	vadd.f32 v12, v14;
	v7 =	vld [tilespmem:s29+$0x4160]  }
.LBB2_5:
0x61: {  	s31 =	sshra.s32 s30, $0x2;
	p1 =	sne.s32 s30, $0xFE00;
	v13 =	vmax.f32 v13, $0.0e+00;
	v6 =	vadd.f32 v6, v11;
	v11 =	vld [tilespmem:s29+$0x4170]  }
0x62: {  	v14 =	vld [tilespmem:s31+$0x100];
	[tilespmem:s29+$0x4100] =	vst v13;
	v12 =	vmax.f32 v12, $0.0e+00;
	v5 =	vadd.f32 v5, v10  }
0x63: {  	v15 =	vld [tilespmem:s31+$0x110];
	[tilespmem:s29+$0x4110] =	vst v12;
	v10 =	vmax.f32 v6, $0.0e+00;
	v4 =	vadd.f32 v4, v9  }
0x64: {  	v6 =	vld [tilespmem:s31+$0x120];
	[tilespmem:s29+$0x4120] =	vst v10;
	v9 =	vmax.f32 v5, $0.0e+00;
	v3 =	vadd.f32 v3, v8  }
0x65: {  	v5 =	vld [tilespmem:s31+$0x130];
	[tilespmem:s29+$0x4130] =	vst v9;
	v8 =	vmax.f32 v4, $0.0e+00;
	v2 =	vadd.f32 v2, v7  }
0x66: {  	v4 =	vld [tilespmem:s31+$0x140];
	[tilespmem:s29+$0x4140] =	vst v8;
	v7 =	vmax.f32 v3, $0.0e+00;
	v1 =	vadd.f32 v1, v11  }
0x67: {  	v3 =	vld [tilespmem:s31+$0x150];
	[tilespmem:s29+$0x4150] =	vst v7;
	v7 =	vmax.f32 v2, $0.0e+00  }
0x68: {  	v2 =	vld [tilespmem:s31+$0x160];
	[tilespmem:s29+$0x4160] =	vst v7;
	v7 =	vmax.f32 v1, $0.0e+00  }
0x69: {  	v1 =	vld [tilespmem:s31+$0x170];
	[tilespmem:s29+$0x4170] =	vst v7;
	s29 =	smov.u32 s31  }
0x6a: {  	v7 =	vld [tilespmem:s29+$0x4100]  }
0x6b: {  	v12 =	vld [tilespmem:s29+$0x4110]  }
.Ltmp1:
0x6c: {  	v11 =	vld [tilespmem:s29+$0x4120];
	(pc) =	sbr.rel @p1 .LBB2_5-.Ltmp1, $4  }
0x6d: {  	v10 =	vld [tilespmem:s29+$0x4130]  }
0x6e: {  	v9 =	vld [tilespmem:s29+$0x4140]  }
0x6f: {  	v13 =	vadd.f32 v14, v7;
	v8 =	vld [tilespmem:s29+$0x4150]  }
0x70: {  	s30 =	sadd.s32 $0x200, s30;
	v12 =	vadd.f32 v15, v12;
	v7 =	vld [tilespmem:s29+$0x4160]  }
0x71: {  	v13 =	vmax.f32 v13, $0.0e+00;
	v6 =	vadd.f32 v6, v11;
	v63 =	vld [tilespmem:s29+$0x4170]  }
0x72: {  	[tilespmem:s29+$0x4100] =	vst v13;
	v12 =	vmax.f32 v12, $0.0e+00;
	v5 =	vadd.f32 v5, v10  }
0x73: {  	[tilespmem:s29+$0x4110] =	vst v12;
	v6 =	vmax.f32 v6, $0.0e+00;
	v4 =	vadd.f32 v4, v9  }
0x74: {  	[tilespmem:s29+$0x4120] =	vst v6;
	v5 =	vmax.f32 v5, $0.0e+00;
	v3 =	vadd.f32 v3, v8  }
0x75: {  	[tilespmem:s29+$0x4130] =	vst v5;
	v4 =	vmax.f32 v4, $0.0e+00;
	v2 =	vadd.f32 v2, v7  }
0x76: {  	[tilespmem:s29+$0x4140] =	vst v4;
	v3 =	vmax.f32 v3, $0.0e+00;
	v1 =	vadd.f32 v1, v63  }
0x77: {  	s28 =	sadd.s32 $0x1, s28;
	[tilespmem:s29+$0x4150] =	vst v3;
	v2 =	vmax.f32 v2, $0.0e+00  }
0x78: {  	p1 =	sne.s32 s28, s17;
	[tilespmem:s29+$0x4160] =	vst v2;
	v1 =	vmax.f32 v1, $0.0e+00  }
.Ltmp2:
0x79: {  	[tilespmem:s29+$0x4170] =	vst v1;
	(pc) =	sbr.rel @p1 .LBB2_4-.Ltmp2, $4  }
0x7a: {  	[spmem:s1] =	stream.indirect.scatter.add.f32 [tilespmem:s23], [sflag:$0x3], $0x80, s21, s21, $0xb8;
	[tilespmem:$0x1F980] =	vst v63  }
0x7b: {  	_ =	swait.ge [sflag:s20], $0x4000  }
0x7c: {  	[sflag:s20] =	ssyncset.done $0x0  }
0x7d: {  	[sflag:s20] =	ssyncadd.s32 $0xFFFFC000  }
0x7e: {  	s26 =	sshll.u32 s3, $0x6  }
0x7f: {  	[bflag:$0x0] =	sbarrier.arrive $0xFFFF;
	s28 =	sshrl.u32 s8, $0x3;
	s26 =	sor.u32 $0x1C03, s26  }
0x80: {  	[hbm:s15], [sflag:s26] =	dma.local [spmem:s28], $0x2700  }
0x81: {  	_ =	swait.ge [sflag:s20], $0x2700  }
0x82: {  	s2 =	sadd.s32 $0x1, s2;
	[sflag:s20] =	ssyncset.done $0x0  }
0x83: {  	p1 =	sne.s32 s2, s18;
	s28 =	sshrl.u32 @!p0 s13, $0x3;
	[sflag:s20] =	ssyncadd.s32 $0xFFFFD900  }
0x84: {  	[hbm:s16], [sflag:s26] =	dma.local @!p0 [spmem:s28], $0x100  }
.Ltmp3:
0x85: {  	_ = 	snop;
	(pc) =	sbr.rel @p1 .LBB2_1-.Ltmp3, $4  }
0x86: {  	s26 =	simm.s32 @!p0 $0x3  }
0x87: {  	_ =	swait.ge @!p0 [sflag:s26], $0x100  }
0x88: {  	[sflag:s26] =	ssyncset.done @!p0 $0x0  }
0x89: {  	[sflag:s26] =	ssyncadd.s32 @!p0 $0xFFFFFF00  }
0x8a: {  	_ =	sfence.sel $0x180000  }
0x8b: {  	[bflag:$0x0] =	sbarrier.arrive $0xFFFF  }
0x8c: {  	p0 =	sne.s32 s3, $0x0;
	_ =	strace $0x9000004D  }
0x8d: {  	s0 =	sadd.s32 @!p0 $0x100000, s0;
	[bflag:$0x2] =	sbarrier.arrive $0xFFFF  }
0x8e: {  	[sflag:s0] =	ssyncadd.tile.s32 @!p0 $0x1;
	_ =	shalt  }
.Lfunc_end2:
_tile_overlayer_lowered:
.L_overlay_start_2:
0x8f: {  	(tag) =	ssettag $0x2  }
0x90: {  	s0 =	rddreg [dreg:$0x0];
	s2 =	stileid.u32  }
0x91: {  	s1 =	rddreg [dreg:$0x1];
	p0 =	sne.s32 s2, $0x0  }
0x92: {  	s3 =	rddreg [dreg:$0x2];
	[bflag:$0x3] =	sbarrier.arrive $0xFFFF;
	s2 =	simm.s32 @!p0 $0x1C03  }
0x93: {  	[timem:s3], [sflag:s2] =	dma.local @!p0 [hbm:s0], s1  }
0x94: {  	s0 =	simm.s32 @!p0 $0x3  }
0x95: {  	_ =	swait.ge @!p0 [sflag:s0], s1  }
0x96: {  	s1 =	ssub.s32 @!p0 $0x0, s1;
	[sflag:s0] =	ssyncset.done @!p0 $0x0  }
0x97: {  	[sflag:s0] =	ssyncadd.s32 @!p0 s1  }
0x98: {  	[bflag:$0x3] =	sbarrier.arrive $0xFFFF  }
0x99: {  	_ =	shalt  }

</sc_bundles>
